<compile_context>
chip_gen: v7x
topology: tpu7x:2x2x1
jax: 0.10.2.dev20260603
libtpu: 0.0.44.dev20260713+nightly
codegen_flags: <defaults>
</compile_context>

<pallas_src>
import functools

import jax
import jax.numpy as jnp
from jax import lax
from jax.experimental import pallas as pl
from jax.experimental.pallas import tpu as pltpu
from jax.experimental.pallas import tpu_sc as plsc

N = 10000
E = 320000
D = 128
H = 64

NC = 2
NS = 16
NW = NC * NS
CH = 125
NCHUNK = 80
NP = 10240
NB = 8

_mesh = plsc.VectorSubcoreMesh(core_axis_name="c", subcore_axis_name="s")


@functools.partial(
    pl.kernel,
    out_type=jax.ShapeDtypeStruct((NC, 1, NP), jnp.float32),
    mesh=_mesh,
    scratch_types=[
        pltpu.VMEM((NCHUNK, CH), jnp.int32),
        pltpu.VMEM((128,), jnp.float32),
        pltpu.VMEM_SHARED((NP,), jnp.float32),
    ],
    compiler_params=pltpu.CompilerParams(use_tc_tiling_on_sc=False),
)
def _sc_degree(dst_hbm, zeros_hbm, out_hbm, dst_v, ones_v, acc):
    c = lax.axis_index("c")
    s = lax.axis_index("s")
    wid = c * NS + s
    for k in range(8):
        ones_v[pl.ds(k * 16, 16)] = jnp.ones((16,), jnp.float32)
    pltpu.sync_copy(dst_hbm.at[wid], dst_v)
    pltpu.sync_copy(zeros_hbm.at[pl.ds(s * 640, 640)], acc.at[pl.ds(s * 640, 640)])
    plsc.subcore_barrier()

    def body(j, carry):
        pltpu.sync_copy(ones_v.at[pl.ds(0, CH)],
                        acc.at[dst_v.at[j]], add=True)
        return carry

    lax.fori_loop(0, NCHUNK, body, 0)
    plsc.subcore_barrier()
    pltpu.sync_copy(acc.at[pl.ds(s * 640, 640)], out_hbm.at[c, 0, pl.ds(s * 640, 640)])


@functools.partial(
    pl.kernel,
    out_type=jax.ShapeDtypeStruct((NC, N, H), jnp.float32),
    mesh=_mesh,
    scratch_types=[
        pltpu.VMEM((NCHUNK, CH), jnp.int32),
        pltpu.VMEM((NCHUNK, CH), jnp.int32),
        pltpu.VMEM((NB, CH, H), jnp.float32),
        pltpu.VMEM_SHARED((N, H), jnp.float32),
        [pltpu.SemaphoreType.DMA] * NB,
        [pltpu.SemaphoreType.DMA] * NB,
    ],
    compiler_params=pltpu.CompilerParams(use_tc_tiling_on_sc=False),
)
def _sc_aggregate(hs_hbm, src_hbm, dst_hbm, zeros_hbm, out_hbm,
                  src_v, dst_v, rows_v, acc, gsem, ssem):
    c = lax.axis_index("c")
    s = lax.axis_index("s")
    wid = c * NS + s
    pltpu.sync_copy(src_hbm.at[wid], src_v)

    def gather(j, b):
        return pltpu.async_copy(
            hs_hbm.at[src_v.at[j]], rows_v.at[b], gsem[b])

    def gather_wait(j, b):
        pltpu.make_async_copy(
            hs_hbm.at[src_v.at[j]], rows_v.at[b], gsem[b]).wait()

    def scatter(j, b):
        return pltpu.async_copy(
            rows_v.at[b], acc.at[dst_v.at[j]], ssem[b], add=True)

    def scatter_wait(j, b):
        pltpu.make_async_copy(
            rows_v.at[b], acc.at[dst_v.at[j]], ssem[b]).wait()

    for b in range(NB):
        gather(b, b)

    pltpu.sync_copy(dst_hbm.at[wid], dst_v)
    pltpu.sync_copy(zeros_hbm.at[pl.ds(s * 624, 624)], acc.at[pl.ds(s * 624, 624)])

    @pl.when(s == NS - 1)
    def _():
        pltpu.sync_copy(zeros_hbm.at[pl.ds(9984, 16)], acc.at[pl.ds(9984, 16)])

    plsc.subcore_barrier()

    NT = NCHUNK // NB

    def body(t, carry):
        j0 = t * NB
        for b in range(NB):
            gather_wait(j0 + b, b)
            scatter(j0 + b, b)
        for b in range(NB):
            scatter_wait(j0 + b, b)
            gather(j0 + NB + b, b)
        return carry

    lax.fori_loop(0, NT - 1, body, 0)
    j0 = (NT - 1) * NB
    for b in range(NB):
        gather_wait(j0 + b, b)
        scatter(j0 + b, b)
    for b in range(NB):
        scatter_wait(j0 + b, b)

    plsc.subcore_barrier()
    pltpu.sync_copy(acc.at[pl.ds(s * 624, 624)], out_hbm.at[c, pl.ds(s * 624, 624)])

    @pl.when(s == NS - 1)
    def _():
        pltpu.sync_copy(acc.at[pl.ds(9984, 16)], out_hbm.at[c, pl.ds(9984, 16)])


NPAIR = N // 2


def _tc_phase_a(x_ref, w1b_ref, dis_ref, hs1_ref):
    h = jnp.dot(x_ref[...], w1b_ref[...], preferred_element_type=jnp.float32)
    hs1_ref[...] = h * dis_ref[...]


def _tc_phase_b(s1_ref, hs1_ref, dis_ref, b1_ref, w2b_ref, hs2_ref):
    dis = dis_ref[...]
    h1 = jnp.maximum(
        dis * (s1_ref[0] + s1_ref[1] + hs1_ref[...]) + b1_ref[...], 0.0)
    hs2_ref[...] = jnp.dot(h1, w2b_ref[...], preferred_element_type=jnp.float32) * dis


def _tc_phase_c(s2_ref, hs2_ref, dis_ref, b2_ref, wlb_ref, blb_ref, out_ref):
    dis = dis_ref[...]
    h2 = jnp.maximum(
        dis * (s2_ref[0] + s2_ref[1] + hs2_ref[...]) + b2_ref[...], 0.0)
    out_ref[...] = jnp.dot(h2, wlb_ref[...], preferred_element_type=jnp.float32) + blb_ref[...]


_phase_a = pl.pallas_call(
    _tc_phase_a,
    out_shape=jax.ShapeDtypeStruct((NPAIR, 2 * H), jnp.float32),
)
_phase_b = pl.pallas_call(
    _tc_phase_b,
    out_shape=jax.ShapeDtypeStruct((NPAIR, 2 * H), jnp.float32),
)
_phase_c = pl.pallas_call(
    _tc_phase_c,
    out_shape=jax.ShapeDtypeStruct((NPAIR, 2), jnp.float32),
)


def _blockdiag(w):
    k, m = w.shape
    z = jnp.zeros((k, m), jnp.float32)
    return jnp.concatenate(
        [jnp.concatenate([w, z], axis=1), jnp.concatenate([z, w], axis=1)],
        axis=0)


def kernel(x, edge_index, W1, b1, W2, b2, Wl, bl):
    src = edge_index[0].astype(jnp.int32).reshape(NW, NCHUNK, CH)
    dst = edge_index[1].astype(jnp.int32).reshape(NW, NCHUNK, CH)
    zeros1 = jnp.zeros((NP,), jnp.float32)
    zeros2 = jnp.zeros((N, H), jnp.float32)

    w1b = _blockdiag(W1)
    w2b = _blockdiag(W2)
    wlb = _blockdiag(Wl)
    b1p = jnp.concatenate([b1, b1]).reshape(1, 2 * H)
    b2p = jnp.concatenate([b2, b2]).reshape(1, 2 * H)
    blp = jnp.concatenate([bl, bl]).reshape(1, 2)

    degp = _sc_degree(dst, zeros1)
    deg = degp[0, 0, :N] + degp[1, 0, :N] + 1.0
    dis = lax.rsqrt(deg)
    dis_pk = jnp.broadcast_to(dis.reshape(NPAIR, 2, 1),
                              (NPAIR, 2, H)).reshape(NPAIR, 2 * H)

    x_pk = x.reshape(NPAIR, 2 * D)
    hs1 = _phase_a(x_pk, w1b, dis_pk)

    s1 = _sc_aggregate(hs1.reshape(N, H), src, dst, zeros2)
    hs2 = _phase_b(s1.reshape(NC, NPAIR, 2 * H), hs1, dis_pk, b1p, w2b)

    s2 = _sc_aggregate(hs2.reshape(N, H), src, dst, zeros2)
    out = _phase_c(s2.reshape(NC, NPAIR, 2 * H), hs2, dis_pk, b2p, wlb, blp)
    return out.reshape(N, 1)

# --- scband reference (transcript-rebuilt; emitter-appended) ---
"""Pipeline reference for scband-gcnmodel-57655640981804 (READ-ONLY COPY).

The authoritative reference and input builder live on the scoring server;
editing this copy changes nothing except your own understanding.
"""

import jax, jax.numpy as jnp
import numpy as np

N = 10000
E = 320000
D = 128
H = 64
O = 1


def setup_inputs(seed: int = 0) -> dict:
    key = jax.random.key(seed)
    ks = jax.random.split(key, 8)
    x = jax.random.normal(ks[0], (N, D), dtype=jnp.float32)
    edge_index = jax.random.randint(ks[1], (2, E), 0, N, dtype=jnp.int32).astype(jnp.int64)
    W1 = jax.random.normal(ks[2], (D, H), dtype=jnp.float32) * (1.0 / np.sqrt(D))
    b1 = jnp.zeros((H,), dtype=jnp.float32)
    W2 = jax.random.normal(ks[3], (H, H), dtype=jnp.float32) * (1.0 / np.sqrt(H))
    b2 = jnp.zeros((H,), dtype=jnp.float32)
    Wl = jax.random.normal(ks[4], (H, O), dtype=jnp.float32) * (1.0 / np.sqrt(H))
    bl = jnp.zeros((O,), dtype=jnp.float32)
    return {"x": x, "edge_index": edge_index, "W1": W1, "b1": b1, "W2": W2, "b2": b2, "Wl": Wl, "bl": bl}


def _gcn_conv(x, edge_index, W, b):
    # GCNConv: add self-loops, symmetric normalization, scatter-add aggregation
    n = x.shape[0]
    src = edge_index[0]
    dst = edge_index[1]
    loop = jnp.arange(n, dtype=edge_index.dtype)
    src = jnp.concatenate([src, loop])
    dst = jnp.concatenate([dst, loop])
    ones = jnp.ones(src.shape[0], dtype=x.dtype)
    deg = jnp.zeros((n,), dtype=x.dtype).at[dst].add(ones)
    deg_inv_sqrt = jnp.where(deg > 0, jax.lax.rsqrt(jnp.maximum(deg, 1e-12)), 0.0)
    norm = deg_inv_sqrt[src] * deg_inv_sqrt[dst]
    h = x @ W
    msg = h[src] * norm[:, None]
    out = jnp.zeros((n, W.shape[1]), dtype=x.dtype).at[dst].add(msg)
    return out + b


def reference(x, edge_index, W1, b1, W2, b2, Wl, bl):
    # eval mode: dropout is identity
    h = jax.nn.relu(_gcn_conv(x, edge_index, W1, b1))
    h = jax.nn.relu(_gcn_conv(h, edge_index, W2, b2))
    return h @ Wl + bl

if __name__ == "__main__":
    import jax
    _d = setup_inputs()
    print(jax.jit(kernel)(*tuple(_d.values())))

</pallas_src>

<mosaic_0001>
#map = affine_map<(d0, d1) -> (0, 0)>
#map1 = affine_map<(d0, d1) -> (0, 0, 0)>
module attributes {stable_mosaic.version = 14 : i64} {
  func.func @_sc_aggregate(%arg0: i32, %arg1: i32, %arg2: memref<10000x64xf32, #tpu.memory_space<hbm>>, %arg3: memref<32x80x125xi32, #tpu.memory_space<hbm>>, %arg4: memref<32x80x125xi32, #tpu.memory_space<hbm>>, %arg5: memref<10000x64xf32, #tpu.memory_space<hbm>>, %arg6: memref<2x10000x64xf32, #tpu.memory_space<hbm>>, %arg7: memref<80x125xi32, #tpu.memory_space<vmem>>, %arg8: memref<80x125xi32, #tpu.memory_space<vmem>>, %arg9: memref<8x125x64xf32, #tpu.memory_space<vmem>>, %arg10: memref<10000x64xf32, #tpu.memory_space<vmem_shared>>, %arg11: memref<!tpu.dma_semaphore, #tpu.memory_space<semaphore_mem>>, %arg12: memref<!tpu.dma_semaphore, #tpu.memory_space<semaphore_mem>>, %arg13: memref<!tpu.dma_semaphore, #tpu.memory_space<semaphore_mem>>, %arg14: memref<!tpu.dma_semaphore, #tpu.memory_space<semaphore_mem>>, %arg15: memref<!tpu.dma_semaphore, #tpu.memory_space<semaphore_mem>>, %arg16: memref<!tpu.dma_semaphore, #tpu.memory_space<semaphore_mem>>, %arg17: memref<!tpu.dma_semaphore, #tpu.memory_space<semaphore_mem>>, %arg18: memref<!tpu.dma_semaphore, #tpu.memory_space<semaphore_mem>>, %arg19: memref<!tpu.dma_semaphore, #tpu.memory_space<semaphore_mem>>, %arg20: memref<!tpu.dma_semaphore, #tpu.memory_space<semaphore_mem>>, %arg21: memref<!tpu.dma_semaphore, #tpu.memory_space<semaphore_mem>>, %arg22: memref<!tpu.dma_semaphore, #tpu.memory_space<semaphore_mem>>, %arg23: memref<!tpu.dma_semaphore, #tpu.memory_space<semaphore_mem>>, %arg24: memref<!tpu.dma_semaphore, #tpu.memory_space<semaphore_mem>>, %arg25: memref<!tpu.dma_semaphore, #tpu.memory_space<semaphore_mem>>, %arg26: memref<!tpu.dma_semaphore, #tpu.memory_space<semaphore_mem>>) attributes {dimension_semantics = [#tpu.dimension_semantics<core_parallel>, #tpu.dimension_semantics<subcore_parallel>], iteration_bounds = array<i64: 2, 16>, scalar_prefetch = 0 : i64, scratch_operands = 20 : i64, tpu.core_type = #tpu.core_type<sc_vector_subcore>, window_params = [{transform_indices = #map}, {transform_indices = #map1}, {transform_indices = #map1}, {transform_indices = #map}, {transform_indices = #map1}]} {
    %mul3A = arith.constant 16 : i32
    %mul3A_0 = arith.muli %arg0, %mul3A : i32
    %add3A = arith.addi %mul3A_0, %arg1 : i32
    "tpu.region"() ({
      %run_scoped3A = tpu.sem_alloc : memref<!tpu.dma_semaphore, #tpu.memory_space<semaphore_mem>>
      %dma_start3A_404 = arith.constant 0 : i32
      %dma_start3A_405 = arith.constant 0 : i32
      %dma_start3A_406 = tpu.memref_slice %arg3[%add3A, %dma_start3A_404, %dma_start3A_405] : memref<32x80x125xi32, #tpu.memory_space<hbm>> -> memref<1x80x125xi32, #tpu.memory_space<hbm>>
      %dma_start3A_407 = tpu.memref_squeeze %dma_start3A_406 : memref<1x80x125xi32, #tpu.memory_space<hbm>> -> memref<80x125xi32, #tpu.memory_space<hbm>>
      %dma_start3A_408 = arith.constant 0 : i32
      %dma_start3A_409 = arith.constant 0 : i32
      %dma_start3A_410 = tpu.memref_slice %arg3[%add3A, %dma_start3A_408, %dma_start3A_409] : memref<32x80x125xi32, #tpu.memory_space<hbm>> -> memref<1x80x125xi32, #tpu.memory_space<hbm>>
      %dma_start3A_411 = tpu.memref_squeeze %dma_start3A_410 : memref<1x80x125xi32, #tpu.memory_space<hbm>> -> memref<80x125xi32, #tpu.memory_space<hbm>>
      tpu.enqueue_dma source(%dma_start3A_411 : memref<80x125xi32, #tpu.memory_space<hbm>>) target(%arg7 : memref<80x125xi32, #tpu.memory_space<vmem>>) target_semaphore(%run_scoped3A : memref<!tpu.dma_semaphore, #tpu.memory_space<semaphore_mem>>)
      %dma_wait3A_412 = arith.constant 0 : i32
      %dma_wait3A_413 = arith.constant 0 : i32
      %dma_wait3A_414 = tpu.memref_slice %arg3[%add3A, %dma_wait3A_412, %dma_wait3A_413] : memref<32x80x125xi32, #tpu.memory_space<hbm>> -> memref<1x80x125xi32, #tpu.memory_space<hbm>>
      %dma_wait3A_415 = tpu.memref_squeeze %dma_wait3A_414 : memref<1x80x125xi32, #tpu.memory_space<hbm>> -> memref<80x125xi32, #tpu.memory_space<hbm>>
      %dma_wait3A_416 = arith.constant 0 : i32
      %dma_wait3A_417 = arith.constant 0 : i32
      %dma_wait3A_418 = tpu.memref_slice %arg3[%add3A, %dma_wait3A_416, %dma_wait3A_417] : memref<32x80x125xi32, #tpu.memory_space<hbm>> -> memref<1x80x125xi32, #tpu.memory_space<hbm>>
      %dma_wait3A_419 = tpu.memref_squeeze %dma_wait3A_418 : memref<1x80x125xi32, #tpu.memory_space<hbm>> -> memref<80x125xi32, #tpu.memory_space<hbm>>
      tpu.wait_dma2 semaphore(%run_scoped3A : memref<!tpu.dma_semaphore, #tpu.memory_space<semaphore_mem>>) src(%dma_wait3A_419 : memref<80x125xi32, #tpu.memory_space<hbm>>) dst(%arg7 : memref<80x125xi32, #tpu.memory_space<vmem>>)
      tpu.yield
    }) : () -> ()
    %dma_start3A = arith.constant 0 : i32
    %dma_start3A_1 = arith.constant 0 : i32
    %dma_start3A_2 = arith.constant 0 : i32
    %dma_start3A_3 = arith.constant 0 : i32
    %dma_start3A_4 = tpu.memref_slice %arg9[%dma_start3A_1, %dma_start3A_2, %dma_start3A_3] : memref<8x125x64xf32, #tpu.memory_space<vmem>> -> memref<1x125x64xf32, #tpu.memory_space<vmem>>
    %dma_start3A_5 = tpu.memref_squeeze %dma_start3A_4 : memref<1x125x64xf32, #tpu.memory_space<vmem>> -> memref<125x64xf32, #tpu.memory_space<vmem>>
    %dma_start3A_6 = arith.constant 0 : i32
    %dma_start3A_7 = tpu.memref_slice %arg7[%dma_start3A, %dma_start3A_6] : memref<80x125xi32, #tpu.memory_space<vmem>> -> memref<1x125xi32, #tpu.memory_space<vmem>>
    %dma_start3A_8 = tpu.memref_squeeze %dma_start3A_7 : memref<1x125xi32, #tpu.memory_space<vmem>> -> memref<125xi32, #tpu.memory_space<vmem>>
    %dma_start3A_9 = arith.constant 0 : i32
    %dma_start3A_10 = arith.constant 0 : i32
    %dma_start3A_11 = tpu.memref_slice %arg2[%dma_start3A_9, %dma_start3A_10] : memref<10000x64xf32, #tpu.memory_space<hbm>> -> memref<10000x64xf32, #tpu.memory_space<hbm>>
    tpu.enqueue_indirect_dma source(%dma_start3A_11 : memref<10000x64xf32, #tpu.memory_space<hbm>>) target(%dma_start3A_5 : memref<125x64xf32, #tpu.memory_space<vmem>>) offsets(%dma_start3A_8 : memref<125xi32, #tpu.memory_space<vmem>>) semaphore(%arg11 : memref<!tpu.dma_semaphore, #tpu.memory_space<semaphore_mem>>)
    %dma_start3A_12 = arith.constant 1 : i32
    %dma_start3A_13 = arith.constant 1 : i32
    %dma_start3A_14 = arith.constant 0 : i32
    %dma_start3A_15 = arith.constant 0 : i32
    %dma_start3A_16 = tpu.memref_slice %arg9[%dma_start3A_13, %dma_start3A_14, %dma_start3A_15] : memref<8x125x64xf32, #tpu.memory_space<vmem>> -> memref<1x125x64xf32, #tpu.memory_space<vmem>>
    %dma_start3A_17 = tpu.memref_squeeze %dma_start3A_16 : memref<1x125x64xf32, #tpu.memory_space<vmem>> -> memref<125x64xf32, #tpu.memory_space<vmem>>
    %dma_start3A_18 = arith.constant 0 : i32
    %dma_start3A_19 = tpu.memref_slice %arg7[%dma_start3A_12, %dma_start3A_18] : memref<80x125xi32, #tpu.memory_space<vmem>> -> memref<1x125xi32, #tpu.memory_space<vmem>>
    %dma_start3A_20 = tpu.memref_squeeze %dma_start3A_19 : memref<1x125xi32, #tpu.memory_space<vmem>> -> memref<125xi32, #tpu.memory_space<vmem>>
    %dma_start3A_21 = arith.constant 0 : i32
    %dma_start3A_22 = arith.constant 0 : i32
    %dma_start3A_23 = tpu.memref_slice %arg2[%dma_start3A_21, %dma_start3A_22] : memref<10000x64xf32, #tpu.memory_space<hbm>> -> memref<10000x64xf32, #tpu.memory_space<hbm>>
    tpu.enqueue_indirect_dma source(%dma_start3A_23 : memref<10000x64xf32, #tpu.memory_space<hbm>>) target(%dma_start3A_17 : memref<125x64xf32, #tpu.memory_space<vmem>>) offsets(%dma_start3A_20 : memref<125xi32, #tpu.memory_space<vmem>>) semaphore(%arg12 : memref<!tpu.dma_semaphore, #tpu.memory_space<semaphore_mem>>)
    %dma_start3A_24 = arith.constant 2 : i32
    %dma_start3A_25 = arith.constant 2 : i32
    %dma_start3A_26 = arith.constant 0 : i32
    %dma_start3A_27 = arith.constant 0 : i32
    %dma_start3A_28 = tpu.memref_slice %arg9[%dma_start3A_25, %dma_start3A_26, %dma_start3A_27] : memref<8x125x64xf32, #tpu.memory_space<vmem>> -> memref<1x125x64xf32, #tpu.memory_space<vmem>>
    %dma_start3A_29 = tpu.memref_squeeze %dma_start3A_28 : memref<1x125x64xf32, #tpu.memory_space<vmem>> -> memref<125x64xf32, #tpu.memory_space<vmem>>
    %dma_start3A_30 = arith.constant 0 : i32
    %dma_start3A_31 = tpu.memref_slice %arg7[%dma_start3A_24, %dma_start3A_30] : memref<80x125xi32, #tpu.memory_space<vmem>> -> memref<1x125xi32, #tpu.memory_space<vmem>>
    %dma_start3A_32 = tpu.memref_squeeze %dma_start3A_31 : memref<1x125xi32, #tpu.memory_space<vmem>> -> memref<125xi32, #tpu.memory_space<vmem>>
    %dma_start3A_33 = arith.constant 0 : i32
    %dma_start3A_34 = arith.constant 0 : i32
    %dma_start3A_35 = tpu.memref_slice %arg2[%dma_start3A_33, %dma_start3A_34] : memref<10000x64xf32, #tpu.memory_space<hbm>> -> memref<10000x64xf32, #tpu.memory_space<hbm>>
    tpu.enqueue_indirect_dma source(%dma_start3A_35 : memref<10000x64xf32, #tpu.memory_space<hbm>>) target(%dma_start3A_29 : memref<125x64xf32, #tpu.memory_space<vmem>>) offsets(%dma_start3A_32 : memref<125xi32, #tpu.memory_space<vmem>>) semaphore(%arg13 : memref<!tpu.dma_semaphore, #tpu.memory_space<semaphore_mem>>)
    %dma_start3A_36 = arith.constant 3 : i32
    %dma_start3A_37 = arith.constant 3 : i32
    %dma_start3A_38 = arith.constant 0 : i32
    %dma_start3A_39 = arith.constant 0 : i32
    %dma_start3A_40 = tpu.memref_slice %arg9[%dma_start3A_37, %dma_start3A_38, %dma_start3A_39] : memref<8x125x64xf32, #tpu.memory_space<vmem>> -> memref<1x125x64xf32, #tpu.memory_space<vmem>>
    %dma_start3A_41 = tpu.memref_squeeze %dma_start3A_40 : memref<1x125x64xf32, #tpu.memory_space<vmem>> -> memref<125x64xf32, #tpu.memory_space<vmem>>
    %dma_start3A_42 = arith.constant 0 : i32
    %dma_start3A_43 = tpu.memref_slice %arg7[%dma_start3A_36, %dma_start3A_42] : memref<80x125xi32, #tpu.memory_space<vmem>> -> memref<1x125xi32, #tpu.memory_space<vmem>>
    %dma_start3A_44 = tpu.memref_squeeze %dma_start3A_43 : memref<1x125xi32, #tpu.memory_space<vmem>> -> memref<125xi32, #tpu.memory_space<vmem>>
    %dma_start3A_45 = arith.constant 0 : i32
    %dma_start3A_46 = arith.constant 0 : i32
    %dma_start3A_47 = tpu.memref_slice %arg2[%dma_start3A_45, %dma_start3A_46] : memref<10000x64xf32, #tpu.memory_space<hbm>> -> memref<10000x64xf32, #tpu.memory_space<hbm>>
    tpu.enqueue_indirect_dma source(%dma_start3A_47 : memref<10000x64xf32, #tpu.memory_space<hbm>>) target(%dma_start3A_41 : memref<125x64xf32, #tpu.memory_space<vmem>>) offsets(%dma_start3A_44 : memref<125xi32, #tpu.memory_space<vmem>>) semaphore(%arg14 : memref<!tpu.dma_semaphore, #tpu.memory_space<semaphore_mem>>)
    %dma_start3A_48 = arith.constant 4 : i32
    %dma_start3A_49 = arith.constant 4 : i32
    %dma_start3A_50 = arith.constant 0 : i32
    %dma_start3A_51 = arith.constant 0 : i32
    %dma_start3A_52 = tpu.memref_slice %arg9[%dma_start3A_49, %dma_start3A_50, %dma_start3A_51] : memref<8x125x64xf32, #tpu.memory_space<vmem>> -> memref<1x125x64xf32, #tpu.memory_space<vmem>>
    %dma_start3A_53 = tpu.memref_squeeze %dma_start3A_52 : memref<1x125x64xf32, #tpu.memory_space<vmem>> -> memref<125x64xf32, #tpu.memory_space<vmem>>
    %dma_start3A_54 = arith.constant 0 : i32
    %dma_start3A_55 = tpu.memref_slice %arg7[%dma_start3A_48, %dma_start3A_54] : memref<80x125xi32, #tpu.memory_space<vmem>> -> memref<1x125xi32, #tpu.memory_space<vmem>>
    %dma_start3A_56 = tpu.memref_squeeze %dma_start3A_55 : memref<1x125xi32, #tpu.memory_space<vmem>> -> memref<125xi32, #tpu.memory_space<vmem>>
    %dma_start3A_57 = arith.constant 0 : i32
    %dma_start3A_58 = arith.constant 0 : i32
    %dma_start3A_59 = tpu.memref_slice %arg2[%dma_start3A_57, %dma_start3A_58] : memref<10000x64xf32, #tpu.memory_space<hbm>> -> memref<10000x64xf32, #tpu.memory_space<hbm>>
    tpu.enqueue_indirect_dma source(%dma_start3A_59 : memref<10000x64xf32, #tpu.memory_space<hbm>>) target(%dma_start3A_53 : memref<125x64xf32, #tpu.memory_space<vmem>>) offsets(%dma_start3A_56 : memref<125xi32, #tpu.memory_space<vmem>>) semaphore(%arg15 : memref<!tpu.dma_semaphore, #tpu.memory_space<semaphore_mem>>)
    %dma_start3A_60 = arith.constant 5 : i32
    %dma_start3A_61 = arith.constant 5 : i32
    %dma_start3A_62 = arith.constant 0 : i32
    %dma_start3A_63 = arith.constant 0 : i32
    %dma_start3A_64 = tpu.memref_slice %arg9[%dma_start3A_61, %dma_start3A_62, %dma_start3A_63] : memref<8x125x64xf32, #tpu.memory_space<vmem>> -> memref<1x125x64xf32, #tpu.memory_space<vmem>>
    %dma_start3A_65 = tpu.memref_squeeze %dma_start3A_64 : memref<1x125x64xf32, #tpu.memory_space<vmem>> -> memref<125x64xf32, #tpu.memory_space<vmem>>
    %dma_start3A_66 = arith.constant 0 : i32
    %dma_start3A_67 = tpu.memref_slice %arg7[%dma_start3A_60, %dma_start3A_66] : memref<80x125xi32, #tpu.memory_space<vmem>> -> memref<1x125xi32, #tpu.memory_space<vmem>>
    %dma_start3A_68 = tpu.memref_squeeze %dma_start3A_67 : memref<1x125xi32, #tpu.memory_space<vmem>> -> memref<125xi32, #tpu.memory_space<vmem>>
    %dma_start3A_69 = arith.constant 0 : i32
    %dma_start3A_70 = arith.constant 0 : i32
    %dma_start3A_71 = tpu.memref_slice %arg2[%dma_start3A_69, %dma_start3A_70] : memref<10000x64xf32, #tpu.memory_space<hbm>> -> memref<10000x64xf32, #tpu.memory_space<hbm>>
    tpu.enqueue_indirect_dma source(%dma_start3A_71 : memref<10000x64xf32, #tpu.memory_space<hbm>>) target(%dma_start3A_65 : memref<125x64xf32, #tpu.memory_space<vmem>>) offsets(%dma_start3A_68 : memref<125xi32, #tpu.memory_space<vmem>>) semaphore(%arg16 : memref<!tpu.dma_semaphore, #tpu.memory_space<semaphore_mem>>)
    %dma_start3A_72 = arith.constant 6 : i32
    %dma_start3A_73 = arith.constant 6 : i32
    %dma_start3A_74 = arith.constant 0 : i32
    %dma_start3A_75 = arith.constant 0 : i32
    %dma_start3A_76 = tpu.memref_slice %arg9[%dma_start3A_73, %dma_start3A_74, %dma_start3A_75] : memref<8x125x64xf32, #tpu.memory_space<vmem>> -> memref<1x125x64xf32, #tpu.memory_space<vmem>>
    %dma_start3A_77 = tpu.memref_squeeze %dma_start3A_76 : memref<1x125x64xf32, #tpu.memory_space<vmem>> -> memref<125x64xf32, #tpu.memory_space<vmem>>
    %dma_start3A_78 = arith.constant 0 : i32
    %dma_start3A_79 = tpu.memref_slice %arg7[%dma_start3A_72, %dma_start3A_78] : memref<80x125xi32, #tpu.memory_space<vmem>> -> memref<1x125xi32, #tpu.memory_space<vmem>>
    %dma_start3A_80 = tpu.memref_squeeze %dma_start3A_79 : memref<1x125xi32, #tpu.memory_space<vmem>> -> memref<125xi32, #tpu.memory_space<vmem>>
    %dma_start3A_81 = arith.constant 0 : i32
    %dma_start3A_82 = arith.constant 0 : i32
    %dma_start3A_83 = tpu.memref_slice %arg2[%dma_start3A_81, %dma_start3A_82] : memref<10000x64xf32, #tpu.memory_space<hbm>> -> memref<10000x64xf32, #tpu.memory_space<hbm>>
    tpu.enqueue_indirect_dma source(%dma_start3A_83 : memref<10000x64xf32, #tpu.memory_space<hbm>>) target(%dma_start3A_77 : memref<125x64xf32, #tpu.memory_space<vmem>>) offsets(%dma_start3A_80 : memref<125xi32, #tpu.memory_space<vmem>>) semaphore(%arg17 : memref<!tpu.dma_semaphore, #tpu.memory_space<semaphore_mem>>)
    %dma_start3A_84 = arith.constant 7 : i32
    %dma_start3A_85 = arith.constant 7 : i32
    %dma_start3A_86 = arith.constant 0 : i32
    %dma_start3A_87 = arith.constant 0 : i32
    %dma_start3A_88 = tpu.memref_slice %arg9[%dma_start3A_85, %dma_start3A_86, %dma_start3A_87] : memref<8x125x64xf32, #tpu.memory_space<vmem>> -> memref<1x125x64xf32, #tpu.memory_space<vmem>>
    %dma_start3A_89 = tpu.memref_squeeze %dma_start3A_88 : memref<1x125x64xf32, #tpu.memory_space<vmem>> -> memref<125x64xf32, #tpu.memory_space<vmem>>
    %dma_start3A_90 = arith.constant 0 : i32
    %dma_start3A_91 = tpu.memref_slice %arg7[%dma_start3A_84, %dma_start3A_90] : memref<80x125xi32, #tpu.memory_space<vmem>> -> memref<1x125xi32, #tpu.memory_space<vmem>>
    %dma_start3A_92 = tpu.memref_squeeze %dma_start3A_91 : memref<1x125xi32, #tpu.memory_space<vmem>> -> memref<125xi32, #tpu.memory_space<vmem>>
    %dma_start3A_93 = arith.constant 0 : i32
    %dma_start3A_94 = arith.constant 0 : i32
    %dma_start3A_95 = tpu.memref_slice %arg2[%dma_start3A_93, %dma_start3A_94] : memref<10000x64xf32, #tpu.memory_space<hbm>> -> memref<10000x64xf32, #tpu.memory_space<hbm>>
    tpu.enqueue_indirect_dma source(%dma_start3A_95 : memref<10000x64xf32, #tpu.memory_space<hbm>>) target(%dma_start3A_89 : memref<125x64xf32, #tpu.memory_space<vmem>>) offsets(%dma_start3A_92 : memref<125xi32, #tpu.memory_space<vmem>>) semaphore(%arg18 : memref<!tpu.dma_semaphore, #tpu.memory_space<semaphore_mem>>)
    "tpu.region"() ({
      %run_scoped3A = tpu.sem_alloc : memref<!tpu.dma_semaphore, #tpu.memory_space<semaphore_mem>>
      %dma_start3A_404 = arith.constant 0 : i32
      %dma_start3A_405 = arith.constant 0 : i32
      %dma_start3A_406 = tpu.memref_slice %arg4[%add3A, %dma_start3A_404, %dma_start3A_405] : memref<32x80x125xi32, #tpu.memory_space<hbm>> -> memref<1x80x125xi32, #tpu.memory_space<hbm>>
      %dma_start3A_407 = tpu.memref_squeeze %dma_start3A_406 : memref<1x80x125xi32, #tpu.memory_space<hbm>> -> memref<80x125xi32, #tpu.memory_space<hbm>>
      %dma_start3A_408 = arith.constant 0 : i32
      %dma_start3A_409 = arith.constant 0 : i32
      %dma_start3A_410 = tpu.memref_slice %arg4[%add3A, %dma_start3A_408, %dma_start3A_409] : memref<32x80x125xi32, #tpu.memory_space<hbm>> -> memref<1x80x125xi32, #tpu.memory_space<hbm>>
      %dma_start3A_411 = tpu.memref_squeeze %dma_start3A_410 : memref<1x80x125xi32, #tpu.memory_space<hbm>> -> memref<80x125xi32, #tpu.memory_space<hbm>>
      tpu.enqueue_dma source(%dma_start3A_411 : memref<80x125xi32, #tpu.memory_space<hbm>>) target(%arg8 : memref<80x125xi32, #tpu.memory_space<vmem>>) target_semaphore(%run_scoped3A : memref<!tpu.dma_semaphore, #tpu.memory_space<semaphore_mem>>)
      %dma_wait3A_412 = arith.constant 0 : i32
      %dma_wait3A_413 = arith.constant 0 : i32
      %dma_wait3A_414 = tpu.memref_slice %arg4[%add3A, %dma_wait3A_412, %dma_wait3A_413] : memref<32x80x125xi32, #tpu.memory_space<hbm>> -> memref<1x80x125xi32, #tpu.memory_space<hbm>>
      %dma_wait3A_415 = tpu.memref_squeeze %dma_wait3A_414 : memref<1x80x125xi32, #tpu.memory_space<hbm>> -> memref<80x125xi32, #tpu.memory_space<hbm>>
      %dma_wait3A_416 = arith.constant 0 : i32
      %dma_wait3A_417 = arith.constant 0 : i32
      %dma_wait3A_418 = tpu.memref_slice %arg4[%add3A, %dma_wait3A_416, %dma_wait3A_417] : memref<32x80x125xi32, #tpu.memory_space<hbm>> -> memref<1x80x125xi32, #tpu.memory_space<hbm>>
      %dma_wait3A_419 = tpu.memref_squeeze %dma_wait3A_418 : memref<1x80x125xi32, #tpu.memory_space<hbm>> -> memref<80x125xi32, #tpu.memory_space<hbm>>
      tpu.wait_dma2 semaphore(%run_scoped3A : memref<!tpu.dma_semaphore, #tpu.memory_space<semaphore_mem>>) src(%dma_wait3A_419 : memref<80x125xi32, #tpu.memory_space<hbm>>) dst(%arg8 : memref<80x125xi32, #tpu.memory_space<vmem>>)
      tpu.yield
    }) : () -> ()
    %mul3A_96 = arith.constant 624 : i32
    %mul3A_97 = arith.muli %arg1, %mul3A_96 : i32
    %mul3A_98 = arith.constant 624 : i32
    %mul3A_99 = arith.muli %arg1, %mul3A_98 : i32
    "tpu.region"() ({
      %run_scoped3A = tpu.sem_alloc : memref<!tpu.dma_semaphore, #tpu.memory_space<semaphore_mem>>
      %dma_start3A_404 = arith.constant 0 : i32
      %dma_start3A_405 = tpu.memref_slice %arg10[%mul3A_99, %dma_start3A_404] : memref<10000x64xf32, #tpu.memory_space<vmem_shared>> -> memref<624x64xf32, #tpu.memory_space<vmem_shared>>
      %dma_start3A_406 = arith.constant 0 : i32
      %dma_start3A_407 = tpu.memref_slice %arg5[%mul3A_97, %dma_start3A_406] : memref<10000x64xf32, #tpu.memory_space<hbm>> -> memref<624x64xf32, #tpu.memory_space<hbm>>
      tpu.enqueue_dma source(%dma_start3A_407 : memref<624x64xf32, #tpu.memory_space<hbm>>) target(%dma_start3A_405 : memref<624x64xf32, #tpu.memory_space<vmem_shared>>) target_semaphore(%run_scoped3A : memref<!tpu.dma_semaphore, #tpu.memory_space<semaphore_mem>>)
      %dma_wait3A_408 = arith.constant 0 : i32
      %dma_wait3A_409 = tpu.memref_slice %arg10[%mul3A_99, %dma_wait3A_408] : memref<10000x64xf32, #tpu.memory_space<vmem_shared>> -> memref<624x64xf32, #tpu.memory_space<vmem_shared>>
      %dma_wait3A_410 = arith.constant 0 : i32
      %dma_wait3A_411 = tpu.memref_slice %arg5[%mul3A_97, %dma_wait3A_410] : memref<10000x64xf32, #tpu.memory_space<hbm>> -> memref<624x64xf32, #tpu.memory_space<hbm>>
      tpu.wait_dma2 semaphore(%run_scoped3A : memref<!tpu.dma_semaphore, #tpu.memory_space<semaphore_mem>>) src(%dma_wait3A_411 : memref<624x64xf32, #tpu.memory_space<hbm>>) dst(%dma_wait3A_409 : memref<624x64xf32, #tpu.memory_space<vmem_shared>>)
      tpu.yield
    }) : () -> ()
    %eq3A = arith.constant 15 : i32
    %eq3A_100 = arith.cmpi eq, %arg1, %eq3A : i32
    %convert_element_type3A = arith.extui %eq3A_100 : i1 to i32
    %cond3A = arith.constant 0 : i32
    %cond3A_101 = arith.cmpi ne, %convert_element_type3A, %cond3A : i32
    scf.if %cond3A_101 {
      "tpu.region"() ({
        %run_scoped3A = tpu.sem_alloc : memref<!tpu.dma_semaphore, #tpu.memory_space<semaphore_mem>>
        %dma_start3A_404 = arith.constant 9984 : i32
        %dma_start3A_405 = arith.constant 0 : i32
        %dma_start3A_406 = tpu.memref_slice %arg10[%dma_start3A_404, %dma_start3A_405] : memref<10000x64xf32, #tpu.memory_space<vmem_shared>> -> memref<16x64xf32, #tpu.memory_space<vmem_shared>>
        %dma_start3A_407 = arith.constant 9984 : i32
        %dma_start3A_408 = arith.constant 0 : i32
        %dma_start3A_409 = tpu.memref_slice %arg5[%dma_start3A_407, %dma_start3A_408] : memref<10000x64xf32, #tpu.memory_space<hbm>> -> memref<16x64xf32, #tpu.memory_space<hbm>>
        tpu.enqueue_dma source(%dma_start3A_409 : memref<16x64xf32, #tpu.memory_space<hbm>>) target(%dma_start3A_406 : memref<16x64xf32, #tpu.memory_space<vmem_shared>>) target_semaphore(%run_scoped3A : memref<!tpu.dma_semaphore, #tpu.memory_space<semaphore_mem>>)
        %dma_wait3A_410 = arith.constant 9984 : i32
        %dma_wait3A_411 = arith.constant 0 : i32
        %dma_wait3A_412 = tpu.memref_slice %arg10[%dma_wait3A_410, %dma_wait3A_411] : memref<10000x64xf32, #tpu.memory_space<vmem_shared>> -> memref<16x64xf32, #tpu.memory_space<vmem_shared>>
        %dma_wait3A_413 = arith.constant 9984 : i32
        %dma_wait3A_414 = arith.constant 0 : i32
        %dma_wait3A_415 = tpu.memref_slice %arg5[%dma_wait3A_413, %dma_wait3A_414] : memref<10000x64xf32, #tpu.memory_space<hbm>> -> memref<16x64xf32, #tpu.memory_space<hbm>>
        tpu.wait_dma2 semaphore(%run_scoped3A : memref<!tpu.dma_semaphore, #tpu.memory_space<semaphore_mem>>) src(%dma_wait3A_415 : memref<16x64xf32, #tpu.memory_space<hbm>>) dst(%dma_wait3A_412 : memref<16x64xf32, #tpu.memory_space<vmem_shared>>)
        tpu.yield
      }) : () -> ()
    } else {
    }
    %barrier3A = arith.constant 0 : index
    tpu.barrier barrier_id(%barrier3A)
    %scan3A = arith.constant 0 : i32
    %scan3A_102 = arith.constant 0 : i32
    %scan3A_103 = arith.constant 9 : i32
    %scan3A_104 = arith.addi %scan3A_102, %scan3A_103 : i32
    %scan3A_105 = arith.constant 1 : i32
    scf.for %scan3A_404 = %scan3A_102 to %scan3A_104 step %scan3A_105  : i32 {
      %mul3A_405 = arith.constant 8 : i32
      %mul3A_406 = arith.muli %scan3A_404, %mul3A_405 : i32
      %add3A_407 = arith.constant 0 : i32
      %add3A_408 = arith.addi %mul3A_406, %add3A_407 : i32
      %dma_wait3A_409 = arith.constant 0 : i32
      %dma_wait3A_410 = arith.constant 0 : i32
      %dma_wait3A_411 = arith.constant 0 : i32
      %dma_wait3A_412 = tpu.memref_slice %arg9[%dma_wait3A_409, %dma_wait3A_410, %dma_wait3A_411] : memref<8x125x64xf32, #tpu.memory_space<vmem>> -> memref<1x125x64xf32, #tpu.memory_space<vmem>>
      %dma_wait3A_413 = tpu.memref_squeeze %dma_wait3A_412 : memref<1x125x64xf32, #tpu.memory_space<vmem>> -> memref<125x64xf32, #tpu.memory_space<vmem>>
      %dma_wait3A_414 = arith.constant 0 : i32
      %dma_wait3A_415 = tpu.memref_slice %arg7[%add3A_408, %dma_wait3A_414] : memref<80x125xi32, #tpu.memory_space<vmem>> -> memref<1x125xi32, #tpu.memory_space<vmem>>
      %dma_wait3A_416 = tpu.memref_squeeze %dma_wait3A_415 : memref<1x125xi32, #tpu.memory_space<vmem>> -> memref<125xi32, #tpu.memory_space<vmem>>
      %dma_wait3A_417 = arith.constant 0 : i32
      %dma_wait3A_418 = arith.constant 0 : i32
      %dma_wait3A_419 = tpu.memref_slice %arg2[%dma_wait3A_417, %dma_wait3A_418] : memref<10000x64xf32, #tpu.memory_space<hbm>> -> memref<10000x64xf32, #tpu.memory_space<hbm>>
      tpu.wait_indirect_dma semaphore(%arg11 : memref<!tpu.dma_semaphore, #tpu.memory_space<semaphore_mem>>) src(%dma_wait3A_419 : memref<10000x64xf32, #tpu.memory_space<hbm>>) dst(%dma_wait3A_413 : memref<125x64xf32, #tpu.memory_space<vmem>>)
      %add3A_420 = arith.constant 0 : i32
      %add3A_421 = arith.addi %mul3A_406, %add3A_420 : i32
      %dma_start3A_422 = arith.constant 0 : i32
      %dma_start3A_423 = arith.constant 0 : i32
      %dma_start3A_424 = arith.constant 0 : i32
      %dma_start3A_425 = tpu.memref_slice %arg9[%dma_start3A_422, %dma_start3A_423, %dma_start3A_424] : memref<8x125x64xf32, #tpu.memory_space<vmem>> -> memref<1x125x64xf32, #tpu.memory_space<vmem>>
      %dma_start3A_426 = tpu.memref_squeeze %dma_start3A_425 : memref<1x125x64xf32, #tpu.memory_space<vmem>> -> memref<125x64xf32, #tpu.memory_space<vmem>>
      %dma_start3A_427 = arith.constant 0 : i32
      %dma_start3A_428 = tpu.memref_slice %arg8[%add3A_421, %dma_start3A_427] : memref<80x125xi32, #tpu.memory_space<vmem>> -> memref<1x125xi32, #tpu.memory_space<vmem>>
      %dma_start3A_429 = tpu.memref_squeeze %dma_start3A_428 : memref<1x125xi32, #tpu.memory_space<vmem>> -> memref<125xi32, #tpu.memory_space<vmem>>
      %dma_start3A_430 = arith.constant 0 : i32
      %dma_start3A_431 = arith.constant 0 : i32
      %dma_start3A_432 = tpu.memref_slice %arg10[%dma_start3A_430, %dma_start3A_431] : memref<10000x64xf32, #tpu.memory_space<vmem_shared>> -> memref<10000x64xf32, #tpu.memory_space<vmem_shared>>
      tpu.enqueue_indirect_dma source(%dma_start3A_426 : memref<125x64xf32, #tpu.memory_space<vmem>>) target(%dma_start3A_432 : memref<10000x64xf32, #tpu.memory_space<vmem_shared>>) offsets(%dma_start3A_429 : memref<125xi32, #tpu.memory_space<vmem>>) semaphore(%arg19 : memref<!tpu.dma_semaphore, #tpu.memory_space<semaphore_mem>>) {add = true}
      %add3A_433 = arith.constant 1 : i32
      %add3A_434 = arith.addi %mul3A_406, %add3A_433 : i32
      %dma_wait3A_435 = arith.constant 1 : i32
      %dma_wait3A_436 = arith.constant 0 : i32
      %dma_wait3A_437 = arith.constant 0 : i32
      %dma_wait3A_438 = tpu.memref_slice %arg9[%dma_wait3A_435, %dma_wait3A_436, %dma_wait3A_437] : memref<8x125x64xf32, #tpu.memory_space<vmem>> -> memref<1x125x64xf32, #tpu.memory_space<vmem>>
      %dma_wait3A_439 = tpu.memref_squeeze %dma_wait3A_438 : memref<1x125x64xf32, #tpu.memory_space<vmem>> -> memref<125x64xf32, #tpu.memory_space<vmem>>
      %dma_wait3A_440 = arith.constant 0 : i32
      %dma_wait3A_441 = tpu.memref_slice %arg7[%add3A_434, %dma_wait3A_440] : memref<80x125xi32, #tpu.memory_space<vmem>> -> memref<1x125xi32, #tpu.memory_space<vmem>>
      %dma_wait3A_442 = tpu.memref_squeeze %dma_wait3A_441 : memref<1x125xi32, #tpu.memory_space<vmem>> -> memref<125xi32, #tpu.memory_space<vmem>>
      %dma_wait3A_443 = arith.constant 0 : i32
      %dma_wait3A_444 = arith.constant 0 : i32
      %dma_wait3A_445 = tpu.memref_slice %arg2[%dma_wait3A_443, %dma_wait3A_444] : memref<10000x64xf32, #tpu.memory_space<hbm>> -> memref<10000x64xf32, #tpu.memory_space<hbm>>
      tpu.wait_indirect_dma semaphore(%arg12 : memref<!tpu.dma_semaphore, #tpu.memory_space<semaphore_mem>>) src(%dma_wait3A_445 : memref<10000x64xf32, #tpu.memory_space<hbm>>) dst(%dma_wait3A_439 : memref<125x64xf32, #tpu.memory_space<vmem>>)
      %add3A_446 = arith.constant 1 : i32
      %add3A_447 = arith.addi %mul3A_406, %add3A_446 : i32
      %dma_start3A_448 = arith.constant 1 : i32
      %dma_start3A_449 = arith.constant 0 : i32
      %dma_start3A_450 = arith.constant 0 : i32
      %dma_start3A_451 = tpu.memref_slice %arg9[%dma_start3A_448, %dma_start3A_449, %dma_start3A_450] : memref<8x125x64xf32, #tpu.memory_space<vmem>> -> memref<1x125x64xf32, #tpu.memory_space<vmem>>
      %dma_start3A_452 = tpu.memref_squeeze %dma_start3A_451 : memref<1x125x64xf32, #tpu.memory_space<vmem>> -> memref<125x64xf32, #tpu.memory_space<vmem>>
      %dma_start3A_453 = arith.constant 0 : i32
      %dma_start3A_454 = tpu.memref_slice %arg8[%add3A_447, %dma_start3A_453] : memref<80x125xi32, #tpu.memory_space<vmem>> -> memref<1x125xi32, #tpu.memory_space<vmem>>
      %dma_start3A_455 = tpu.memref_squeeze %dma_start3A_454 : memref<1x125xi32, #tpu.memory_space<vmem>> -> memref<125xi32, #tpu.memory_space<vmem>>
      %dma_start3A_456 = arith.constant 0 : i32
      %dma_start3A_457 = arith.constant 0 : i32
      %dma_start3A_458 = tpu.memref_slice %arg10[%dma_start3A_456, %dma_start3A_457] : memref<10000x64xf32, #tpu.memory_space<vmem_shared>> -> memref<10000x64xf32, #tpu.memory_space<vmem_shared>>
      tpu.enqueue_indirect_dma source(%dma_start3A_452 : memref<125x64xf32, #tpu.memory_space<vmem>>) target(%dma_start3A_458 : memref<10000x64xf32, #tpu.memory_space<vmem_shared>>) offsets(%dma_start3A_455 : memref<125xi32, #tpu.memory_space<vmem>>) semaphore(%arg20 : memref<!tpu.dma_semaphore, #tpu.memory_space<semaphore_mem>>) {add = true}
      %add3A_459 = arith.constant 2 : i32
      %add3A_460 = arith.addi %mul3A_406, %add3A_459 : i32
      %dma_wait3A_461 = arith.constant 2 : i32
      %dma_wait3A_462 = arith.constant 0 : i32
      %dma_wait3A_463 = arith.constant 0 : i32
      %dma_wait3A_464 = tpu.memref_slice %arg9[%dma_wait3A_461, %dma_wait3A_462, %dma_wait3A_463] : memref<8x125x64xf32, #tpu.memory_space<vmem>> -> memref<1x125x64xf32, #tpu.memory_space<vmem>>
      %dma_wait3A_465 = tpu.memref_squeeze %dma_wait3A_464 : memref<1x125x64xf32, #tpu.memory_space<vmem>> -> memref<125x64xf32, #tpu.memory_space<vmem>>
      %dma_wait3A_466 = arith.constant 0 : i32
      %dma_wait3A_467 = tpu.memref_slice %arg7[%add3A_460, %dma_wait3A_466] : memref<80x125xi32, #tpu.memory_space<vmem>> -> memref<1x125xi32, #tpu.memory_space<vmem>>
      %dma_wait3A_468 = tpu.memref_squeeze %dma_wait3A_467 : memref<1x125xi32, #tpu.memory_space<vmem>> -> memref<125xi32, #tpu.memory_space<vmem>>
      %dma_wait3A_469 = arith.constant 0 : i32
      %dma_wait3A_470 = arith.constant 0 : i32
      %dma_wait3A_471 = tpu.memref_slice %arg2[%dma_wait3A_469, %dma_wait3A_470] : memref<10000x64xf32, #tpu.memory_space<hbm>> -> memref<10000x64xf32, #tpu.memory_space<hbm>>
      tpu.wait_indirect_dma semaphore(%arg13 : memref<!tpu.dma_semaphore, #tpu.memory_space<semaphore_mem>>) src(%dma_wait3A_471 : memref<10000x64xf32, #tpu.memory_space<hbm>>) dst(%dma_wait3A_465 : memref<125x64xf32, #tpu.memory_space<vmem>>)
      %add3A_472 = arith.constant 2 : i32
      %add3A_473 = arith.addi %mul3A_406, %add3A_472 : i32
      %dma_start3A_474 = arith.constant 2 : i32
      %dma_start3A_475 = arith.constant 0 : i32
      %dma_start3A_476 = arith.constant 0 : i32
      %dma_start3A_477 = tpu.memref_slice %arg9[%dma_start3A_474, %dma_start3A_475, %dma_start3A_476] : memref<8x125x64xf32, #tpu.memory_space<vmem>> -> memref<1x125x64xf32, #tpu.memory_space<vmem>>
      %dma_start3A_478 = tpu.memref_squeeze %dma_start3A_477 : memref<1x125x64xf32, #tpu.memory_space<vmem>> -> memref<125x64xf32, #tpu.memory_space<vmem>>
      %dma_start3A_479 = arith.constant 0 : i32
      %dma_start3A_480 = tpu.memref_slice %arg8[%add3A_473, %dma_start3A_479] : memref<80x125xi32, #tpu.memory_space<vmem>> -> memref<1x125xi32, #tpu.memory_space<vmem>>
      %dma_start3A_481 = tpu.memref_squeeze %dma_start3A_480 : memref<1x125xi32, #tpu.memory_space<vmem>> -> memref<125xi32, #tpu.memory_space<vmem>>
      %dma_start3A_482 = arith.constant 0 : i32
      %dma_start3A_483 = arith.constant 0 : i32
      %dma_start3A_484 = tpu.memref_slice %arg10[%dma_start3A_482, %dma_start3A_483] : memref<10000x64xf32, #tpu.memory_space<vmem_shared>> -> memref<10000x64xf32, #tpu.memory_space<vmem_shared>>
      tpu.enqueue_indirect_dma source(%dma_start3A_478 : memref<125x64xf32, #tpu.memory_space<vmem>>) target(%dma_start3A_484 : memref<10000x64xf32, #tpu.memory_space<vmem_shared>>) offsets(%dma_start3A_481 : memref<125xi32, #tpu.memory_space<vmem>>) semaphore(%arg21 : memref<!tpu.dma_semaphore, #tpu.memory_space<semaphore_mem>>) {add = true}
      %add3A_485 = arith.constant 3 : i32
      %add3A_486 = arith.addi %mul3A_406, %add3A_485 : i32
      %dma_wait3A_487 = arith.constant 3 : i32
      %dma_wait3A_488 = arith.constant 0 : i32
      %dma_wait3A_489 = arith.constant 0 : i32
      %dma_wait3A_490 = tpu.memref_slice %arg9[%dma_wait3A_487, %dma_wait3A_488, %dma_wait3A_489] : memref<8x125x64xf32, #tpu.memory_space<vmem>> -> memref<1x125x64xf32, #tpu.memory_space<vmem>>
      %dma_wait3A_491 = tpu.memref_squeeze %dma_wait3A_490 : memref<1x125x64xf32, #tpu.memory_space<vmem>> -> memref<125x64xf32, #tpu.memory_space<vmem>>
      %dma_wait3A_492 = arith.constant 0 : i32
      %dma_wait3A_493 = tpu.memref_slice %arg7[%add3A_486, %dma_wait3A_492] : memref<80x125xi32, #tpu.memory_space<vmem>> -> memref<1x125xi32, #tpu.memory_space<vmem>>
      %dma_wait3A_494 = tpu.memref_squeeze %dma_wait3A_493 : memref<1x125xi32, #tpu.memory_space<vmem>> -> memref<125xi32, #tpu.memory_space<vmem>>
      %dma_wait3A_495 = arith.constant 0 : i32
      %dma_wait3A_496 = arith.constant 0 : i32
      %dma_wait3A_497 = tpu.memref_slice %arg2[%dma_wait3A_495, %dma_wait3A_496] : memref<10000x64xf32, #tpu.memory_space<hbm>> -> memref<10000x64xf32, #tpu.memory_space<hbm>>
      tpu.wait_indirect_dma semaphore(%arg14 : memref<!tpu.dma_semaphore, #tpu.memory_space<semaphore_mem>>) src(%dma_wait3A_497 : memref<10000x64xf32, #tpu.memory_space<hbm>>) dst(%dma_wait3A_491 : memref<125x64xf32, #tpu.memory_space<vmem>>)
      %add3A_498 = arith.constant 3 : i32
      %add3A_499 = arith.addi %mul3A_406, %add3A_498 : i32
      %dma_start3A_500 = arith.constant 3 : i32
      %dma_start3A_501 = arith.constant 0 : i32
      %dma_start3A_502 = arith.constant 0 : i32
      %dma_start3A_503 = tpu.memref_slice %arg9[%dma_start3A_500, %dma_start3A_501, %dma_start3A_502] : memref<8x125x64xf32, #tpu.memory_space<vmem>> -> memref<1x125x64xf32, #tpu.memory_space<vmem>>
      %dma_start3A_504 = tpu.memref_squeeze %dma_start3A_503 : memref<1x125x64xf32, #tpu.memory_space<vmem>> -> memref<125x64xf32, #tpu.memory_space<vmem>>
      %dma_start3A_505 = arith.constant 0 : i32
      %dma_start3A_506 = tpu.memref_slice %arg8[%add3A_499, %dma_start3A_505] : memref<80x125xi32, #tpu.memory_space<vmem>> -> memref<1x125xi32, #tpu.memory_space<vmem>>
      %dma_start3A_507 = tpu.memref_squeeze %dma_start3A_506 : memref<1x125xi32, #tpu.memory_space<vmem>> -> memref<125xi32, #tpu.memory_space<vmem>>
      %dma_start3A_508 = arith.constant 0 : i32
      %dma_start3A_509 = arith.constant 0 : i32
      %dma_start3A_510 = tpu.memref_slice %arg10[%dma_start3A_508, %dma_start3A_509] : memref<10000x64xf32, #tpu.memory_space<vmem_shared>> -> memref<10000x64xf32, #tpu.memory_space<vmem_shared>>
      tpu.enqueue_indirect_dma source(%dma_start3A_504 : memref<125x64xf32, #tpu.memory_space<vmem>>) target(%dma_start3A_510 : memref<10000x64xf32, #tpu.memory_space<vmem_shared>>) offsets(%dma_start3A_507 : memref<125xi32, #tpu.memory_space<vmem>>) semaphore(%arg22 : memref<!tpu.dma_semaphore, #tpu.memory_space<semaphore_mem>>) {add = true}
      %add3A_511 = arith.constant 4 : i32
      %add3A_512 = arith.addi %mul3A_406, %add3A_511 : i32
      %dma_wait3A_513 = arith.constant 4 : i32
      %dma_wait3A_514 = arith.constant 0 : i32
      %dma_wait3A_515 = arith.constant 0 : i32
      %dma_wait3A_516 = tpu.memref_slice %arg9[%dma_wait3A_513, %dma_wait3A_514, %dma_wait3A_515] : memref<8x125x64xf32, #tpu.memory_space<vmem>> -> memref<1x125x64xf32, #tpu.memory_space<vmem>>
      %dma_wait3A_517 = tpu.memref_squeeze %dma_wait3A_516 : memref<1x125x64xf32, #tpu.memory_space<vmem>> -> memref<125x64xf32, #tpu.memory_space<vmem>>
      %dma_wait3A_518 = arith.constant 0 : i32
      %dma_wait3A_519 = tpu.memref_slice %arg7[%add3A_512, %dma_wait3A_518] : memref<80x125xi32, #tpu.memory_space<vmem>> -> memref<1x125xi32, #tpu.memory_space<vmem>>
      %dma_wait3A_520 = tpu.memref_squeeze %dma_wait3A_519 : memref<1x125xi32, #tpu.memory_space<vmem>> -> memref<125xi32, #tpu.memory_space<vmem>>
      %dma_wait3A_521 = arith.constant 0 : i32
      %dma_wait3A_522 = arith.constant 0 : i32
      %dma_wait3A_523 = tpu.memref_slice %arg2[%dma_wait3A_521, %dma_wait3A_522] : memref<10000x64xf32, #tpu.memory_space<hbm>> -> memref<10000x64xf32, #tpu.memory_space<hbm>>
      tpu.wait_indirect_dma semaphore(%arg15 : memref<!tpu.dma_semaphore, #tpu.memory_space<semaphore_mem>>) src(%dma_wait3A_523 : memref<10000x64xf32, #tpu.memory_space<hbm>>) dst(%dma_wait3A_517 : memref<125x64xf32, #tpu.memory_space<vmem>>)
      %add3A_524 = arith.constant 4 : i32
      %add3A_525 = arith.addi %mul3A_406, %add3A_524 : i32
      %dma_start3A_526 = arith.constant 4 : i32
      %dma_start3A_527 = arith.constant 0 : i32
      %dma_start3A_528 = arith.constant 0 : i32
      %dma_start3A_529 = tpu.memref_slice %arg9[%dma_start3A_526, %dma_start3A_527, %dma_start3A_528] : memref<8x125x64xf32, #tpu.memory_space<vmem>> -> memref<1x125x64xf32, #tpu.memory_space<vmem>>
      %dma_start3A_530 = tpu.memref_squeeze %dma_start3A_529 : memref<1x125x64xf32, #tpu.memory_space<vmem>> -> memref<125x64xf32, #tpu.memory_space<vmem>>
      %dma_start3A_531 = arith.constant 0 : i32
      %dma_start3A_532 = tpu.memref_slice %arg8[%add3A_525, %dma_start3A_531] : memref<80x125xi32, #tpu.memory_space<vmem>> -> memref<1x125xi32, #tpu.memory_space<vmem>>
      %dma_start3A_533 = tpu.memref_squeeze %dma_start3A_532 : memref<1x125xi32, #tpu.memory_space<vmem>> -> memref<125xi32, #tpu.memory_space<vmem>>
      %dma_start3A_534 = arith.constant 0 : i32
      %dma_start3A_535 = arith.constant 0 : i32
      %dma_start3A_536 = tpu.memref_slice %arg10[%dma_start3A_534, %dma_start3A_535] : memref<10000x64xf32, #tpu.memory_space<vmem_shared>> -> memref<10000x64xf32, #tpu.memory_space<vmem_shared>>
      tpu.enqueue_indirect_dma source(%dma_start3A_530 : memref<125x64xf32, #tpu.memory_space<vmem>>) target(%dma_start3A_536 : memref<10000x64xf32, #tpu.memory_space<vmem_shared>>) offsets(%dma_start3A_533 : memref<125xi32, #tpu.memory_space<vmem>>) semaphore(%arg23 : memref<!tpu.dma_semaphore, #tpu.memory_space<semaphore_mem>>) {add = true}
      %add3A_537 = arith.constant 5 : i32
      %add3A_538 = arith.addi %mul3A_406, %add3A_537 : i32
      %dma_wait3A_539 = arith.constant 5 : i32
      %dma_wait3A_540 = arith.constant 0 : i32
      %dma_wait3A_541 = arith.constant 0 : i32
      %dma_wait3A_542 = tpu.memref_slice %arg9[%dma_wait3A_539, %dma_wait3A_540, %dma_wait3A_541] : memref<8x125x64xf32, #tpu.memory_space<vmem>> -> memref<1x125x64xf32, #tpu.memory_space<vmem>>
      %dma_wait3A_543 = tpu.memref_squeeze %dma_wait3A_542 : memref<1x125x64xf32, #tpu.memory_space<vmem>> -> memref<125x64xf32, #tpu.memory_space<vmem>>
      %dma_wait3A_544 = arith.constant 0 : i32
      %dma_wait3A_545 = tpu.memref_slice %arg7[%add3A_538, %dma_wait3A_544] : memref<80x125xi32, #tpu.memory_space<vmem>> -> memref<1x125xi32, #tpu.memory_space<vmem>>
      %dma_wait3A_546 = tpu.memref_squeeze %dma_wait3A_545 : memref<1x125xi32, #tpu.memory_space<vmem>> -> memref<125xi32, #tpu.memory_space<vmem>>
      %dma_wait3A_547 = arith.constant 0 : i32
      %dma_wait3A_548 = arith.constant 0 : i32
      %dma_wait3A_549 = tpu.memref_slice %arg2[%dma_wait3A_547, %dma_wait3A_548] : memref<10000x64xf32, #tpu.memory_space<hbm>> -> memref<10000x64xf32, #tpu.memory_space<hbm>>
      tpu.wait_indirect_dma semaphore(%arg16 : memref<!tpu.dma_semaphore, #tpu.memory_space<semaphore_mem>>) src(%dma_wait3A_549 : memref<10000x64xf32, #tpu.memory_space<hbm>>) dst(%dma_wait3A_543 : memref<125x64xf32, #tpu.memory_space<vmem>>)
      %add3A_550 = arith.constant 5 : i32
      %add3A_551 = arith.addi %mul3A_406, %add3A_550 : i32
      %dma_start3A_552 = arith.constant 5 : i32
      %dma_start3A_553 = arith.constant 0 : i32
      %dma_start3A_554 = arith.constant 0 : i32
      %dma_start3A_555 = tpu.memref_slice %arg9[%dma_start3A_552, %dma_start3A_553, %dma_start3A_554] : memref<8x125x64xf32, #tpu.memory_space<vmem>> -> memref<1x125x64xf32, #tpu.memory_space<vmem>>
      %dma_start3A_556 = tpu.memref_squeeze %dma_start3A_555 : memref<1x125x64xf32, #tpu.memory_space<vmem>> -> memref<125x64xf32, #tpu.memory_space<vmem>>
      %dma_start3A_557 = arith.constant 0 : i32
      %dma_start3A_558 = tpu.memref_slice %arg8[%add3A_551, %dma_start3A_557] : memref<80x125xi32, #tpu.memory_space<vmem>> -> memref<1x125xi32, #tpu.memory_space<vmem>>
      %dma_start3A_559 = tpu.memref_squeeze %dma_start3A_558 : memref<1x125xi32, #tpu.memory_space<vmem>> -> memref<125xi32, #tpu.memory_space<vmem>>
      %dma_start3A_560 = arith.constant 0 : i32
      %dma_start3A_561 = arith.constant 0 : i32
      %dma_start3A_562 = tpu.memref_slice %arg10[%dma_start3A_560, %dma_start3A_561] : memref<10000x64xf32, #tpu.memory_space<vmem_shared>> -> memref<10000x64xf32, #tpu.memory_space<vmem_shared>>
      tpu.enqueue_indirect_dma source(%dma_start3A_556 : memref<125x64xf32, #tpu.memory_space<vmem>>) target(%dma_start3A_562 : memref<10000x64xf32, #tpu.memory_space<vmem_shared>>) offsets(%dma_start3A_559 : memref<125xi32, #tpu.memory_space<vmem>>) semaphore(%arg24 : memref<!tpu.dma_semaphore, #tpu.memory_space<semaphore_mem>>) {add = true}
      %add3A_563 = arith.constant 6 : i32
      %add3A_564 = arith.addi %mul3A_406, %add3A_563 : i32
      %dma_wait3A_565 = arith.constant 6 : i32
      %dma_wait3A_566 = arith.constant 0 : i32
      %dma_wait3A_567 = arith.constant 0 : i32
      %dma_wait3A_568 = tpu.memref_slice %arg9[%dma_wait3A_565, %dma_wait3A_566, %dma_wait3A_567] : memref<8x125x64xf32, #tpu.memory_space<vmem>> -> memref<1x125x64xf32, #tpu.memory_space<vmem>>
      %dma_wait3A_569 = tpu.memref_squeeze %dma_wait3A_568 : memref<1x125x64xf32, #tpu.memory_space<vmem>> -> memref<125x64xf32, #tpu.memory_space<vmem>>
      %dma_wait3A_570 = arith.constant 0 : i32
      %dma_wait3A_571 = tpu.memref_slice %arg7[%add3A_564, %dma_wait3A_570] : memref<80x125xi32, #tpu.memory_space<vmem>> -> memref<1x125xi32, #tpu.memory_space<vmem>>
      %dma_wait3A_572 = tpu.memref_squeeze %dma_wait3A_571 : memref<1x125xi32, #tpu.memory_space<vmem>> -> memref<125xi32, #tpu.memory_space<vmem>>
      %dma_wait3A_573 = arith.constant 0 : i32
      %dma_wait3A_574 = arith.constant 0 : i32
      %dma_wait3A_575 = tpu.memref_slice %arg2[%dma_wait3A_573, %dma_wait3A_574] : memref<10000x64xf32, #tpu.memory_space<hbm>> -> memref<10000x64xf32, #tpu.memory_space<hbm>>
      tpu.wait_indirect_dma semaphore(%arg17 : memref<!tpu.dma_semaphore, #tpu.memory_space<semaphore_mem>>) src(%dma_wait3A_575 : memref<10000x64xf32, #tpu.memory_space<hbm>>) dst(%dma_wait3A_569 : memref<125x64xf32, #tpu.memory_space<vmem>>)
      %add3A_576 = arith.constant 6 : i32
      %add3A_577 = arith.addi %mul3A_406, %add3A_576 : i32
      %dma_start3A_578 = arith.constant 6 : i32
      %dma_start3A_579 = arith.constant 0 : i32
      %dma_start3A_580 = arith.constant 0 : i32
      %dma_start3A_581 = tpu.memref_slice %arg9[%dma_start3A_578, %dma_start3A_579, %dma_start3A_580] : memref<8x125x64xf32, #tpu.memory_space<vmem>> -> memref<1x125x64xf32, #tpu.memory_space<vmem>>
      %dma_start3A_582 = tpu.memref_squeeze %dma_start3A_581 : memref<1x125x64xf32, #tpu.memory_space<vmem>> -> memref<125x64xf32, #tpu.memory_space<vmem>>
      %dma_start3A_583 = arith.constant 0 : i32
      %dma_start3A_584 = tpu.memref_slice %arg8[%add3A_577, %dma_start3A_583] : memref<80x125xi32, #tpu.memory_space<vmem>> -> memref<1x125xi32, #tpu.memory_space<vmem>>
      %dma_start3A_585 = tpu.memref_squeeze %dma_start3A_584 : memref<1x125xi32, #tpu.memory_space<vmem>> -> memref<125xi32, #tpu.memory_space<vmem>>
      %dma_start3A_586 = arith.constant 0 : i32
      %dma_start3A_587 = arith.constant 0 : i32
      %dma_start3A_588 = tpu.memref_slice %arg10[%dma_start3A_586, %dma_start3A_587] : memref<10000x64xf32, #tpu.memory_space<vmem_shared>> -> memref<10000x64xf32, #tpu.memory_space<vmem_shared>>
      tpu.enqueue_indirect_dma source(%dma_start3A_582 : memref<125x64xf32, #tpu.memory_space<vmem>>) target(%dma_start3A_588 : memref<10000x64xf32, #tpu.memory_space<vmem_shared>>) offsets(%dma_start3A_585 : memref<125xi32, #tpu.memory_space<vmem>>) semaphore(%arg25 : memref<!tpu.dma_semaphore, #tpu.memory_space<semaphore_mem>>) {add = true}
      %add3A_589 = arith.constant 7 : i32
      %add3A_590 = arith.addi %mul3A_406, %add3A_589 : i32
      %dma_wait3A_591 = arith.constant 7 : i32
      %dma_wait3A_592 = arith.constant 0 : i32
      %dma_wait3A_593 = arith.constant 0 : i32
      %dma_wait3A_594 = tpu.memref_slice %arg9[%dma_wait3A_591, %dma_wait3A_592, %dma_wait3A_593] : memref<8x125x64xf32, #tpu.memory_space<vmem>> -> memref<1x125x64xf32, #tpu.memory_space<vmem>>
      %dma_wait3A_595 = tpu.memref_squeeze %dma_wait3A_594 : memref<1x125x64xf32, #tpu.memory_space<vmem>> -> memref<125x64xf32, #tpu.memory_space<vmem>>
      %dma_wait3A_596 = arith.constant 0 : i32
      %dma_wait3A_597 = tpu.memref_slice %arg7[%add3A_590, %dma_wait3A_596] : memref<80x125xi32, #tpu.memory_space<vmem>> -> memref<1x125xi32, #tpu.memory_space<vmem>>
      %dma_wait3A_598 = tpu.memref_squeeze %dma_wait3A_597 : memref<1x125xi32, #tpu.memory_space<vmem>> -> memref<125xi32, #tpu.memory_space<vmem>>
      %dma_wait3A_599 = arith.constant 0 : i32
      %dma_wait3A_600 = arith.constant 0 : i32
      %dma_wait3A_601 = tpu.memref_slice %arg2[%dma_wait3A_599, %dma_wait3A_600] : memref<10000x64xf32, #tpu.memory_space<hbm>> -> memref<10000x64xf32, #tpu.memory_space<hbm>>
      tpu.wait_indirect_dma semaphore(%arg18 : memref<!tpu.dma_semaphore, #tpu.memory_space<semaphore_mem>>) src(%dma_wait3A_601 : memref<10000x64xf32, #tpu.memory_space<hbm>>) dst(%dma_wait3A_595 : memref<125x64xf32, #tpu.memory_space<vmem>>)
      %add3A_602 = arith.constant 7 : i32
      %add3A_603 = arith.addi %mul3A_406, %add3A_602 : i32
      %dma_start3A_604 = arith.constant 7 : i32
      %dma_start3A_605 = arith.constant 0 : i32
      %dma_start3A_606 = arith.constant 0 : i32
      %dma_start3A_607 = tpu.memref_slice %arg9[%dma_start3A_604, %dma_start3A_605, %dma_start3A_606] : memref<8x125x64xf32, #tpu.memory_space<vmem>> -> memref<1x125x64xf32, #tpu.memory_space<vmem>>
      %dma_start3A_608 = tpu.memref_squeeze %dma_start3A_607 : memref<1x125x64xf32, #tpu.memory_space<vmem>> -> memref<125x64xf32, #tpu.memory_space<vmem>>
      %dma_start3A_609 = arith.constant 0 : i32
      %dma_start3A_610 = tpu.memref_slice %arg8[%add3A_603, %dma_start3A_609] : memref<80x125xi32, #tpu.memory_space<vmem>> -> memref<1x125xi32, #tpu.memory_space<vmem>>
      %dma_start3A_611 = tpu.memref_squeeze %dma_start3A_610 : memref<1x125xi32, #tpu.memory_space<vmem>> -> memref<125xi32, #tpu.memory_space<vmem>>
      %dma_start3A_612 = arith.constant 0 : i32
      %dma_start3A_613 = arith.constant 0 : i32
      %dma_start3A_614 = tpu.memref_slice %arg10[%dma_start3A_612, %dma_start3A_613] : memref<10000x64xf32, #tpu.memory_space<vmem_shared>> -> memref<10000x64xf32, #tpu.memory_space<vmem_shared>>
      tpu.enqueue_indirect_dma source(%dma_start3A_608 : memref<125x64xf32, #tpu.memory_space<vmem>>) target(%dma_start3A_614 : memref<10000x64xf32, #tpu.memory_space<vmem_shared>>) offsets(%dma_start3A_611 : memref<125xi32, #tpu.memory_space<vmem>>) semaphore(%arg26 : memref<!tpu.dma_semaphore, #tpu.memory_space<semaphore_mem>>) {add = true}
      %add3A_615 = arith.constant 0 : i32
      %add3A_616 = arith.addi %mul3A_406, %add3A_615 : i32
      %dma_wait3A_617 = arith.constant 0 : i32
      %dma_wait3A_618 = arith.constant 0 : i32
      %dma_wait3A_619 = arith.constant 0 : i32
      %dma_wait3A_620 = tpu.memref_slice %arg9[%dma_wait3A_617, %dma_wait3A_618, %dma_wait3A_619] : memref<8x125x64xf32, #tpu.memory_space<vmem>> -> memref<1x125x64xf32, #tpu.memory_space<vmem>>
      %dma_wait3A_621 = tpu.memref_squeeze %dma_wait3A_620 : memref<1x125x64xf32, #tpu.memory_space<vmem>> -> memref<125x64xf32, #tpu.memory_space<vmem>>
      %dma_wait3A_622 = arith.constant 0 : i32
      %dma_wait3A_623 = tpu.memref_slice %arg8[%add3A_616, %dma_wait3A_622] : memref<80x125xi32, #tpu.memory_space<vmem>> -> memref<1x125xi32, #tpu.memory_space<vmem>>
      %dma_wait3A_624 = tpu.memref_squeeze %dma_wait3A_623 : memref<1x125xi32, #tpu.memory_space<vmem>> -> memref<125xi32, #tpu.memory_space<vmem>>
      %dma_wait3A_625 = arith.constant 0 : i32
      %dma_wait3A_626 = arith.constant 0 : i32
      %dma_wait3A_627 = tpu.memref_slice %arg10[%dma_wait3A_625, %dma_wait3A_626] : memref<10000x64xf32, #tpu.memory_space<vmem_shared>> -> memref<10000x64xf32, #tpu.memory_space<vmem_shared>>
      tpu.wait_indirect_dma semaphore(%arg19 : memref<!tpu.dma_semaphore, #tpu.memory_space<semaphore_mem>>) src(%dma_wait3A_621 : memref<125x64xf32, #tpu.memory_space<vmem>>) dst(%dma_wait3A_627 : memref<10000x64xf32, #tpu.memory_space<vmem_shared>>)
      %add3A_628 = arith.constant 8 : i32
      %add3A_629 = arith.addi %mul3A_406, %add3A_628 : i32
      %add3A_630 = arith.constant 0 : i32
      %add3A_631 = arith.addi %add3A_629, %add3A_630 : i32
      %dma_start3A_632 = arith.constant 0 : i32
      %dma_start3A_633 = arith.constant 0 : i32
      %dma_start3A_634 = arith.constant 0 : i32
      %dma_start3A_635 = tpu.memref_slice %arg9[%dma_start3A_632, %dma_start3A_633, %dma_start3A_634] : memref<8x125x64xf32, #tpu.memory_space<vmem>> -> memref<1x125x64xf32, #tpu.memory_space<vmem>>
      %dma_start3A_636 = tpu.memref_squeeze %dma_start3A_635 : memref<1x125x64xf32, #tpu.memory_space<vmem>> -> memref<125x64xf32, #tpu.memory_space<vmem>>
      %dma_start3A_637 = arith.constant 0 : i32
      %dma_start3A_638 = tpu.memref_slice %arg7[%add3A_631, %dma_start3A_637] : memref<80x125xi32, #tpu.memory_space<vmem>> -> memref<1x125xi32, #tpu.memory_space<vmem>>
      %dma_start3A_639 = tpu.memref_squeeze %dma_start3A_638 : memref<1x125xi32, #tpu.memory_space<vmem>> -> memref<125xi32, #tpu.memory_space<vmem>>
      %dma_start3A_640 = arith.constant 0 : i32
      %dma_start3A_641 = arith.constant 0 : i32
      %dma_start3A_642 = tpu.memref_slice %arg2[%dma_start3A_640, %dma_start3A_641] : memref<10000x64xf32, #tpu.memory_space<hbm>> -> memref<10000x64xf32, #tpu.memory_space<hbm>>
      tpu.enqueue_indirect_dma source(%dma_start3A_642 : memref<10000x64xf32, #tpu.memory_space<hbm>>) target(%dma_start3A_636 : memref<125x64xf32, #tpu.memory_space<vmem>>) offsets(%dma_start3A_639 : memref<125xi32, #tpu.memory_space<vmem>>) semaphore(%arg11 : memref<!tpu.dma_semaphore, #tpu.memory_space<semaphore_mem>>)
      %add3A_643 = arith.constant 1 : i32
      %add3A_644 = arith.addi %mul3A_406, %add3A_643 : i32
      %dma_wait3A_645 = arith.constant 1 : i32
      %dma_wait3A_646 = arith.constant 0 : i32
      %dma_wait3A_647 = arith.constant 0 : i32
      %dma_wait3A_648 = tpu.memref_slice %arg9[%dma_wait3A_645, %dma_wait3A_646, %dma_wait3A_647] : memref<8x125x64xf32, #tpu.memory_space<vmem>> -> memref<1x125x64xf32, #tpu.memory_space<vmem>>
      %dma_wait3A_649 = tpu.memref_squeeze %dma_wait3A_648 : memref<1x125x64xf32, #tpu.memory_space<vmem>> -> memref<125x64xf32, #tpu.memory_space<vmem>>
      %dma_wait3A_650 = arith.constant 0 : i32
      %dma_wait3A_651 = tpu.memref_slice %arg8[%add3A_644, %dma_wait3A_650] : memref<80x125xi32, #tpu.memory_space<vmem>> -> memref<1x125xi32, #tpu.memory_space<vmem>>
      %dma_wait3A_652 = tpu.memref_squeeze %dma_wait3A_651 : memref<1x125xi32, #tpu.memory_space<vmem>> -> memref<125xi32, #tpu.memory_space<vmem>>
      %dma_wait3A_653 = arith.constant 0 : i32
      %dma_wait3A_654 = arith.constant 0 : i32
      %dma_wait3A_655 = tpu.memref_slice %arg10[%dma_wait3A_653, %dma_wait3A_654] : memref<10000x64xf32, #tpu.memory_space<vmem_shared>> -> memref<10000x64xf32, #tpu.memory_space<vmem_shared>>
      tpu.wait_indirect_dma semaphore(%arg20 : memref<!tpu.dma_semaphore, #tpu.memory_space<semaphore_mem>>) src(%dma_wait3A_649 : memref<125x64xf32, #tpu.memory_space<vmem>>) dst(%dma_wait3A_655 : memref<10000x64xf32, #tpu.memory_space<vmem_shared>>)
      %add3A_656 = arith.constant 8 : i32
      %add3A_657 = arith.addi %mul3A_406, %add3A_656 : i32
      %add3A_658 = arith.constant 1 : i32
      %add3A_659 = arith.addi %add3A_657, %add3A_658 : i32
      %dma_start3A_660 = arith.constant 1 : i32
      %dma_start3A_661 = arith.constant 0 : i32
      %dma_start3A_662 = arith.constant 0 : i32
      %dma_start3A_663 = tpu.memref_slice %arg9[%dma_start3A_660, %dma_start3A_661, %dma_start3A_662] : memref<8x125x64xf32, #tpu.memory_space<vmem>> -> memref<1x125x64xf32, #tpu.memory_space<vmem>>
      %dma_start3A_664 = tpu.memref_squeeze %dma_start3A_663 : memref<1x125x64xf32, #tpu.memory_space<vmem>> -> memref<125x64xf32, #tpu.memory_space<vmem>>
      %dma_start3A_665 = arith.constant 0 : i32
      %dma_start3A_666 = tpu.memref_slice %arg7[%add3A_659, %dma_start3A_665] : memref<80x125xi32, #tpu.memory_space<vmem>> -> memref<1x125xi32, #tpu.memory_space<vmem>>
      %dma_start3A_667 = tpu.memref_squeeze %dma_start3A_666 : memref<1x125xi32, #tpu.memory_space<vmem>> -> memref<125xi32, #tpu.memory_space<vmem>>
      %dma_start3A_668 = arith.constant 0 : i32
      %dma_start3A_669 = arith.constant 0 : i32
      %dma_start3A_670 = tpu.memref_slice %arg2[%dma_start3A_668, %dma_start3A_669] : memref<10000x64xf32, #tpu.memory_space<hbm>> -> memref<10000x64xf32, #tpu.memory_space<hbm>>
      tpu.enqueue_indirect_dma source(%dma_start3A_670 : memref<10000x64xf32, #tpu.memory_space<hbm>>) target(%dma_start3A_664 : memref<125x64xf32, #tpu.memory_space<vmem>>) offsets(%dma_start3A_667 : memref<125xi32, #tpu.memory_space<vmem>>) semaphore(%arg12 : memref<!tpu.dma_semaphore, #tpu.memory_space<semaphore_mem>>)
      %add3A_671 = arith.constant 2 : i32
      %add3A_672 = arith.addi %mul3A_406, %add3A_671 : i32
      %dma_wait3A_673 = arith.constant 2 : i32
      %dma_wait3A_674 = arith.constant 0 : i32
      %dma_wait3A_675 = arith.constant 0 : i32
      %dma_wait3A_676 = tpu.memref_slice %arg9[%dma_wait3A_673, %dma_wait3A_674, %dma_wait3A_675] : memref<8x125x64xf32, #tpu.memory_space<vmem>> -> memref<1x125x64xf32, #tpu.memory_space<vmem>>
      %dma_wait3A_677 = tpu.memref_squeeze %dma_wait3A_676 : memref<1x125x64xf32, #tpu.memory_space<vmem>> -> memref<125x64xf32, #tpu.memory_space<vmem>>
      %dma_wait3A_678 = arith.constant 0 : i32
      %dma_wait3A_679 = tpu.memref_slice %arg8[%add3A_672, %dma_wait3A_678] : memref<80x125xi32, #tpu.memory_space<vmem>> -> memref<1x125xi32, #tpu.memory_space<vmem>>
      %dma_wait3A_680 = tpu.memref_squeeze %dma_wait3A_679 : memref<1x125xi32, #tpu.memory_space<vmem>> -> memref<125xi32, #tpu.memory_space<vmem>>
      %dma_wait3A_681 = arith.constant 0 : i32
      %dma_wait3A_682 = arith.constant 0 : i32
      %dma_wait3A_683 = tpu.memref_slice %arg10[%dma_wait3A_681, %dma_wait3A_682] : memref<10000x64xf32, #tpu.memory_space<vmem_shared>> -> memref<10000x64xf32, #tpu.memory_space<vmem_shared>>
      tpu.wait_indirect_dma semaphore(%arg21 : memref<!tpu.dma_semaphore, #tpu.memory_space<semaphore_mem>>) src(%dma_wait3A_677 : memref<125x64xf32, #tpu.memory_space<vmem>>) dst(%dma_wait3A_683 : memref<10000x64xf32, #tpu.memory_space<vmem_shared>>)
      %add3A_684 = arith.constant 8 : i32
      %add3A_685 = arith.addi %mul3A_406, %add3A_684 : i32
      %add3A_686 = arith.constant 2 : i32
      %add3A_687 = arith.addi %add3A_685, %add3A_686 : i32
      %dma_start3A_688 = arith.constant 2 : i32
      %dma_start3A_689 = arith.constant 0 : i32
      %dma_start3A_690 = arith.constant 0 : i32
      %dma_start3A_691 = tpu.memref_slice %arg9[%dma_start3A_688, %dma_start3A_689, %dma_start3A_690] : memref<8x125x64xf32, #tpu.memory_space<vmem>> -> memref<1x125x64xf32, #tpu.memory_space<vmem>>
      %dma_start3A_692 = tpu.memref_squeeze %dma_start3A_691 : memref<1x125x64xf32, #tpu.memory_space<vmem>> -> memref<125x64xf32, #tpu.memory_space<vmem>>
      %dma_start3A_693 = arith.constant 0 : i32
      %dma_start3A_694 = tpu.memref_slice %arg7[%add3A_687, %dma_start3A_693] : memref<80x125xi32, #tpu.memory_space<vmem>> -> memref<1x125xi32, #tpu.memory_space<vmem>>
      %dma_start3A_695 = tpu.memref_squeeze %dma_start3A_694 : memref<1x125xi32, #tpu.memory_space<vmem>> -> memref<125xi32, #tpu.memory_space<vmem>>
      %dma_start3A_696 = arith.constant 0 : i32
      %dma_start3A_697 = arith.constant 0 : i32
      %dma_start3A_698 = tpu.memref_slice %arg2[%dma_start3A_696, %dma_start3A_697] : memref<10000x64xf32, #tpu.memory_space<hbm>> -> memref<10000x64xf32, #tpu.memory_space<hbm>>
      tpu.enqueue_indirect_dma source(%dma_start3A_698 : memref<10000x64xf32, #tpu.memory_space<hbm>>) target(%dma_start3A_692 : memref<125x64xf32, #tpu.memory_space<vmem>>) offsets(%dma_start3A_695 : memref<125xi32, #tpu.memory_space<vmem>>) semaphore(%arg13 : memref<!tpu.dma_semaphore, #tpu.memory_space<semaphore_mem>>)
      %add3A_699 = arith.constant 3 : i32
      %add3A_700 = arith.addi %mul3A_406, %add3A_699 : i32
      %dma_wait3A_701 = arith.constant 3 : i32
      %dma_wait3A_702 = arith.constant 0 : i32
      %dma_wait3A_703 = arith.constant 0 : i32
      %dma_wait3A_704 = tpu.memref_slice %arg9[%dma_wait3A_701, %dma_wait3A_702, %dma_wait3A_703] : memref<8x125x64xf32, #tpu.memory_space<vmem>> -> memref<1x125x64xf32, #tpu.memory_space<vmem>>
      %dma_wait3A_705 = tpu.memref_squeeze %dma_wait3A_704 : memref<1x125x64xf32, #tpu.memory_space<vmem>> -> memref<125x64xf32, #tpu.memory_space<vmem>>
      %dma_wait3A_706 = arith.constant 0 : i32
      %dma_wait3A_707 = tpu.memref_slice %arg8[%add3A_700, %dma_wait3A_706] : memref<80x125xi32, #tpu.memory_space<vmem>> -> memref<1x125xi32, #tpu.memory_space<vmem>>
      %dma_wait3A_708 = tpu.memref_squeeze %dma_wait3A_707 : memref<1x125xi32, #tpu.memory_space<vmem>> -> memref<125xi32, #tpu.memory_space<vmem>>
      %dma_wait3A_709 = arith.constant 0 : i32
      %dma_wait3A_710 = arith.constant 0 : i32
      %dma_wait3A_711 = tpu.memref_slice %arg10[%dma_wait3A_709, %dma_wait3A_710] : memref<10000x64xf32, #tpu.memory_space<vmem_shared>> -> memref<10000x64xf32, #tpu.memory_space<vmem_shared>>
      tpu.wait_indirect_dma semaphore(%arg22 : memref<!tpu.dma_semaphore, #tpu.memory_space<semaphore_mem>>) src(%dma_wait3A_705 : memref<125x64xf32, #tpu.memory_space<vmem>>) dst(%dma_wait3A_711 : memref<10000x64xf32, #tpu.memory_space<vmem_shared>>)
      %add3A_712 = arith.constant 8 : i32
      %add3A_713 = arith.addi %mul3A_406, %add3A_712 : i32
      %add3A_714 = arith.constant 3 : i32
      %add3A_715 = arith.addi %add3A_713, %add3A_714 : i32
      %dma_start3A_716 = arith.constant 3 : i32
      %dma_start3A_717 = arith.constant 0 : i32
      %dma_start3A_718 = arith.constant 0 : i32
      %dma_start3A_719 = tpu.memref_slice %arg9[%dma_start3A_716, %dma_start3A_717, %dma_start3A_718] : memref<8x125x64xf32, #tpu.memory_space<vmem>> -> memref<1x125x64xf32, #tpu.memory_space<vmem>>
      %dma_start3A_720 = tpu.memref_squeeze %dma_start3A_719 : memref<1x125x64xf32, #tpu.memory_space<vmem>> -> memref<125x64xf32, #tpu.memory_space<vmem>>
      %dma_start3A_721 = arith.constant 0 : i32
      %dma_start3A_722 = tpu.memref_slice %arg7[%add3A_715, %dma_start3A_721] : memref<80x125xi32, #tpu.memory_space<vmem>> -> memref<1x125xi32, #tpu.memory_space<vmem>>
      %dma_start3A_723 = tpu.memref_squeeze %dma_start3A_722 : memref<1x125xi32, #tpu.memory_space<vmem>> -> memref<125xi32, #tpu.memory_space<vmem>>
      %dma_start3A_724 = arith.constant 0 : i32
      %dma_start3A_725 = arith.constant 0 : i32
      %dma_start3A_726 = tpu.memref_slice %arg2[%dma_start3A_724, %dma_start3A_725] : memref<10000x64xf32, #tpu.memory_space<hbm>> -> memref<10000x64xf32, #tpu.memory_space<hbm>>
      tpu.enqueue_indirect_dma source(%dma_start3A_726 : memref<10000x64xf32, #tpu.memory_space<hbm>>) target(%dma_start3A_720 : memref<125x64xf32, #tpu.memory_space<vmem>>) offsets(%dma_start3A_723 : memref<125xi32, #tpu.memory_space<vmem>>) semaphore(%arg14 : memref<!tpu.dma_semaphore, #tpu.memory_space<semaphore_mem>>)
      %add3A_727 = arith.constant 4 : i32
      %add3A_728 = arith.addi %mul3A_406, %add3A_727 : i32
      %dma_wait3A_729 = arith.constant 4 : i32
      %dma_wait3A_730 = arith.constant 0 : i32
      %dma_wait3A_731 = arith.constant 0 : i32
      %dma_wait3A_732 = tpu.memref_slice %arg9[%dma_wait3A_729, %dma_wait3A_730, %dma_wait3A_731] : memref<8x125x64xf32, #tpu.memory_space<vmem>> -> memref<1x125x64xf32, #tpu.memory_space<vmem>>
      %dma_wait3A_733 = tpu.memref_squeeze %dma_wait3A_732 : memref<1x125x64xf32, #tpu.memory_space<vmem>> -> memref<125x64xf32, #tpu.memory_space<vmem>>
      %dma_wait3A_734 = arith.constant 0 : i32
      %dma_wait3A_735 = tpu.memref_slice %arg8[%add3A_728, %dma_wait3A_734] : memref<80x125xi32, #tpu.memory_space<vmem>> -> memref<1x125xi32, #tpu.memory_space<vmem>>
      %dma_wait3A_736 = tpu.memref_squeeze %dma_wait3A_735 : memref<1x125xi32, #tpu.memory_space<vmem>> -> memref<125xi32, #tpu.memory_space<vmem>>
      %dma_wait3A_737 = arith.constant 0 : i32
      %dma_wait3A_738 = arith.constant 0 : i32
      %dma_wait3A_739 = tpu.memref_slice %arg10[%dma_wait3A_737, %dma_wait3A_738] : memref<10000x64xf32, #tpu.memory_space<vmem_shared>> -> memref<10000x64xf32, #tpu.memory_space<vmem_shared>>
      tpu.wait_indirect_dma semaphore(%arg23 : memref<!tpu.dma_semaphore, #tpu.memory_space<semaphore_mem>>) src(%dma_wait3A_733 : memref<125x64xf32, #tpu.memory_space<vmem>>) dst(%dma_wait3A_739 : memref<10000x64xf32, #tpu.memory_space<vmem_shared>>)
      %add3A_740 = arith.constant 8 : i32
      %add3A_741 = arith.addi %mul3A_406, %add3A_740 : i32
      %add3A_742 = arith.constant 4 : i32
      %add3A_743 = arith.addi %add3A_741, %add3A_742 : i32
      %dma_start3A_744 = arith.constant 4 : i32
      %dma_start3A_745 = arith.constant 0 : i32
      %dma_start3A_746 = arith.constant 0 : i32
      %dma_start3A_747 = tpu.memref_slice %arg9[%dma_start3A_744, %dma_start3A_745, %dma_start3A_746] : memref<8x125x64xf32, #tpu.memory_space<vmem>> -> memref<1x125x64xf32, #tpu.memory_space<vmem>>
      %dma_start3A_748 = tpu.memref_squeeze %dma_start3A_747 : memref<1x125x64xf32, #tpu.memory_space<vmem>> -> memref<125x64xf32, #tpu.memory_space<vmem>>
      %dma_start3A_749 = arith.constant 0 : i32
      %dma_start3A_750 = tpu.memref_slice %arg7[%add3A_743, %dma_start3A_749] : memref<80x125xi32, #tpu.memory_space<vmem>> -> memref<1x125xi32, #tpu.memory_space<vmem>>
      %dma_start3A_751 = tpu.memref_squeeze %dma_start3A_750 : memref<1x125xi32, #tpu.memory_space<vmem>> -> memref<125xi32, #tpu.memory_space<vmem>>
      %dma_start3A_752 = arith.constant 0 : i32
      %dma_start3A_753 = arith.constant 0 : i32
      %dma_start3A_754 = tpu.memref_slice %arg2[%dma_start3A_752, %dma_start3A_753] : memref<10000x64xf32, #tpu.memory_space<hbm>> -> memref<10000x64xf32, #tpu.memory_space<hbm>>
      tpu.enqueue_indirect_dma source(%dma_start3A_754 : memref<10000x64xf32, #tpu.memory_space<hbm>>) target(%dma_start3A_748 : memref<125x64xf32, #tpu.memory_space<vmem>>) offsets(%dma_start3A_751 : memref<125xi32, #tpu.memory_space<vmem>>) semaphore(%arg15 : memref<!tpu.dma_semaphore, #tpu.memory_space<semaphore_mem>>)
      %add3A_755 = arith.constant 5 : i32
      %add3A_756 = arith.addi %mul3A_406, %add3A_755 : i32
      %dma_wait3A_757 = arith.constant 5 : i32
      %dma_wait3A_758 = arith.constant 0 : i32
      %dma_wait3A_759 = arith.constant 0 : i32
      %dma_wait3A_760 = tpu.memref_slice %arg9[%dma_wait3A_757, %dma_wait3A_758, %dma_wait3A_759] : memref<8x125x64xf32, #tpu.memory_space<vmem>> -> memref<1x125x64xf32, #tpu.memory_space<vmem>>
      %dma_wait3A_761 = tpu.memref_squeeze %dma_wait3A_760 : memref<1x125x64xf32, #tpu.memory_space<vmem>> -> memref<125x64xf32, #tpu.memory_space<vmem>>
      %dma_wait3A_762 = arith.constant 0 : i32
      %dma_wait3A_763 = tpu.memref_slice %arg8[%add3A_756, %dma_wait3A_762] : memref<80x125xi32, #tpu.memory_space<vmem>> -> memref<1x125xi32, #tpu.memory_space<vmem>>
      %dma_wait3A_764 = tpu.memref_squeeze %dma_wait3A_763 : memref<1x125xi32, #tpu.memory_space<vmem>> -> memref<125xi32, #tpu.memory_space<vmem>>
      %dma_wait3A_765 = arith.constant 0 : i32
      %dma_wait3A_766 = arith.constant 0 : i32
      %dma_wait3A_767 = tpu.memref_slice %arg10[%dma_wait3A_765, %dma_wait3A_766] : memref<10000x64xf32, #tpu.memory_space<vmem_shared>> -> memref<10000x64xf32, #tpu.memory_space<vmem_shared>>
      tpu.wait_indirect_dma semaphore(%arg24 : memref<!tpu.dma_semaphore, #tpu.memory_space<semaphore_mem>>) src(%dma_wait3A_761 : memref<125x64xf32, #tpu.memory_space<vmem>>) dst(%dma_wait3A_767 : memref<10000x64xf32, #tpu.memory_space<vmem_shared>>)
      %add3A_768 = arith.constant 8 : i32
      %add3A_769 = arith.addi %mul3A_406, %add3A_768 : i32
      %add3A_770 = arith.constant 5 : i32
      %add3A_771 = arith.addi %add3A_769, %add3A_770 : i32
      %dma_start3A_772 = arith.constant 5 : i32
      %dma_start3A_773 = arith.constant 0 : i32
      %dma_start3A_774 = arith.constant 0 : i32
      %dma_start3A_775 = tpu.memref_slice %arg9[%dma_start3A_772, %dma_start3A_773, %dma_start3A_774] : memref<8x125x64xf32, #tpu.memory_space<vmem>> -> memref<1x125x64xf32, #tpu.memory_space<vmem>>
      %dma_start3A_776 = tpu.memref_squeeze %dma_start3A_775 : memref<1x125x64xf32, #tpu.memory_space<vmem>> -> memref<125x64xf32, #tpu.memory_space<vmem>>
      %dma_start3A_777 = arith.constant 0 : i32
      %dma_start3A_778 = tpu.memref_slice %arg7[%add3A_771, %dma_start3A_777] : memref<80x125xi32, #tpu.memory_space<vmem>> -> memref<1x125xi32, #tpu.memory_space<vmem>>
      %dma_start3A_779 = tpu.memref_squeeze %dma_start3A_778 : memref<1x125xi32, #tpu.memory_space<vmem>> -> memref<125xi32, #tpu.memory_space<vmem>>
      %dma_start3A_780 = arith.constant 0 : i32
      %dma_start3A_781 = arith.constant 0 : i32
      %dma_start3A_782 = tpu.memref_slice %arg2[%dma_start3A_780, %dma_start3A_781] : memref<10000x64xf32, #tpu.memory_space<hbm>> -> memref<10000x64xf32, #tpu.memory_space<hbm>>
      tpu.enqueue_indirect_dma source(%dma_start3A_782 : memref<10000x64xf32, #tpu.memory_space<hbm>>) target(%dma_start3A_776 : memref<125x64xf32, #tpu.memory_space<vmem>>) offsets(%dma_start3A_779 : memref<125xi32, #tpu.memory_space<vmem>>) semaphore(%arg16 : memref<!tpu.dma_semaphore, #tpu.memory_space<semaphore_mem>>)
      %add3A_783 = arith.constant 6 : i32
      %add3A_784 = arith.addi %mul3A_406, %add3A_783 : i32
      %dma_wait3A_785 = arith.constant 6 : i32
      %dma_wait3A_786 = arith.constant 0 : i32
      %dma_wait3A_787 = arith.constant 0 : i32
      %dma_wait3A_788 = tpu.memref_slice %arg9[%dma_wait3A_785, %dma_wait3A_786, %dma_wait3A_787] : memref<8x125x64xf32, #tpu.memory_space<vmem>> -> memref<1x125x64xf32, #tpu.memory_space<vmem>>
      %dma_wait3A_789 = tpu.memref_squeeze %dma_wait3A_788 : memref<1x125x64xf32, #tpu.memory_space<vmem>> -> memref<125x64xf32, #tpu.memory_space<vmem>>
      %dma_wait3A_790 = arith.constant 0 : i32
      %dma_wait3A_791 = tpu.memref_slice %arg8[%add3A_784, %dma_wait3A_790] : memref<80x125xi32, #tpu.memory_space<vmem>> -> memref<1x125xi32, #tpu.memory_space<vmem>>
      %dma_wait3A_792 = tpu.memref_squeeze %dma_wait3A_791 : memref<1x125xi32, #tpu.memory_space<vmem>> -> memref<125xi32, #tpu.memory_space<vmem>>
      %dma_wait3A_793 = arith.constant 0 : i32
      %dma_wait3A_794 = arith.constant 0 : i32
      %dma_wait3A_795 = tpu.memref_slice %arg10[%dma_wait3A_793, %dma_wait3A_794] : memref<10000x64xf32, #tpu.memory_space<vmem_shared>> -> memref<10000x64xf32, #tpu.memory_space<vmem_shared>>
      tpu.wait_indirect_dma semaphore(%arg25 : memref<!tpu.dma_semaphore, #tpu.memory_space<semaphore_mem>>) src(%dma_wait3A_789 : memref<125x64xf32, #tpu.memory_space<vmem>>) dst(%dma_wait3A_795 : memref<10000x64xf32, #tpu.memory_space<vmem_shared>>)
      %add3A_796 = arith.constant 8 : i32
      %add3A_797 = arith.addi %mul3A_406, %add3A_796 : i32
      %add3A_798 = arith.constant 6 : i32
      %add3A_799 = arith.addi %add3A_797, %add3A_798 : i32
      %dma_start3A_800 = arith.constant 6 : i32
      %dma_start3A_801 = arith.constant 0 : i32
      %dma_start3A_802 = arith.constant 0 : i32
      %dma_start3A_803 = tpu.memref_slice %arg9[%dma_start3A_800, %dma_start3A_801, %dma_start3A_802] : memref<8x125x64xf32, #tpu.memory_space<vmem>> -> memref<1x125x64xf32, #tpu.memory_space<vmem>>
      %dma_start3A_804 = tpu.memref_squeeze %dma_start3A_803 : memref<1x125x64xf32, #tpu.memory_space<vmem>> -> memref<125x64xf32, #tpu.memory_space<vmem>>
      %dma_start3A_805 = arith.constant 0 : i32
      %dma_start3A_806 = tpu.memref_slice %arg7[%add3A_799, %dma_start3A_805] : memref<80x125xi32, #tpu.memory_space<vmem>> -> memref<1x125xi32, #tpu.memory_space<vmem>>
      %dma_start3A_807 = tpu.memref_squeeze %dma_start3A_806 : memref<1x125xi32, #tpu.memory_space<vmem>> -> memref<125xi32, #tpu.memory_space<vmem>>
      %dma_start3A_808 = arith.constant 0 : i32
      %dma_start3A_809 = arith.constant 0 : i32
      %dma_start3A_810 = tpu.memref_slice %arg2[%dma_start3A_808, %dma_start3A_809] : memref<10000x64xf32, #tpu.memory_space<hbm>> -> memref<10000x64xf32, #tpu.memory_space<hbm>>
      tpu.enqueue_indirect_dma source(%dma_start3A_810 : memref<10000x64xf32, #tpu.memory_space<hbm>>) target(%dma_start3A_804 : memref<125x64xf32, #tpu.memory_space<vmem>>) offsets(%dma_start3A_807 : memref<125xi32, #tpu.memory_space<vmem>>) semaphore(%arg17 : memref<!tpu.dma_semaphore, #tpu.memory_space<semaphore_mem>>)
      %add3A_811 = arith.constant 7 : i32
      %add3A_812 = arith.addi %mul3A_406, %add3A_811 : i32
      %dma_wait3A_813 = arith.constant 7 : i32
      %dma_wait3A_814 = arith.constant 0 : i32
      %dma_wait3A_815 = arith.constant 0 : i32
      %dma_wait3A_816 = tpu.memref_slice %arg9[%dma_wait3A_813, %dma_wait3A_814, %dma_wait3A_815] : memref<8x125x64xf32, #tpu.memory_space<vmem>> -> memref<1x125x64xf32, #tpu.memory_space<vmem>>
      %dma_wait3A_817 = tpu.memref_squeeze %dma_wait3A_816 : memref<1x125x64xf32, #tpu.memory_space<vmem>> -> memref<125x64xf32, #tpu.memory_space<vmem>>
      %dma_wait3A_818 = arith.constant 0 : i32
      %dma_wait3A_819 = tpu.memref_slice %arg8[%add3A_812, %dma_wait3A_818] : memref<80x125xi32, #tpu.memory_space<vmem>> -> memref<1x125xi32, #tpu.memory_space<vmem>>
      %dma_wait3A_820 = tpu.memref_squeeze %dma_wait3A_819 : memref<1x125xi32, #tpu.memory_space<vmem>> -> memref<125xi32, #tpu.memory_space<vmem>>
      %dma_wait3A_821 = arith.constant 0 : i32
      %dma_wait3A_822 = arith.constant 0 : i32
      %dma_wait3A_823 = tpu.memref_slice %arg10[%dma_wait3A_821, %dma_wait3A_822] : memref<10000x64xf32, #tpu.memory_space<vmem_shared>> -> memref<10000x64xf32, #tpu.memory_space<vmem_shared>>
      tpu.wait_indirect_dma semaphore(%arg26 : memref<!tpu.dma_semaphore, #tpu.memory_space<semaphore_mem>>) src(%dma_wait3A_817 : memref<125x64xf32, #tpu.memory_space<vmem>>) dst(%dma_wait3A_823 : memref<10000x64xf32, #tpu.memory_space<vmem_shared>>)
      %add3A_824 = arith.constant 8 : i32
      %add3A_825 = arith.addi %mul3A_406, %add3A_824 : i32
      %add3A_826 = arith.constant 7 : i32
      %add3A_827 = arith.addi %add3A_825, %add3A_826 : i32
      %dma_start3A_828 = arith.constant 7 : i32
      %dma_start3A_829 = arith.constant 0 : i32
      %dma_start3A_830 = arith.constant 0 : i32
      %dma_start3A_831 = tpu.memref_slice %arg9[%dma_start3A_828, %dma_start3A_829, %dma_start3A_830] : memref<8x125x64xf32, #tpu.memory_space<vmem>> -> memref<1x125x64xf32, #tpu.memory_space<vmem>>
      %dma_start3A_832 = tpu.memref_squeeze %dma_start3A_831 : memref<1x125x64xf32, #tpu.memory_space<vmem>> -> memref<125x64xf32, #tpu.memory_space<vmem>>
      %dma_start3A_833 = arith.constant 0 : i32
      %dma_start3A_834 = tpu.memref_slice %arg7[%add3A_827, %dma_start3A_833] : memref<80x125xi32, #tpu.memory_space<vmem>> -> memref<1x125xi32, #tpu.memory_space<vmem>>
      %dma_start3A_835 = tpu.memref_squeeze %dma_start3A_834 : memref<1x125xi32, #tpu.memory_space<vmem>> -> memref<125xi32, #tpu.memory_space<vmem>>
      %dma_start3A_836 = arith.constant 0 : i32
      %dma_start3A_837 = arith.constant 0 : i32
      %dma_start3A_838 = tpu.memref_slice %arg2[%dma_start3A_836, %dma_start3A_837] : memref<10000x64xf32, #tpu.memory_space<hbm>> -> memref<10000x64xf32, #tpu.memory_space<hbm>>
      tpu.enqueue_indirect_dma source(%dma_start3A_838 : memref<10000x64xf32, #tpu.memory_space<hbm>>) target(%dma_start3A_832 : memref<125x64xf32, #tpu.memory_space<vmem>>) offsets(%dma_start3A_835 : memref<125xi32, #tpu.memory_space<vmem>>) semaphore(%arg18 : memref<!tpu.dma_semaphore, #tpu.memory_space<semaphore_mem>>)
    }
    %scan3A_106 = arith.constant 9 : i32
    %dma_wait3A = arith.constant 72 : i32
    %dma_wait3A_107 = arith.constant 0 : i32
    %dma_wait3A_108 = arith.constant 0 : i32
    %dma_wait3A_109 = arith.constant 0 : i32
    %dma_wait3A_110 = tpu.memref_slice %arg9[%dma_wait3A_107, %dma_wait3A_108, %dma_wait3A_109] : memref<8x125x64xf32, #tpu.memory_space<vmem>> -> memref<1x125x64xf32, #tpu.memory_space<vmem>>
    %dma_wait3A_111 = tpu.memref_squeeze %dma_wait3A_110 : memref<1x125x64xf32, #tpu.memory_space<vmem>> -> memref<125x64xf32, #tpu.memory_space<vmem>>
    %dma_wait3A_112 = arith.constant 0 : i32
    %dma_wait3A_113 = tpu.memref_slice %arg7[%dma_wait3A, %dma_wait3A_112] : memref<80x125xi32, #tpu.memory_space<vmem>> -> memref<1x125xi32, #tpu.memory_space<vmem>>
    %dma_wait3A_114 = tpu.memref_squeeze %dma_wait3A_113 : memref<1x125xi32, #tpu.memory_space<vmem>> -> memref<125xi32, #tpu.memory_space<vmem>>
    %dma_wait3A_115 = arith.constant 0 : i32
    %dma_wait3A_116 = arith.constant 0 : i32
    %dma_wait3A_117 = tpu.memref_slice %arg2[%dma_wait3A_115, %dma_wait3A_116] : memref<10000x64xf32, #tpu.memory_space<hbm>> -> memref<10000x64xf32, #tpu.memory_space<hbm>>
    tpu.wait_indirect_dma semaphore(%arg11 : memref<!tpu.dma_semaphore, #tpu.memory_space<semaphore_mem>>) src(%dma_wait3A_117 : memref<10000x64xf32, #tpu.memory_space<hbm>>) dst(%dma_wait3A_111 : memref<125x64xf32, #tpu.memory_space<vmem>>)
    %dma_start3A_118 = arith.constant 0 : i32
    %dma_start3A_119 = arith.constant 72 : i32
    %dma_start3A_120 = arith.constant 0 : i32
    %dma_start3A_121 = arith.constant 0 : i32
    %dma_start3A_122 = tpu.memref_slice %arg9[%dma_start3A_118, %dma_start3A_120, %dma_start3A_121] : memref<8x125x64xf32, #tpu.memory_space<vmem>> -> memref<1x125x64xf32, #tpu.memory_space<vmem>>
    %dma_start3A_123 = tpu.memref_squeeze %dma_start3A_122 : memref<1x125x64xf32, #tpu.memory_space<vmem>> -> memref<125x64xf32, #tpu.memory_space<vmem>>
    %dma_start3A_124 = arith.constant 0 : i32
    %dma_start3A_125 = tpu.memref_slice %arg8[%dma_start3A_119, %dma_start3A_124] : memref<80x125xi32, #tpu.memory_space<vmem>> -> memref<1x125xi32, #tpu.memory_space<vmem>>
    %dma_start3A_126 = tpu.memref_squeeze %dma_start3A_125 : memref<1x125xi32, #tpu.memory_space<vmem>> -> memref<125xi32, #tpu.memory_space<vmem>>
    %dma_start3A_127 = arith.constant 0 : i32
    %dma_start3A_128 = arith.constant 0 : i32
    %dma_start3A_129 = tpu.memref_slice %arg10[%dma_start3A_127, %dma_start3A_128] : memref<10000x64xf32, #tpu.memory_space<vmem_shared>> -> memref<10000x64xf32, #tpu.memory_space<vmem_shared>>
    tpu.enqueue_indirect_dma source(%dma_start3A_123 : memref<125x64xf32, #tpu.memory_space<vmem>>) target(%dma_start3A_129 : memref<10000x64xf32, #tpu.memory_space<vmem_shared>>) offsets(%dma_start3A_126 : memref<125xi32, #tpu.memory_space<vmem>>) semaphore(%arg19 : memref<!tpu.dma_semaphore, #tpu.memory_space<semaphore_mem>>) {add = true}
    %dma_wait3A_130 = arith.constant 73 : i32
    %dma_wait3A_131 = arith.constant 1 : i32
    %dma_wait3A_132 = arith.constant 0 : i32
    %dma_wait3A_133 = arith.constant 0 : i32
    %dma_wait3A_134 = tpu.memref_slice %arg9[%dma_wait3A_131, %dma_wait3A_132, %dma_wait3A_133] : memref<8x125x64xf32, #tpu.memory_space<vmem>> -> memref<1x125x64xf32, #tpu.memory_space<vmem>>
    %dma_wait3A_135 = tpu.memref_squeeze %dma_wait3A_134 : memref<1x125x64xf32, #tpu.memory_space<vmem>> -> memref<125x64xf32, #tpu.memory_space<vmem>>
    %dma_wait3A_136 = arith.constant 0 : i32
    %dma_wait3A_137 = tpu.memref_slice %arg7[%dma_wait3A_130, %dma_wait3A_136] : memref<80x125xi32, #tpu.memory_space<vmem>> -> memref<1x125xi32, #tpu.memory_space<vmem>>
    %dma_wait3A_138 = tpu.memref_squeeze %dma_wait3A_137 : memref<1x125xi32, #tpu.memory_space<vmem>> -> memref<125xi32, #tpu.memory_space<vmem>>
    %dma_wait3A_139 = arith.constant 0 : i32
    %dma_wait3A_140 = arith.constant 0 : i32
    %dma_wait3A_141 = tpu.memref_slice %arg2[%dma_wait3A_139, %dma_wait3A_140] : memref<10000x64xf32, #tpu.memory_space<hbm>> -> memref<10000x64xf32, #tpu.memory_space<hbm>>
    tpu.wait_indirect_dma semaphore(%arg12 : memref<!tpu.dma_semaphore, #tpu.memory_space<semaphore_mem>>) src(%dma_wait3A_141 : memref<10000x64xf32, #tpu.memory_space<hbm>>) dst(%dma_wait3A_135 : memref<125x64xf32, #tpu.memory_space<vmem>>)
    %dma_start3A_142 = arith.constant 1 : i32
    %dma_start3A_143 = arith.constant 73 : i32
    %dma_start3A_144 = arith.constant 0 : i32
    %dma_start3A_145 = arith.constant 0 : i32
    %dma_start3A_146 = tpu.memref_slice %arg9[%dma_start3A_142, %dma_start3A_144, %dma_start3A_145] : memref<8x125x64xf32, #tpu.memory_space<vmem>> -> memref<1x125x64xf32, #tpu.memory_space<vmem>>
    %dma_start3A_147 = tpu.memref_squeeze %dma_start3A_146 : memref<1x125x64xf32, #tpu.memory_space<vmem>> -> memref<125x64xf32, #tpu.memory_space<vmem>>
    %dma_start3A_148 = arith.constant 0 : i32
    %dma_start3A_149 = tpu.memref_slice %arg8[%dma_start3A_143, %dma_start3A_148] : memref<80x125xi32, #tpu.memory_space<vmem>> -> memref<1x125xi32, #tpu.memory_space<vmem>>
    %dma_start3A_150 = tpu.memref_squeeze %dma_start3A_149 : memref<1x125xi32, #tpu.memory_space<vmem>> -> memref<125xi32, #tpu.memory_space<vmem>>
    %dma_start3A_151 = arith.constant 0 : i32
    %dma_start3A_152 = arith.constant 0 : i32
    %dma_start3A_153 = tpu.memref_slice %arg10[%dma_start3A_151, %dma_start3A_152] : memref<10000x64xf32, #tpu.memory_space<vmem_shared>> -> memref<10000x64xf32, #tpu.memory_space<vmem_shared>>
    tpu.enqueue_indirect_dma source(%dma_start3A_147 : memref<125x64xf32, #tpu.memory_space<vmem>>) target(%dma_start3A_153 : memref<10000x64xf32, #tpu.memory_space<vmem_shared>>) offsets(%dma_start3A_150 : memref<125xi32, #tpu.memory_space<vmem>>) semaphore(%arg20 : memref<!tpu.dma_semaphore, #tpu.memory_space<semaphore_mem>>) {add = true}
    %dma_wait3A_154 = arith.constant 74 : i32
    %dma_wait3A_155 = arith.constant 2 : i32
    %dma_wait3A_156 = arith.constant 0 : i32
    %dma_wait3A_157 = arith.constant 0 : i32
    %dma_wait3A_158 = tpu.memref_slice %arg9[%dma_wait3A_155, %dma_wait3A_156, %dma_wait3A_157] : memref<8x125x64xf32, #tpu.memory_space<vmem>> -> memref<1x125x64xf32, #tpu.memory_space<vmem>>
    %dma_wait3A_159 = tpu.memref_squeeze %dma_wait3A_158 : memref<1x125x64xf32, #tpu.memory_space<vmem>> -> memref<125x64xf32, #tpu.memory_space<vmem>>
    %dma_wait3A_160 = arith.constant 0 : i32
    %dma_wait3A_161 = tpu.memref_slice %arg7[%dma_wait3A_154, %dma_wait3A_160] : memref<80x125xi32, #tpu.memory_space<vmem>> -> memref<1x125xi32, #tpu.memory_space<vmem>>
    %dma_wait3A_162 = tpu.memref_squeeze %dma_wait3A_161 : memref<1x125xi32, #tpu.memory_space<vmem>> -> memref<125xi32, #tpu.memory_space<vmem>>
    %dma_wait3A_163 = arith.constant 0 : i32
    %dma_wait3A_164 = arith.constant 0 : i32
    %dma_wait3A_165 = tpu.memref_slice %arg2[%dma_wait3A_163, %dma_wait3A_164] : memref<10000x64xf32, #tpu.memory_space<hbm>> -> memref<10000x64xf32, #tpu.memory_space<hbm>>
    tpu.wait_indirect_dma semaphore(%arg13 : memref<!tpu.dma_semaphore, #tpu.memory_space<semaphore_mem>>) src(%dma_wait3A_165 : memref<10000x64xf32, #tpu.memory_space<hbm>>) dst(%dma_wait3A_159 : memref<125x64xf32, #tpu.memory_space<vmem>>)
    %dma_start3A_166 = arith.constant 2 : i32
    %dma_start3A_167 = arith.constant 74 : i32
    %dma_start3A_168 = arith.constant 0 : i32
    %dma_start3A_169 = arith.constant 0 : i32
    %dma_start3A_170 = tpu.memref_slice %arg9[%dma_start3A_166, %dma_start3A_168, %dma_start3A_169] : memref<8x125x64xf32, #tpu.memory_space<vmem>> -> memref<1x125x64xf32, #tpu.memory_space<vmem>>
    %dma_start3A_171 = tpu.memref_squeeze %dma_start3A_170 : memref<1x125x64xf32, #tpu.memory_space<vmem>> -> memref<125x64xf32, #tpu.memory_space<vmem>>
    %dma_start3A_172 = arith.constant 0 : i32
    %dma_start3A_173 = tpu.memref_slice %arg8[%dma_start3A_167, %dma_start3A_172] : memref<80x125xi32, #tpu.memory_space<vmem>> -> memref<1x125xi32, #tpu.memory_space<vmem>>
    %dma_start3A_174 = tpu.memref_squeeze %dma_start3A_173 : memref<1x125xi32, #tpu.memory_space<vmem>> -> memref<125xi32, #tpu.memory_space<vmem>>
    %dma_start3A_175 = arith.constant 0 : i32
    %dma_start3A_176 = arith.constant 0 : i32
    %dma_start3A_177 = tpu.memref_slice %arg10[%dma_start3A_175, %dma_start3A_176] : memref<10000x64xf32, #tpu.memory_space<vmem_shared>> -> memref<10000x64xf32, #tpu.memory_space<vmem_shared>>
    tpu.enqueue_indirect_dma source(%dma_start3A_171 : memref<125x64xf32, #tpu.memory_space<vmem>>) target(%dma_start3A_177 : memref<10000x64xf32, #tpu.memory_space<vmem_shared>>) offsets(%dma_start3A_174 : memref<125xi32, #tpu.memory_space<vmem>>) semaphore(%arg21 : memref<!tpu.dma_semaphore, #tpu.memory_space<semaphore_mem>>) {add = true}
    %dma_wait3A_178 = arith.constant 75 : i32
    %dma_wait3A_179 = arith.constant 3 : i32
    %dma_wait3A_180 = arith.constant 0 : i32
    %dma_wait3A_181 = arith.constant 0 : i32
    %dma_wait3A_182 = tpu.memref_slice %arg9[%dma_wait3A_179, %dma_wait3A_180, %dma_wait3A_181] : memref<8x125x64xf32, #tpu.memory_space<vmem>> -> memref<1x125x64xf32, #tpu.memory_space<vmem>>
    %dma_wait3A_183 = tpu.memref_squeeze %dma_wait3A_182 : memref<1x125x64xf32, #tpu.memory_space<vmem>> -> memref<125x64xf32, #tpu.memory_space<vmem>>
    %dma_wait3A_184 = arith.constant 0 : i32
    %dma_wait3A_185 = tpu.memref_slice %arg7[%dma_wait3A_178, %dma_wait3A_184] : memref<80x125xi32, #tpu.memory_space<vmem>> -> memref<1x125xi32, #tpu.memory_space<vmem>>
    %dma_wait3A_186 = tpu.memref_squeeze %dma_wait3A_185 : memref<1x125xi32, #tpu.memory_space<vmem>> -> memref<125xi32, #tpu.memory_space<vmem>>
    %dma_wait3A_187 = arith.constant 0 : i32
    %dma_wait3A_188 = arith.constant 0 : i32
    %dma_wait3A_189 = tpu.memref_slice %arg2[%dma_wait3A_187, %dma_wait3A_188] : memref<10000x64xf32, #tpu.memory_space<hbm>> -> memref<10000x64xf32, #tpu.memory_space<hbm>>
    tpu.wait_indirect_dma semaphore(%arg14 : memref<!tpu.dma_semaphore, #tpu.memory_space<semaphore_mem>>) src(%dma_wait3A_189 : memref<10000x64xf32, #tpu.memory_space<hbm>>) dst(%dma_wait3A_183 : memref<125x64xf32, #tpu.memory_space<vmem>>)
    %dma_start3A_190 = arith.constant 3 : i32
    %dma_start3A_191 = arith.constant 75 : i32
    %dma_start3A_192 = arith.constant 0 : i32
    %dma_start3A_193 = arith.constant 0 : i32
    %dma_start3A_194 = tpu.memref_slice %arg9[%dma_start3A_190, %dma_start3A_192, %dma_start3A_193] : memref<8x125x64xf32, #tpu.memory_space<vmem>> -> memref<1x125x64xf32, #tpu.memory_space<vmem>>
    %dma_start3A_195 = tpu.memref_squeeze %dma_start3A_194 : memref<1x125x64xf32, #tpu.memory_space<vmem>> -> memref<125x64xf32, #tpu.memory_space<vmem>>
    %dma_start3A_196 = arith.constant 0 : i32
    %dma_start3A_197 = tpu.memref_slice %arg8[%dma_start3A_191, %dma_start3A_196] : memref<80x125xi32, #tpu.memory_space<vmem>> -> memref<1x125xi32, #tpu.memory_space<vmem>>
    %dma_start3A_198 = tpu.memref_squeeze %dma_start3A_197 : memref<1x125xi32, #tpu.memory_space<vmem>> -> memref<125xi32, #tpu.memory_space<vmem>>
    %dma_start3A_199 = arith.constant 0 : i32
    %dma_start3A_200 = arith.constant 0 : i32
    %dma_start3A_201 = tpu.memref_slice %arg10[%dma_start3A_199, %dma_start3A_200] : memref<10000x64xf32, #tpu.memory_space<vmem_shared>> -> memref<10000x64xf32, #tpu.memory_space<vmem_shared>>
    tpu.enqueue_indirect_dma source(%dma_start3A_195 : memref<125x64xf32, #tpu.memory_space<vmem>>) target(%dma_start3A_201 : memref<10000x64xf32, #tpu.memory_space<vmem_shared>>) offsets(%dma_start3A_198 : memref<125xi32, #tpu.memory_space<vmem>>) semaphore(%arg22 : memref<!tpu.dma_semaphore, #tpu.memory_space<semaphore_mem>>) {add = true}
    %dma_wait3A_202 = arith.constant 76 : i32
    %dma_wait3A_203 = arith.constant 4 : i32
    %dma_wait3A_204 = arith.constant 0 : i32
    %dma_wait3A_205 = arith.constant 0 : i32
    %dma_wait3A_206 = tpu.memref_slice %arg9[%dma_wait3A_203, %dma_wait3A_204, %dma_wait3A_205] : memref<8x125x64xf32, #tpu.memory_space<vmem>> -> memref<1x125x64xf32, #tpu.memory_space<vmem>>
    %dma_wait3A_207 = tpu.memref_squeeze %dma_wait3A_206 : memref<1x125x64xf32, #tpu.memory_space<vmem>> -> memref<125x64xf32, #tpu.memory_space<vmem>>
    %dma_wait3A_208 = arith.constant 0 : i32
    %dma_wait3A_209 = tpu.memref_slice %arg7[%dma_wait3A_202, %dma_wait3A_208] : memref<80x125xi32, #tpu.memory_space<vmem>> -> memref<1x125xi32, #tpu.memory_space<vmem>>
    %dma_wait3A_210 = tpu.memref_squeeze %dma_wait3A_209 : memref<1x125xi32, #tpu.memory_space<vmem>> -> memref<125xi32, #tpu.memory_space<vmem>>
    %dma_wait3A_211 = arith.constant 0 : i32
    %dma_wait3A_212 = arith.constant 0 : i32
    %dma_wait3A_213 = tpu.memref_slice %arg2[%dma_wait3A_211, %dma_wait3A_212] : memref<10000x64xf32, #tpu.memory_space<hbm>> -> memref<10000x64xf32, #tpu.memory_space<hbm>>
    tpu.wait_indirect_dma semaphore(%arg15 : memref<!tpu.dma_semaphore, #tpu.memory_space<semaphore_mem>>) src(%dma_wait3A_213 : memref<10000x64xf32, #tpu.memory_space<hbm>>) dst(%dma_wait3A_207 : memref<125x64xf32, #tpu.memory_space<vmem>>)
    %dma_start3A_214 = arith.constant 4 : i32
    %dma_start3A_215 = arith.constant 76 : i32
    %dma_start3A_216 = arith.constant 0 : i32
    %dma_start3A_217 = arith.constant 0 : i32
    %dma_start3A_218 = tpu.memref_slice %arg9[%dma_start3A_214, %dma_start3A_216, %dma_start3A_217] : memref<8x125x64xf32, #tpu.memory_space<vmem>> -> memref<1x125x64xf32, #tpu.memory_space<vmem>>
    %dma_start3A_219 = tpu.memref_squeeze %dma_start3A_218 : memref<1x125x64xf32, #tpu.memory_space<vmem>> -> memref<125x64xf32, #tpu.memory_space<vmem>>
    %dma_start3A_220 = arith.constant 0 : i32
    %dma_start3A_221 = tpu.memref_slice %arg8[%dma_start3A_215, %dma_start3A_220] : memref<80x125xi32, #tpu.memory_space<vmem>> -> memref<1x125xi32, #tpu.memory_space<vmem>>
    %dma_start3A_222 = tpu.memref_squeeze %dma_start3A_221 : memref<1x125xi32, #tpu.memory_space<vmem>> -> memref<125xi32, #tpu.memory_space<vmem>>
    %dma_start3A_223 = arith.constant 0 : i32
    %dma_start3A_224 = arith.constant 0 : i32
    %dma_start3A_225 = tpu.memref_slice %arg10[%dma_start3A_223, %dma_start3A_224] : memref<10000x64xf32, #tpu.memory_space<vmem_shared>> -> memref<10000x64xf32, #tpu.memory_space<vmem_shared>>
    tpu.enqueue_indirect_dma source(%dma_start3A_219 : memref<125x64xf32, #tpu.memory_space<vmem>>) target(%dma_start3A_225 : memref<10000x64xf32, #tpu.memory_space<vmem_shared>>) offsets(%dma_start3A_222 : memref<125xi32, #tpu.memory_space<vmem>>) semaphore(%arg23 : memref<!tpu.dma_semaphore, #tpu.memory_space<semaphore_mem>>) {add = true}
    %dma_wait3A_226 = arith.constant 77 : i32
    %dma_wait3A_227 = arith.constant 5 : i32
    %dma_wait3A_228 = arith.constant 0 : i32
    %dma_wait3A_229 = arith.constant 0 : i32
    %dma_wait3A_230 = tpu.memref_slice %arg9[%dma_wait3A_227, %dma_wait3A_228, %dma_wait3A_229] : memref<8x125x64xf32, #tpu.memory_space<vmem>> -> memref<1x125x64xf32, #tpu.memory_space<vmem>>
    %dma_wait3A_231 = tpu.memref_squeeze %dma_wait3A_230 : memref<1x125x64xf32, #tpu.memory_space<vmem>> -> memref<125x64xf32, #tpu.memory_space<vmem>>
    %dma_wait3A_232 = arith.constant 0 : i32
    %dma_wait3A_233 = tpu.memref_slice %arg7[%dma_wait3A_226, %dma_wait3A_232] : memref<80x125xi32, #tpu.memory_space<vmem>> -> memref<1x125xi32, #tpu.memory_space<vmem>>
    %dma_wait3A_234 = tpu.memref_squeeze %dma_wait3A_233 : memref<1x125xi32, #tpu.memory_space<vmem>> -> memref<125xi32, #tpu.memory_space<vmem>>
    %dma_wait3A_235 = arith.constant 0 : i32
    %dma_wait3A_236 = arith.constant 0 : i32
    %dma_wait3A_237 = tpu.memref_slice %arg2[%dma_wait3A_235, %dma_wait3A_236] : memref<10000x64xf32, #tpu.memory_space<hbm>> -> memref<10000x64xf32, #tpu.memory_space<hbm>>
    tpu.wait_indirect_dma semaphore(%arg16 : memref<!tpu.dma_semaphore, #tpu.memory_space<semaphore_mem>>) src(%dma_wait3A_237 : memref<10000x64xf32, #tpu.memory_space<hbm>>) dst(%dma_wait3A_231 : memref<125x64xf32, #tpu.memory_space<vmem>>)
    %dma_start3A_238 = arith.constant 5 : i32
    %dma_start3A_239 = arith.constant 77 : i32
    %dma_start3A_240 = arith.constant 0 : i32
    %dma_start3A_241 = arith.constant 0 : i32
    %dma_start3A_242 = tpu.memref_slice %arg9[%dma_start3A_238, %dma_start3A_240, %dma_start3A_241] : memref<8x125x64xf32, #tpu.memory_space<vmem>> -> memref<1x125x64xf32, #tpu.memory_space<vmem>>
    %dma_start3A_243 = tpu.memref_squeeze %dma_start3A_242 : memref<1x125x64xf32, #tpu.memory_space<vmem>> -> memref<125x64xf32, #tpu.memory_space<vmem>>
    %dma_start3A_244 = arith.constant 0 : i32
    %dma_start3A_245 = tpu.memref_slice %arg8[%dma_start3A_239, %dma_start3A_244] : memref<80x125xi32, #tpu.memory_space<vmem>> -> memref<1x125xi32, #tpu.memory_space<vmem>>
    %dma_start3A_246 = tpu.memref_squeeze %dma_start3A_245 : memref<1x125xi32, #tpu.memory_space<vmem>> -> memref<125xi32, #tpu.memory_space<vmem>>
    %dma_start3A_247 = arith.constant 0 : i32
    %dma_start3A_248 = arith.constant 0 : i32
    %dma_start3A_249 = tpu.memref_slice %arg10[%dma_start3A_247, %dma_start3A_248] : memref<10000x64xf32, #tpu.memory_space<vmem_shared>> -> memref<10000x64xf32, #tpu.memory_space<vmem_shared>>
    tpu.enqueue_indirect_dma source(%dma_start3A_243 : memref<125x64xf32, #tpu.memory_space<vmem>>) target(%dma_start3A_249 : memref<10000x64xf32, #tpu.memory_space<vmem_shared>>) offsets(%dma_start3A_246 : memref<125xi32, #tpu.memory_space<vmem>>) semaphore(%arg24 : memref<!tpu.dma_semaphore, #tpu.memory_space<semaphore_mem>>) {add = true}
    %dma_wait3A_250 = arith.constant 78 : i32
    %dma_wait3A_251 = arith.constant 6 : i32
    %dma_wait3A_252 = arith.constant 0 : i32
    %dma_wait3A_253 = arith.constant 0 : i32
    %dma_wait3A_254 = tpu.memref_slice %arg9[%dma_wait3A_251, %dma_wait3A_252, %dma_wait3A_253] : memref<8x125x64xf32, #tpu.memory_space<vmem>> -> memref<1x125x64xf32, #tpu.memory_space<vmem>>
    %dma_wait3A_255 = tpu.memref_squeeze %dma_wait3A_254 : memref<1x125x64xf32, #tpu.memory_space<vmem>> -> memref<125x64xf32, #tpu.memory_space<vmem>>
    %dma_wait3A_256 = arith.constant 0 : i32
    %dma_wait3A_257 = tpu.memref_slice %arg7[%dma_wait3A_250, %dma_wait3A_256] : memref<80x125xi32, #tpu.memory_space<vmem>> -> memref<1x125xi32, #tpu.memory_space<vmem>>
    %dma_wait3A_258 = tpu.memref_squeeze %dma_wait3A_257 : memref<1x125xi32, #tpu.memory_space<vmem>> -> memref<125xi32, #tpu.memory_space<vmem>>
    %dma_wait3A_259 = arith.constant 0 : i32
    %dma_wait3A_260 = arith.constant 0 : i32
    %dma_wait3A_261 = tpu.memref_slice %arg2[%dma_wait3A_259, %dma_wait3A_260] : memref<10000x64xf32, #tpu.memory_space<hbm>> -> memref<10000x64xf32, #tpu.memory_space<hbm>>
    tpu.wait_indirect_dma semaphore(%arg17 : memref<!tpu.dma_semaphore, #tpu.memory_space<semaphore_mem>>) src(%dma_wait3A_261 : memref<10000x64xf32, #tpu.memory_space<hbm>>) dst(%dma_wait3A_255 : memref<125x64xf32, #tpu.memory_space<vmem>>)
    %dma_start3A_262 = arith.constant 6 : i32
    %dma_start3A_263 = arith.constant 78 : i32
    %dma_start3A_264 = arith.constant 0 : i32
    %dma_start3A_265 = arith.constant 0 : i32
    %dma_start3A_266 = tpu.memref_slice %arg9[%dma_start3A_262, %dma_start3A_264, %dma_start3A_265] : memref<8x125x64xf32, #tpu.memory_space<vmem>> -> memref<1x125x64xf32, #tpu.memory_space<vmem>>
    %dma_start3A_267 = tpu.memref_squeeze %dma_start3A_266 : memref<1x125x64xf32, #tpu.memory_space<vmem>> -> memref<125x64xf32, #tpu.memory_space<vmem>>
    %dma_start3A_268 = arith.constant 0 : i32
    %dma_start3A_269 = tpu.memref_slice %arg8[%dma_start3A_263, %dma_start3A_268] : memref<80x125xi32, #tpu.memory_space<vmem>> -> memref<1x125xi32, #tpu.memory_space<vmem>>
    %dma_start3A_270 = tpu.memref_squeeze %dma_start3A_269 : memref<1x125xi32, #tpu.memory_space<vmem>> -> memref<125xi32, #tpu.memory_space<vmem>>
    %dma_start3A_271 = arith.constant 0 : i32
    %dma_start3A_272 = arith.constant 0 : i32
    %dma_start3A_273 = tpu.memref_slice %arg10[%dma_start3A_271, %dma_start3A_272] : memref<10000x64xf32, #tpu.memory_space<vmem_shared>> -> memref<10000x64xf32, #tpu.memory_space<vmem_shared>>
    tpu.enqueue_indirect_dma source(%dma_start3A_267 : memref<125x64xf32, #tpu.memory_space<vmem>>) target(%dma_start3A_273 : memref<10000x64xf32, #tpu.memory_space<vmem_shared>>) offsets(%dma_start3A_270 : memref<125xi32, #tpu.memory_space<vmem>>) semaphore(%arg25 : memref<!tpu.dma_semaphore, #tpu.memory_space<semaphore_mem>>) {add = true}
    %dma_wait3A_274 = arith.constant 79 : i32
    %dma_wait3A_275 = arith.constant 7 : i32
    %dma_wait3A_276 = arith.constant 0 : i32
    %dma_wait3A_277 = arith.constant 0 : i32
    %dma_wait3A_278 = tpu.memref_slice %arg9[%dma_wait3A_275, %dma_wait3A_276, %dma_wait3A_277] : memref<8x125x64xf32, #tpu.memory_space<vmem>> -> memref<1x125x64xf32, #tpu.memory_space<vmem>>
    %dma_wait3A_279 = tpu.memref_squeeze %dma_wait3A_278 : memref<1x125x64xf32, #tpu.memory_space<vmem>> -> memref<125x64xf32, #tpu.memory_space<vmem>>
    %dma_wait3A_280 = arith.constant 0 : i32
    %dma_wait3A_281 = tpu.memref_slice %arg7[%dma_wait3A_274, %dma_wait3A_280] : memref<80x125xi32, #tpu.memory_space<vmem>> -> memref<1x125xi32, #tpu.memory_space<vmem>>
    %dma_wait3A_282 = tpu.memref_squeeze %dma_wait3A_281 : memref<1x125xi32, #tpu.memory_space<vmem>> -> memref<125xi32, #tpu.memory_space<vmem>>
    %dma_wait3A_283 = arith.constant 0 : i32
    %dma_wait3A_284 = arith.constant 0 : i32
    %dma_wait3A_285 = tpu.memref_slice %arg2[%dma_wait3A_283, %dma_wait3A_284] : memref<10000x64xf32, #tpu.memory_space<hbm>> -> memref<10000x64xf32, #tpu.memory_space<hbm>>
    tpu.wait_indirect_dma semaphore(%arg18 : memref<!tpu.dma_semaphore, #tpu.memory_space<semaphore_mem>>) src(%dma_wait3A_285 : memref<10000x64xf32, #tpu.memory_space<hbm>>) dst(%dma_wait3A_279 : memref<125x64xf32, #tpu.memory_space<vmem>>)
    %dma_start3A_286 = arith.constant 7 : i32
    %dma_start3A_287 = arith.constant 79 : i32
    %dma_start3A_288 = arith.constant 0 : i32
    %dma_start3A_289 = arith.constant 0 : i32
    %dma_start3A_290 = tpu.memref_slice %arg9[%dma_start3A_286, %dma_start3A_288, %dma_start3A_289] : memref<8x125x64xf32, #tpu.memory_space<vmem>> -> memref<1x125x64xf32, #tpu.memory_space<vmem>>
    %dma_start3A_291 = tpu.memref_squeeze %dma_start3A_290 : memref<1x125x64xf32, #tpu.memory_space<vmem>> -> memref<125x64xf32, #tpu.memory_space<vmem>>
    %dma_start3A_292 = arith.constant 0 : i32
    %dma_start3A_293 = tpu.memref_slice %arg8[%dma_start3A_287, %dma_start3A_292] : memref<80x125xi32, #tpu.memory_space<vmem>> -> memref<1x125xi32, #tpu.memory_space<vmem>>
    %dma_start3A_294 = tpu.memref_squeeze %dma_start3A_293 : memref<1x125xi32, #tpu.memory_space<vmem>> -> memref<125xi32, #tpu.memory_space<vmem>>
    %dma_start3A_295 = arith.constant 0 : i32
    %dma_start3A_296 = arith.constant 0 : i32
    %dma_start3A_297 = tpu.memref_slice %arg10[%dma_start3A_295, %dma_start3A_296] : memref<10000x64xf32, #tpu.memory_space<vmem_shared>> -> memref<10000x64xf32, #tpu.memory_space<vmem_shared>>
    tpu.enqueue_indirect_dma source(%dma_start3A_291 : memref<125x64xf32, #tpu.memory_space<vmem>>) target(%dma_start3A_297 : memref<10000x64xf32, #tpu.memory_space<vmem_shared>>) offsets(%dma_start3A_294 : memref<125xi32, #tpu.memory_space<vmem>>) semaphore(%arg26 : memref<!tpu.dma_semaphore, #tpu.memory_space<semaphore_mem>>) {add = true}
    %dma_wait3A_298 = arith.constant 0 : i32
    %dma_wait3A_299 = arith.constant 72 : i32
    %dma_wait3A_300 = arith.constant 0 : i32
    %dma_wait3A_301 = arith.constant 0 : i32
    %dma_wait3A_302 = tpu.memref_slice %arg9[%dma_wait3A_298, %dma_wait3A_300, %dma_wait3A_301] : memref<8x125x64xf32, #tpu.memory_space<vmem>> -> memref<1x125x64xf32, #tpu.memory_space<vmem>>
    %dma_wait3A_303 = tpu.memref_squeeze %dma_wait3A_302 : memref<1x125x64xf32, #tpu.memory_space<vmem>> -> memref<125x64xf32, #tpu.memory_space<vmem>>
    %dma_wait3A_304 = arith.constant 0 : i32
    %dma_wait3A_305 = tpu.memref_slice %arg8[%dma_wait3A_299, %dma_wait3A_304] : memref<80x125xi32, #tpu.memory_space<vmem>> -> memref<1x125xi32, #tpu.memory_space<vmem>>
    %dma_wait3A_306 = tpu.memref_squeeze %dma_wait3A_305 : memref<1x125xi32, #tpu.memory_space<vmem>> -> memref<125xi32, #tpu.memory_space<vmem>>
    %dma_wait3A_307 = arith.constant 0 : i32
    %dma_wait3A_308 = arith.constant 0 : i32
    %dma_wait3A_309 = tpu.memref_slice %arg10[%dma_wait3A_307, %dma_wait3A_308] : memref<10000x64xf32, #tpu.memory_space<vmem_shared>> -> memref<10000x64xf32, #tpu.memory_space<vmem_shared>>
    tpu.wait_indirect_dma semaphore(%arg19 : memref<!tpu.dma_semaphore, #tpu.memory_space<semaphore_mem>>) src(%dma_wait3A_303 : memref<125x64xf32, #tpu.memory_space<vmem>>) dst(%dma_wait3A_309 : memref<10000x64xf32, #tpu.memory_space<vmem_shared>>)
    %dma_wait3A_310 = arith.constant 1 : i32
    %dma_wait3A_311 = arith.constant 73 : i32
    %dma_wait3A_312 = arith.constant 0 : i32
    %dma_wait3A_313 = arith.constant 0 : i32
    %dma_wait3A_314 = tpu.memref_slice %arg9[%dma_wait3A_310, %dma_wait3A_312, %dma_wait3A_313] : memref<8x125x64xf32, #tpu.memory_space<vmem>> -> memref<1x125x64xf32, #tpu.memory_space<vmem>>
    %dma_wait3A_315 = tpu.memref_squeeze %dma_wait3A_314 : memref<1x125x64xf32, #tpu.memory_space<vmem>> -> memref<125x64xf32, #tpu.memory_space<vmem>>
    %dma_wait3A_316 = arith.constant 0 : i32
    %dma_wait3A_317 = tpu.memref_slice %arg8[%dma_wait3A_311, %dma_wait3A_316] : memref<80x125xi32, #tpu.memory_space<vmem>> -> memref<1x125xi32, #tpu.memory_space<vmem>>
    %dma_wait3A_318 = tpu.memref_squeeze %dma_wait3A_317 : memref<1x125xi32, #tpu.memory_space<vmem>> -> memref<125xi32, #tpu.memory_space<vmem>>
    %dma_wait3A_319 = arith.constant 0 : i32
    %dma_wait3A_320 = arith.constant 0 : i32
    %dma_wait3A_321 = tpu.memref_slice %arg10[%dma_wait3A_319, %dma_wait3A_320] : memref<10000x64xf32, #tpu.memory_space<vmem_shared>> -> memref<10000x64xf32, #tpu.memory_space<vmem_shared>>
    tpu.wait_indirect_dma semaphore(%arg20 : memref<!tpu.dma_semaphore, #tpu.memory_space<semaphore_mem>>) src(%dma_wait3A_315 : memref<125x64xf32, #tpu.memory_space<vmem>>) dst(%dma_wait3A_321 : memref<10000x64xf32, #tpu.memory_space<vmem_shared>>)
    %dma_wait3A_322 = arith.constant 2 : i32
    %dma_wait3A_323 = arith.constant 74 : i32
    %dma_wait3A_324 = arith.constant 0 : i32
    %dma_wait3A_325 = arith.constant 0 : i32
    %dma_wait3A_326 = tpu.memref_slice %arg9[%dma_wait3A_322, %dma_wait3A_324, %dma_wait3A_325] : memref<8x125x64xf32, #tpu.memory_space<vmem>> -> memref<1x125x64xf32, #tpu.memory_space<vmem>>
    %dma_wait3A_327 = tpu.memref_squeeze %dma_wait3A_326 : memref<1x125x64xf32, #tpu.memory_space<vmem>> -> memref<125x64xf32, #tpu.memory_space<vmem>>
    %dma_wait3A_328 = arith.constant 0 : i32
    %dma_wait3A_329 = tpu.memref_slice %arg8[%dma_wait3A_323, %dma_wait3A_328] : memref<80x125xi32, #tpu.memory_space<vmem>> -> memref<1x125xi32, #tpu.memory_space<vmem>>
    %dma_wait3A_330 = tpu.memref_squeeze %dma_wait3A_329 : memref<1x125xi32, #tpu.memory_space<vmem>> -> memref<125xi32, #tpu.memory_space<vmem>>
    %dma_wait3A_331 = arith.constant 0 : i32
    %dma_wait3A_332 = arith.constant 0 : i32
    %dma_wait3A_333 = tpu.memref_slice %arg10[%dma_wait3A_331, %dma_wait3A_332] : memref<10000x64xf32, #tpu.memory_space<vmem_shared>> -> memref<10000x64xf32, #tpu.memory_space<vmem_shared>>
    tpu.wait_indirect_dma semaphore(%arg21 : memref<!tpu.dma_semaphore, #tpu.memory_space<semaphore_mem>>) src(%dma_wait3A_327 : memref<125x64xf32, #tpu.memory_space<vmem>>) dst(%dma_wait3A_333 : memref<10000x64xf32, #tpu.memory_space<vmem_shared>>)
    %dma_wait3A_334 = arith.constant 3 : i32
    %dma_wait3A_335 = arith.constant 75 : i32
    %dma_wait3A_336 = arith.constant 0 : i32
    %dma_wait3A_337 = arith.constant 0 : i32
    %dma_wait3A_338 = tpu.memref_slice %arg9[%dma_wait3A_334, %dma_wait3A_336, %dma_wait3A_337] : memref<8x125x64xf32, #tpu.memory_space<vmem>> -> memref<1x125x64xf32, #tpu.memory_space<vmem>>
    %dma_wait3A_339 = tpu.memref_squeeze %dma_wait3A_338 : memref<1x125x64xf32, #tpu.memory_space<vmem>> -> memref<125x64xf32, #tpu.memory_space<vmem>>
    %dma_wait3A_340 = arith.constant 0 : i32
    %dma_wait3A_341 = tpu.memref_slice %arg8[%dma_wait3A_335, %dma_wait3A_340] : memref<80x125xi32, #tpu.memory_space<vmem>> -> memref<1x125xi32, #tpu.memory_space<vmem>>
    %dma_wait3A_342 = tpu.memref_squeeze %dma_wait3A_341 : memref<1x125xi32, #tpu.memory_space<vmem>> -> memref<125xi32, #tpu.memory_space<vmem>>
    %dma_wait3A_343 = arith.constant 0 : i32
    %dma_wait3A_344 = arith.constant 0 : i32
    %dma_wait3A_345 = tpu.memref_slice %arg10[%dma_wait3A_343, %dma_wait3A_344] : memref<10000x64xf32, #tpu.memory_space<vmem_shared>> -> memref<10000x64xf32, #tpu.memory_space<vmem_shared>>
    tpu.wait_indirect_dma semaphore(%arg22 : memref<!tpu.dma_semaphore, #tpu.memory_space<semaphore_mem>>) src(%dma_wait3A_339 : memref<125x64xf32, #tpu.memory_space<vmem>>) dst(%dma_wait3A_345 : memref<10000x64xf32, #tpu.memory_space<vmem_shared>>)
    %dma_wait3A_346 = arith.constant 4 : i32
    %dma_wait3A_347 = arith.constant 76 : i32
    %dma_wait3A_348 = arith.constant 0 : i32
    %dma_wait3A_349 = arith.constant 0 : i32
    %dma_wait3A_350 = tpu.memref_slice %arg9[%dma_wait3A_346, %dma_wait3A_348, %dma_wait3A_349] : memref<8x125x64xf32, #tpu.memory_space<vmem>> -> memref<1x125x64xf32, #tpu.memory_space<vmem>>
    %dma_wait3A_351 = tpu.memref_squeeze %dma_wait3A_350 : memref<1x125x64xf32, #tpu.memory_space<vmem>> -> memref<125x64xf32, #tpu.memory_space<vmem>>
    %dma_wait3A_352 = arith.constant 0 : i32
    %dma_wait3A_353 = tpu.memref_slice %arg8[%dma_wait3A_347, %dma_wait3A_352] : memref<80x125xi32, #tpu.memory_space<vmem>> -> memref<1x125xi32, #tpu.memory_space<vmem>>
    %dma_wait3A_354 = tpu.memref_squeeze %dma_wait3A_353 : memref<1x125xi32, #tpu.memory_space<vmem>> -> memref<125xi32, #tpu.memory_space<vmem>>
    %dma_wait3A_355 = arith.constant 0 : i32
    %dma_wait3A_356 = arith.constant 0 : i32
    %dma_wait3A_357 = tpu.memref_slice %arg10[%dma_wait3A_355, %dma_wait3A_356] : memref<10000x64xf32, #tpu.memory_space<vmem_shared>> -> memref<10000x64xf32, #tpu.memory_space<vmem_shared>>
    tpu.wait_indirect_dma semaphore(%arg23 : memref<!tpu.dma_semaphore, #tpu.memory_space<semaphore_mem>>) src(%dma_wait3A_351 : memref<125x64xf32, #tpu.memory_space<vmem>>) dst(%dma_wait3A_357 : memref<10000x64xf32, #tpu.memory_space<vmem_shared>>)
    %dma_wait3A_358 = arith.constant 5 : i32
    %dma_wait3A_359 = arith.constant 77 : i32
    %dma_wait3A_360 = arith.constant 0 : i32
    %dma_wait3A_361 = arith.constant 0 : i32
    %dma_wait3A_362 = tpu.memref_slice %arg9[%dma_wait3A_358, %dma_wait3A_360, %dma_wait3A_361] : memref<8x125x64xf32, #tpu.memory_space<vmem>> -> memref<1x125x64xf32, #tpu.memory_space<vmem>>
    %dma_wait3A_363 = tpu.memref_squeeze %dma_wait3A_362 : memref<1x125x64xf32, #tpu.memory_space<vmem>> -> memref<125x64xf32, #tpu.memory_space<vmem>>
    %dma_wait3A_364 = arith.constant 0 : i32
    %dma_wait3A_365 = tpu.memref_slice %arg8[%dma_wait3A_359, %dma_wait3A_364] : memref<80x125xi32, #tpu.memory_space<vmem>> -> memref<1x125xi32, #tpu.memory_space<vmem>>
    %dma_wait3A_366 = tpu.memref_squeeze %dma_wait3A_365 : memref<1x125xi32, #tpu.memory_space<vmem>> -> memref<125xi32, #tpu.memory_space<vmem>>
    %dma_wait3A_367 = arith.constant 0 : i32
    %dma_wait3A_368 = arith.constant 0 : i32
    %dma_wait3A_369 = tpu.memref_slice %arg10[%dma_wait3A_367, %dma_wait3A_368] : memref<10000x64xf32, #tpu.memory_space<vmem_shared>> -> memref<10000x64xf32, #tpu.memory_space<vmem_shared>>
    tpu.wait_indirect_dma semaphore(%arg24 : memref<!tpu.dma_semaphore, #tpu.memory_space<semaphore_mem>>) src(%dma_wait3A_363 : memref<125x64xf32, #tpu.memory_space<vmem>>) dst(%dma_wait3A_369 : memref<10000x64xf32, #tpu.memory_space<vmem_shared>>)
    %dma_wait3A_370 = arith.constant 6 : i32
    %dma_wait3A_371 = arith.constant 78 : i32
    %dma_wait3A_372 = arith.constant 0 : i32
    %dma_wait3A_373 = arith.constant 0 : i32
    %dma_wait3A_374 = tpu.memref_slice %arg9[%dma_wait3A_370, %dma_wait3A_372, %dma_wait3A_373] : memref<8x125x64xf32, #tpu.memory_space<vmem>> -> memref<1x125x64xf32, #tpu.memory_space<vmem>>
    %dma_wait3A_375 = tpu.memref_squeeze %dma_wait3A_374 : memref<1x125x64xf32, #tpu.memory_space<vmem>> -> memref<125x64xf32, #tpu.memory_space<vmem>>
    %dma_wait3A_376 = arith.constant 0 : i32
    %dma_wait3A_377 = tpu.memref_slice %arg8[%dma_wait3A_371, %dma_wait3A_376] : memref<80x125xi32, #tpu.memory_space<vmem>> -> memref<1x125xi32, #tpu.memory_space<vmem>>
    %dma_wait3A_378 = tpu.memref_squeeze %dma_wait3A_377 : memref<1x125xi32, #tpu.memory_space<vmem>> -> memref<125xi32, #tpu.memory_space<vmem>>
    %dma_wait3A_379 = arith.constant 0 : i32
    %dma_wait3A_380 = arith.constant 0 : i32
    %dma_wait3A_381 = tpu.memref_slice %arg10[%dma_wait3A_379, %dma_wait3A_380] : memref<10000x64xf32, #tpu.memory_space<vmem_shared>> -> memref<10000x64xf32, #tpu.memory_space<vmem_shared>>
    tpu.wait_indirect_dma semaphore(%arg25 : memref<!tpu.dma_semaphore, #tpu.memory_space<semaphore_mem>>) src(%dma_wait3A_375 : memref<125x64xf32, #tpu.memory_space<vmem>>) dst(%dma_wait3A_381 : memref<10000x64xf32, #tpu.memory_space<vmem_shared>>)
    %dma_wait3A_382 = arith.constant 7 : i32
    %dma_wait3A_383 = arith.constant 79 : i32
    %dma_wait3A_384 = arith.constant 0 : i32
    %dma_wait3A_385 = arith.constant 0 : i32
    %dma_wait3A_386 = tpu.memref_slice %arg9[%dma_wait3A_382, %dma_wait3A_384, %dma_wait3A_385] : memref<8x125x64xf32, #tpu.memory_space<vmem>> -> memref<1x125x64xf32, #tpu.memory_space<vmem>>
    %dma_wait3A_387 = tpu.memref_squeeze %dma_wait3A_386 : memref<1x125x64xf32, #tpu.memory_space<vmem>> -> memref<125x64xf32, #tpu.memory_space<vmem>>
    %dma_wait3A_388 = arith.constant 0 : i32
    %dma_wait3A_389 = tpu.memref_slice %arg8[%dma_wait3A_383, %dma_wait3A_388] : memref<80x125xi32, #tpu.memory_space<vmem>> -> memref<1x125xi32, #tpu.memory_space<vmem>>
    %dma_wait3A_390 = tpu.memref_squeeze %dma_wait3A_389 : memref<1x125xi32, #tpu.memory_space<vmem>> -> memref<125xi32, #tpu.memory_space<vmem>>
    %dma_wait3A_391 = arith.constant 0 : i32
    %dma_wait3A_392 = arith.constant 0 : i32
    %dma_wait3A_393 = tpu.memref_slice %arg10[%dma_wait3A_391, %dma_wait3A_392] : memref<10000x64xf32, #tpu.memory_space<vmem_shared>> -> memref<10000x64xf32, #tpu.memory_space<vmem_shared>>
    tpu.wait_indirect_dma semaphore(%arg26 : memref<!tpu.dma_semaphore, #tpu.memory_space<semaphore_mem>>) src(%dma_wait3A_387 : memref<125x64xf32, #tpu.memory_space<vmem>>) dst(%dma_wait3A_393 : memref<10000x64xf32, #tpu.memory_space<vmem_shared>>)
    %barrier3A_394 = arith.constant 0 : index
    tpu.barrier barrier_id(%barrier3A_394)
    %mul3A_395 = arith.constant 624 : i32
    %mul3A_396 = arith.muli %arg1, %mul3A_395 : i32
    %mul3A_397 = arith.constant 624 : i32
    %mul3A_398 = arith.muli %arg1, %mul3A_397 : i32
    "tpu.region"() ({
      %run_scoped3A = tpu.sem_alloc : memref<!tpu.dma_semaphore, #tpu.memory_space<semaphore_mem>>
      %dma_start3A_404 = arith.constant 0 : i32
      %dma_start3A_405 = tpu.memref_slice %arg6[%arg0, %mul3A_398, %dma_start3A_404] : memref<2x10000x64xf32, #tpu.memory_space<hbm>> -> memref<1x624x64xf32, #tpu.memory_space<hbm>>
      %dma_start3A_406 = tpu.memref_squeeze %dma_start3A_405 : memref<1x624x64xf32, #tpu.memory_space<hbm>> -> memref<624x64xf32, #tpu.memory_space<hbm>>
      %dma_start3A_407 = arith.constant 0 : i32
      %dma_start3A_408 = tpu.memref_slice %arg10[%mul3A_396, %dma_start3A_407] : memref<10000x64xf32, #tpu.memory_space<vmem_shared>> -> memref<624x64xf32, #tpu.memory_space<vmem_shared>>
      tpu.enqueue_dma source(%dma_start3A_408 : memref<624x64xf32, #tpu.memory_space<vmem_shared>>) target(%dma_start3A_406 : memref<624x64xf32, #tpu.memory_space<hbm>>) target_semaphore(%run_scoped3A : memref<!tpu.dma_semaphore, #tpu.memory_space<semaphore_mem>>)
      %dma_wait3A_409 = arith.constant 0 : i32
      %dma_wait3A_410 = tpu.memref_slice %arg6[%arg0, %mul3A_398, %dma_wait3A_409] : memref<2x10000x64xf32, #tpu.memory_space<hbm>> -> memref<1x624x64xf32, #tpu.memory_space<hbm>>
      %dma_wait3A_411 = tpu.memref_squeeze %dma_wait3A_410 : memref<1x624x64xf32, #tpu.memory_space<hbm>> -> memref<624x64xf32, #tpu.memory_space<hbm>>
      %dma_wait3A_412 = arith.constant 0 : i32
      %dma_wait3A_413 = tpu.memref_slice %arg10[%mul3A_396, %dma_wait3A_412] : memref<10000x64xf32, #tpu.memory_space<vmem_shared>> -> memref<624x64xf32, #tpu.memory_space<vmem_shared>>
      tpu.wait_dma2 semaphore(%run_scoped3A : memref<!tpu.dma_semaphore, #tpu.memory_space<semaphore_mem>>) src(%dma_wait3A_413 : memref<624x64xf32, #tpu.memory_space<vmem_shared>>) dst(%dma_wait3A_411 : memref<624x64xf32, #tpu.memory_space<hbm>>)
      tpu.yield
    }) : () -> ()
    %eq3A_399 = arith.constant 15 : i32
    %eq3A_400 = arith.cmpi eq, %arg1, %eq3A_399 : i32
    %convert_element_type3A_401 = arith.extui %eq3A_400 : i1 to i32
    %cond3A_402 = arith.constant 0 : i32
    %cond3A_403 = arith.cmpi ne, %convert_element_type3A_401, %cond3A_402 : i32
    scf.if %cond3A_403 {
      "tpu.region"() ({
        %run_scoped3A = tpu.sem_alloc : memref<!tpu.dma_semaphore, #tpu.memory_space<semaphore_mem>>
        %dma_start3A_404 = arith.constant 9984 : i32
        %dma_start3A_405 = arith.constant 0 : i32
        %dma_start3A_406 = tpu.memref_slice %arg6[%arg0, %dma_start3A_404, %dma_start3A_405] : memref<2x10000x64xf32, #tpu.memory_space<hbm>> -> memref<1x16x64xf32, #tpu.memory_space<hbm>>
        %dma_start3A_407 = tpu.memref_squeeze %dma_start3A_406 : memref<1x16x64xf32, #tpu.memory_space<hbm>> -> memref<16x64xf32, #tpu.memory_space<hbm>>
        %dma_start3A_408 = arith.constant 9984 : i32
        %dma_start3A_409 = arith.constant 0 : i32
        %dma_start3A_410 = tpu.memref_slice %arg10[%dma_start3A_408, %dma_start3A_409] : memref<10000x64xf32, #tpu.memory_space<vmem_shared>> -> memref<16x64xf32, #tpu.memory_space<vmem_shared>>
        tpu.enqueue_dma source(%dma_start3A_410 : memref<16x64xf32, #tpu.memory_space<vmem_shared>>) target(%dma_start3A_407 : memref<16x64xf32, #tpu.memory_space<hbm>>) target_semaphore(%run_scoped3A : memref<!tpu.dma_semaphore, #tpu.memory_space<semaphore_mem>>)
        %dma_wait3A_411 = arith.constant 9984 : i32
        %dma_wait3A_412 = arith.constant 0 : i32
        %dma_wait3A_413 = tpu.memref_slice %arg6[%arg0, %dma_wait3A_411, %dma_wait3A_412] : memref<2x10000x64xf32, #tpu.memory_space<hbm>> -> memref<1x16x64xf32, #tpu.memory_space<hbm>>
        %dma_wait3A_414 = tpu.memref_squeeze %dma_wait3A_413 : memref<1x16x64xf32, #tpu.memory_space<hbm>> -> memref<16x64xf32, #tpu.memory_space<hbm>>
        %dma_wait3A_415 = arith.constant 9984 : i32
        %dma_wait3A_416 = arith.constant 0 : i32
        %dma_wait3A_417 = tpu.memref_slice %arg10[%dma_wait3A_415, %dma_wait3A_416] : memref<10000x64xf32, #tpu.memory_space<vmem_shared>> -> memref<16x64xf32, #tpu.memory_space<vmem_shared>>
        tpu.wait_dma2 semaphore(%run_scoped3A : memref<!tpu.dma_semaphore, #tpu.memory_space<semaphore_mem>>) src(%dma_wait3A_417 : memref<16x64xf32, #tpu.memory_space<vmem_shared>>) dst(%dma_wait3A_414 : memref<16x64xf32, #tpu.memory_space<hbm>>)
        tpu.yield
      }) : () -> ()
    } else {
    }
    return
  }
}

#map = affine_map<(d0, d1) -> (0, 0, 0)>
#map1 = affine_map<(d0, d1) -> (0)>
module attributes {stable_mosaic.version = 14 : i64} {
  func.func @_sc_degree(%arg0: i32, %arg1: i32, %arg2: memref<32x80x125xi32, #tpu.memory_space<hbm>>, %arg3: memref<10240xf32, #tpu.memory_space<hbm>>, %arg4: memref<2x1x10240xf32, #tpu.memory_space<hbm>>, %arg5: memref<80x125xi32, #tpu.memory_space<vmem>>, %arg6: memref<128xf32, #tpu.memory_space<vmem>>, %arg7: memref<10240xf32, #tpu.memory_space<vmem_shared>>) attributes {dimension_semantics = [#tpu.dimension_semantics<core_parallel>, #tpu.dimension_semantics<subcore_parallel>], iteration_bounds = array<i64: 2, 16>, scalar_prefetch = 0 : i64, scratch_operands = 3 : i64, tpu.core_type = #tpu.core_type<sc_vector_subcore>, window_params = [{transform_indices = #map}, {transform_indices = #map1}, {transform_indices = #map}]} {
    %mul3A = arith.constant 16 : i32
    %mul3A_0 = arith.muli %arg0, %mul3A : i32
    %add3A = arith.addi %mul3A_0, %arg1 : i32
    %broadcast_in_dim3A = arith.constant 1.000000e+00 : f32
    %broadcast_in_dim3A_1 = vector.broadcast %broadcast_in_dim3A : f32 to vector<16xf32>
    %swap3A = arith.constant 0 : index
    %swap3A_2 = tpu.vector_load %arg6[%swap3A] {strides = array<i32>} : memref<128xf32, #tpu.memory_space<vmem>>, vector<16xf32>,
    %swap3A_3 = vector.shape_cast %swap3A_2 : vector<16xf32> to vector<16xf32>
    %swap3A_4 = vector.shape_cast %broadcast_in_dim3A_1 : vector<16xf32> to vector<16xf32>
    tpu.vector_store %arg6[%swap3A], %swap3A_4 {strides = array<i32>} : memref<128xf32, #tpu.memory_space<vmem>>, vector<16xf32>,
    %broadcast_in_dim3A_5 = arith.constant 1.000000e+00 : f32
    %broadcast_in_dim3A_6 = vector.broadcast %broadcast_in_dim3A_5 : f32 to vector<16xf32>
    %swap3A_7 = arith.constant 16 : index
    %swap3A_8 = tpu.vector_load %arg6[%swap3A_7] {strides = array<i32>} : memref<128xf32, #tpu.memory_space<vmem>>, vector<16xf32>,
    %swap3A_9 = vector.shape_cast %swap3A_8 : vector<16xf32> to vector<16xf32>
    %swap3A_10 = vector.shape_cast %broadcast_in_dim3A_6 : vector<16xf32> to vector<16xf32>
    tpu.vector_store %arg6[%swap3A_7], %swap3A_10 {strides = array<i32>} : memref<128xf32, #tpu.memory_space<vmem>>, vector<16xf32>,
    %broadcast_in_dim3A_11 = arith.constant 1.000000e+00 : f32
    %broadcast_in_dim3A_12 = vector.broadcast %broadcast_in_dim3A_11 : f32 to vector<16xf32>
    %swap3A_13 = arith.constant 32 : index
    %swap3A_14 = tpu.vector_load %arg6[%swap3A_13] {strides = array<i32>} : memref<128xf32, #tpu.memory_space<vmem>>, vector<16xf32>,
    %swap3A_15 = vector.shape_cast %swap3A_14 : vector<16xf32> to vector<16xf32>
    %swap3A_16 = vector.shape_cast %broadcast_in_dim3A_12 : vector<16xf32> to vector<16xf32>
    tpu.vector_store %arg6[%swap3A_13], %swap3A_16 {strides = array<i32>} : memref<128xf32, #tpu.memory_space<vmem>>, vector<16xf32>,
    %broadcast_in_dim3A_17 = arith.constant 1.000000e+00 : f32
    %broadcast_in_dim3A_18 = vector.broadcast %broadcast_in_dim3A_17 : f32 to vector<16xf32>
    %swap3A_19 = arith.constant 48 : index
    %swap3A_20 = tpu.vector_load %arg6[%swap3A_19] {strides = array<i32>} : memref<128xf32, #tpu.memory_space<vmem>>, vector<16xf32>,
    %swap3A_21 = vector.shape_cast %swap3A_20 : vector<16xf32> to vector<16xf32>
    %swap3A_22 = vector.shape_cast %broadcast_in_dim3A_18 : vector<16xf32> to vector<16xf32>
    tpu.vector_store %arg6[%swap3A_19], %swap3A_22 {strides = array<i32>} : memref<128xf32, #tpu.memory_space<vmem>>, vector<16xf32>,
    %broadcast_in_dim3A_23 = arith.constant 1.000000e+00 : f32
    %broadcast_in_dim3A_24 = vector.broadcast %broadcast_in_dim3A_23 : f32 to vector<16xf32>
    %swap3A_25 = arith.constant 64 : index
    %swap3A_26 = tpu.vector_load %arg6[%swap3A_25] {strides = array<i32>} : memref<128xf32, #tpu.memory_space<vmem>>, vector<16xf32>,
    %swap3A_27 = vector.shape_cast %swap3A_26 : vector<16xf32> to vector<16xf32>
    %swap3A_28 = vector.shape_cast %broadcast_in_dim3A_24 : vector<16xf32> to vector<16xf32>
    tpu.vector_store %arg6[%swap3A_25], %swap3A_28 {strides = array<i32>} : memref<128xf32, #tpu.memory_space<vmem>>, vector<16xf32>,
    %broadcast_in_dim3A_29 = arith.constant 1.000000e+00 : f32
    %broadcast_in_dim3A_30 = vector.broadcast %broadcast_in_dim3A_29 : f32 to vector<16xf32>
    %swap3A_31 = arith.constant 80 : index
    %swap3A_32 = tpu.vector_load %arg6[%swap3A_31] {strides = array<i32>} : memref<128xf32, #tpu.memory_space<vmem>>, vector<16xf32>,
    %swap3A_33 = vector.shape_cast %swap3A_32 : vector<16xf32> to vector<16xf32>
    %swap3A_34 = vector.shape_cast %broadcast_in_dim3A_30 : vector<16xf32> to vector<16xf32>
    tpu.vector_store %arg6[%swap3A_31], %swap3A_34 {strides = array<i32>} : memref<128xf32, #tpu.memory_space<vmem>>, vector<16xf32>,
    %broadcast_in_dim3A_35 = arith.constant 1.000000e+00 : f32
    %broadcast_in_dim3A_36 = vector.broadcast %broadcast_in_dim3A_35 : f32 to vector<16xf32>
    %swap3A_37 = arith.constant 96 : index
    %swap3A_38 = tpu.vector_load %arg6[%swap3A_37] {strides = array<i32>} : memref<128xf32, #tpu.memory_space<vmem>>, vector<16xf32>,
    %swap3A_39 = vector.shape_cast %swap3A_38 : vector<16xf32> to vector<16xf32>
    %swap3A_40 = vector.shape_cast %broadcast_in_dim3A_36 : vector<16xf32> to vector<16xf32>
    tpu.vector_store %arg6[%swap3A_37], %swap3A_40 {strides = array<i32>} : memref<128xf32, #tpu.memory_space<vmem>>, vector<16xf32>,
    %broadcast_in_dim3A_41 = arith.constant 1.000000e+00 : f32
    %broadcast_in_dim3A_42 = vector.broadcast %broadcast_in_dim3A_41 : f32 to vector<16xf32>
    %swap3A_43 = arith.constant 112 : index
    %swap3A_44 = tpu.vector_load %arg6[%swap3A_43] {strides = array<i32>} : memref<128xf32, #tpu.memory_space<vmem>>, vector<16xf32>,
    %swap3A_45 = vector.shape_cast %swap3A_44 : vector<16xf32> to vector<16xf32>
    %swap3A_46 = vector.shape_cast %broadcast_in_dim3A_42 : vector<16xf32> to vector<16xf32>
    tpu.vector_store %arg6[%swap3A_43], %swap3A_46 {strides = array<i32>} : memref<128xf32, #tpu.memory_space<vmem>>, vector<16xf32>,
    "tpu.region"() ({
      %run_scoped3A_61 = tpu.sem_alloc : memref<!tpu.dma_semaphore, #tpu.memory_space<semaphore_mem>>
      %dma_start3A = arith.constant 0 : i32
      %dma_start3A_62 = arith.constant 0 : i32
      %dma_start3A_63 = tpu.memref_slice %arg2[%add3A, %dma_start3A, %dma_start3A_62] : memref<32x80x125xi32, #tpu.memory_space<hbm>> -> memref<1x80x125xi32, #tpu.memory_space<hbm>>
      %dma_start3A_64 = tpu.memref_squeeze %dma_start3A_63 : memref<1x80x125xi32, #tpu.memory_space<hbm>> -> memref<80x125xi32, #tpu.memory_space<hbm>>
      %dma_start3A_65 = arith.constant 0 : i32
      %dma_start3A_66 = arith.constant 0 : i32
      %dma_start3A_67 = tpu.memref_slice %arg2[%add3A, %dma_start3A_65, %dma_start3A_66] : memref<32x80x125xi32, #tpu.memory_space<hbm>> -> memref<1x80x125xi32, #tpu.memory_space<hbm>>
      %dma_start3A_68 = tpu.memref_squeeze %dma_start3A_67 : memref<1x80x125xi32, #tpu.memory_space<hbm>> -> memref<80x125xi32, #tpu.memory_space<hbm>>
      tpu.enqueue_dma source(%dma_start3A_68 : memref<80x125xi32, #tpu.memory_space<hbm>>) target(%arg5 : memref<80x125xi32, #tpu.memory_space<vmem>>) target_semaphore(%run_scoped3A_61 : memref<!tpu.dma_semaphore, #tpu.memory_space<semaphore_mem>>)
      %dma_wait3A = arith.constant 0 : i32
      %dma_wait3A_69 = arith.constant 0 : i32
      %dma_wait3A_70 = tpu.memref_slice %arg2[%add3A, %dma_wait3A, %dma_wait3A_69] : memref<32x80x125xi32, #tpu.memory_space<hbm>> -> memref<1x80x125xi32, #tpu.memory_space<hbm>>
      %dma_wait3A_71 = tpu.memref_squeeze %dma_wait3A_70 : memref<1x80x125xi32, #tpu.memory_space<hbm>> -> memref<80x125xi32, #tpu.memory_space<hbm>>
      %dma_wait3A_72 = arith.constant 0 : i32
      %dma_wait3A_73 = arith.constant 0 : i32
      %dma_wait3A_74 = tpu.memref_slice %arg2[%add3A, %dma_wait3A_72, %dma_wait3A_73] : memref<32x80x125xi32, #tpu.memory_space<hbm>> -> memref<1x80x125xi32, #tpu.memory_space<hbm>>
      %dma_wait3A_75 = tpu.memref_squeeze %dma_wait3A_74 : memref<1x80x125xi32, #tpu.memory_space<hbm>> -> memref<80x125xi32, #tpu.memory_space<hbm>>
      tpu.wait_dma2 semaphore(%run_scoped3A_61 : memref<!tpu.dma_semaphore, #tpu.memory_space<semaphore_mem>>) src(%dma_wait3A_75 : memref<80x125xi32, #tpu.memory_space<hbm>>) dst(%arg5 : memref<80x125xi32, #tpu.memory_space<vmem>>)
      tpu.yield
    }) : () -> ()
    %mul3A_47 = arith.constant 640 : i32
    %mul3A_48 = arith.muli %arg1, %mul3A_47 : i32
    %mul3A_49 = arith.constant 640 : i32
    %mul3A_50 = arith.muli %arg1, %mul3A_49 : i32
    "tpu.region"() ({
      %run_scoped3A_61 = tpu.sem_alloc : memref<!tpu.dma_semaphore, #tpu.memory_space<semaphore_mem>>
      %dma_start3A = tpu.memref_slice %arg7[%mul3A_50] : memref<10240xf32, #tpu.memory_space<vmem_shared>> -> memref<640xf32, #tpu.memory_space<vmem_shared>>
      %dma_start3A_62 = tpu.memref_slice %arg3[%mul3A_48] : memref<10240xf32, #tpu.memory_space<hbm>> -> memref<640xf32, #tpu.memory_space<hbm>>
      tpu.enqueue_dma source(%dma_start3A_62 : memref<640xf32, #tpu.memory_space<hbm>>) target(%dma_start3A : memref<640xf32, #tpu.memory_space<vmem_shared>>) target_semaphore(%run_scoped3A_61 : memref<!tpu.dma_semaphore, #tpu.memory_space<semaphore_mem>>)
      %dma_wait3A = tpu.memref_slice %arg7[%mul3A_50] : memref<10240xf32, #tpu.memory_space<vmem_shared>> -> memref<640xf32, #tpu.memory_space<vmem_shared>>
      %dma_wait3A_63 = tpu.memref_slice %arg3[%mul3A_48] : memref<10240xf32, #tpu.memory_space<hbm>> -> memref<640xf32, #tpu.memory_space<hbm>>
      tpu.wait_dma2 semaphore(%run_scoped3A_61 : memref<!tpu.dma_semaphore, #tpu.memory_space<semaphore_mem>>) src(%dma_wait3A_63 : memref<640xf32, #tpu.memory_space<hbm>>) dst(%dma_wait3A : memref<640xf32, #tpu.memory_space<vmem_shared>>)
      tpu.yield
    }) : () -> ()
    %barrier3A = arith.constant 0 : index
    tpu.barrier barrier_id(%barrier3A)
    %scan3A = arith.constant 0 : i32
    %scan3A_51 = arith.constant 0 : i32
    %scan3A_52 = arith.constant 80 : i32
    %scan3A_53 = arith.addi %scan3A_51, %scan3A_52 : i32
    %scan3A_54 = arith.constant 1 : i32
    scf.for %scan3A_61 = %scan3A_51 to %scan3A_53 step %scan3A_54  : i32 {
      "tpu.region"() ({
        %run_scoped3A_62 = tpu.sem_alloc : memref<!tpu.dma_semaphore, #tpu.memory_space<semaphore_mem>>
        %dma_start3A = arith.constant 0 : i32
        %dma_start3A_63 = tpu.memref_slice %arg6[%dma_start3A] : memref<128xf32, #tpu.memory_space<vmem>> -> memref<125xf32, #tpu.memory_space<vmem>>
        %dma_start3A_64 = arith.constant 0 : i32
        %dma_start3A_65 = tpu.memref_slice %arg5[%scan3A_61, %dma_start3A_64] : memref<80x125xi32, #tpu.memory_space<vmem>> -> memref<1x125xi32, #tpu.memory_space<vmem>>
        %dma_start3A_66 = tpu.memref_squeeze %dma_start3A_65 : memref<1x125xi32, #tpu.memory_space<vmem>> -> memref<125xi32, #tpu.memory_space<vmem>>
        %dma_start3A_67 = arith.constant 0 : i32
        %dma_start3A_68 = tpu.memref_slice %arg7[%dma_start3A_67] : memref<10240xf32, #tpu.memory_space<vmem_shared>> -> memref<10240xf32, #tpu.memory_space<vmem_shared>>
        tpu.enqueue_indirect_dma source(%dma_start3A_63 : memref<125xf32, #tpu.memory_space<vmem>>) target(%dma_start3A_68 : memref<10240xf32, #tpu.memory_space<vmem_shared>>) offsets(%dma_start3A_66 : memref<125xi32, #tpu.memory_space<vmem>>) semaphore(%run_scoped3A_62 : memref<!tpu.dma_semaphore, #tpu.memory_space<semaphore_mem>>) {add = true}
        %dma_wait3A = arith.constant 0 : i32
        %dma_wait3A_69 = tpu.memref_slice %arg6[%dma_wait3A] : memref<128xf32, #tpu.memory_space<vmem>> -> memref<125xf32, #tpu.memory_space<vmem>>
        %dma_wait3A_70 = arith.constant 0 : i32
        %dma_wait3A_71 = tpu.memref_slice %arg5[%scan3A_61, %dma_wait3A_70] : memref<80x125xi32, #tpu.memory_space<vmem>> -> memref<1x125xi32, #tpu.memory_space<vmem>>
        %dma_wait3A_72 = tpu.memref_squeeze %dma_wait3A_71 : memref<1x125xi32, #tpu.memory_space<vmem>> -> memref<125xi32, #tpu.memory_space<vmem>>
        %dma_wait3A_73 = arith.constant 0 : i32
        %dma_wait3A_74 = tpu.memref_slice %arg7[%dma_wait3A_73] : memref<10240xf32, #tpu.memory_space<vmem_shared>> -> memref<10240xf32, #tpu.memory_space<vmem_shared>>
        tpu.wait_indirect_dma semaphore(%run_scoped3A_62 : memref<!tpu.dma_semaphore, #tpu.memory_space<semaphore_mem>>) src(%dma_wait3A_69 : memref<125xf32, #tpu.memory_space<vmem>>) dst(%dma_wait3A_74 : memref<10240xf32, #tpu.memory_space<vmem_shared>>)
        tpu.yield
      }) : () -> ()
    }
    %scan3A_55 = arith.constant 80 : i32
    %barrier3A_56 = arith.constant 0 : index
    tpu.barrier barrier_id(%barrier3A_56)
    %mul3A_57 = arith.constant 640 : i32
    %mul3A_58 = arith.muli %arg1, %mul3A_57 : i32
    %mul3A_59 = arith.constant 640 : i32
    %mul3A_60 = arith.muli %arg1, %mul3A_59 : i32
    %run_scoped3A = arith.constant 0 : i32
    "tpu.region"() ({
      %run_scoped3A_61 = tpu.sem_alloc : memref<!tpu.dma_semaphore, #tpu.memory_space<semaphore_mem>>
      %dma_start3A = tpu.memref_slice %arg4[%arg0, %run_scoped3A, %mul3A_60] : memref<2x1x10240xf32, #tpu.memory_space<hbm>> -> memref<1x1x640xf32, #tpu.memory_space<hbm>>
      %dma_start3A_62 = tpu.memref_squeeze %dma_start3A : memref<1x1x640xf32, #tpu.memory_space<hbm>> -> memref<640xf32, #tpu.memory_space<hbm>>
      %dma_start3A_63 = tpu.memref_slice %arg7[%mul3A_58] : memref<10240xf32, #tpu.memory_space<vmem_shared>> -> memref<640xf32, #tpu.memory_space<vmem_shared>>
      tpu.enqueue_dma source(%dma_start3A_63 : memref<640xf32, #tpu.memory_space<vmem_shared>>) target(%dma_start3A_62 : memref<640xf32, #tpu.memory_space<hbm>>) target_semaphore(%run_scoped3A_61 : memref<!tpu.dma_semaphore, #tpu.memory_space<semaphore_mem>>)
      %dma_wait3A = tpu.memref_slice %arg4[%arg0, %run_scoped3A, %mul3A_60] : memref<2x1x10240xf32, #tpu.memory_space<hbm>> -> memref<1x1x640xf32, #tpu.memory_space<hbm>>
      %dma_wait3A_64 = tpu.memref_squeeze %dma_wait3A : memref<1x1x640xf32, #tpu.memory_space<hbm>> -> memref<640xf32, #tpu.memory_space<hbm>>
      %dma_wait3A_65 = tpu.memref_slice %arg7[%mul3A_58] : memref<10240xf32, #tpu.memory_space<vmem_shared>> -> memref<640xf32, #tpu.memory_space<vmem_shared>>
      tpu.wait_dma2 semaphore(%run_scoped3A_61 : memref<!tpu.dma_semaphore, #tpu.memory_space<semaphore_mem>>) src(%dma_wait3A_65 : memref<640xf32, #tpu.memory_space<vmem_shared>>) dst(%dma_wait3A_64 : memref<640xf32, #tpu.memory_space<hbm>>)
      tpu.yield
    }) : () -> ()
    return
  }
}

#map = affine_map<(d0, d1) -> (0, 0)>
#map1 = affine_map<(d0, d1) -> (0, 0, 0)>
module attributes {stable_mosaic.version = 14 : i64} {
  func.func @_sc_aggregate(%arg0: i32, %arg1: i32, %arg2: memref<10000x64xf32, #tpu.memory_space<hbm>>, %arg3: memref<32x80x125xi32, #tpu.memory_space<hbm>>, %arg4: memref<32x80x125xi32, #tpu.memory_space<hbm>>, %arg5: memref<10000x64xf32, #tpu.memory_space<hbm>>, %arg6: memref<2x10000x64xf32, #tpu.memory_space<hbm>>, %arg7: memref<80x125xi32, #tpu.memory_space<vmem>>, %arg8: memref<80x125xi32, #tpu.memory_space<vmem>>, %arg9: memref<8x125x64xf32, #tpu.memory_space<vmem>>, %arg10: memref<10000x64xf32, #tpu.memory_space<vmem_shared>>, %arg11: memref<!tpu.dma_semaphore, #tpu.memory_space<semaphore_mem>>, %arg12: memref<!tpu.dma_semaphore, #tpu.memory_space<semaphore_mem>>, %arg13: memref<!tpu.dma_semaphore, #tpu.memory_space<semaphore_mem>>, %arg14: memref<!tpu.dma_semaphore, #tpu.memory_space<semaphore_mem>>, %arg15: memref<!tpu.dma_semaphore, #tpu.memory_space<semaphore_mem>>, %arg16: memref<!tpu.dma_semaphore, #tpu.memory_space<semaphore_mem>>, %arg17: memref<!tpu.dma_semaphore, #tpu.memory_space<semaphore_mem>>, %arg18: memref<!tpu.dma_semaphore, #tpu.memory_space<semaphore_mem>>, %arg19: memref<!tpu.dma_semaphore, #tpu.memory_space<semaphore_mem>>, %arg20: memref<!tpu.dma_semaphore, #tpu.memory_space<semaphore_mem>>, %arg21: memref<!tpu.dma_semaphore, #tpu.memory_space<semaphore_mem>>, %arg22: memref<!tpu.dma_semaphore, #tpu.memory_space<semaphore_mem>>, %arg23: memref<!tpu.dma_semaphore, #tpu.memory_space<semaphore_mem>>, %arg24: memref<!tpu.dma_semaphore, #tpu.memory_space<semaphore_mem>>, %arg25: memref<!tpu.dma_semaphore, #tpu.memory_space<semaphore_mem>>, %arg26: memref<!tpu.dma_semaphore, #tpu.memory_space<semaphore_mem>>) attributes {dimension_semantics = [#tpu.dimension_semantics<core_parallel>, #tpu.dimension_semantics<subcore_parallel>], iteration_bounds = array<i64: 2, 16>, scalar_prefetch = 0 : i64, scratch_operands = 20 : i64, tpu.core_type = #tpu.core_type<sc_vector_subcore>, window_params = [{transform_indices = #map}, {transform_indices = #map1}, {transform_indices = #map1}, {transform_indices = #map}, {transform_indices = #map1}]} {
    %mul3A = arith.constant 16 : i32
    %mul3A_0 = arith.muli %arg0, %mul3A : i32
    %add3A = arith.addi %mul3A_0, %arg1 : i32
    "tpu.region"() ({
      %run_scoped3A = tpu.sem_alloc : memref<!tpu.dma_semaphore, #tpu.memory_space<semaphore_mem>>
      %dma_start3A_404 = arith.constant 0 : i32
      %dma_start3A_405 = arith.constant 0 : i32
      %dma_start3A_406 = tpu.memref_slice %arg3[%add3A, %dma_start3A_404, %dma_start3A_405] : memref<32x80x125xi32, #tpu.memory_space<hbm>> -> memref<1x80x125xi32, #tpu.memory_space<hbm>>
      %dma_start3A_407 = tpu.memref_squeeze %dma_start3A_406 : memref<1x80x125xi32, #tpu.memory_space<hbm>> -> memref<80x125xi32, #tpu.memory_space<hbm>>
      %dma_start3A_408 = arith.constant 0 : i32
      %dma_start3A_409 = arith.constant 0 : i32
      %dma_start3A_410 = tpu.memref_slice %arg3[%add3A, %dma_start3A_408, %dma_start3A_409] : memref<32x80x125xi32, #tpu.memory_space<hbm>> -> memref<1x80x125xi32, #tpu.memory_space<hbm>>
      %dma_start3A_411 = tpu.memref_squeeze %dma_start3A_410 : memref<1x80x125xi32, #tpu.memory_space<hbm>> -> memref<80x125xi32, #tpu.memory_space<hbm>>
      tpu.enqueue_dma source(%dma_start3A_411 : memref<80x125xi32, #tpu.memory_space<hbm>>) target(%arg7 : memref<80x125xi32, #tpu.memory_space<vmem>>) target_semaphore(%run_scoped3A : memref<!tpu.dma_semaphore, #tpu.memory_space<semaphore_mem>>)
      %dma_wait3A_412 = arith.constant 0 : i32
      %dma_wait3A_413 = arith.constant 0 : i32
      %dma_wait3A_414 = tpu.memref_slice %arg3[%add3A, %dma_wait3A_412, %dma_wait3A_413] : memref<32x80x125xi32, #tpu.memory_space<hbm>> -> memref<1x80x125xi32, #tpu.memory_space<hbm>>
      %dma_wait3A_415 = tpu.memref_squeeze %dma_wait3A_414 : memref<1x80x125xi32, #tpu.memory_space<hbm>> -> memref<80x125xi32, #tpu.memory_space<hbm>>
      %dma_wait3A_416 = arith.constant 0 : i32
      %dma_wait3A_417 = arith.constant 0 : i32
      %dma_wait3A_418 = tpu.memref_slice %arg3[%add3A, %dma_wait3A_416, %dma_wait3A_417] : memref<32x80x125xi32, #tpu.memory_space<hbm>> -> memref<1x80x125xi32, #tpu.memory_space<hbm>>
      %dma_wait3A_419 = tpu.memref_squeeze %dma_wait3A_418 : memref<1x80x125xi32, #tpu.memory_space<hbm>> -> memref<80x125xi32, #tpu.memory_space<hbm>>
      tpu.wait_dma2 semaphore(%run_scoped3A : memref<!tpu.dma_semaphore, #tpu.memory_space<semaphore_mem>>) src(%dma_wait3A_419 : memref<80x125xi32, #tpu.memory_space<hbm>>) dst(%arg7 : memref<80x125xi32, #tpu.memory_space<vmem>>)
      tpu.yield
    }) : () -> ()
    %dma_start3A = arith.constant 0 : i32
    %dma_start3A_1 = arith.constant 0 : i32
    %dma_start3A_2 = arith.constant 0 : i32
    %dma_start3A_3 = arith.constant 0 : i32
    %dma_start3A_4 = tpu.memref_slice %arg9[%dma_start3A_1, %dma_start3A_2, %dma_start3A_3] : memref<8x125x64xf32, #tpu.memory_space<vmem>> -> memref<1x125x64xf32, #tpu.memory_space<vmem>>
    %dma_start3A_5 = tpu.memref_squeeze %dma_start3A_4 : memref<1x125x64xf32, #tpu.memory_space<vmem>> -> memref<125x64xf32, #tpu.memory_space<vmem>>
    %dma_start3A_6 = arith.constant 0 : i32
    %dma_start3A_7 = tpu.memref_slice %arg7[%dma_start3A, %dma_start3A_6] : memref<80x125xi32, #tpu.memory_space<vmem>> -> memref<1x125xi32, #tpu.memory_space<vmem>>
    %dma_start3A_8 = tpu.memref_squeeze %dma_start3A_7 : memref<1x125xi32, #tpu.memory_space<vmem>> -> memref<125xi32, #tpu.memory_space<vmem>>
    %dma_start3A_9 = arith.constant 0 : i32
    %dma_start3A_10 = arith.constant 0 : i32
    %dma_start3A_11 = tpu.memref_slice %arg2[%dma_start3A_9, %dma_start3A_10] : memref<10000x64xf32, #tpu.memory_space<hbm>> -> memref<10000x64xf32, #tpu.memory_space<hbm>>
    tpu.enqueue_indirect_dma source(%dma_start3A_11 : memref<10000x64xf32, #tpu.memory_space<hbm>>) target(%dma_start3A_5 : memref<125x64xf32, #tpu.memory_space<vmem>>) offsets(%dma_start3A_8 : memref<125xi32, #tpu.memory_space<vmem>>) semaphore(%arg11 : memref<!tpu.dma_semaphore, #tpu.memory_space<semaphore_mem>>)
    %dma_start3A_12 = arith.constant 1 : i32
    %dma_start3A_13 = arith.constant 1 : i32
    %dma_start3A_14 = arith.constant 0 : i32
    %dma_start3A_15 = arith.constant 0 : i32
    %dma_start3A_16 = tpu.memref_slice %arg9[%dma_start3A_13, %dma_start3A_14, %dma_start3A_15] : memref<8x125x64xf32, #tpu.memory_space<vmem>> -> memref<1x125x64xf32, #tpu.memory_space<vmem>>
    %dma_start3A_17 = tpu.memref_squeeze %dma_start3A_16 : memref<1x125x64xf32, #tpu.memory_space<vmem>> -> memref<125x64xf32, #tpu.memory_space<vmem>>
    %dma_start3A_18 = arith.constant 0 : i32
    %dma_start3A_19 = tpu.memref_slice %arg7[%dma_start3A_12, %dma_start3A_18] : memref<80x125xi32, #tpu.memory_space<vmem>> -> memref<1x125xi32, #tpu.memory_space<vmem>>
    %dma_start3A_20 = tpu.memref_squeeze %dma_start3A_19 : memref<1x125xi32, #tpu.memory_space<vmem>> -> memref<125xi32, #tpu.memory_space<vmem>>
    %dma_start3A_21 = arith.constant 0 : i32
    %dma_start3A_22 = arith.constant 0 : i32
    %dma_start3A_23 = tpu.memref_slice %arg2[%dma_start3A_21, %dma_start3A_22] : memref<10000x64xf32, #tpu.memory_space<hbm>> -> memref<10000x64xf32, #tpu.memory_space<hbm>>
    tpu.enqueue_indirect_dma source(%dma_start3A_23 : memref<10000x64xf32, #tpu.memory_space<hbm>>) target(%dma_start3A_17 : memref<125x64xf32, #tpu.memory_space<vmem>>) offsets(%dma_start3A_20 : memref<125xi32, #tpu.memory_space<vmem>>) semaphore(%arg12 : memref<!tpu.dma_semaphore, #tpu.memory_space<semaphore_mem>>)
    %dma_start3A_24 = arith.constant 2 : i32
    %dma_start3A_25 = arith.constant 2 : i32
    %dma_start3A_26 = arith.constant 0 : i32
    %dma_start3A_27 = arith.constant 0 : i32
    %dma_start3A_28 = tpu.memref_slice %arg9[%dma_start3A_25, %dma_start3A_26, %dma_start3A_27] : memref<8x125x64xf32, #tpu.memory_space<vmem>> -> memref<1x125x64xf32, #tpu.memory_space<vmem>>
    %dma_start3A_29 = tpu.memref_squeeze %dma_start3A_28 : memref<1x125x64xf32, #tpu.memory_space<vmem>> -> memref<125x64xf32, #tpu.memory_space<vmem>>
    %dma_start3A_30 = arith.constant 0 : i32
    %dma_start3A_31 = tpu.memref_slice %arg7[%dma_start3A_24, %dma_start3A_30] : memref<80x125xi32, #tpu.memory_space<vmem>> -> memref<1x125xi32, #tpu.memory_space<vmem>>
    %dma_start3A_32 = tpu.memref_squeeze %dma_start3A_31 : memref<1x125xi32, #tpu.memory_space<vmem>> -> memref<125xi32, #tpu.memory_space<vmem>>
    %dma_start3A_33 = arith.constant 0 : i32
    %dma_start3A_34 = arith.constant 0 : i32
    %dma_start3A_35 = tpu.memref_slice %arg2[%dma_start3A_33, %dma_start3A_34] : memref<10000x64xf32, #tpu.memory_space<hbm>> -> memref<10000x64xf32, #tpu.memory_space<hbm>>
    tpu.enqueue_indirect_dma source(%dma_start3A_35 : memref<10000x64xf32, #tpu.memory_space<hbm>>) target(%dma_start3A_29 : memref<125x64xf32, #tpu.memory_space<vmem>>) offsets(%dma_start3A_32 : memref<125xi32, #tpu.memory_space<vmem>>) semaphore(%arg13 : memref<!tpu.dma_semaphore, #tpu.memory_space<semaphore_mem>>)
    %dma_start3A_36 = arith.constant 3 : i32
    %dma_start3A_37 = arith.constant 3 : i32
    %dma_start3A_38 = arith.constant 0 : i32
    %dma_start3A_39 = arith.constant 0 : i32
    %dma_start3A_40 = tpu.memref_slice %arg9[%dma_start3A_37, %dma_start3A_38, %dma_start3A_39] : memref<8x125x64xf32, #tpu.memory_space<vmem>> -> memref<1x125x64xf32, #tpu.memory_space<vmem>>
    %dma_start3A_41 = tpu.memref_squeeze %dma_start3A_40 : memref<1x125x64xf32, #tpu.memory_space<vmem>> -> memref<125x64xf32, #tpu.memory_space<vmem>>
    %dma_start3A_42 = arith.constant 0 : i32
    %dma_start3A_43 = tpu.memref_slice %arg7[%dma_start3A_36, %dma_start3A_42] : memref<80x125xi32, #tpu.memory_space<vmem>> -> memref<1x125xi32, #tpu.memory_space<vmem>>
    %dma_start3A_44 = tpu.memref_squeeze %dma_start3A_43 : memref<1x125xi32, #tpu.memory_space<vmem>> -> memref<125xi32, #tpu.memory_space<vmem>>
    %dma_start3A_45 = arith.constant 0 : i32
    %dma_start3A_46 = arith.constant 0 : i32
    %dma_start3A_47 = tpu.memref_slice %arg2[%dma_start3A_45, %dma_start3A_46] : memref<10000x64xf32, #tpu.memory_space<hbm>> -> memref<10000x64xf32, #tpu.memory_space<hbm>>
    tpu.enqueue_indirect_dma source(%dma_start3A_47 : memref<10000x64xf32, #tpu.memory_space<hbm>>) target(%dma_start3A_41 : memref<125x64xf32, #tpu.memory_space<vmem>>) offsets(%dma_start3A_44 : memref<125xi32, #tpu.memory_space<vmem>>) semaphore(%arg14 : memref<!tpu.dma_semaphore, #tpu.memory_space<semaphore_mem>>)
    %dma_start3A_48 = arith.constant 4 : i32
    %dma_start3A_49 = arith.constant 4 : i32
    %dma_start3A_50 = arith.constant 0 : i32
    %dma_start3A_51 = arith.constant 0 : i32
    %dma_start3A_52 = tpu.memref_slice %arg9[%dma_start3A_49, %dma_start3A_50, %dma_start3A_51] : memref<8x125x64xf32, #tpu.memory_space<vmem>> -> memref<1x125x64xf32, #tpu.memory_space<vmem>>
    %dma_start3A_53 = tpu.memref_squeeze %dma_start3A_52 : memref<1x125x64xf32, #tpu.memory_space<vmem>> -> memref<125x64xf32, #tpu.memory_space<vmem>>
    %dma_start3A_54 = arith.constant 0 : i32
    %dma_start3A_55 = tpu.memref_slice %arg7[%dma_start3A_48, %dma_start3A_54] : memref<80x125xi32, #tpu.memory_space<vmem>> -> memref<1x125xi32, #tpu.memory_space<vmem>>
    %dma_start3A_56 = tpu.memref_squeeze %dma_start3A_55 : memref<1x125xi32, #tpu.memory_space<vmem>> -> memref<125xi32, #tpu.memory_space<vmem>>
    %dma_start3A_57 = arith.constant 0 : i32
    %dma_start3A_58 = arith.constant 0 : i32
    %dma_start3A_59 = tpu.memref_slice %arg2[%dma_start3A_57, %dma_start3A_58] : memref<10000x64xf32, #tpu.memory_space<hbm>> -> memref<10000x64xf32, #tpu.memory_space<hbm>>
    tpu.enqueue_indirect_dma source(%dma_start3A_59 : memref<10000x64xf32, #tpu.memory_space<hbm>>) target(%dma_start3A_53 : memref<125x64xf32, #tpu.memory_space<vmem>>) offsets(%dma_start3A_56 : memref<125xi32, #tpu.memory_space<vmem>>) semaphore(%arg15 : memref<!tpu.dma_semaphore, #tpu.memory_space<semaphore_mem>>)
    %dma_start3A_60 = arith.constant 5 : i32
    %dma_start3A_61 = arith.constant 5 : i32
    %dma_start3A_62 = arith.constant 0 : i32
    %dma_start3A_63 = arith.constant 0 : i32
    %dma_start3A_64 = tpu.memref_slice %arg9[%dma_start3A_61, %dma_start3A_62, %dma_start3A_63] : memref<8x125x64xf32, #tpu.memory_space<vmem>> -> memref<1x125x64xf32, #tpu.memory_space<vmem>>
    %dma_start3A_65 = tpu.memref_squeeze %dma_start3A_64 : memref<1x125x64xf32, #tpu.memory_space<vmem>> -> memref<125x64xf32, #tpu.memory_space<vmem>>
    %dma_start3A_66 = arith.constant 0 : i32
    %dma_start3A_67 = tpu.memref_slice %arg7[%dma_start3A_60, %dma_start3A_66] : memref<80x125xi32, #tpu.memory_space<vmem>> -> memref<1x125xi32, #tpu.memory_space<vmem>>
    %dma_start3A_68 = tpu.memref_squeeze %dma_start3A_67 : memref<1x125xi32, #tpu.memory_space<vmem>> -> memref<125xi32, #tpu.memory_space<vmem>>
    %dma_start3A_69 = arith.constant 0 : i32
    %dma_start3A_70 = arith.constant 0 : i32
    %dma_start3A_71 = tpu.memref_slice %arg2[%dma_start3A_69, %dma_start3A_70] : memref<10000x64xf32, #tpu.memory_space<hbm>> -> memref<10000x64xf32, #tpu.memory_space<hbm>>
    tpu.enqueue_indirect_dma source(%dma_start3A_71 : memref<10000x64xf32, #tpu.memory_space<hbm>>) target(%dma_start3A_65 : memref<125x64xf32, #tpu.memory_space<vmem>>) offsets(%dma_start3A_68 : memref<125xi32, #tpu.memory_space<vmem>>) semaphore(%arg16 : memref<!tpu.dma_semaphore, #tpu.memory_space<semaphore_mem>>)
    %dma_start3A_72 = arith.constant 6 : i32
    %dma_start3A_73 = arith.constant 6 : i32
    %dma_start3A_74 = arith.constant 0 : i32
    %dma_start3A_75 = arith.constant 0 : i32
    %dma_start3A_76 = tpu.memref_slice %arg9[%dma_start3A_73, %dma_start3A_74, %dma_start3A_75] : memref<8x125x64xf32, #tpu.memory_space<vmem>> -> memref<1x125x64xf32, #tpu.memory_space<vmem>>
    %dma_start3A_77 = tpu.memref_squeeze %dma_start3A_76 : memref<1x125x64xf32, #tpu.memory_space<vmem>> -> memref<125x64xf32, #tpu.memory_space<vmem>>
    %dma_start3A_78 = arith.constant 0 : i32
    %dma_start3A_79 = tpu.memref_slice %arg7[%dma_start3A_72, %dma_start3A_78] : memref<80x125xi32, #tpu.memory_space<vmem>> -> memref<1x125xi32, #tpu.memory_space<vmem>>
    %dma_start3A_80 = tpu.memref_squeeze %dma_start3A_79 : memref<1x125xi32, #tpu.memory_space<vmem>> -> memref<125xi32, #tpu.memory_space<vmem>>
    %dma_start3A_81 = arith.constant 0 : i32
    %dma_start3A_82 = arith.constant 0 : i32
    %dma_start3A_83 = tpu.memref_slice %arg2[%dma_start3A_81, %dma_start3A_82] : memref<10000x64xf32, #tpu.memory_space<hbm>> -> memref<10000x64xf32, #tpu.memory_space<hbm>>
    tpu.enqueue_indirect_dma source(%dma_start3A_83 : memref<10000x64xf32, #tpu.memory_space<hbm>>) target(%dma_start3A_77 : memref<125x64xf32, #tpu.memory_space<vmem>>) offsets(%dma_start3A_80 : memref<125xi32, #tpu.memory_space<vmem>>) semaphore(%arg17 : memref<!tpu.dma_semaphore, #tpu.memory_space<semaphore_mem>>)
    %dma_start3A_84 = arith.constant 7 : i32
    %dma_start3A_85 = arith.constant 7 : i32
    %dma_start3A_86 = arith.constant 0 : i32
    %dma_start3A_87 = arith.constant 0 : i32
    %dma_start3A_88 = tpu.memref_slice %arg9[%dma_start3A_85, %dma_start3A_86, %dma_start3A_87] : memref<8x125x64xf32, #tpu.memory_space<vmem>> -> memref<1x125x64xf32, #tpu.memory_space<vmem>>
    %dma_start3A_89 = tpu.memref_squeeze %dma_start3A_88 : memref<1x125x64xf32, #tpu.memory_space<vmem>> -> memref<125x64xf32, #tpu.memory_space<vmem>>
    %dma_start3A_90 = arith.constant 0 : i32
    %dma_start3A_91 = tpu.memref_slice %arg7[%dma_start3A_84, %dma_start3A_90] : memref<80x125xi32, #tpu.memory_space<vmem>> -> memref<1x125xi32, #tpu.memory_space<vmem>>
    %dma_start3A_92 = tpu.memref_squeeze %dma_start3A_91 : memref<1x125xi32, #tpu.memory_space<vmem>> -> memref<125xi32, #tpu.memory_space<vmem>>
    %dma_start3A_93 = arith.constant 0 : i32
    %dma_start3A_94 = arith.constant 0 : i32
    %dma_start3A_95 = tpu.memref_slice %arg2[%dma_start3A_93, %dma_start3A_94] : memref<10000x64xf32, #tpu.memory_space<hbm>> -> memref<10000x64xf32, #tpu.memory_space<hbm>>
    tpu.enqueue_indirect_dma source(%dma_start3A_95 : memref<10000x64xf32, #tpu.memory_space<hbm>>) target(%dma_start3A_89 : memref<125x64xf32, #tpu.memory_space<vmem>>) offsets(%dma_start3A_92 : memref<125xi32, #tpu.memory_space<vmem>>) semaphore(%arg18 : memref<!tpu.dma_semaphore, #tpu.memory_space<semaphore_mem>>)
    "tpu.region"() ({
      %run_scoped3A = tpu.sem_alloc : memref<!tpu.dma_semaphore, #tpu.memory_space<semaphore_mem>>
      %dma_start3A_404 = arith.constant 0 : i32
      %dma_start3A_405 = arith.constant 0 : i32
      %dma_start3A_406 = tpu.memref_slice %arg4[%add3A, %dma_start3A_404, %dma_start3A_405] : memref<32x80x125xi32, #tpu.memory_space<hbm>> -> memref<1x80x125xi32, #tpu.memory_space<hbm>>
      %dma_start3A_407 = tpu.memref_squeeze %dma_start3A_406 : memref<1x80x125xi32, #tpu.memory_space<hbm>> -> memref<80x125xi32, #tpu.memory_space<hbm>>
      %dma_start3A_408 = arith.constant 0 : i32
      %dma_start3A_409 = arith.constant 0 : i32
      %dma_start3A_410 = tpu.memref_slice %arg4[%add3A, %dma_start3A_408, %dma_start3A_409] : memref<32x80x125xi32, #tpu.memory_space<hbm>> -> memref<1x80x125xi32, #tpu.memory_space<hbm>>
      %dma_start3A_411 = tpu.memref_squeeze %dma_start3A_410 : memref<1x80x125xi32, #tpu.memory_space<hbm>> -> memref<80x125xi32, #tpu.memory_space<hbm>>
      tpu.enqueue_dma source(%dma_start3A_411 : memref<80x125xi32, #tpu.memory_space<hbm>>) target(%arg8 : memref<80x125xi32, #tpu.memory_space<vmem>>) target_semaphore(%run_scoped3A : memref<!tpu.dma_semaphore, #tpu.memory_space<semaphore_mem>>)
      %dma_wait3A_412 = arith.constant 0 : i32
      %dma_wait3A_413 = arith.constant 0 : i32
      %dma_wait3A_414 = tpu.memref_slice %arg4[%add3A, %dma_wait3A_412, %dma_wait3A_413] : memref<32x80x125xi32, #tpu.memory_space<hbm>> -> memref<1x80x125xi32, #tpu.memory_space<hbm>>
      %dma_wait3A_415 = tpu.memref_squeeze %dma_wait3A_414 : memref<1x80x125xi32, #tpu.memory_space<hbm>> -> memref<80x125xi32, #tpu.memory_space<hbm>>
      %dma_wait3A_416 = arith.constant 0 : i32
      %dma_wait3A_417 = arith.constant 0 : i32
      %dma_wait3A_418 = tpu.memref_slice %arg4[%add3A, %dma_wait3A_416, %dma_wait3A_417] : memref<32x80x125xi32, #tpu.memory_space<hbm>> -> memref<1x80x125xi32, #tpu.memory_space<hbm>>
      %dma_wait3A_419 = tpu.memref_squeeze %dma_wait3A_418 : memref<1x80x125xi32, #tpu.memory_space<hbm>> -> memref<80x125xi32, #tpu.memory_space<hbm>>
      tpu.wait_dma2 semaphore(%run_scoped3A : memref<!tpu.dma_semaphore, #tpu.memory_space<semaphore_mem>>) src(%dma_wait3A_419 : memref<80x125xi32, #tpu.memory_space<hbm>>) dst(%arg8 : memref<80x125xi32, #tpu.memory_space<vmem>>)
      tpu.yield
    }) : () -> ()
    %mul3A_96 = arith.constant 624 : i32
    %mul3A_97 = arith.muli %arg1, %mul3A_96 : i32
    %mul3A_98 = arith.constant 624 : i32
    %mul3A_99 = arith.muli %arg1, %mul3A_98 : i32
    "tpu.region"() ({
      %run_scoped3A = tpu.sem_alloc : memref<!tpu.dma_semaphore, #tpu.memory_space<semaphore_mem>>
      %dma_start3A_404 = arith.constant 0 : i32
      %dma_start3A_405 = tpu.memref_slice %arg10[%mul3A_99, %dma_start3A_404] : memref<10000x64xf32, #tpu.memory_space<vmem_shared>> -> memref<624x64xf32, #tpu.memory_space<vmem_shared>>
      %dma_start3A_406 = arith.constant 0 : i32
      %dma_start3A_407 = tpu.memref_slice %arg5[%mul3A_97, %dma_start3A_406] : memref<10000x64xf32, #tpu.memory_space<hbm>> -> memref<624x64xf32, #tpu.memory_space<hbm>>
      tpu.enqueue_dma source(%dma_start3A_407 : memref<624x64xf32, #tpu.memory_space<hbm>>) target(%dma_start3A_405 : memref<624x64xf32, #tpu.memory_space<vmem_shared>>) target_semaphore(%run_scoped3A : memref<!tpu.dma_semaphore, #tpu.memory_space<semaphore_mem>>)
      %dma_wait3A_408 = arith.constant 0 : i32
      %dma_wait3A_409 = tpu.memref_slice %arg10[%mul3A_99, %dma_wait3A_408] : memref<10000x64xf32, #tpu.memory_space<vmem_shared>> -> memref<624x64xf32, #tpu.memory_space<vmem_shared>>
      %dma_wait3A_410 = arith.constant 0 : i32
      %dma_wait3A_411 = tpu.memref_slice %arg5[%mul3A_97, %dma_wait3A_410] : memref<10000x64xf32, #tpu.memory_space<hbm>> -> memref<624x64xf32, #tpu.memory_space<hbm>>
      tpu.wait_dma2 semaphore(%run_scoped3A : memref<!tpu.dma_semaphore, #tpu.memory_space<semaphore_mem>>) src(%dma_wait3A_411 : memref<624x64xf32, #tpu.memory_space<hbm>>) dst(%dma_wait3A_409 : memref<624x64xf32, #tpu.memory_space<vmem_shared>>)
      tpu.yield
    }) : () -> ()
    %eq3A = arith.constant 15 : i32
    %eq3A_100 = arith.cmpi eq, %arg1, %eq3A : i32
    %convert_element_type3A = arith.extui %eq3A_100 : i1 to i32
    %cond3A = arith.constant 0 : i32
    %cond3A_101 = arith.cmpi ne, %convert_element_type3A, %cond3A : i32
    scf.if %cond3A_101 {
      "tpu.region"() ({
        %run_scoped3A = tpu.sem_alloc : memref<!tpu.dma_semaphore, #tpu.memory_space<semaphore_mem>>
        %dma_start3A_404 = arith.constant 9984 : i32
        %dma_start3A_405 = arith.constant 0 : i32
        %dma_start3A_406 = tpu.memref_slice %arg10[%dma_start3A_404, %dma_start3A_405] : memref<10000x64xf32, #tpu.memory_space<vmem_shared>> -> memref<16x64xf32, #tpu.memory_space<vmem_shared>>
        %dma_start3A_407 = arith.constant 9984 : i32
        %dma_start3A_408 = arith.constant 0 : i32
        %dma_start3A_409 = tpu.memref_slice %arg5[%dma_start3A_407, %dma_start3A_408] : memref<10000x64xf32, #tpu.memory_space<hbm>> -> memref<16x64xf32, #tpu.memory_space<hbm>>
        tpu.enqueue_dma source(%dma_start3A_409 : memref<16x64xf32, #tpu.memory_space<hbm>>) target(%dma_start3A_406 : memref<16x64xf32, #tpu.memory_space<vmem_shared>>) target_semaphore(%run_scoped3A : memref<!tpu.dma_semaphore, #tpu.memory_space<semaphore_mem>>)
        %dma_wait3A_410 = arith.constant 9984 : i32
        %dma_wait3A_411 = arith.constant 0 : i32
        %dma_wait3A_412 = tpu.memref_slice %arg10[%dma_wait3A_410, %dma_wait3A_411] : memref<10000x64xf32, #tpu.memory_space<vmem_shared>> -> memref<16x64xf32, #tpu.memory_space<vmem_shared>>
        %dma_wait3A_413 = arith.constant 9984 : i32
        %dma_wait3A_414 = arith.constant 0 : i32
        %dma_wait3A_415 = tpu.memref_slice %arg5[%dma_wait3A_413, %dma_wait3A_414] : memref<10000x64xf32, #tpu.memory_space<hbm>> -> memref<16x64xf32, #tpu.memory_space<hbm>>
        tpu.wait_dma2 semaphore(%run_scoped3A : memref<!tpu.dma_semaphore, #tpu.memory_space<semaphore_mem>>) src(%dma_wait3A_415 : memref<16x64xf32, #tpu.memory_space<hbm>>) dst(%dma_wait3A_412 : memref<16x64xf32, #tpu.memory_space<vmem_shared>>)
        tpu.yield
      }) : () -> ()
    } else {
    }
    %barrier3A = arith.constant 0 : index
    tpu.barrier barrier_id(%barrier3A)
    %scan3A = arith.constant 0 : i32
    %scan3A_102 = arith.constant 0 : i32
    %scan3A_103 = arith.constant 9 : i32
    %scan3A_104 = arith.addi %scan3A_102, %scan3A_103 : i32
    %scan3A_105 = arith.constant 1 : i32
    scf.for %scan3A_404 = %scan3A_102 to %scan3A_104 step %scan3A_105  : i32 {
      %mul3A_405 = arith.constant 8 : i32
      %mul3A_406 = arith.muli %scan3A_404, %mul3A_405 : i32
      %add3A_407 = arith.constant 0 : i32
      %add3A_408 = arith.addi %mul3A_406, %add3A_407 : i32
      %dma_wait3A_409 = arith.constant 0 : i32
      %dma_wait3A_410 = arith.constant 0 : i32
      %dma_wait3A_411 = arith.constant 0 : i32
      %dma_wait3A_412 = tpu.memref_slice %arg9[%dma_wait3A_409, %dma_wait3A_410, %dma_wait3A_411] : memref<8x125x64xf32, #tpu.memory_space<vmem>> -> memref<1x125x64xf32, #tpu.memory_space<vmem>>
      %dma_wait3A_413 = tpu.memref_squeeze %dma_wait3A_412 : memref<1x125x64xf32, #tpu.memory_space<vmem>> -> memref<125x64xf32, #tpu.memory_space<vmem>>
      %dma_wait3A_414 = arith.constant 0 : i32
      %dma_wait3A_415 = tpu.memref_slice %arg7[%add3A_408, %dma_wait3A_414] : memref<80x125xi32, #tpu.memory_space<vmem>> -> memref<1x125xi32, #tpu.memory_space<vmem>>
      %dma_wait3A_416 = tpu.memref_squeeze %dma_wait3A_415 : memref<1x125xi32, #tpu.memory_space<vmem>> -> memref<125xi32, #tpu.memory_space<vmem>>
      %dma_wait3A_417 = arith.constant 0 : i32
      %dma_wait3A_418 = arith.constant 0 : i32
      %dma_wait3A_419 = tpu.memref_slice %arg2[%dma_wait3A_417, %dma_wait3A_418] : memref<10000x64xf32, #tpu.memory_space<hbm>> -> memref<10000x64xf32, #tpu.memory_space<hbm>>
      tpu.wait_indirect_dma semaphore(%arg11 : memref<!tpu.dma_semaphore, #tpu.memory_space<semaphore_mem>>) src(%dma_wait3A_419 : memref<10000x64xf32, #tpu.memory_space<hbm>>) dst(%dma_wait3A_413 : memref<125x64xf32, #tpu.memory_space<vmem>>)
      %add3A_420 = arith.constant 0 : i32
      %add3A_421 = arith.addi %mul3A_406, %add3A_420 : i32
      %dma_start3A_422 = arith.constant 0 : i32
      %dma_start3A_423 = arith.constant 0 : i32
      %dma_start3A_424 = arith.constant 0 : i32
      %dma_start3A_425 = tpu.memref_slice %arg9[%dma_start3A_422, %dma_start3A_423, %dma_start3A_424] : memref<8x125x64xf32, #tpu.memory_space<vmem>> -> memref<1x125x64xf32, #tpu.memory_space<vmem>>
      %dma_start3A_426 = tpu.memref_squeeze %dma_start3A_425 : memref<1x125x64xf32, #tpu.memory_space<vmem>> -> memref<125x64xf32, #tpu.memory_space<vmem>>
      %dma_start3A_427 = arith.constant 0 : i32
      %dma_start3A_428 = tpu.memref_slice %arg8[%add3A_421, %dma_start3A_427] : memref<80x125xi32, #tpu.memory_space<vmem>> -> memref<1x125xi32, #tpu.memory_space<vmem>>
      %dma_start3A_429 = tpu.memref_squeeze %dma_start3A_428 : memref<1x125xi32, #tpu.memory_space<vmem>> -> memref<125xi32, #tpu.memory_space<vmem>>
      %dma_start3A_430 = arith.constant 0 : i32
      %dma_start3A_431 = arith.constant 0 : i32
      %dma_start3A_432 = tpu.memref_slice %arg10[%dma_start3A_430, %dma_start3A_431] : memref<10000x64xf32, #tpu.memory_space<vmem_shared>> -> memref<10000x64xf32, #tpu.memory_space<vmem_shared>>
      tpu.enqueue_indirect_dma source(%dma_start3A_426 : memref<125x64xf32, #tpu.memory_space<vmem>>) target(%dma_start3A_432 : memref<10000x64xf32, #tpu.memory_space<vmem_shared>>) offsets(%dma_start3A_429 : memref<125xi32, #tpu.memory_space<vmem>>) semaphore(%arg19 : memref<!tpu.dma_semaphore, #tpu.memory_space<semaphore_mem>>) {add = true}
      %add3A_433 = arith.constant 1 : i32
      %add3A_434 = arith.addi %mul3A_406, %add3A_433 : i32
      %dma_wait3A_435 = arith.constant 1 : i32
      %dma_wait3A_436 = arith.constant 0 : i32
      %dma_wait3A_437 = arith.constant 0 : i32
      %dma_wait3A_438 = tpu.memref_slice %arg9[%dma_wait3A_435, %dma_wait3A_436, %dma_wait3A_437] : memref<8x125x64xf32, #tpu.memory_space<vmem>> -> memref<1x125x64xf32, #tpu.memory_space<vmem>>
      %dma_wait3A_439 = tpu.memref_squeeze %dma_wait3A_438 : memref<1x125x64xf32, #tpu.memory_space<vmem>> -> memref<125x64xf32, #tpu.memory_space<vmem>>
      %dma_wait3A_440 = arith.constant 0 : i32
      %dma_wait3A_441 = tpu.memref_slice %arg7[%add3A_434, %dma_wait3A_440] : memref<80x125xi32, #tpu.memory_space<vmem>> -> memref<1x125xi32, #tpu.memory_space<vmem>>
      %dma_wait3A_442 = tpu.memref_squeeze %dma_wait3A_441 : memref<1x125xi32, #tpu.memory_space<vmem>> -> memref<125xi32, #tpu.memory_space<vmem>>
      %dma_wait3A_443 = arith.constant 0 : i32
      %dma_wait3A_444 = arith.constant 0 : i32
      %dma_wait3A_445 = tpu.memref_slice %arg2[%dma_wait3A_443, %dma_wait3A_444] : memref<10000x64xf32, #tpu.memory_space<hbm>> -> memref<10000x64xf32, #tpu.memory_space<hbm>>
      tpu.wait_indirect_dma semaphore(%arg12 : memref<!tpu.dma_semaphore, #tpu.memory_space<semaphore_mem>>) src(%dma_wait3A_445 : memref<10000x64xf32, #tpu.memory_space<hbm>>) dst(%dma_wait3A_439 : memref<125x64xf32, #tpu.memory_space<vmem>>)
      %add3A_446 = arith.constant 1 : i32
      %add3A_447 = arith.addi %mul3A_406, %add3A_446 : i32
      %dma_start3A_448 = arith.constant 1 : i32
      %dma_start3A_449 = arith.constant 0 : i32
      %dma_start3A_450 = arith.constant 0 : i32
      %dma_start3A_451 = tpu.memref_slice %arg9[%dma_start3A_448, %dma_start3A_449, %dma_start3A_450] : memref<8x125x64xf32, #tpu.memory_space<vmem>> -> memref<1x125x64xf32, #tpu.memory_space<vmem>>
      %dma_start3A_452 = tpu.memref_squeeze %dma_start3A_451 : memref<1x125x64xf32, #tpu.memory_space<vmem>> -> memref<125x64xf32, #tpu.memory_space<vmem>>
      %dma_start3A_453 = arith.constant 0 : i32
      %dma_start3A_454 = tpu.memref_slice %arg8[%add3A_447, %dma_start3A_453] : memref<80x125xi32, #tpu.memory_space<vmem>> -> memref<1x125xi32, #tpu.memory_space<vmem>>
      %dma_start3A_455 = tpu.memref_squeeze %dma_start3A_454 : memref<1x125xi32, #tpu.memory_space<vmem>> -> memref<125xi32, #tpu.memory_space<vmem>>
      %dma_start3A_456 = arith.constant 0 : i32
      %dma_start3A_457 = arith.constant 0 : i32
      %dma_start3A_458 = tpu.memref_slice %arg10[%dma_start3A_456, %dma_start3A_457] : memref<10000x64xf32, #tpu.memory_space<vmem_shared>> -> memref<10000x64xf32, #tpu.memory_space<vmem_shared>>
      tpu.enqueue_indirect_dma source(%dma_start3A_452 : memref<125x64xf32, #tpu.memory_space<vmem>>) target(%dma_start3A_458 : memref<10000x64xf32, #tpu.memory_space<vmem_shared>>) offsets(%dma_start3A_455 : memref<125xi32, #tpu.memory_space<vmem>>) semaphore(%arg20 : memref<!tpu.dma_semaphore, #tpu.memory_space<semaphore_mem>>) {add = true}
      %add3A_459 = arith.constant 2 : i32
      %add3A_460 = arith.addi %mul3A_406, %add3A_459 : i32
      %dma_wait3A_461 = arith.constant 2 : i32
      %dma_wait3A_462 = arith.constant 0 : i32
      %dma_wait3A_463 = arith.constant 0 : i32
      %dma_wait3A_464 = tpu.memref_slice %arg9[%dma_wait3A_461, %dma_wait3A_462, %dma_wait3A_463] : memref<8x125x64xf32, #tpu.memory_space<vmem>> -> memref<1x125x64xf32, #tpu.memory_space<vmem>>
      %dma_wait3A_465 = tpu.memref_squeeze %dma_wait3A_464 : memref<1x125x64xf32, #tpu.memory_space<vmem>> -> memref<125x64xf32, #tpu.memory_space<vmem>>
      %dma_wait3A_466 = arith.constant 0 : i32
      %dma_wait3A_467 = tpu.memref_slice %arg7[%add3A_460, %dma_wait3A_466] : memref<80x125xi32, #tpu.memory_space<vmem>> -> memref<1x125xi32, #tpu.memory_space<vmem>>
      %dma_wait3A_468 = tpu.memref_squeeze %dma_wait3A_467 : memref<1x125xi32, #tpu.memory_space<vmem>> -> memref<125xi32, #tpu.memory_space<vmem>>
      %dma_wait3A_469 = arith.constant 0 : i32
      %dma_wait3A_470 = arith.constant 0 : i32
      %dma_wait3A_471 = tpu.memref_slice %arg2[%dma_wait3A_469, %dma_wait3A_470] : memref<10000x64xf32, #tpu.memory_space<hbm>> -> memref<10000x64xf32, #tpu.memory_space<hbm>>
      tpu.wait_indirect_dma semaphore(%arg13 : memref<!tpu.dma_semaphore, #tpu.memory_space<semaphore_mem>>) src(%dma_wait3A_471 : memref<10000x64xf32, #tpu.memory_space<hbm>>) dst(%dma_wait3A_465 : memref<125x64xf32, #tpu.memory_space<vmem>>)
      %add3A_472 = arith.constant 2 : i32
      %add3A_473 = arith.addi %mul3A_406, %add3A_472 : i32
      %dma_start3A_474 = arith.constant 2 : i32
      %dma_start3A_475 = arith.constant 0 : i32
      %dma_start3A_476 = arith.constant 0 : i32
      %dma_start3A_477 = tpu.memref_slice %arg9[%dma_start3A_474, %dma_start3A_475, %dma_start3A_476] : memref<8x125x64xf32, #tpu.memory_space<vmem>> -> memref<1x125x64xf32, #tpu.memory_space<vmem>>
      %dma_start3A_478 = tpu.memref_squeeze %dma_start3A_477 : memref<1x125x64xf32, #tpu.memory_space<vmem>> -> memref<125x64xf32, #tpu.memory_space<vmem>>
      %dma_start3A_479 = arith.constant 0 : i32
      %dma_start3A_480 = tpu.memref_slice %arg8[%add3A_473, %dma_start3A_479] : memref<80x125xi32, #tpu.memory_space<vmem>> -> memref<1x125xi32, #tpu.memory_space<vmem>>
      %dma_start3A_481 = tpu.memref_squeeze %dma_start3A_480 : memref<1x125xi32, #tpu.memory_space<vmem>> -> memref<125xi32, #tpu.memory_space<vmem>>
      %dma_start3A_482 = arith.constant 0 : i32
      %dma_start3A_483 = arith.constant 0 : i32
      %dma_start3A_484 = tpu.memref_slice %arg10[%dma_start3A_482, %dma_start3A_483] : memref<10000x64xf32, #tpu.memory_space<vmem_shared>> -> memref<10000x64xf32, #tpu.memory_space<vmem_shared>>
      tpu.enqueue_indirect_dma source(%dma_start3A_478 : memref<125x64xf32, #tpu.memory_space<vmem>>) target(%dma_start3A_484 : memref<10000x64xf32, #tpu.memory_space<vmem_shared>>) offsets(%dma_start3A_481 : memref<125xi32, #tpu.memory_space<vmem>>) semaphore(%arg21 : memref<!tpu.dma_semaphore, #tpu.memory_space<semaphore_mem>>) {add = true}
      %add3A_485 = arith.constant 3 : i32
      %add3A_486 = arith.addi %mul3A_406, %add3A_485 : i32
      %dma_wait3A_487 = arith.constant 3 : i32
      %dma_wait3A_488 = arith.constant 0 : i32
      %dma_wait3A_489 = arith.constant 0 : i32
      %dma_wait3A_490 = tpu.memref_slice %arg9[%dma_wait3A_487, %dma_wait3A_488, %dma_wait3A_489] : memref<8x125x64xf32, #tpu.memory_space<vmem>> -> memref<1x125x64xf32, #tpu.memory_space<vmem>>
      %dma_wait3A_491 = tpu.memref_squeeze %dma_wait3A_490 : memref<1x125x64xf32, #tpu.memory_space<vmem>> -> memref<125x64xf32, #tpu.memory_space<vmem>>
      %dma_wait3A_492 = arith.constant 0 : i32
      %dma_wait3A_493 = tpu.memref_slice %arg7[%add3A_486, %dma_wait3A_492] : memref<80x125xi32, #tpu.memory_space<vmem>> -> memref<1x125xi32, #tpu.memory_space<vmem>>
      %dma_wait3A_494 = tpu.memref_squeeze %dma_wait3A_493 : memref<1x125xi32, #tpu.memory_space<vmem>> -> memref<125xi32, #tpu.memory_space<vmem>>
      %dma_wait3A_495 = arith.constant 0 : i32
      %dma_wait3A_496 = arith.constant 0 : i32
      %dma_wait3A_497 = tpu.memref_slice %arg2[%dma_wait3A_495, %dma_wait3A_496] : memref<10000x64xf32, #tpu.memory_space<hbm>> -> memref<10000x64xf32, #tpu.memory_space<hbm>>
      tpu.wait_indirect_dma semaphore(%arg14 : memref<!tpu.dma_semaphore, #tpu.memory_space<semaphore_mem>>) src(%dma_wait3A_497 : memref<10000x64xf32, #tpu.memory_space<hbm>>) dst(%dma_wait3A_491 : memref<125x64xf32, #tpu.memory_space<vmem>>)
      %add3A_498 = arith.constant 3 : i32
      %add3A_499 = arith.addi %mul3A_406, %add3A_498 : i32
      %dma_start3A_500 = arith.constant 3 : i32
      %dma_start3A_501 = arith.constant 0 : i32
      %dma_start3A_502 = arith.constant 0 : i32
      %dma_start3A_503 = tpu.memref_slice %arg9[%dma_start3A_500, %dma_start3A_501, %dma_start3A_502] : memref<8x125x64xf32, #tpu.memory_space<vmem>> -> memref<1x125x64xf32, #tpu.memory_space<vmem>>
      %dma_start3A_504 = tpu.memref_squeeze %dma_start3A_503 : memref<1x125x64xf32, #tpu.memory_space<vmem>> -> memref<125x64xf32, #tpu.memory_space<vmem>>
      %dma_start3A_505 = arith.constant 0 : i32
      %dma_start3A_506 = tpu.memref_slice %arg8[%add3A_499, %dma_start3A_505] : memref<80x125xi32, #tpu.memory_space<vmem>> -> memref<1x125xi32, #tpu.memory_space<vmem>>
      %dma_start3A_507 = tpu.memref_squeeze %dma_start3A_506 : memref<1x125xi32, #tpu.memory_space<vmem>> -> memref<125xi32, #tpu.memory_space<vmem>>
      %dma_start3A_508 = arith.constant 0 : i32
      %dma_start3A_509 = arith.constant 0 : i32
      %dma_start3A_510 = tpu.memref_slice %arg10[%dma_start3A_508, %dma_start3A_509] : memref<10000x64xf32, #tpu.memory_space<vmem_shared>> -> memref<10000x64xf32, #tpu.memory_space<vmem_shared>>
      tpu.enqueue_indirect_dma source(%dma_start3A_504 : memref<125x64xf32, #tpu.memory_space<vmem>>) target(%dma_start3A_510 : memref<10000x64xf32, #tpu.memory_space<vmem_shared>>) offsets(%dma_start3A_507 : memref<125xi32, #tpu.memory_space<vmem>>) semaphore(%arg22 : memref<!tpu.dma_semaphore, #tpu.memory_space<semaphore_mem>>) {add = true}
      %add3A_511 = arith.constant 4 : i32
      %add3A_512 = arith.addi %mul3A_406, %add3A_511 : i32
      %dma_wait3A_513 = arith.constant 4 : i32
      %dma_wait3A_514 = arith.constant 0 : i32
      %dma_wait3A_515 = arith.constant 0 : i32
      %dma_wait3A_516 = tpu.memref_slice %arg9[%dma_wait3A_513, %dma_wait3A_514, %dma_wait3A_515] : memref<8x125x64xf32, #tpu.memory_space<vmem>> -> memref<1x125x64xf32, #tpu.memory_space<vmem>>
      %dma_wait3A_517 = tpu.memref_squeeze %dma_wait3A_516 : memref<1x125x64xf32, #tpu.memory_space<vmem>> -> memref<125x64xf32, #tpu.memory_space<vmem>>
      %dma_wait3A_518 = arith.constant 0 : i32
      %dma_wait3A_519 = tpu.memref_slice %arg7[%add3A_512, %dma_wait3A_518] : memref<80x125xi32, #tpu.memory_space<vmem>> -> memref<1x125xi32, #tpu.memory_space<vmem>>
      %dma_wait3A_520 = tpu.memref_squeeze %dma_wait3A_519 : memref<1x125xi32, #tpu.memory_space<vmem>> -> memref<125xi32, #tpu.memory_space<vmem>>
      %dma_wait3A_521 = arith.constant 0 : i32
      %dma_wait3A_522 = arith.constant 0 : i32
      %dma_wait3A_523 = tpu.memref_slice %arg2[%dma_wait3A_521, %dma_wait3A_522] : memref<10000x64xf32, #tpu.memory_space<hbm>> -> memref<10000x64xf32, #tpu.memory_space<hbm>>
      tpu.wait_indirect_dma semaphore(%arg15 : memref<!tpu.dma_semaphore, #tpu.memory_space<semaphore_mem>>) src(%dma_wait3A_523 : memref<10000x64xf32, #tpu.memory_space<hbm>>) dst(%dma_wait3A_517 : memref<125x64xf32, #tpu.memory_space<vmem>>)
      %add3A_524 = arith.constant 4 : i32
      %add3A_525 = arith.addi %mul3A_406, %add3A_524 : i32
      %dma_start3A_526 = arith.constant 4 : i32
      %dma_start3A_527 = arith.constant 0 : i32
      %dma_start3A_528 = arith.constant 0 : i32
      %dma_start3A_529 = tpu.memref_slice %arg9[%dma_start3A_526, %dma_start3A_527, %dma_start3A_528] : memref<8x125x64xf32, #tpu.memory_space<vmem>> -> memref<1x125x64xf32, #tpu.memory_space<vmem>>
      %dma_start3A_530 = tpu.memref_squeeze %dma_start3A_529 : memref<1x125x64xf32, #tpu.memory_space<vmem>> -> memref<125x64xf32, #tpu.memory_space<vmem>>
      %dma_start3A_531 = arith.constant 0 : i32
      %dma_start3A_532 = tpu.memref_slice %arg8[%add3A_525, %dma_start3A_531] : memref<80x125xi32, #tpu.memory_space<vmem>> -> memref<1x125xi32, #tpu.memory_space<vmem>>
      %dma_start3A_533 = tpu.memref_squeeze %dma_start3A_532 : memref<1x125xi32, #tpu.memory_space<vmem>> -> memref<125xi32, #tpu.memory_space<vmem>>
      %dma_start3A_534 = arith.constant 0 : i32
      %dma_start3A_535 = arith.constant 0 : i32
      %dma_start3A_536 = tpu.memref_slice %arg10[%dma_start3A_534, %dma_start3A_535] : memref<10000x64xf32, #tpu.memory_space<vmem_shared>> -> memref<10000x64xf32, #tpu.memory_space<vmem_shared>>
      tpu.enqueue_indirect_dma source(%dma_start3A_530 : memref<125x64xf32, #tpu.memory_space<vmem>>) target(%dma_start3A_536 : memref<10000x64xf32, #tpu.memory_space<vmem_shared>>) offsets(%dma_start3A_533 : memref<125xi32, #tpu.memory_space<vmem>>) semaphore(%arg23 : memref<!tpu.dma_semaphore, #tpu.memory_space<semaphore_mem>>) {add = true}
      %add3A_537 = arith.constant 5 : i32
      %add3A_538 = arith.addi %mul3A_406, %add3A_537 : i32
      %dma_wait3A_539 = arith.constant 5 : i32
      %dma_wait3A_540 = arith.constant 0 : i32
      %dma_wait3A_541 = arith.constant 0 : i32
      %dma_wait3A_542 = tpu.memref_slice %arg9[%dma_wait3A_539, %dma_wait3A_540, %dma_wait3A_541] : memref<8x125x64xf32, #tpu.memory_space<vmem>> -> memref<1x125x64xf32, #tpu.memory_space<vmem>>
      %dma_wait3A_543 = tpu.memref_squeeze %dma_wait3A_542 : memref<1x125x64xf32, #tpu.memory_space<vmem>> -> memref<125x64xf32, #tpu.memory_space<vmem>>
      %dma_wait3A_544 = arith.constant 0 : i32
      %dma_wait3A_545 = tpu.memref_slice %arg7[%add3A_538, %dma_wait3A_544] : memref<80x125xi32, #tpu.memory_space<vmem>> -> memref<1x125xi32, #tpu.memory_space<vmem>>
      %dma_wait3A_546 = tpu.memref_squeeze %dma_wait3A_545 : memref<1x125xi32, #tpu.memory_space<vmem>> -> memref<125xi32, #tpu.memory_space<vmem>>
      %dma_wait3A_547 = arith.constant 0 : i32
      %dma_wait3A_548 = arith.constant 0 : i32
      %dma_wait3A_549 = tpu.memref_slice %arg2[%dma_wait3A_547, %dma_wait3A_548] : memref<10000x64xf32, #tpu.memory_space<hbm>> -> memref<10000x64xf32, #tpu.memory_space<hbm>>
      tpu.wait_indirect_dma semaphore(%arg16 : memref<!tpu.dma_semaphore, #tpu.memory_space<semaphore_mem>>) src(%dma_wait3A_549 : memref<10000x64xf32, #tpu.memory_space<hbm>>) dst(%dma_wait3A_543 : memref<125x64xf32, #tpu.memory_space<vmem>>)
      %add3A_550 = arith.constant 5 : i32
      %add3A_551 = arith.addi %mul3A_406, %add3A_550 : i32
      %dma_start3A_552 = arith.constant 5 : i32
      %dma_start3A_553 = arith.constant 0 : i32
      %dma_start3A_554 = arith.constant 0 : i32
      %dma_start3A_555 = tpu.memref_slice %arg9[%dma_start3A_552, %dma_start3A_553, %dma_start3A_554] : memref<8x125x64xf32, #tpu.memory_space<vmem>> -> memref<1x125x64xf32, #tpu.memory_space<vmem>>
      %dma_start3A_556 = tpu.memref_squeeze %dma_start3A_555 : memref<1x125x64xf32, #tpu.memory_space<vmem>> -> memref<125x64xf32, #tpu.memory_space<vmem>>
      %dma_start3A_557 = arith.constant 0 : i32
      %dma_start3A_558 = tpu.memref_slice %arg8[%add3A_551, %dma_start3A_557] : memref<80x125xi32, #tpu.memory_space<vmem>> -> memref<1x125xi32, #tpu.memory_space<vmem>>
      %dma_start3A_559 = tpu.memref_squeeze %dma_start3A_558 : memref<1x125xi32, #tpu.memory_space<vmem>> -> memref<125xi32, #tpu.memory_space<vmem>>
      %dma_start3A_560 = arith.constant 0 : i32
      %dma_start3A_561 = arith.constant 0 : i32
      %dma_start3A_562 = tpu.memref_slice %arg10[%dma_start3A_560, %dma_start3A_561] : memref<10000x64xf32, #tpu.memory_space<vmem_shared>> -> memref<10000x64xf32, #tpu.memory_space<vmem_shared>>
      tpu.enqueue_indirect_dma source(%dma_start3A_556 : memref<125x64xf32, #tpu.memory_space<vmem>>) target(%dma_start3A_562 : memref<10000x64xf32, #tpu.memory_space<vmem_shared>>) offsets(%dma_start3A_559 : memref<125xi32, #tpu.memory_space<vmem>>) semaphore(%arg24 : memref<!tpu.dma_semaphore, #tpu.memory_space<semaphore_mem>>) {add = true}
      %add3A_563 = arith.constant 6 : i32
      %add3A_564 = arith.addi %mul3A_406, %add3A_563 : i32
      %dma_wait3A_565 = arith.constant 6 : i32
      %dma_wait3A_566 = arith.constant 0 : i32
      %dma_wait3A_567 = arith.constant 0 : i32
      %dma_wait3A_568 = tpu.memref_slice %arg9[%dma_wait3A_565, %dma_wait3A_566, %dma_wait3A_567] : memref<8x125x64xf32, #tpu.memory_space<vmem>> -> memref<1x125x64xf32, #tpu.memory_space<vmem>>
      %dma_wait3A_569 = tpu.memref_squeeze %dma_wait3A_568 : memref<1x125x64xf32, #tpu.memory_space<vmem>> -> memref<125x64xf32, #tpu.memory_space<vmem>>
      %dma_wait3A_570 = arith.constant 0 : i32
      %dma_wait3A_571 = tpu.memref_slice %arg7[%add3A_564, %dma_wait3A_570] : memref<80x125xi32, #tpu.memory_space<vmem>> -> memref<1x125xi32, #tpu.memory_space<vmem>>
      %dma_wait3A_572 = tpu.memref_squeeze %dma_wait3A_571 : memref<1x125xi32, #tpu.memory_space<vmem>> -> memref<125xi32, #tpu.memory_space<vmem>>
      %dma_wait3A_573 = arith.constant 0 : i32
      %dma_wait3A_574 = arith.constant 0 : i32
      %dma_wait3A_575 = tpu.memref_slice %arg2[%dma_wait3A_573, %dma_wait3A_574] : memref<10000x64xf32, #tpu.memory_space<hbm>> -> memref<10000x64xf32, #tpu.memory_space<hbm>>
      tpu.wait_indirect_dma semaphore(%arg17 : memref<!tpu.dma_semaphore, #tpu.memory_space<semaphore_mem>>) src(%dma_wait3A_575 : memref<10000x64xf32, #tpu.memory_space<hbm>>) dst(%dma_wait3A_569 : memref<125x64xf32, #tpu.memory_space<vmem>>)
      %add3A_576 = arith.constant 6 : i32
      %add3A_577 = arith.addi %mul3A_406, %add3A_576 : i32
      %dma_start3A_578 = arith.constant 6 : i32
      %dma_start3A_579 = arith.constant 0 : i32
      %dma_start3A_580 = arith.constant 0 : i32
      %dma_start3A_581 = tpu.memref_slice %arg9[%dma_start3A_578, %dma_start3A_579, %dma_start3A_580] : memref<8x125x64xf32, #tpu.memory_space<vmem>> -> memref<1x125x64xf32, #tpu.memory_space<vmem>>
      %dma_start3A_582 = tpu.memref_squeeze %dma_start3A_581 : memref<1x125x64xf32, #tpu.memory_space<vmem>> -> memref<125x64xf32, #tpu.memory_space<vmem>>
      %dma_start3A_583 = arith.constant 0 : i32
      %dma_start3A_584 = tpu.memref_slice %arg8[%add3A_577, %dma_start3A_583] : memref<80x125xi32, #tpu.memory_space<vmem>> -> memref<1x125xi32, #tpu.memory_space<vmem>>
      %dma_start3A_585 = tpu.memref_squeeze %dma_start3A_584 : memref<1x125xi32, #tpu.memory_space<vmem>> -> memref<125xi32, #tpu.memory_space<vmem>>
      %dma_start3A_586 = arith.constant 0 : i32
      %dma_start3A_587 = arith.constant 0 : i32
      %dma_start3A_588 = tpu.memref_slice %arg10[%dma_start3A_586, %dma_start3A_587] : memref<10000x64xf32, #tpu.memory_space<vmem_shared>> -> memref<10000x64xf32, #tpu.memory_space<vmem_shared>>
      tpu.enqueue_indirect_dma source(%dma_start3A_582 : memref<125x64xf32, #tpu.memory_space<vmem>>) target(%dma_start3A_588 : memref<10000x64xf32, #tpu.memory_space<vmem_shared>>) offsets(%dma_start3A_585 : memref<125xi32, #tpu.memory_space<vmem>>) semaphore(%arg25 : memref<!tpu.dma_semaphore, #tpu.memory_space<semaphore_mem>>) {add = true}
      %add3A_589 = arith.constant 7 : i32
      %add3A_590 = arith.addi %mul3A_406, %add3A_589 : i32
      %dma_wait3A_591 = arith.constant 7 : i32
      %dma_wait3A_592 = arith.constant 0 : i32
      %dma_wait3A_593 = arith.constant 0 : i32
      %dma_wait3A_594 = tpu.memref_slice %arg9[%dma_wait3A_591, %dma_wait3A_592, %dma_wait3A_593] : memref<8x125x64xf32, #tpu.memory_space<vmem>> -> memref<1x125x64xf32, #tpu.memory_space<vmem>>
      %dma_wait3A_595 = tpu.memref_squeeze %dma_wait3A_594 : memref<1x125x64xf32, #tpu.memory_space<vmem>> -> memref<125x64xf32, #tpu.memory_space<vmem>>
      %dma_wait3A_596 = arith.constant 0 : i32
      %dma_wait3A_597 = tpu.memref_slice %arg7[%add3A_590, %dma_wait3A_596] : memref<80x125xi32, #tpu.memory_space<vmem>> -> memref<1x125xi32, #tpu.memory_space<vmem>>
      %dma_wait3A_598 = tpu.memref_squeeze %dma_wait3A_597 : memref<1x125xi32, #tpu.memory_space<vmem>> -> memref<125xi32, #tpu.memory_space<vmem>>
      %dma_wait3A_599 = arith.constant 0 : i32
      %dma_wait3A_600 = arith.constant 0 : i32
      %dma_wait3A_601 = tpu.memref_slice %arg2[%dma_wait3A_599, %dma_wait3A_600] : memref<10000x64xf32, #tpu.memory_space<hbm>> -> memref<10000x64xf32, #tpu.memory_space<hbm>>
      tpu.wait_indirect_dma semaphore(%arg18 : memref<!tpu.dma_semaphore, #tpu.memory_space<semaphore_mem>>) src(%dma_wait3A_601 : memref<10000x64xf32, #tpu.memory_space<hbm>>) dst(%dma_wait3A_595 : memref<125x64xf32, #tpu.memory_space<vmem>>)
      %add3A_602 = arith.constant 7 : i32
      %add3A_603 = arith.addi %mul3A_406, %add3A_602 : i32
      %dma_start3A_604 = arith.constant 7 : i32
      %dma_start3A_605 = arith.constant 0 : i32
      %dma_start3A_606 = arith.constant 0 : i32
      %dma_start3A_607 = tpu.memref_slice %arg9[%dma_start3A_604, %dma_start3A_605, %dma_start3A_606] : memref<8x125x64xf32, #tpu.memory_space<vmem>> -> memref<1x125x64xf32, #tpu.memory_space<vmem>>
      %dma_start3A_608 = tpu.memref_squeeze %dma_start3A_607 : memref<1x125x64xf32, #tpu.memory_space<vmem>> -> memref<125x64xf32, #tpu.memory_space<vmem>>
      %dma_start3A_609 = arith.constant 0 : i32
      %dma_start3A_610 = tpu.memref_slice %arg8[%add3A_603, %dma_start3A_609] : memref<80x125xi32, #tpu.memory_space<vmem>> -> memref<1x125xi32, #tpu.memory_space<vmem>>
      %dma_start3A_611 = tpu.memref_squeeze %dma_start3A_610 : memref<1x125xi32, #tpu.memory_space<vmem>> -> memref<125xi32, #tpu.memory_space<vmem>>
      %dma_start3A_612 = arith.constant 0 : i32
      %dma_start3A_613 = arith.constant 0 : i32
      %dma_start3A_614 = tpu.memref_slice %arg10[%dma_start3A_612, %dma_start3A_613] : memref<10000x64xf32, #tpu.memory_space<vmem_shared>> -> memref<10000x64xf32, #tpu.memory_space<vmem_shared>>
      tpu.enqueue_indirect_dma source(%dma_start3A_608 : memref<125x64xf32, #tpu.memory_space<vmem>>) target(%dma_start3A_614 : memref<10000x64xf32, #tpu.memory_space<vmem_shared>>) offsets(%dma_start3A_611 : memref<125xi32, #tpu.memory_space<vmem>>) semaphore(%arg26 : memref<!tpu.dma_semaphore, #tpu.memory_space<semaphore_mem>>) {add = true}
      %add3A_615 = arith.constant 0 : i32
      %add3A_616 = arith.addi %mul3A_406, %add3A_615 : i32
      %dma_wait3A_617 = arith.constant 0 : i32
      %dma_wait3A_618 = arith.constant 0 : i32
      %dma_wait3A_619 = arith.constant 0 : i32
      %dma_wait3A_620 = tpu.memref_slice %arg9[%dma_wait3A_617, %dma_wait3A_618, %dma_wait3A_619] : memref<8x125x64xf32, #tpu.memory_space<vmem>> -> memref<1x125x64xf32, #tpu.memory_space<vmem>>
      %dma_wait3A_621 = tpu.memref_squeeze %dma_wait3A_620 : memref<1x125x64xf32, #tpu.memory_space<vmem>> -> memref<125x64xf32, #tpu.memory_space<vmem>>
      %dma_wait3A_622 = arith.constant 0 : i32
      %dma_wait3A_623 = tpu.memref_slice %arg8[%add3A_616, %dma_wait3A_622] : memref<80x125xi32, #tpu.memory_space<vmem>> -> memref<1x125xi32, #tpu.memory_space<vmem>>
      %dma_wait3A_624 = tpu.memref_squeeze %dma_wait3A_623 : memref<1x125xi32, #tpu.memory_space<vmem>> -> memref<125xi32, #tpu.memory_space<vmem>>
      %dma_wait3A_625 = arith.constant 0 : i32
      %dma_wait3A_626 = arith.constant 0 : i32
      %dma_wait3A_627 = tpu.memref_slice %arg10[%dma_wait3A_625, %dma_wait3A_626] : memref<10000x64xf32, #tpu.memory_space<vmem_shared>> -> memref<10000x64xf32, #tpu.memory_space<vmem_shared>>
      tpu.wait_indirect_dma semaphore(%arg19 : memref<!tpu.dma_semaphore, #tpu.memory_space<semaphore_mem>>) src(%dma_wait3A_621 : memref<125x64xf32, #tpu.memory_space<vmem>>) dst(%dma_wait3A_627 : memref<10000x64xf32, #tpu.memory_space<vmem_shared>>)
      %add3A_628 = arith.constant 8 : i32
      %add3A_629 = arith.addi %mul3A_406, %add3A_628 : i32
      %add3A_630 = arith.constant 0 : i32
      %add3A_631 = arith.addi %add3A_629, %add3A_630 : i32
      %dma_start3A_632 = arith.constant 0 : i32
      %dma_start3A_633 = arith.constant 0 : i32
      %dma_start3A_634 = arith.constant 0 : i32
      %dma_start3A_635 = tpu.memref_slice %arg9[%dma_start3A_632, %dma_start3A_633, %dma_start3A_634] : memref<8x125x64xf32, #tpu.memory_space<vmem>> -> memref<1x125x64xf32, #tpu.memory_space<vmem>>
      %dma_start3A_636 = tpu.memref_squeeze %dma_start3A_635 : memref<1x125x64xf32, #tpu.memory_space<vmem>> -> memref<125x64xf32, #tpu.memory_space<vmem>>
      %dma_start3A_637 = arith.constant 0 : i32
      %dma_start3A_638 = tpu.memref_slice %arg7[%add3A_631, %dma_start3A_637] : memref<80x125xi32, #tpu.memory_space<vmem>> -> memref<1x125xi32, #tpu.memory_space<vmem>>
      %dma_start3A_639 = tpu.memref_squeeze %dma_start3A_638 : memref<1x125xi32, #tpu.memory_space<vmem>> -> memref<125xi32, #tpu.memory_space<vmem>>
      %dma_start3A_640 = arith.constant 0 : i32
      %dma_start3A_641 = arith.constant 0 : i32
      %dma_start3A_642 = tpu.memref_slice %arg2[%dma_start3A_640, %dma_start3A_641] : memref<10000x64xf32, #tpu.memory_space<hbm>> -> memref<10000x64xf32, #tpu.memory_space<hbm>>
      tpu.enqueue_indirect_dma source(%dma_start3A_642 : memref<10000x64xf32, #tpu.memory_space<hbm>>) target(%dma_start3A_636 : memref<125x64xf32, #tpu.memory_space<vmem>>) offsets(%dma_start3A_639 : memref<125xi32, #tpu.memory_space<vmem>>) semaphore(%arg11 : memref<!tpu.dma_semaphore, #tpu.memory_space<semaphore_mem>>)
      %add3A_643 = arith.constant 1 : i32
      %add3A_644 = arith.addi %mul3A_406, %add3A_643 : i32
      %dma_wait3A_645 = arith.constant 1 : i32
      %dma_wait3A_646 = arith.constant 0 : i32
      %dma_wait3A_647 = arith.constant 0 : i32
      %dma_wait3A_648 = tpu.memref_slice %arg9[%dma_wait3A_645, %dma_wait3A_646, %dma_wait3A_647] : memref<8x125x64xf32, #tpu.memory_space<vmem>> -> memref<1x125x64xf32, #tpu.memory_space<vmem>>
      %dma_wait3A_649 = tpu.memref_squeeze %dma_wait3A_648 : memref<1x125x64xf32, #tpu.memory_space<vmem>> -> memref<125x64xf32, #tpu.memory_space<vmem>>
      %dma_wait3A_650 = arith.constant 0 : i32
      %dma_wait3A_651 = tpu.memref_slice %arg8[%add3A_644, %dma_wait3A_650] : memref<80x125xi32, #tpu.memory_space<vmem>> -> memref<1x125xi32, #tpu.memory_space<vmem>>
      %dma_wait3A_652 = tpu.memref_squeeze %dma_wait3A_651 : memref<1x125xi32, #tpu.memory_space<vmem>> -> memref<125xi32, #tpu.memory_space<vmem>>
      %dma_wait3A_653 = arith.constant 0 : i32
      %dma_wait3A_654 = arith.constant 0 : i32
      %dma_wait3A_655 = tpu.memref_slice %arg10[%dma_wait3A_653, %dma_wait3A_654] : memref<10000x64xf32, #tpu.memory_space<vmem_shared>> -> memref<10000x64xf32, #tpu.memory_space<vmem_shared>>
      tpu.wait_indirect_dma semaphore(%arg20 : memref<!tpu.dma_semaphore, #tpu.memory_space<semaphore_mem>>) src(%dma_wait3A_649 : memref<125x64xf32, #tpu.memory_space<vmem>>) dst(%dma_wait3A_655 : memref<10000x64xf32, #tpu.memory_space<vmem_shared>>)
      %add3A_656 = arith.constant 8 : i32
      %add3A_657 = arith.addi %mul3A_406, %add3A_656 : i32
      %add3A_658 = arith.constant 1 : i32
      %add3A_659 = arith.addi %add3A_657, %add3A_658 : i32
      %dma_start3A_660 = arith.constant 1 : i32
      %dma_start3A_661 = arith.constant 0 : i32
      %dma_start3A_662 = arith.constant 0 : i32
      %dma_start3A_663 = tpu.memref_slice %arg9[%dma_start3A_660, %dma_start3A_661, %dma_start3A_662] : memref<8x125x64xf32, #tpu.memory_space<vmem>> -> memref<1x125x64xf32, #tpu.memory_space<vmem>>
      %dma_start3A_664 = tpu.memref_squeeze %dma_start3A_663 : memref<1x125x64xf32, #tpu.memory_space<vmem>> -> memref<125x64xf32, #tpu.memory_space<vmem>>
      %dma_start3A_665 = arith.constant 0 : i32
      %dma_start3A_666 = tpu.memref_slice %arg7[%add3A_659, %dma_start3A_665] : memref<80x125xi32, #tpu.memory_space<vmem>> -> memref<1x125xi32, #tpu.memory_space<vmem>>
      %dma_start3A_667 = tpu.memref_squeeze %dma_start3A_666 : memref<1x125xi32, #tpu.memory_space<vmem>> -> memref<125xi32, #tpu.memory_space<vmem>>
      %dma_start3A_668 = arith.constant 0 : i32
      %dma_start3A_669 = arith.constant 0 : i32
      %dma_start3A_670 = tpu.memref_slice %arg2[%dma_start3A_668, %dma_start3A_669] : memref<10000x64xf32, #tpu.memory_space<hbm>> -> memref<10000x64xf32, #tpu.memory_space<hbm>>
      tpu.enqueue_indirect_dma source(%dma_start3A_670 : memref<10000x64xf32, #tpu.memory_space<hbm>>) target(%dma_start3A_664 : memref<125x64xf32, #tpu.memory_space<vmem>>) offsets(%dma_start3A_667 : memref<125xi32, #tpu.memory_space<vmem>>) semaphore(%arg12 : memref<!tpu.dma_semaphore, #tpu.memory_space<semaphore_mem>>)
      %add3A_671 = arith.constant 2 : i32
      %add3A_672 = arith.addi %mul3A_406, %add3A_671 : i32
      %dma_wait3A_673 = arith.constant 2 : i32
      %dma_wait3A_674 = arith.constant 0 : i32
      %dma_wait3A_675 = arith.constant 0 : i32
      %dma_wait3A_676 = tpu.memref_slice %arg9[%dma_wait3A_673, %dma_wait3A_674, %dma_wait3A_675] : memref<8x125x64xf32, #tpu.memory_space<vmem>> -> memref<1x125x64xf32, #tpu.memory_space<vmem>>
      %dma_wait3A_677 = tpu.memref_squeeze %dma_wait3A_676 : memref<1x125x64xf32, #tpu.memory_space<vmem>> -> memref<125x64xf32, #tpu.memory_space<vmem>>
      %dma_wait3A_678 = arith.constant 0 : i32
      %dma_wait3A_679 = tpu.memref_slice %arg8[%add3A_672, %dma_wait3A_678] : memref<80x125xi32, #tpu.memory_space<vmem>> -> memref<1x125xi32, #tpu.memory_space<vmem>>
      %dma_wait3A_680 = tpu.memref_squeeze %dma_wait3A_679 : memref<1x125xi32, #tpu.memory_space<vmem>> -> memref<125xi32, #tpu.memory_space<vmem>>
      %dma_wait3A_681 = arith.constant 0 : i32
      %dma_wait3A_682 = arith.constant 0 : i32
      %dma_wait3A_683 = tpu.memref_slice %arg10[%dma_wait3A_681, %dma_wait3A_682] : memref<10000x64xf32, #tpu.memory_space<vmem_shared>> -> memref<10000x64xf32, #tpu.memory_space<vmem_shared>>
      tpu.wait_indirect_dma semaphore(%arg21 : memref<!tpu.dma_semaphore, #tpu.memory_space<semaphore_mem>>) src(%dma_wait3A_677 : memref<125x64xf32, #tpu.memory_space<vmem>>) dst(%dma_wait3A_683 : memref<10000x64xf32, #tpu.memory_space<vmem_shared>>)
      %add3A_684 = arith.constant 8 : i32
      %add3A_685 = arith.addi %mul3A_406, %add3A_684 : i32
      %add3A_686 = arith.constant 2 : i32
      %add3A_687 = arith.addi %add3A_685, %add3A_686 : i32
      %dma_start3A_688 = arith.constant 2 : i32
      %dma_start3A_689 = arith.constant 0 : i32
      %dma_start3A_690 = arith.constant 0 : i32
      %dma_start3A_691 = tpu.memref_slice %arg9[%dma_start3A_688, %dma_start3A_689, %dma_start3A_690] : memref<8x125x64xf32, #tpu.memory_space<vmem>> -> memref<1x125x64xf32, #tpu.memory_space<vmem>>
      %dma_start3A_692 = tpu.memref_squeeze %dma_start3A_691 : memref<1x125x64xf32, #tpu.memory_space<vmem>> -> memref<125x64xf32, #tpu.memory_space<vmem>>
      %dma_start3A_693 = arith.constant 0 : i32
      %dma_start3A_694 = tpu.memref_slice %arg7[%add3A_687, %dma_start3A_693] : memref<80x125xi32, #tpu.memory_space<vmem>> -> memref<1x125xi32, #tpu.memory_space<vmem>>
      %dma_start3A_695 = tpu.memref_squeeze %dma_start3A_694 : memref<1x125xi32, #tpu.memory_space<vmem>> -> memref<125xi32, #tpu.memory_space<vmem>>
      %dma_start3A_696 = arith.constant 0 : i32
      %dma_start3A_697 = arith.constant 0 : i32
      %dma_start3A_698 = tpu.memref_slice %arg2[%dma_start3A_696, %dma_start3A_697] : memref<10000x64xf32, #tpu.memory_space<hbm>> -> memref<10000x64xf32, #tpu.memory_space<hbm>>
      tpu.enqueue_indirect_dma source(%dma_start3A_698 : memref<10000x64xf32, #tpu.memory_space<hbm>>) target(%dma_start3A_692 : memref<125x64xf32, #tpu.memory_space<vmem>>) offsets(%dma_start3A_695 : memref<125xi32, #tpu.memory_space<vmem>>) semaphore(%arg13 : memref<!tpu.dma_semaphore, #tpu.memory_space<semaphore_mem>>)
      %add3A_699 = arith.constant 3 : i32
      %add3A_700 = arith.addi %mul3A_406, %add3A_699 : i32
      %dma_wait3A_701 = arith.constant 3 : i32
      %dma_wait3A_702 = arith.constant 0 : i32
      %dma_wait3A_703 = arith.constant 0 : i32
      %dma_wait3A_704 = tpu.memref_slice %arg9[%dma_wait3A_701, %dma_wait3A_702, %dma_wait3A_703] : memref<8x125x64xf32, #tpu.memory_space<vmem>> -> memref<1x125x64xf32, #tpu.memory_space<vmem>>
      %dma_wait3A_705 = tpu.memref_squeeze %dma_wait3A_704 : memref<1x125x64xf32, #tpu.memory_space<vmem>> -> memref<125x64xf32, #tpu.memory_space<vmem>>
      %dma_wait3A_706 = arith.constant 0 : i32
      %dma_wait3A_707 = tpu.memref_slice %arg8[%add3A_700, %dma_wait3A_706] : memref<80x125xi32, #tpu.memory_space<vmem>> -> memref<1x125xi32, #tpu.memory_space<vmem>>
      %dma_wait3A_708 = tpu.memref_squeeze %dma_wait3A_707 : memref<1x125xi32, #tpu.memory_space<vmem>> -> memref<125xi32, #tpu.memory_space<vmem>>
      %dma_wait3A_709 = arith.constant 0 : i32
      %dma_wait3A_710 = arith.constant 0 : i32
      %dma_wait3A_711 = tpu.memref_slice %arg10[%dma_wait3A_709, %dma_wait3A_710] : memref<10000x64xf32, #tpu.memory_space<vmem_shared>> -> memref<10000x64xf32, #tpu.memory_space<vmem_shared>>
      tpu.wait_indirect_dma semaphore(%arg22 : memref<!tpu.dma_semaphore, #tpu.memory_space<semaphore_mem>>) src(%dma_wait3A_705 : memref<125x64xf32, #tpu.memory_space<vmem>>) dst(%dma_wait3A_711 : memref<10000x64xf32, #tpu.memory_space<vmem_shared>>)
      %add3A_712 = arith.constant 8 : i32
      %add3A_713 = arith.addi %mul3A_406, %add3A_712 : i32
      %add3A_714 = arith.constant 3 : i32
      %add3A_715 = arith.addi %add3A_713, %add3A_714 : i32
      %dma_start3A_716 = arith.constant 3 : i32
      %dma_start3A_717 = arith.constant 0 : i32
      %dma_start3A_718 = arith.constant 0 : i32
      %dma_start3A_719 = tpu.memref_slice %arg9[%dma_start3A_716, %dma_start3A_717, %dma_start3A_718] : memref<8x125x64xf32, #tpu.memory_space<vmem>> -> memref<1x125x64xf32, #tpu.memory_space<vmem>>
      %dma_start3A_720 = tpu.memref_squeeze %dma_start3A_719 : memref<1x125x64xf32, #tpu.memory_space<vmem>> -> memref<125x64xf32, #tpu.memory_space<vmem>>
      %dma_start3A_721 = arith.constant 0 : i32
      %dma_start3A_722 = tpu.memref_slice %arg7[%add3A_715, %dma_start3A_721] : memref<80x125xi32, #tpu.memory_space<vmem>> -> memref<1x125xi32, #tpu.memory_space<vmem>>
      %dma_start3A_723 = tpu.memref_squeeze %dma_start3A_722 : memref<1x125xi32, #tpu.memory_space<vmem>> -> memref<125xi32, #tpu.memory_space<vmem>>
      %dma_start3A_724 = arith.constant 0 : i32
      %dma_start3A_725 = arith.constant 0 : i32
      %dma_start3A_726 = tpu.memref_slice %arg2[%dma_start3A_724, %dma_start3A_725] : memref<10000x64xf32, #tpu.memory_space<hbm>> -> memref<10000x64xf32, #tpu.memory_space<hbm>>
      tpu.enqueue_indirect_dma source(%dma_start3A_726 : memref<10000x64xf32, #tpu.memory_space<hbm>>) target(%dma_start3A_720 : memref<125x64xf32, #tpu.memory_space<vmem>>) offsets(%dma_start3A_723 : memref<125xi32, #tpu.memory_space<vmem>>) semaphore(%arg14 : memref<!tpu.dma_semaphore, #tpu.memory_space<semaphore_mem>>)
      %add3A_727 = arith.constant 4 : i32
      %add3A_728 = arith.addi %mul3A_406, %add3A_727 : i32
      %dma_wait3A_729 = arith.constant 4 : i32
      %dma_wait3A_730 = arith.constant 0 : i32
      %dma_wait3A_731 = arith.constant 0 : i32
      %dma_wait3A_732 = tpu.memref_slice %arg9[%dma_wait3A_729, %dma_wait3A_730, %dma_wait3A_731] : memref<8x125x64xf32, #tpu.memory_space<vmem>> -> memref<1x125x64xf32, #tpu.memory_space<vmem>>
      %dma_wait3A_733 = tpu.memref_squeeze %dma_wait3A_732 : memref<1x125x64xf32, #tpu.memory_space<vmem>> -> memref<125x64xf32, #tpu.memory_space<vmem>>
      %dma_wait3A_734 = arith.constant 0 : i32
      %dma_wait3A_735 = tpu.memref_slice %arg8[%add3A_728, %dma_wait3A_734] : memref<80x125xi32, #tpu.memory_space<vmem>> -> memref<1x125xi32, #tpu.memory_space<vmem>>
      %dma_wait3A_736 = tpu.memref_squeeze %dma_wait3A_735 : memref<1x125xi32, #tpu.memory_space<vmem>> -> memref<125xi32, #tpu.memory_space<vmem>>
      %dma_wait3A_737 = arith.constant 0 : i32
      %dma_wait3A_738 = arith.constant 0 : i32
      %dma_wait3A_739 = tpu.memref_slice %arg10[%dma_wait3A_737, %dma_wait3A_738] : memref<10000x64xf32, #tpu.memory_space<vmem_shared>> -> memref<10000x64xf32, #tpu.memory_space<vmem_shared>>
      tpu.wait_indirect_dma semaphore(%arg23 : memref<!tpu.dma_semaphore, #tpu.memory_space<semaphore_mem>>) src(%dma_wait3A_733 : memref<125x64xf32, #tpu.memory_space<vmem>>) dst(%dma_wait3A_739 : memref<10000x64xf32, #tpu.memory_space<vmem_shared>>)
      %add3A_740 = arith.constant 8 : i32
      %add3A_741 = arith.addi %mul3A_406, %add3A_740 : i32
      %add3A_742 = arith.constant 4 : i32
      %add3A_743 = arith.addi %add3A_741, %add3A_742 : i32
      %dma_start3A_744 = arith.constant 4 : i32
      %dma_start3A_745 = arith.constant 0 : i32
      %dma_start3A_746 = arith.constant 0 : i32
      %dma_start3A_747 = tpu.memref_slice %arg9[%dma_start3A_744, %dma_start3A_745, %dma_start3A_746] : memref<8x125x64xf32, #tpu.memory_space<vmem>> -> memref<1x125x64xf32, #tpu.memory_space<vmem>>
      %dma_start3A_748 = tpu.memref_squeeze %dma_start3A_747 : memref<1x125x64xf32, #tpu.memory_space<vmem>> -> memref<125x64xf32, #tpu.memory_space<vmem>>
      %dma_start3A_749 = arith.constant 0 : i32
      %dma_start3A_750 = tpu.memref_slice %arg7[%add3A_743, %dma_start3A_749] : memref<80x125xi32, #tpu.memory_space<vmem>> -> memref<1x125xi32, #tpu.memory_space<vmem>>
      %dma_start3A_751 = tpu.memref_squeeze %dma_start3A_750 : memref<1x125xi32, #tpu.memory_space<vmem>> -> memref<125xi32, #tpu.memory_space<vmem>>
      %dma_start3A_752 = arith.constant 0 : i32
      %dma_start3A_753 = arith.constant 0 : i32
      %dma_start3A_754 = tpu.memref_slice %arg2[%dma_start3A_752, %dma_start3A_753] : memref<10000x64xf32, #tpu.memory_space<hbm>> -> memref<10000x64xf32, #tpu.memory_space<hbm>>
      tpu.enqueue_indirect_dma source(%dma_start3A_754 : memref<10000x64xf32, #tpu.memory_space<hbm>>) target(%dma_start3A_748 : memref<125x64xf32, #tpu.memory_space<vmem>>) offsets(%dma_start3A_751 : memref<125xi32, #tpu.memory_space<vmem>>) semaphore(%arg15 : memref<!tpu.dma_semaphore, #tpu.memory_space<semaphore_mem>>)
      %add3A_755 = arith.constant 5 : i32
      %add3A_756 = arith.addi %mul3A_406, %add3A_755 : i32
      %dma_wait3A_757 = arith.constant 5 : i32
      %dma_wait3A_758 = arith.constant 0 : i32
      %dma_wait3A_759 = arith.constant 0 : i32
      %dma_wait3A_760 = tpu.memref_slice %arg9[%dma_wait3A_757, %dma_wait3A_758, %dma_wait3A_759] : memref<8x125x64xf32, #tpu.memory_space<vmem>> -> memref<1x125x64xf32, #tpu.memory_space<vmem>>
      %dma_wait3A_761 = tpu.memref_squeeze %dma_wait3A_760 : memref<1x125x64xf32, #tpu.memory_space<vmem>> -> memref<125x64xf32, #tpu.memory_space<vmem>>
      %dma_wait3A_762 = arith.constant 0 : i32
      %dma_wait3A_763 = tpu.memref_slice %arg8[%add3A_756, %dma_wait3A_762] : memref<80x125xi32, #tpu.memory_space<vmem>> -> memref<1x125xi32, #tpu.memory_space<vmem>>
      %dma_wait3A_764 = tpu.memref_squeeze %dma_wait3A_763 : memref<1x125xi32, #tpu.memory_space<vmem>> -> memref<125xi32, #tpu.memory_space<vmem>>
      %dma_wait3A_765 = arith.constant 0 : i32
      %dma_wait3A_766 = arith.constant 0 : i32
      %dma_wait3A_767 = tpu.memref_slice %arg10[%dma_wait3A_765, %dma_wait3A_766] : memref<10000x64xf32, #tpu.memory_space<vmem_shared>> -> memref<10000x64xf32, #tpu.memory_space<vmem_shared>>
      tpu.wait_indirect_dma semaphore(%arg24 : memref<!tpu.dma_semaphore, #tpu.memory_space<semaphore_mem>>) src(%dma_wait3A_761 : memref<125x64xf32, #tpu.memory_space<vmem>>) dst(%dma_wait3A_767 : memref<10000x64xf32, #tpu.memory_space<vmem_shared>>)
      %add3A_768 = arith.constant 8 : i32
      %add3A_769 = arith.addi %mul3A_406, %add3A_768 : i32
      %add3A_770 = arith.constant 5 : i32
      %add3A_771 = arith.addi %add3A_769, %add3A_770 : i32
      %dma_start3A_772 = arith.constant 5 : i32
      %dma_start3A_773 = arith.constant 0 : i32
      %dma_start3A_774 = arith.constant 0 : i32
      %dma_start3A_775 = tpu.memref_slice %arg9[%dma_start3A_772, %dma_start3A_773, %dma_start3A_774] : memref<8x125x64xf32, #tpu.memory_space<vmem>> -> memref<1x125x64xf32, #tpu.memory_space<vmem>>
      %dma_start3A_776 = tpu.memref_squeeze %dma_start3A_775 : memref<1x125x64xf32, #tpu.memory_space<vmem>> -> memref<125x64xf32, #tpu.memory_space<vmem>>
      %dma_start3A_777 = arith.constant 0 : i32
      %dma_start3A_778 = tpu.memref_slice %arg7[%add3A_771, %dma_start3A_777] : memref<80x125xi32, #tpu.memory_space<vmem>> -> memref<1x125xi32, #tpu.memory_space<vmem>>
      %dma_start3A_779 = tpu.memref_squeeze %dma_start3A_778 : memref<1x125xi32, #tpu.memory_space<vmem>> -> memref<125xi32, #tpu.memory_space<vmem>>
      %dma_start3A_780 = arith.constant 0 : i32
      %dma_start3A_781 = arith.constant 0 : i32
      %dma_start3A_782 = tpu.memref_slice %arg2[%dma_start3A_780, %dma_start3A_781] : memref<10000x64xf32, #tpu.memory_space<hbm>> -> memref<10000x64xf32, #tpu.memory_space<hbm>>
      tpu.enqueue_indirect_dma source(%dma_start3A_782 : memref<10000x64xf32, #tpu.memory_space<hbm>>) target(%dma_start3A_776 : memref<125x64xf32, #tpu.memory_space<vmem>>) offsets(%dma_start3A_779 : memref<125xi32, #tpu.memory_space<vmem>>) semaphore(%arg16 : memref<!tpu.dma_semaphore, #tpu.memory_space<semaphore_mem>>)
      %add3A_783 = arith.constant 6 : i32
      %add3A_784 = arith.addi %mul3A_406, %add3A_783 : i32
      %dma_wait3A_785 = arith.constant 6 : i32
      %dma_wait3A_786 = arith.constant 0 : i32
      %dma_wait3A_787 = arith.constant 0 : i32
      %dma_wait3A_788 = tpu.memref_slice %arg9[%dma_wait3A_785, %dma_wait3A_786, %dma_wait3A_787] : memref<8x125x64xf32, #tpu.memory_space<vmem>> -> memref<1x125x64xf32, #tpu.memory_space<vmem>>
      %dma_wait3A_789 = tpu.memref_squeeze %dma_wait3A_788 : memref<1x125x64xf32, #tpu.memory_space<vmem>> -> memref<125x64xf32, #tpu.memory_space<vmem>>
      %dma_wait3A_790 = arith.constant 0 : i32
      %dma_wait3A_791 = tpu.memref_slice %arg8[%add3A_784, %dma_wait3A_790] : memref<80x125xi32, #tpu.memory_space<vmem>> -> memref<1x125xi32, #tpu.memory_space<vmem>>
      %dma_wait3A_792 = tpu.memref_squeeze %dma_wait3A_791 : memref<1x125xi32, #tpu.memory_space<vmem>> -> memref<125xi32, #tpu.memory_space<vmem>>
      %dma_wait3A_793 = arith.constant 0 : i32
      %dma_wait3A_794 = arith.constant 0 : i32
      %dma_wait3A_795 = tpu.memref_slice %arg10[%dma_wait3A_793, %dma_wait3A_794] : memref<10000x64xf32, #tpu.memory_space<vmem_shared>> -> memref<10000x64xf32, #tpu.memory_space<vmem_shared>>
      tpu.wait_indirect_dma semaphore(%arg25 : memref<!tpu.dma_semaphore, #tpu.memory_space<semaphore_mem>>) src(%dma_wait3A_789 : memref<125x64xf32, #tpu.memory_space<vmem>>) dst(%dma_wait3A_795 : memref<10000x64xf32, #tpu.memory_space<vmem_shared>>)
      %add3A_796 = arith.constant 8 : i32
      %add3A_797 = arith.addi %mul3A_406, %add3A_796 : i32
      %add3A_798 = arith.constant 6 : i32
      %add3A_799 = arith.addi %add3A_797, %add3A_798 : i32
      %dma_start3A_800 = arith.constant 6 : i32
      %dma_start3A_801 = arith.constant 0 : i32
      %dma_start3A_802 = arith.constant 0 : i32
      %dma_start3A_803 = tpu.memref_slice %arg9[%dma_start3A_800, %dma_start3A_801, %dma_start3A_802] : memref<8x125x64xf32, #tpu.memory_space<vmem>> -> memref<1x125x64xf32, #tpu.memory_space<vmem>>
      %dma_start3A_804 = tpu.memref_squeeze %dma_start3A_803 : memref<1x125x64xf32, #tpu.memory_space<vmem>> -> memref<125x64xf32, #tpu.memory_space<vmem>>
      %dma_start3A_805 = arith.constant 0 : i32
      %dma_start3A_806 = tpu.memref_slice %arg7[%add3A_799, %dma_start3A_805] : memref<80x125xi32, #tpu.memory_space<vmem>> -> memref<1x125xi32, #tpu.memory_space<vmem>>
      %dma_start3A_807 = tpu.memref_squeeze %dma_start3A_806 : memref<1x125xi32, #tpu.memory_space<vmem>> -> memref<125xi32, #tpu.memory_space<vmem>>
      %dma_start3A_808 = arith.constant 0 : i32
      %dma_start3A_809 = arith.constant 0 : i32
      %dma_start3A_810 = tpu.memref_slice %arg2[%dma_start3A_808, %dma_start3A_809] : memref<10000x64xf32, #tpu.memory_space<hbm>> -> memref<10000x64xf32, #tpu.memory_space<hbm>>
      tpu.enqueue_indirect_dma source(%dma_start3A_810 : memref<10000x64xf32, #tpu.memory_space<hbm>>) target(%dma_start3A_804 : memref<125x64xf32, #tpu.memory_space<vmem>>) offsets(%dma_start3A_807 : memref<125xi32, #tpu.memory_space<vmem>>) semaphore(%arg17 : memref<!tpu.dma_semaphore, #tpu.memory_space<semaphore_mem>>)
      %add3A_811 = arith.constant 7 : i32
      %add3A_812 = arith.addi %mul3A_406, %add3A_811 : i32
      %dma_wait3A_813 = arith.constant 7 : i32
      %dma_wait3A_814 = arith.constant 0 : i32
      %dma_wait3A_815 = arith.constant 0 : i32
      %dma_wait3A_816 = tpu.memref_slice %arg9[%dma_wait3A_813, %dma_wait3A_814, %dma_wait3A_815] : memref<8x125x64xf32, #tpu.memory_space<vmem>> -> memref<1x125x64xf32, #tpu.memory_space<vmem>>
      %dma_wait3A_817 = tpu.memref_squeeze %dma_wait3A_816 : memref<1x125x64xf32, #tpu.memory_space<vmem>> -> memref<125x64xf32, #tpu.memory_space<vmem>>
      %dma_wait3A_818 = arith.constant 0 : i32
      %dma_wait3A_819 = tpu.memref_slice %arg8[%add3A_812, %dma_wait3A_818] : memref<80x125xi32, #tpu.memory_space<vmem>> -> memref<1x125xi32, #tpu.memory_space<vmem>>
      %dma_wait3A_820 = tpu.memref_squeeze %dma_wait3A_819 : memref<1x125xi32, #tpu.memory_space<vmem>> -> memref<125xi32, #tpu.memory_space<vmem>>
      %dma_wait3A_821 = arith.constant 0 : i32
      %dma_wait3A_822 = arith.constant 0 : i32
      %dma_wait3A_823 = tpu.memref_slice %arg10[%dma_wait3A_821, %dma_wait3A_822] : memref<10000x64xf32, #tpu.memory_space<vmem_shared>> -> memref<10000x64xf32, #tpu.memory_space<vmem_shared>>
      tpu.wait_indirect_dma semaphore(%arg26 : memref<!tpu.dma_semaphore, #tpu.memory_space<semaphore_mem>>) src(%dma_wait3A_817 : memref<125x64xf32, #tpu.memory_space<vmem>>) dst(%dma_wait3A_823 : memref<10000x64xf32, #tpu.memory_space<vmem_shared>>)
      %add3A_824 = arith.constant 8 : i32
      %add3A_825 = arith.addi %mul3A_406, %add3A_824 : i32
      %add3A_826 = arith.constant 7 : i32
      %add3A_827 = arith.addi %add3A_825, %add3A_826 : i32
      %dma_start3A_828 = arith.constant 7 : i32
      %dma_start3A_829 = arith.constant 0 : i32
      %dma_start3A_830 = arith.constant 0 : i32
      %dma_start3A_831 = tpu.memref_slice %arg9[%dma_start3A_828, %dma_start3A_829, %dma_start3A_830] : memref<8x125x64xf32, #tpu.memory_space<vmem>> -> memref<1x125x64xf32, #tpu.memory_space<vmem>>
      %dma_start3A_832 = tpu.memref_squeeze %dma_start3A_831 : memref<1x125x64xf32, #tpu.memory_space<vmem>> -> memref<125x64xf32, #tpu.memory_space<vmem>>
      %dma_start3A_833 = arith.constant 0 : i32
      %dma_start3A_834 = tpu.memref_slice %arg7[%add3A_827, %dma_start3A_833] : memref<80x125xi32, #tpu.memory_space<vmem>> -> memref<1x125xi32, #tpu.memory_space<vmem>>
      %dma_start3A_835 = tpu.memref_squeeze %dma_start3A_834 : memref<1x125xi32, #tpu.memory_space<vmem>> -> memref<125xi32, #tpu.memory_space<vmem>>
      %dma_start3A_836 = arith.constant 0 : i32
      %dma_start3A_837 = arith.constant 0 : i32
      %dma_start3A_838 = tpu.memref_slice %arg2[%dma_start3A_836, %dma_start3A_837] : memref<10000x64xf32, #tpu.memory_space<hbm>> -> memref<10000x64xf32, #tpu.memory_space<hbm>>
      tpu.enqueue_indirect_dma source(%dma_start3A_838 : memref<10000x64xf32, #tpu.memory_space<hbm>>) target(%dma_start3A_832 : memref<125x64xf32, #tpu.memory_space<vmem>>) offsets(%dma_start3A_835 : memref<125xi32, #tpu.memory_space<vmem>>) semaphore(%arg18 : memref<!tpu.dma_semaphore, #tpu.memory_space<semaphore_mem>>)
    }
    %scan3A_106 = arith.constant 9 : i32
    %dma_wait3A = arith.constant 72 : i32
    %dma_wait3A_107 = arith.constant 0 : i32
    %dma_wait3A_108 = arith.constant 0 : i32
    %dma_wait3A_109 = arith.constant 0 : i32
    %dma_wait3A_110 = tpu.memref_slice %arg9[%dma_wait3A_107, %dma_wait3A_108, %dma_wait3A_109] : memref<8x125x64xf32, #tpu.memory_space<vmem>> -> memref<1x125x64xf32, #tpu.memory_space<vmem>>
    %dma_wait3A_111 = tpu.memref_squeeze %dma_wait3A_110 : memref<1x125x64xf32, #tpu.memory_space<vmem>> -> memref<125x64xf32, #tpu.memory_space<vmem>>
    %dma_wait3A_112 = arith.constant 0 : i32
    %dma_wait3A_113 = tpu.memref_slice %arg7[%dma_wait3A, %dma_wait3A_112] : memref<80x125xi32, #tpu.memory_space<vmem>> -> memref<1x125xi32, #tpu.memory_space<vmem>>
    %dma_wait3A_114 = tpu.memref_squeeze %dma_wait3A_113 : memref<1x125xi32, #tpu.memory_space<vmem>> -> memref<125xi32, #tpu.memory_space<vmem>>
    %dma_wait3A_115 = arith.constant 0 : i32
    %dma_wait3A_116 = arith.constant 0 : i32
    %dma_wait3A_117 = tpu.memref_slice %arg2[%dma_wait3A_115, %dma_wait3A_116] : memref<10000x64xf32, #tpu.memory_space<hbm>> -> memref<10000x64xf32, #tpu.memory_space<hbm>>
    tpu.wait_indirect_dma semaphore(%arg11 : memref<!tpu.dma_semaphore, #tpu.memory_space<semaphore_mem>>) src(%dma_wait3A_117 : memref<10000x64xf32, #tpu.memory_space<hbm>>) dst(%dma_wait3A_111 : memref<125x64xf32, #tpu.memory_space<vmem>>)
    %dma_start3A_118 = arith.constant 0 : i32
    %dma_start3A_119 = arith.constant 72 : i32
    %dma_start3A_120 = arith.constant 0 : i32
    %dma_start3A_121 = arith.constant 0 : i32
    %dma_start3A_122 = tpu.memref_slice %arg9[%dma_start3A_118, %dma_start3A_120, %dma_start3A_121] : memref<8x125x64xf32, #tpu.memory_space<vmem>> -> memref<1x125x64xf32, #tpu.memory_space<vmem>>
    %dma_start3A_123 = tpu.memref_squeeze %dma_start3A_122 : memref<1x125x64xf32, #tpu.memory_space<vmem>> -> memref<125x64xf32, #tpu.memory_space<vmem>>
    %dma_start3A_124 = arith.constant 0 : i32
    %dma_start3A_125 = tpu.memref_slice %arg8[%dma_start3A_119, %dma_start3A_124] : memref<80x125xi32, #tpu.memory_space<vmem>> -> memref<1x125xi32, #tpu.memory_space<vmem>>
    %dma_start3A_126 = tpu.memref_squeeze %dma_start3A_125 : memref<1x125xi32, #tpu.memory_space<vmem>> -> memref<125xi32, #tpu.memory_space<vmem>>
    %dma_start3A_127 = arith.constant 0 : i32
    %dma_start3A_128 = arith.constant 0 : i32
    %dma_start3A_129 = tpu.memref_slice %arg10[%dma_start3A_127, %dma_start3A_128] : memref<10000x64xf32, #tpu.memory_space<vmem_shared>> -> memref<10000x64xf32, #tpu.memory_space<vmem_shared>>
    tpu.enqueue_indirect_dma source(%dma_start3A_123 : memref<125x64xf32, #tpu.memory_space<vmem>>) target(%dma_start3A_129 : memref<10000x64xf32, #tpu.memory_space<vmem_shared>>) offsets(%dma_start3A_126 : memref<125xi32, #tpu.memory_space<vmem>>) semaphore(%arg19 : memref<!tpu.dma_semaphore, #tpu.memory_space<semaphore_mem>>) {add = true}
    %dma_wait3A_130 = arith.constant 73 : i32
    %dma_wait3A_131 = arith.constant 1 : i32
    %dma_wait3A_132 = arith.constant 0 : i32
    %dma_wait3A_133 = arith.constant 0 : i32
    %dma_wait3A_134 = tpu.memref_slice %arg9[%dma_wait3A_131, %dma_wait3A_132, %dma_wait3A_133] : memref<8x125x64xf32, #tpu.memory_space<vmem>> -> memref<1x125x64xf32, #tpu.memory_space<vmem>>
    %dma_wait3A_135 = tpu.memref_squeeze %dma_wait3A_134 : memref<1x125x64xf32, #tpu.memory_space<vmem>> -> memref<125x64xf32, #tpu.memory_space<vmem>>
    %dma_wait3A_136 = arith.constant 0 : i32
    %dma_wait3A_137 = tpu.memref_slice %arg7[%dma_wait3A_130, %dma_wait3A_136] : memref<80x125xi32, #tpu.memory_space<vmem>> -> memref<1x125xi32, #tpu.memory_space<vmem>>
    %dma_wait3A_138 = tpu.memref_squeeze %dma_wait3A_137 : memref<1x125xi32, #tpu.memory_space<vmem>> -> memref<125xi32, #tpu.memory_space<vmem>>
    %dma_wait3A_139 = arith.constant 0 : i32
    %dma_wait3A_140 = arith.constant 0 : i32
    %dma_wait3A_141 = tpu.memref_slice %arg2[%dma_wait3A_139, %dma_wait3A_140] : memref<10000x64xf32, #tpu.memory_space<hbm>> -> memref<10000x64xf32, #tpu.memory_space<hbm>>
    tpu.wait_indirect_dma semaphore(%arg12 : memref<!tpu.dma_semaphore, #tpu.memory_space<semaphore_mem>>) src(%dma_wait3A_141 : memref<10000x64xf32, #tpu.memory_space<hbm>>) dst(%dma_wait3A_135 : memref<125x64xf32, #tpu.memory_space<vmem>>)
    %dma_start3A_142 = arith.constant 1 : i32
    %dma_start3A_143 = arith.constant 73 : i32
    %dma_start3A_144 = arith.constant 0 : i32
    %dma_start3A_145 = arith.constant 0 : i32
    %dma_start3A_146 = tpu.memref_slice %arg9[%dma_start3A_142, %dma_start3A_144, %dma_start3A_145] : memref<8x125x64xf32, #tpu.memory_space<vmem>> -> memref<1x125x64xf32, #tpu.memory_space<vmem>>
    %dma_start3A_147 = tpu.memref_squeeze %dma_start3A_146 : memref<1x125x64xf32, #tpu.memory_space<vmem>> -> memref<125x64xf32, #tpu.memory_space<vmem>>
    %dma_start3A_148 = arith.constant 0 : i32
    %dma_start3A_149 = tpu.memref_slice %arg8[%dma_start3A_143, %dma_start3A_148] : memref<80x125xi32, #tpu.memory_space<vmem>> -> memref<1x125xi32, #tpu.memory_space<vmem>>
    %dma_start3A_150 = tpu.memref_squeeze %dma_start3A_149 : memref<1x125xi32, #tpu.memory_space<vmem>> -> memref<125xi32, #tpu.memory_space<vmem>>
    %dma_start3A_151 = arith.constant 0 : i32
    %dma_start3A_152 = arith.constant 0 : i32
    %dma_start3A_153 = tpu.memref_slice %arg10[%dma_start3A_151, %dma_start3A_152] : memref<10000x64xf32, #tpu.memory_space<vmem_shared>> -> memref<10000x64xf32, #tpu.memory_space<vmem_shared>>
    tpu.enqueue_indirect_dma source(%dma_start3A_147 : memref<125x64xf32, #tpu.memory_space<vmem>>) target(%dma_start3A_153 : memref<10000x64xf32, #tpu.memory_space<vmem_shared>>) offsets(%dma_start3A_150 : memref<125xi32, #tpu.memory_space<vmem>>) semaphore(%arg20 : memref<!tpu.dma_semaphore, #tpu.memory_space<semaphore_mem>>) {add = true}
    %dma_wait3A_154 = arith.constant 74 : i32
    %dma_wait3A_155 = arith.constant 2 : i32
    %dma_wait3A_156 = arith.constant 0 : i32
    %dma_wait3A_157 = arith.constant 0 : i32
    %dma_wait3A_158 = tpu.memref_slice %arg9[%dma_wait3A_155, %dma_wait3A_156, %dma_wait3A_157] : memref<8x125x64xf32, #tpu.memory_space<vmem>> -> memref<1x125x64xf32, #tpu.memory_space<vmem>>
    %dma_wait3A_159 = tpu.memref_squeeze %dma_wait3A_158 : memref<1x125x64xf32, #tpu.memory_space<vmem>> -> memref<125x64xf32, #tpu.memory_space<vmem>>
    %dma_wait3A_160 = arith.constant 0 : i32
    %dma_wait3A_161 = tpu.memref_slice %arg7[%dma_wait3A_154, %dma_wait3A_160] : memref<80x125xi32, #tpu.memory_space<vmem>> -> memref<1x125xi32, #tpu.memory_space<vmem>>
    %dma_wait3A_162 = tpu.memref_squeeze %dma_wait3A_161 : memref<1x125xi32, #tpu.memory_space<vmem>> -> memref<125xi32, #tpu.memory_space<vmem>>
    %dma_wait3A_163 = arith.constant 0 : i32
    %dma_wait3A_164 = arith.constant 0 : i32
    %dma_wait3A_165 = tpu.memref_slice %arg2[%dma_wait3A_163, %dma_wait3A_164] : memref<10000x64xf32, #tpu.memory_space<hbm>> -> memref<10000x64xf32, #tpu.memory_space<hbm>>
    tpu.wait_indirect_dma semaphore(%arg13 : memref<!tpu.dma_semaphore, #tpu.memory_space<semaphore_mem>>) src(%dma_wait3A_165 : memref<10000x64xf32, #tpu.memory_space<hbm>>) dst(%dma_wait3A_159 : memref<125x64xf32, #tpu.memory_space<vmem>>)
    %dma_start3A_166 = arith.constant 2 : i32
    %dma_start3A_167 = arith.constant 74 : i32
    %dma_start3A_168 = arith.constant 0 : i32
    %dma_start3A_169 = arith.constant 0 : i32
    %dma_start3A_170 = tpu.memref_slice %arg9[%dma_start3A_166, %dma_start3A_168, %dma_start3A_169] : memref<8x125x64xf32, #tpu.memory_space<vmem>> -> memref<1x125x64xf32, #tpu.memory_space<vmem>>
    %dma_start3A_171 = tpu.memref_squeeze %dma_start3A_170 : memref<1x125x64xf32, #tpu.memory_space<vmem>> -> memref<125x64xf32, #tpu.memory_space<vmem>>
    %dma_start3A_172 = arith.constant 0 : i32
    %dma_start3A_173 = tpu.memref_slice %arg8[%dma_start3A_167, %dma_start3A_172] : memref<80x125xi32, #tpu.memory_space<vmem>> -> memref<1x125xi32, #tpu.memory_space<vmem>>
    %dma_start3A_174 = tpu.memref_squeeze %dma_start3A_173 : memref<1x125xi32, #tpu.memory_space<vmem>> -> memref<125xi32, #tpu.memory_space<vmem>>
    %dma_start3A_175 = arith.constant 0 : i32
    %dma_start3A_176 = arith.constant 0 : i32
    %dma_start3A_177 = tpu.memref_slice %arg10[%dma_start3A_175, %dma_start3A_176] : memref<10000x64xf32, #tpu.memory_space<vmem_shared>> -> memref<10000x64xf32, #tpu.memory_space<vmem_shared>>
    tpu.enqueue_indirect_dma source(%dma_start3A_171 : memref<125x64xf32, #tpu.memory_space<vmem>>) target(%dma_start3A_177 : memref<10000x64xf32, #tpu.memory_space<vmem_shared>>) offsets(%dma_start3A_174 : memref<125xi32, #tpu.memory_space<vmem>>) semaphore(%arg21 : memref<!tpu.dma_semaphore, #tpu.memory_space<semaphore_mem>>) {add = true}
    %dma_wait3A_178 = arith.constant 75 : i32
    %dma_wait3A_179 = arith.constant 3 : i32
    %dma_wait3A_180 = arith.constant 0 : i32
    %dma_wait3A_181 = arith.constant 0 : i32
    %dma_wait3A_182 = tpu.memref_slice %arg9[%dma_wait3A_179, %dma_wait3A_180, %dma_wait3A_181] : memref<8x125x64xf32, #tpu.memory_space<vmem>> -> memref<1x125x64xf32, #tpu.memory_space<vmem>>
    %dma_wait3A_183 = tpu.memref_squeeze %dma_wait3A_182 : memref<1x125x64xf32, #tpu.memory_space<vmem>> -> memref<125x64xf32, #tpu.memory_space<vmem>>
    %dma_wait3A_184 = arith.constant 0 : i32
    %dma_wait3A_185 = tpu.memref_slice %arg7[%dma_wait3A_178, %dma_wait3A_184] : memref<80x125xi32, #tpu.memory_space<vmem>> -> memref<1x125xi32, #tpu.memory_space<vmem>>
    %dma_wait3A_186 = tpu.memref_squeeze %dma_wait3A_185 : memref<1x125xi32, #tpu.memory_space<vmem>> -> memref<125xi32, #tpu.memory_space<vmem>>
    %dma_wait3A_187 = arith.constant 0 : i32
    %dma_wait3A_188 = arith.constant 0 : i32
    %dma_wait3A_189 = tpu.memref_slice %arg2[%dma_wait3A_187, %dma_wait3A_188] : memref<10000x64xf32, #tpu.memory_space<hbm>> -> memref<10000x64xf32, #tpu.memory_space<hbm>>
    tpu.wait_indirect_dma semaphore(%arg14 : memref<!tpu.dma_semaphore, #tpu.memory_space<semaphore_mem>>) src(%dma_wait3A_189 : memref<10000x64xf32, #tpu.memory_space<hbm>>) dst(%dma_wait3A_183 : memref<125x64xf32, #tpu.memory_space<vmem>>)
    %dma_start3A_190 = arith.constant 3 : i32
    %dma_start3A_191 = arith.constant 75 : i32
    %dma_start3A_192 = arith.constant 0 : i32
    %dma_start3A_193 = arith.constant 0 : i32
    %dma_start3A_194 = tpu.memref_slice %arg9[%dma_start3A_190, %dma_start3A_192, %dma_start3A_193] : memref<8x125x64xf32, #tpu.memory_space<vmem>> -> memref<1x125x64xf32, #tpu.memory_space<vmem>>
    %dma_start3A_195 = tpu.memref_squeeze %dma_start3A_194 : memref<1x125x64xf32, #tpu.memory_space<vmem>> -> memref<125x64xf32, #tpu.memory_space<vmem>>
    %dma_start3A_196 = arith.constant 0 : i32
    %dma_start3A_197 = tpu.memref_slice %arg8[%dma_start3A_191, %dma_start3A_196] : memref<80x125xi32, #tpu.memory_space<vmem>> -> memref<1x125xi32, #tpu.memory_space<vmem>>
    %dma_start3A_198 = tpu.memref_squeeze %dma_start3A_197 : memref<1x125xi32, #tpu.memory_space<vmem>> -> memref<125xi32, #tpu.memory_space<vmem>>
    %dma_start3A_199 = arith.constant 0 : i32
    %dma_start3A_200 = arith.constant 0 : i32
    %dma_start3A_201 = tpu.memref_slice %arg10[%dma_start3A_199, %dma_start3A_200] : memref<10000x64xf32, #tpu.memory_space<vmem_shared>> -> memref<10000x64xf32, #tpu.memory_space<vmem_shared>>
    tpu.enqueue_indirect_dma source(%dma_start3A_195 : memref<125x64xf32, #tpu.memory_space<vmem>>) target(%dma_start3A_201 : memref<10000x64xf32, #tpu.memory_space<vmem_shared>>) offsets(%dma_start3A_198 : memref<125xi32, #tpu.memory_space<vmem>>) semaphore(%arg22 : memref<!tpu.dma_semaphore, #tpu.memory_space<semaphore_mem>>) {add = true}
    %dma_wait3A_202 = arith.constant 76 : i32
    %dma_wait3A_203 = arith.constant 4 : i32
    %dma_wait3A_204 = arith.constant 0 : i32
    %dma_wait3A_205 = arith.constant 0 : i32
    %dma_wait3A_206 = tpu.memref_slice %arg9[%dma_wait3A_203, %dma_wait3A_204, %dma_wait3A_205] : memref<8x125x64xf32, #tpu.memory_space<vmem>> -> memref<1x125x64xf32, #tpu.memory_space<vmem>>
    %dma_wait3A_207 = tpu.memref_squeeze %dma_wait3A_206 : memref<1x125x64xf32, #tpu.memory_space<vmem>> -> memref<125x64xf32, #tpu.memory_space<vmem>>
    %dma_wait3A_208 = arith.constant 0 : i32
    %dma_wait3A_209 = tpu.memref_slice %arg7[%dma_wait3A_202, %dma_wait3A_208] : memref<80x125xi32, #tpu.memory_space<vmem>> -> memref<1x125xi32, #tpu.memory_space<vmem>>
    %dma_wait3A_210 = tpu.memref_squeeze %dma_wait3A_209 : memref<1x125xi32, #tpu.memory_space<vmem>> -> memref<125xi32, #tpu.memory_space<vmem>>
    %dma_wait3A_211 = arith.constant 0 : i32
    %dma_wait3A_212 = arith.constant 0 : i32
    %dma_wait3A_213 = tpu.memref_slice %arg2[%dma_wait3A_211, %dma_wait3A_212] : memref<10000x64xf32, #tpu.memory_space<hbm>> -> memref<10000x64xf32, #tpu.memory_space<hbm>>
    tpu.wait_indirect_dma semaphore(%arg15 : memref<!tpu.dma_semaphore, #tpu.memory_space<semaphore_mem>>) src(%dma_wait3A_213 : memref<10000x64xf32, #tpu.memory_space<hbm>>) dst(%dma_wait3A_207 : memref<125x64xf32, #tpu.memory_space<vmem>>)
    %dma_start3A_214 = arith.constant 4 : i32
    %dma_start3A_215 = arith.constant 76 : i32
    %dma_start3A_216 = arith.constant 0 : i32
    %dma_start3A_217 = arith.constant 0 : i32
    %dma_start3A_218 = tpu.memref_slice %arg9[%dma_start3A_214, %dma_start3A_216, %dma_start3A_217] : memref<8x125x64xf32, #tpu.memory_space<vmem>> -> memref<1x125x64xf32, #tpu.memory_space<vmem>>
    %dma_start3A_219 = tpu.memref_squeeze %dma_start3A_218 : memref<1x125x64xf32, #tpu.memory_space<vmem>> -> memref<125x64xf32, #tpu.memory_space<vmem>>
    %dma_start3A_220 = arith.constant 0 : i32
    %dma_start3A_221 = tpu.memref_slice %arg8[%dma_start3A_215, %dma_start3A_220] : memref<80x125xi32, #tpu.memory_space<vmem>> -> memref<1x125xi32, #tpu.memory_space<vmem>>
    %dma_start3A_222 = tpu.memref_squeeze %dma_start3A_221 : memref<1x125xi32, #tpu.memory_space<vmem>> -> memref<125xi32, #tpu.memory_space<vmem>>
    %dma_start3A_223 = arith.constant 0 : i32
    %dma_start3A_224 = arith.constant 0 : i32
    %dma_start3A_225 = tpu.memref_slice %arg10[%dma_start3A_223, %dma_start3A_224] : memref<10000x64xf32, #tpu.memory_space<vmem_shared>> -> memref<10000x64xf32, #tpu.memory_space<vmem_shared>>
    tpu.enqueue_indirect_dma source(%dma_start3A_219 : memref<125x64xf32, #tpu.memory_space<vmem>>) target(%dma_start3A_225 : memref<10000x64xf32, #tpu.memory_space<vmem_shared>>) offsets(%dma_start3A_222 : memref<125xi32, #tpu.memory_space<vmem>>) semaphore(%arg23 : memref<!tpu.dma_semaphore, #tpu.memory_space<semaphore_mem>>) {add = true}
    %dma_wait3A_226 = arith.constant 77 : i32
    %dma_wait3A_227 = arith.constant 5 : i32
    %dma_wait3A_228 = arith.constant 0 : i32
    %dma_wait3A_229 = arith.constant 0 : i32
    %dma_wait3A_230 = tpu.memref_slice %arg9[%dma_wait3A_227, %dma_wait3A_228, %dma_wait3A_229] : memref<8x125x64xf32, #tpu.memory_space<vmem>> -> memref<1x125x64xf32, #tpu.memory_space<vmem>>
    %dma_wait3A_231 = tpu.memref_squeeze %dma_wait3A_230 : memref<1x125x64xf32, #tpu.memory_space<vmem>> -> memref<125x64xf32, #tpu.memory_space<vmem>>
    %dma_wait3A_232 = arith.constant 0 : i32
    %dma_wait3A_233 = tpu.memref_slice %arg7[%dma_wait3A_226, %dma_wait3A_232] : memref<80x125xi32, #tpu.memory_space<vmem>> -> memref<1x125xi32, #tpu.memory_space<vmem>>
    %dma_wait3A_234 = tpu.memref_squeeze %dma_wait3A_233 : memref<1x125xi32, #tpu.memory_space<vmem>> -> memref<125xi32, #tpu.memory_space<vmem>>
    %dma_wait3A_235 = arith.constant 0 : i32
    %dma_wait3A_236 = arith.constant 0 : i32
    %dma_wait3A_237 = tpu.memref_slice %arg2[%dma_wait3A_235, %dma_wait3A_236] : memref<10000x64xf32, #tpu.memory_space<hbm>> -> memref<10000x64xf32, #tpu.memory_space<hbm>>
    tpu.wait_indirect_dma semaphore(%arg16 : memref<!tpu.dma_semaphore, #tpu.memory_space<semaphore_mem>>) src(%dma_wait3A_237 : memref<10000x64xf32, #tpu.memory_space<hbm>>) dst(%dma_wait3A_231 : memref<125x64xf32, #tpu.memory_space<vmem>>)
    %dma_start3A_238 = arith.constant 5 : i32
    %dma_start3A_239 = arith.constant 77 : i32
    %dma_start3A_240 = arith.constant 0 : i32
    %dma_start3A_241 = arith.constant 0 : i32
    %dma_start3A_242 = tpu.memref_slice %arg9[%dma_start3A_238, %dma_start3A_240, %dma_start3A_241] : memref<8x125x64xf32, #tpu.memory_space<vmem>> -> memref<1x125x64xf32, #tpu.memory_space<vmem>>
    %dma_start3A_243 = tpu.memref_squeeze %dma_start3A_242 : memref<1x125x64xf32, #tpu.memory_space<vmem>> -> memref<125x64xf32, #tpu.memory_space<vmem>>
    %dma_start3A_244 = arith.constant 0 : i32
    %dma_start3A_245 = tpu.memref_slice %arg8[%dma_start3A_239, %dma_start3A_244] : memref<80x125xi32, #tpu.memory_space<vmem>> -> memref<1x125xi32, #tpu.memory_space<vmem>>
    %dma_start3A_246 = tpu.memref_squeeze %dma_start3A_245 : memref<1x125xi32, #tpu.memory_space<vmem>> -> memref<125xi32, #tpu.memory_space<vmem>>
    %dma_start3A_247 = arith.constant 0 : i32
    %dma_start3A_248 = arith.constant 0 : i32
    %dma_start3A_249 = tpu.memref_slice %arg10[%dma_start3A_247, %dma_start3A_248] : memref<10000x64xf32, #tpu.memory_space<vmem_shared>> -> memref<10000x64xf32, #tpu.memory_space<vmem_shared>>
    tpu.enqueue_indirect_dma source(%dma_start3A_243 : memref<125x64xf32, #tpu.memory_space<vmem>>) target(%dma_start3A_249 : memref<10000x64xf32, #tpu.memory_space<vmem_shared>>) offsets(%dma_start3A_246 : memref<125xi32, #tpu.memory_space<vmem>>) semaphore(%arg24 : memref<!tpu.dma_semaphore, #tpu.memory_space<semaphore_mem>>) {add = true}
    %dma_wait3A_250 = arith.constant 78 : i32
    %dma_wait3A_251 = arith.constant 6 : i32
    %dma_wait3A_252 = arith.constant 0 : i32
    %dma_wait3A_253 = arith.constant 0 : i32
    %dma_wait3A_254 = tpu.memref_slice %arg9[%dma_wait3A_251, %dma_wait3A_252, %dma_wait3A_253] : memref<8x125x64xf32, #tpu.memory_space<vmem>> -> memref<1x125x64xf32, #tpu.memory_space<vmem>>
    %dma_wait3A_255 = tpu.memref_squeeze %dma_wait3A_254 : memref<1x125x64xf32, #tpu.memory_space<vmem>> -> memref<125x64xf32, #tpu.memory_space<vmem>>
    %dma_wait3A_256 = arith.constant 0 : i32
    %dma_wait3A_257 = tpu.memref_slice %arg7[%dma_wait3A_250, %dma_wait3A_256] : memref<80x125xi32, #tpu.memory_space<vmem>> -> memref<1x125xi32, #tpu.memory_space<vmem>>
    %dma_wait3A_258 = tpu.memref_squeeze %dma_wait3A_257 : memref<1x125xi32, #tpu.memory_space<vmem>> -> memref<125xi32, #tpu.memory_space<vmem>>
    %dma_wait3A_259 = arith.constant 0 : i32
    %dma_wait3A_260 = arith.constant 0 : i32
    %dma_wait3A_261 = tpu.memref_slice %arg2[%dma_wait3A_259, %dma_wait3A_260] : memref<10000x64xf32, #tpu.memory_space<hbm>> -> memref<10000x64xf32, #tpu.memory_space<hbm>>
    tpu.wait_indirect_dma semaphore(%arg17 : memref<!tpu.dma_semaphore, #tpu.memory_space<semaphore_mem>>) src(%dma_wait3A_261 : memref<10000x64xf32, #tpu.memory_space<hbm>>) dst(%dma_wait3A_255 : memref<125x64xf32, #tpu.memory_space<vmem>>)
    %dma_start3A_262 = arith.constant 6 : i32
    %dma_start3A_263 = arith.constant 78 : i32
    %dma_start3A_264 = arith.constant 0 : i32
    %dma_start3A_265 = arith.constant 0 : i32
    %dma_start3A_266 = tpu.memref_slice %arg9[%dma_start3A_262, %dma_start3A_264, %dma_start3A_265] : memref<8x125x64xf32, #tpu.memory_space<vmem>> -> memref<1x125x64xf32, #tpu.memory_space<vmem>>
    %dma_start3A_267 = tpu.memref_squeeze %dma_start3A_266 : memref<1x125x64xf32, #tpu.memory_space<vmem>> -> memref<125x64xf32, #tpu.memory_space<vmem>>
    %dma_start3A_268 = arith.constant 0 : i32
    %dma_start3A_269 = tpu.memref_slice %arg8[%dma_start3A_263, %dma_start3A_268] : memref<80x125xi32, #tpu.memory_space<vmem>> -> memref<1x125xi32, #tpu.memory_space<vmem>>
    %dma_start3A_270 = tpu.memref_squeeze %dma_start3A_269 : memref<1x125xi32, #tpu.memory_space<vmem>> -> memref<125xi32, #tpu.memory_space<vmem>>
    %dma_start3A_271 = arith.constant 0 : i32
    %dma_start3A_272 = arith.constant 0 : i32
    %dma_start3A_273 = tpu.memref_slice %arg10[%dma_start3A_271, %dma_start3A_272] : memref<10000x64xf32, #tpu.memory_space<vmem_shared>> -> memref<10000x64xf32, #tpu.memory_space<vmem_shared>>
    tpu.enqueue_indirect_dma source(%dma_start3A_267 : memref<125x64xf32, #tpu.memory_space<vmem>>) target(%dma_start3A_273 : memref<10000x64xf32, #tpu.memory_space<vmem_shared>>) offsets(%dma_start3A_270 : memref<125xi32, #tpu.memory_space<vmem>>) semaphore(%arg25 : memref<!tpu.dma_semaphore, #tpu.memory_space<semaphore_mem>>) {add = true}
    %dma_wait3A_274 = arith.constant 79 : i32
    %dma_wait3A_275 = arith.constant 7 : i32
    %dma_wait3A_276 = arith.constant 0 : i32
    %dma_wait3A_277 = arith.constant 0 : i32
    %dma_wait3A_278 = tpu.memref_slice %arg9[%dma_wait3A_275, %dma_wait3A_276, %dma_wait3A_277] : memref<8x125x64xf32, #tpu.memory_space<vmem>> -> memref<1x125x64xf32, #tpu.memory_space<vmem>>
    %dma_wait3A_279 = tpu.memref_squeeze %dma_wait3A_278 : memref<1x125x64xf32, #tpu.memory_space<vmem>> -> memref<125x64xf32, #tpu.memory_space<vmem>>
    %dma_wait3A_280 = arith.constant 0 : i32
    %dma_wait3A_281 = tpu.memref_slice %arg7[%dma_wait3A_274, %dma_wait3A_280] : memref<80x125xi32, #tpu.memory_space<vmem>> -> memref<1x125xi32, #tpu.memory_space<vmem>>
    %dma_wait3A_282 = tpu.memref_squeeze %dma_wait3A_281 : memref<1x125xi32, #tpu.memory_space<vmem>> -> memref<125xi32, #tpu.memory_space<vmem>>
    %dma_wait3A_283 = arith.constant 0 : i32
    %dma_wait3A_284 = arith.constant 0 : i32
    %dma_wait3A_285 = tpu.memref_slice %arg2[%dma_wait3A_283, %dma_wait3A_284] : memref<10000x64xf32, #tpu.memory_space<hbm>> -> memref<10000x64xf32, #tpu.memory_space<hbm>>
    tpu.wait_indirect_dma semaphore(%arg18 : memref<!tpu.dma_semaphore, #tpu.memory_space<semaphore_mem>>) src(%dma_wait3A_285 : memref<10000x64xf32, #tpu.memory_space<hbm>>) dst(%dma_wait3A_279 : memref<125x64xf32, #tpu.memory_space<vmem>>)
    %dma_start3A_286 = arith.constant 7 : i32
    %dma_start3A_287 = arith.constant 79 : i32
    %dma_start3A_288 = arith.constant 0 : i32
    %dma_start3A_289 = arith.constant 0 : i32
    %dma_start3A_290 = tpu.memref_slice %arg9[%dma_start3A_286, %dma_start3A_288, %dma_start3A_289] : memref<8x125x64xf32, #tpu.memory_space<vmem>> -> memref<1x125x64xf32, #tpu.memory_space<vmem>>
    %dma_start3A_291 = tpu.memref_squeeze %dma_start3A_290 : memref<1x125x64xf32, #tpu.memory_space<vmem>> -> memref<125x64xf32, #tpu.memory_space<vmem>>
    %dma_start3A_292 = arith.constant 0 : i32
    %dma_start3A_293 = tpu.memref_slice %arg8[%dma_start3A_287, %dma_start3A_292] : memref<80x125xi32, #tpu.memory_space<vmem>> -> memref<1x125xi32, #tpu.memory_space<vmem>>
    %dma_start3A_294 = tpu.memref_squeeze %dma_start3A_293 : memref<1x125xi32, #tpu.memory_space<vmem>> -> memref<125xi32, #tpu.memory_space<vmem>>
    %dma_start3A_295 = arith.constant 0 : i32
    %dma_start3A_296 = arith.constant 0 : i32
    %dma_start3A_297 = tpu.memref_slice %arg10[%dma_start3A_295, %dma_start3A_296] : memref<10000x64xf32, #tpu.memory_space<vmem_shared>> -> memref<10000x64xf32, #tpu.memory_space<vmem_shared>>
    tpu.enqueue_indirect_dma source(%dma_start3A_291 : memref<125x64xf32, #tpu.memory_space<vmem>>) target(%dma_start3A_297 : memref<10000x64xf32, #tpu.memory_space<vmem_shared>>) offsets(%dma_start3A_294 : memref<125xi32, #tpu.memory_space<vmem>>) semaphore(%arg26 : memref<!tpu.dma_semaphore, #tpu.memory_space<semaphore_mem>>) {add = true}
    %dma_wait3A_298 = arith.constant 0 : i32
    %dma_wait3A_299 = arith.constant 72 : i32
    %dma_wait3A_300 = arith.constant 0 : i32
    %dma_wait3A_301 = arith.constant 0 : i32
    %dma_wait3A_302 = tpu.memref_slice %arg9[%dma_wait3A_298, %dma_wait3A_300, %dma_wait3A_301] : memref<8x125x64xf32, #tpu.memory_space<vmem>> -> memref<1x125x64xf32, #tpu.memory_space<vmem>>
    %dma_wait3A_303 = tpu.memref_squeeze %dma_wait3A_302 : memref<1x125x64xf32, #tpu.memory_space<vmem>> -> memref<125x64xf32, #tpu.memory_space<vmem>>
    %dma_wait3A_304 = arith.constant 0 : i32
    %dma_wait3A_305 = tpu.memref_slice %arg8[%dma_wait3A_299, %dma_wait3A_304] : memref<80x125xi32, #tpu.memory_space<vmem>> -> memref<1x125xi32, #tpu.memory_space<vmem>>
    %dma_wait3A_306 = tpu.memref_squeeze %dma_wait3A_305 : memref<1x125xi32, #tpu.memory_space<vmem>> -> memref<125xi32, #tpu.memory_space<vmem>>
    %dma_wait3A_307 = arith.constant 0 : i32
    %dma_wait3A_308 = arith.constant 0 : i32
    %dma_wait3A_309 = tpu.memref_slice %arg10[%dma_wait3A_307, %dma_wait3A_308] : memref<10000x64xf32, #tpu.memory_space<vmem_shared>> -> memref<10000x64xf32, #tpu.memory_space<vmem_shared>>
    tpu.wait_indirect_dma semaphore(%arg19 : memref<!tpu.dma_semaphore, #tpu.memory_space<semaphore_mem>>) src(%dma_wait3A_303 : memref<125x64xf32, #tpu.memory_space<vmem>>) dst(%dma_wait3A_309 : memref<10000x64xf32, #tpu.memory_space<vmem_shared>>)
    %dma_wait3A_310 = arith.constant 1 : i32
    %dma_wait3A_311 = arith.constant 73 : i32
    %dma_wait3A_312 = arith.constant 0 : i32
    %dma_wait3A_313 = arith.constant 0 : i32
    %dma_wait3A_314 = tpu.memref_slice %arg9[%dma_wait3A_310, %dma_wait3A_312, %dma_wait3A_313] : memref<8x125x64xf32, #tpu.memory_space<vmem>> -> memref<1x125x64xf32, #tpu.memory_space<vmem>>
    %dma_wait3A_315 = tpu.memref_squeeze %dma_wait3A_314 : memref<1x125x64xf32, #tpu.memory_space<vmem>> -> memref<125x64xf32, #tpu.memory_space<vmem>>
    %dma_wait3A_316 = arith.constant 0 : i32
    %dma_wait3A_317 = tpu.memref_slice %arg8[%dma_wait3A_311, %dma_wait3A_316] : memref<80x125xi32, #tpu.memory_space<vmem>> -> memref<1x125xi32, #tpu.memory_space<vmem>>
    %dma_wait3A_318 = tpu.memref_squeeze %dma_wait3A_317 : memref<1x125xi32, #tpu.memory_space<vmem>> -> memref<125xi32, #tpu.memory_space<vmem>>
    %dma_wait3A_319 = arith.constant 0 : i32
    %dma_wait3A_320 = arith.constant 0 : i32
    %dma_wait3A_321 = tpu.memref_slice %arg10[%dma_wait3A_319, %dma_wait3A_320] : memref<10000x64xf32, #tpu.memory_space<vmem_shared>> -> memref<10000x64xf32, #tpu.memory_space<vmem_shared>>
    tpu.wait_indirect_dma semaphore(%arg20 : memref<!tpu.dma_semaphore, #tpu.memory_space<semaphore_mem>>) src(%dma_wait3A_315 : memref<125x64xf32, #tpu.memory_space<vmem>>) dst(%dma_wait3A_321 : memref<10000x64xf32, #tpu.memory_space<vmem_shared>>)
    %dma_wait3A_322 = arith.constant 2 : i32
    %dma_wait3A_323 = arith.constant 74 : i32
    %dma_wait3A_324 = arith.constant 0 : i32
    %dma_wait3A_325 = arith.constant 0 : i32
    %dma_wait3A_326 = tpu.memref_slice %arg9[%dma_wait3A_322, %dma_wait3A_324, %dma_wait3A_325] : memref<8x125x64xf32, #tpu.memory_space<vmem>> -> memref<1x125x64xf32, #tpu.memory_space<vmem>>
    %dma_wait3A_327 = tpu.memref_squeeze %dma_wait3A_326 : memref<1x125x64xf32, #tpu.memory_space<vmem>> -> memref<125x64xf32, #tpu.memory_space<vmem>>
    %dma_wait3A_328 = arith.constant 0 : i32
    %dma_wait3A_329 = tpu.memref_slice %arg8[%dma_wait3A_323, %dma_wait3A_328] : memref<80x125xi32, #tpu.memory_space<vmem>> -> memref<1x125xi32, #tpu.memory_space<vmem>>
    %dma_wait3A_330 = tpu.memref_squeeze %dma_wait3A_329 : memref<1x125xi32, #tpu.memory_space<vmem>> -> memref<125xi32, #tpu.memory_space<vmem>>
    %dma_wait3A_331 = arith.constant 0 : i32
    %dma_wait3A_332 = arith.constant 0 : i32
    %dma_wait3A_333 = tpu.memref_slice %arg10[%dma_wait3A_331, %dma_wait3A_332] : memref<10000x64xf32, #tpu.memory_space<vmem_shared>> -> memref<10000x64xf32, #tpu.memory_space<vmem_shared>>
    tpu.wait_indirect_dma semaphore(%arg21 : memref<!tpu.dma_semaphore, #tpu.memory_space<semaphore_mem>>) src(%dma_wait3A_327 : memref<125x64xf32, #tpu.memory_space<vmem>>) dst(%dma_wait3A_333 : memref<10000x64xf32, #tpu.memory_space<vmem_shared>>)
    %dma_wait3A_334 = arith.constant 3 : i32
    %dma_wait3A_335 = arith.constant 75 : i32
    %dma_wait3A_336 = arith.constant 0 : i32
    %dma_wait3A_337 = arith.constant 0 : i32
    %dma_wait3A_338 = tpu.memref_slice %arg9[%dma_wait3A_334, %dma_wait3A_336, %dma_wait3A_337] : memref<8x125x64xf32, #tpu.memory_space<vmem>> -> memref<1x125x64xf32, #tpu.memory_space<vmem>>
    %dma_wait3A_339 = tpu.memref_squeeze %dma_wait3A_338 : memref<1x125x64xf32, #tpu.memory_space<vmem>> -> memref<125x64xf32, #tpu.memory_space<vmem>>
    %dma_wait3A_340 = arith.constant 0 : i32
    %dma_wait3A_341 = tpu.memref_slice %arg8[%dma_wait3A_335, %dma_wait3A_340] : memref<80x125xi32, #tpu.memory_space<vmem>> -> memref<1x125xi32, #tpu.memory_space<vmem>>
    %dma_wait3A_342 = tpu.memref_squeeze %dma_wait3A_341 : memref<1x125xi32, #tpu.memory_space<vmem>> -> memref<125xi32, #tpu.memory_space<vmem>>
    %dma_wait3A_343 = arith.constant 0 : i32
    %dma_wait3A_344 = arith.constant 0 : i32
    %dma_wait3A_345 = tpu.memref_slice %arg10[%dma_wait3A_343, %dma_wait3A_344] : memref<10000x64xf32, #tpu.memory_space<vmem_shared>> -> memref<10000x64xf32, #tpu.memory_space<vmem_shared>>
    tpu.wait_indirect_dma semaphore(%arg22 : memref<!tpu.dma_semaphore, #tpu.memory_space<semaphore_mem>>) src(%dma_wait3A_339 : memref<125x64xf32, #tpu.memory_space<vmem>>) dst(%dma_wait3A_345 : memref<10000x64xf32, #tpu.memory_space<vmem_shared>>)
    %dma_wait3A_346 = arith.constant 4 : i32
    %dma_wait3A_347 = arith.constant 76 : i32
    %dma_wait3A_348 = arith.constant 0 : i32
    %dma_wait3A_349 = arith.constant 0 : i32
    %dma_wait3A_350 = tpu.memref_slice %arg9[%dma_wait3A_346, %dma_wait3A_348, %dma_wait3A_349] : memref<8x125x64xf32, #tpu.memory_space<vmem>> -> memref<1x125x64xf32, #tpu.memory_space<vmem>>
    %dma_wait3A_351 = tpu.memref_squeeze %dma_wait3A_350 : memref<1x125x64xf32, #tpu.memory_space<vmem>> -> memref<125x64xf32, #tpu.memory_space<vmem>>
    %dma_wait3A_352 = arith.constant 0 : i32
    %dma_wait3A_353 = tpu.memref_slice %arg8[%dma_wait3A_347, %dma_wait3A_352] : memref<80x125xi32, #tpu.memory_space<vmem>> -> memref<1x125xi32, #tpu.memory_space<vmem>>
    %dma_wait3A_354 = tpu.memref_squeeze %dma_wait3A_353 : memref<1x125xi32, #tpu.memory_space<vmem>> -> memref<125xi32, #tpu.memory_space<vmem>>
    %dma_wait3A_355 = arith.constant 0 : i32
    %dma_wait3A_356 = arith.constant 0 : i32
    %dma_wait3A_357 = tpu.memref_slice %arg10[%dma_wait3A_355, %dma_wait3A_356] : memref<10000x64xf32, #tpu.memory_space<vmem_shared>> -> memref<10000x64xf32, #tpu.memory_space<vmem_shared>>
    tpu.wait_indirect_dma semaphore(%arg23 : memref<!tpu.dma_semaphore, #tpu.memory_space<semaphore_mem>>) src(%dma_wait3A_351 : memref<125x64xf32, #tpu.memory_space<vmem>>) dst(%dma_wait3A_357 : memref<10000x64xf32, #tpu.memory_space<vmem_shared>>)
    %dma_wait3A_358 = arith.constant 5 : i32
    %dma_wait3A_359 = arith.constant 77 : i32
    %dma_wait3A_360 = arith.constant 0 : i32
    %dma_wait3A_361 = arith.constant 0 : i32
    %dma_wait3A_362 = tpu.memref_slice %arg9[%dma_wait3A_358, %dma_wait3A_360, %dma_wait3A_361] : memref<8x125x64xf32, #tpu.memory_space<vmem>> -> memref<1x125x64xf32, #tpu.memory_space<vmem>>
    %dma_wait3A_363 = tpu.memref_squeeze %dma_wait3A_362 : memref<1x125x64xf32, #tpu.memory_space<vmem>> -> memref<125x64xf32, #tpu.memory_space<vmem>>
    %dma_wait3A_364 = arith.constant 0 : i32
    %dma_wait3A_365 = tpu.memref_slice %arg8[%dma_wait3A_359, %dma_wait3A_364] : memref<80x125xi32, #tpu.memory_space<vmem>> -> memref<1x125xi32, #tpu.memory_space<vmem>>
    %dma_wait3A_366 = tpu.memref_squeeze %dma_wait3A_365 : memref<1x125xi32, #tpu.memory_space<vmem>> -> memref<125xi32, #tpu.memory_space<vmem>>
    %dma_wait3A_367 = arith.constant 0 : i32
    %dma_wait3A_368 = arith.constant 0 : i32
    %dma_wait3A_369 = tpu.memref_slice %arg10[%dma_wait3A_367, %dma_wait3A_368] : memref<10000x64xf32, #tpu.memory_space<vmem_shared>> -> memref<10000x64xf32, #tpu.memory_space<vmem_shared>>
    tpu.wait_indirect_dma semaphore(%arg24 : memref<!tpu.dma_semaphore, #tpu.memory_space<semaphore_mem>>) src(%dma_wait3A_363 : memref<125x64xf32, #tpu.memory_space<vmem>>) dst(%dma_wait3A_369 : memref<10000x64xf32, #tpu.memory_space<vmem_shared>>)
    %dma_wait3A_370 = arith.constant 6 : i32
    %dma_wait3A_371 = arith.constant 78 : i32
    %dma_wait3A_372 = arith.constant 0 : i32
    %dma_wait3A_373 = arith.constant 0 : i32
    %dma_wait3A_374 = tpu.memref_slice %arg9[%dma_wait3A_370, %dma_wait3A_372, %dma_wait3A_373] : memref<8x125x64xf32, #tpu.memory_space<vmem>> -> memref<1x125x64xf32, #tpu.memory_space<vmem>>
    %dma_wait3A_375 = tpu.memref_squeeze %dma_wait3A_374 : memref<1x125x64xf32, #tpu.memory_space<vmem>> -> memref<125x64xf32, #tpu.memory_space<vmem>>
    %dma_wait3A_376 = arith.constant 0 : i32
    %dma_wait3A_377 = tpu.memref_slice %arg8[%dma_wait3A_371, %dma_wait3A_376] : memref<80x125xi32, #tpu.memory_space<vmem>> -> memref<1x125xi32, #tpu.memory_space<vmem>>
    %dma_wait3A_378 = tpu.memref_squeeze %dma_wait3A_377 : memref<1x125xi32, #tpu.memory_space<vmem>> -> memref<125xi32, #tpu.memory_space<vmem>>
    %dma_wait3A_379 = arith.constant 0 : i32
    %dma_wait3A_380 = arith.constant 0 : i32
    %dma_wait3A_381 = tpu.memref_slice %arg10[%dma_wait3A_379, %dma_wait3A_380] : memref<10000x64xf32, #tpu.memory_space<vmem_shared>> -> memref<10000x64xf32, #tpu.memory_space<vmem_shared>>
    tpu.wait_indirect_dma semaphore(%arg25 : memref<!tpu.dma_semaphore, #tpu.memory_space<semaphore_mem>>) src(%dma_wait3A_375 : memref<125x64xf32, #tpu.memory_space<vmem>>) dst(%dma_wait3A_381 : memref<10000x64xf32, #tpu.memory_space<vmem_shared>>)
    %dma_wait3A_382 = arith.constant 7 : i32
    %dma_wait3A_383 = arith.constant 79 : i32
    %dma_wait3A_384 = arith.constant 0 : i32
    %dma_wait3A_385 = arith.constant 0 : i32
    %dma_wait3A_386 = tpu.memref_slice %arg9[%dma_wait3A_382, %dma_wait3A_384, %dma_wait3A_385] : memref<8x125x64xf32, #tpu.memory_space<vmem>> -> memref<1x125x64xf32, #tpu.memory_space<vmem>>
    %dma_wait3A_387 = tpu.memref_squeeze %dma_wait3A_386 : memref<1x125x64xf32, #tpu.memory_space<vmem>> -> memref<125x64xf32, #tpu.memory_space<vmem>>
    %dma_wait3A_388 = arith.constant 0 : i32
    %dma_wait3A_389 = tpu.memref_slice %arg8[%dma_wait3A_383, %dma_wait3A_388] : memref<80x125xi32, #tpu.memory_space<vmem>> -> memref<1x125xi32, #tpu.memory_space<vmem>>
    %dma_wait3A_390 = tpu.memref_squeeze %dma_wait3A_389 : memref<1x125xi32, #tpu.memory_space<vmem>> -> memref<125xi32, #tpu.memory_space<vmem>>
    %dma_wait3A_391 = arith.constant 0 : i32
    %dma_wait3A_392 = arith.constant 0 : i32
    %dma_wait3A_393 = tpu.memref_slice %arg10[%dma_wait3A_391, %dma_wait3A_392] : memref<10000x64xf32, #tpu.memory_space<vmem_shared>> -> memref<10000x64xf32, #tpu.memory_space<vmem_shared>>
    tpu.wait_indirect_dma semaphore(%arg26 : memref<!tpu.dma_semaphore, #tpu.memory_space<semaphore_mem>>) src(%dma_wait3A_387 : memref<125x64xf32, #tpu.memory_space<vmem>>) dst(%dma_wait3A_393 : memref<10000x64xf32, #tpu.memory_space<vmem_shared>>)
    %barrier3A_394 = arith.constant 0 : index
    tpu.barrier barrier_id(%barrier3A_394)
    %mul3A_395 = arith.constant 624 : i32
    %mul3A_396 = arith.muli %arg1, %mul3A_395 : i32
    %mul3A_397 = arith.constant 624 : i32
    %mul3A_398 = arith.muli %arg1, %mul3A_397 : i32
    "tpu.region"() ({
      %run_scoped3A = tpu.sem_alloc : memref<!tpu.dma_semaphore, #tpu.memory_space<semaphore_mem>>
      %dma_start3A_404 = arith.constant 0 : i32
      %dma_start3A_405 = tpu.memref_slice %arg6[%arg0, %mul3A_398, %dma_start3A_404] : memref<2x10000x64xf32, #tpu.memory_space<hbm>> -> memref<1x624x64xf32, #tpu.memory_space<hbm>>
      %dma_start3A_406 = tpu.memref_squeeze %dma_start3A_405 : memref<1x624x64xf32, #tpu.memory_space<hbm>> -> memref<624x64xf32, #tpu.memory_space<hbm>>
      %dma_start3A_407 = arith.constant 0 : i32
      %dma_start3A_408 = tpu.memref_slice %arg10[%mul3A_396, %dma_start3A_407] : memref<10000x64xf32, #tpu.memory_space<vmem_shared>> -> memref<624x64xf32, #tpu.memory_space<vmem_shared>>
      tpu.enqueue_dma source(%dma_start3A_408 : memref<624x64xf32, #tpu.memory_space<vmem_shared>>) target(%dma_start3A_406 : memref<624x64xf32, #tpu.memory_space<hbm>>) target_semaphore(%run_scoped3A : memref<!tpu.dma_semaphore, #tpu.memory_space<semaphore_mem>>)
      %dma_wait3A_409 = arith.constant 0 : i32
      %dma_wait3A_410 = tpu.memref_slice %arg6[%arg0, %mul3A_398, %dma_wait3A_409] : memref<2x10000x64xf32, #tpu.memory_space<hbm>> -> memref<1x624x64xf32, #tpu.memory_space<hbm>>
      %dma_wait3A_411 = tpu.memref_squeeze %dma_wait3A_410 : memref<1x624x64xf32, #tpu.memory_space<hbm>> -> memref<624x64xf32, #tpu.memory_space<hbm>>
      %dma_wait3A_412 = arith.constant 0 : i32
      %dma_wait3A_413 = tpu.memref_slice %arg10[%mul3A_396, %dma_wait3A_412] : memref<10000x64xf32, #tpu.memory_space<vmem_shared>> -> memref<624x64xf32, #tpu.memory_space<vmem_shared>>
      tpu.wait_dma2 semaphore(%run_scoped3A : memref<!tpu.dma_semaphore, #tpu.memory_space<semaphore_mem>>) src(%dma_wait3A_413 : memref<624x64xf32, #tpu.memory_space<vmem_shared>>) dst(%dma_wait3A_411 : memref<624x64xf32, #tpu.memory_space<hbm>>)
      tpu.yield
    }) : () -> ()
    %eq3A_399 = arith.constant 15 : i32
    %eq3A_400 = arith.cmpi eq, %arg1, %eq3A_399 : i32
    %convert_element_type3A_401 = arith.extui %eq3A_400 : i1 to i32
    %cond3A_402 = arith.constant 0 : i32
    %cond3A_403 = arith.cmpi ne, %convert_element_type3A_401, %cond3A_402 : i32
    scf.if %cond3A_403 {
      "tpu.region"() ({
        %run_scoped3A = tpu.sem_alloc : memref<!tpu.dma_semaphore, #tpu.memory_space<semaphore_mem>>
        %dma_start3A_404 = arith.constant 9984 : i32
        %dma_start3A_405 = arith.constant 0 : i32
        %dma_start3A_406 = tpu.memref_slice %arg6[%arg0, %dma_start3A_404, %dma_start3A_405] : memref<2x10000x64xf32, #tpu.memory_space<hbm>> -> memref<1x16x64xf32, #tpu.memory_space<hbm>>
        %dma_start3A_407 = tpu.memref_squeeze %dma_start3A_406 : memref<1x16x64xf32, #tpu.memory_space<hbm>> -> memref<16x64xf32, #tpu.memory_space<hbm>>
        %dma_start3A_408 = arith.constant 9984 : i32
        %dma_start3A_409 = arith.constant 0 : i32
        %dma_start3A_410 = tpu.memref_slice %arg10[%dma_start3A_408, %dma_start3A_409] : memref<10000x64xf32, #tpu.memory_space<vmem_shared>> -> memref<16x64xf32, #tpu.memory_space<vmem_shared>>
        tpu.enqueue_dma source(%dma_start3A_410 : memref<16x64xf32, #tpu.memory_space<vmem_shared>>) target(%dma_start3A_407 : memref<16x64xf32, #tpu.memory_space<hbm>>) target_semaphore(%run_scoped3A : memref<!tpu.dma_semaphore, #tpu.memory_space<semaphore_mem>>)
        %dma_wait3A_411 = arith.constant 9984 : i32
        %dma_wait3A_412 = arith.constant 0 : i32
        %dma_wait3A_413 = tpu.memref_slice %arg6[%arg0, %dma_wait3A_411, %dma_wait3A_412] : memref<2x10000x64xf32, #tpu.memory_space<hbm>> -> memref<1x16x64xf32, #tpu.memory_space<hbm>>
        %dma_wait3A_414 = tpu.memref_squeeze %dma_wait3A_413 : memref<1x16x64xf32, #tpu.memory_space<hbm>> -> memref<16x64xf32, #tpu.memory_space<hbm>>
        %dma_wait3A_415 = arith.constant 9984 : i32
        %dma_wait3A_416 = arith.constant 0 : i32
        %dma_wait3A_417 = tpu.memref_slice %arg10[%dma_wait3A_415, %dma_wait3A_416] : memref<10000x64xf32, #tpu.memory_space<vmem_shared>> -> memref<16x64xf32, #tpu.memory_space<vmem_shared>>
        tpu.wait_dma2 semaphore(%run_scoped3A : memref<!tpu.dma_semaphore, #tpu.memory_space<semaphore_mem>>) src(%dma_wait3A_417 : memref<16x64xf32, #tpu.memory_space<vmem_shared>>) dst(%dma_wait3A_414 : memref<16x64xf32, #tpu.memory_space<hbm>>)
        tpu.yield
      }) : () -> ()
    } else {
    }
    return
  }
}

module attributes {stable_mosaic.version = 14 : i64} {
  func.func @_tc_phase_a(%arg0: memref<5000x256xf32, #tpu.memory_space<vmem>>, %arg1: memref<256x128xf32, #tpu.memory_space<vmem>>, %arg2: memref<5000x128xf32, #tpu.memory_space<vmem>>, %arg3: memref<5000x128xf32, #tpu.memory_space<vmem>>) attributes {dimension_semantics = [], scalar_prefetch = 0 : i64, scratch_operands = 0 : i64, tpu.core_type = #tpu.core_type<tc>} {
    %get3A = arith.constant 0 : index
    %get3A_0 = arith.constant 0 : index
    %get3A_1 = vector.load %arg0[%get3A, %get3A_0] : memref<5000x256xf32, #tpu.memory_space<vmem>>, vector<5000x256xf32>
    %get3A_2 = arith.constant 0 : index
    %get3A_3 = arith.constant 0 : index
    %get3A_4 = vector.load %arg1[%get3A_2, %get3A_3] : memref<256x128xf32, #tpu.memory_space<vmem>>, vector<256x128xf32>
    %dot_general3A = arith.constant dense<0.000000e+00> : vector<5000x128xf32>
    %dot_general3A_5 = tpu.matmul %get3A_1, %get3A_4, %dot_general3A {dimension_numbers = #tpu.dot_dimension_numbers<[1], [0], [0], [1], [0, 0, 1, 1], [], []>, transpose_lhs_hint = false} : vector<5000x256xf32>, vector<256x128xf32>, vector<5000x128xf32> -> vector<5000x128xf32>
    %get3A_6 = arith.constant 0 : index
    %get3A_7 = arith.constant 0 : index
    %get3A_8 = vector.load %arg2[%get3A_6, %get3A_7] : memref<5000x128xf32, #tpu.memory_space<vmem>>, vector<5000x128xf32>
    %mul3A = arith.mulf %dot_general3A_5, %get3A_8 : vector<5000x128xf32>
    %swap3A = arith.constant 0 : index
    %swap3A_9 = arith.constant 0 : index
    %swap3A_10 = vector.load %arg3[%swap3A, %swap3A_9] : memref<5000x128xf32, #tpu.memory_space<vmem>>, vector<5000x128xf32>
    tpu.vector_store %arg3[%swap3A, %swap3A_9], %mul3A {strides = array<i32>} : memref<5000x128xf32, #tpu.memory_space<vmem>>, vector<5000x128xf32>,
    return
  }
}

module attributes {stable_mosaic.version = 14 : i64} {
  func.func @_tc_phase_b(%arg0: memref<2x5000x128xf32, #tpu.memory_space<vmem>>, %arg1: memref<5000x128xf32, #tpu.memory_space<vmem>>, %arg2: memref<5000x128xf32, #tpu.memory_space<vmem>>, %arg3: memref<1x128xf32, #tpu.memory_space<vmem>>, %arg4: memref<128x128xf32, #tpu.memory_space<vmem>>, %arg5: memref<5000x128xf32, #tpu.memory_space<vmem>>) attributes {dimension_semantics = [], scalar_prefetch = 0 : i64, scratch_operands = 0 : i64, tpu.core_type = #tpu.core_type<tc>} {
    %get3A = arith.constant 0 : index
    %get3A_0 = arith.constant 0 : index
    %get3A_1 = vector.load %arg2[%get3A, %get3A_0] : memref<5000x128xf32, #tpu.memory_space<vmem>>, vector<5000x128xf32>
    %get3A_2 = arith.constant 0 : index
    %get3A_3 = arith.constant 0 : index
    %get3A_4 = arith.constant 0 : index
    %get3A_5 = vector.load %arg0[%get3A_2, %get3A_3, %get3A_4] : memref<2x5000x128xf32, #tpu.memory_space<vmem>>, vector<1x5000x128xf32>
    %get3A_6 = vector.shape_cast %get3A_5 : vector<1x5000x128xf32> to vector<5000x128xf32>
    %get3A_7 = arith.constant 1 : index
    %get3A_8 = arith.constant 0 : index
    %get3A_9 = arith.constant 0 : index
    %get3A_10 = vector.load %arg0[%get3A_7, %get3A_8, %get3A_9] : memref<2x5000x128xf32, #tpu.memory_space<vmem>>, vector<1x5000x128xf32>
    %get3A_11 = vector.shape_cast %get3A_10 : vector<1x5000x128xf32> to vector<5000x128xf32>
    %add3A = arith.addf %get3A_6, %get3A_11 : vector<5000x128xf32>
    %get3A_12 = arith.constant 0 : index
    %get3A_13 = arith.constant 0 : index
    %get3A_14 = vector.load %arg1[%get3A_12, %get3A_13] : memref<5000x128xf32, #tpu.memory_space<vmem>>, vector<5000x128xf32>
    %add3A_15 = arith.addf %add3A, %get3A_14 : vector<5000x128xf32>
    %mul3A = arith.mulf %get3A_1, %add3A_15 : vector<5000x128xf32>
    %get3A_16 = arith.constant 0 : index
    %get3A_17 = arith.constant 0 : index
    %get3A_18 = vector.load %arg3[%get3A_16, %get3A_17] : memref<1x128xf32, #tpu.memory_space<vmem>>, vector<1x128xf32>
    %add3A_19 = vector.broadcast %get3A_18 : vector<1x128xf32> to vector<5000x128xf32>
    %add3A_20 = arith.addf %mul3A, %add3A_19 : vector<5000x128xf32>
    %max3A = arith.constant 0.000000e+00 : f32
    %max3A_21 = vector.broadcast %max3A : f32 to vector<5000x128xf32>
    %max3A_22 = arith.maximumf %add3A_20, %max3A_21 : vector<5000x128xf32>
    %get3A_23 = arith.constant 0 : index
    %get3A_24 = arith.constant 0 : index
    %get3A_25 = vector.load %arg4[%get3A_23, %get3A_24] : memref<128x128xf32, #tpu.memory_space<vmem>>, vector<128x128xf32>
    %dot_general3A = arith.constant dense<0.000000e+00> : vector<5000x128xf32>
    %dot_general3A_26 = tpu.matmul %max3A_22, %get3A_25, %dot_general3A {dimension_numbers = #tpu.dot_dimension_numbers<[1], [0], [0], [1], [0, 0, 1, 1], [], []>, transpose_lhs_hint = false} : vector<5000x128xf32>, vector<128x128xf32>, vector<5000x128xf32> -> vector<5000x128xf32>
    %mul3A_27 = arith.mulf %dot_general3A_26, %get3A_1 : vector<5000x128xf32>
    %swap3A = arith.constant 0 : index
    %swap3A_28 = arith.constant 0 : index
    %swap3A_29 = vector.load %arg5[%swap3A, %swap3A_28] : memref<5000x128xf32, #tpu.memory_space<vmem>>, vector<5000x128xf32>
    tpu.vector_store %arg5[%swap3A, %swap3A_28], %mul3A_27 {strides = array<i32>} : memref<5000x128xf32, #tpu.memory_space<vmem>>, vector<5000x128xf32>,
    return
  }
}

module attributes {stable_mosaic.version = 14 : i64} {
  func.func @_tc_phase_c(%arg0: memref<2x5000x128xf32, #tpu.memory_space<vmem>>, %arg1: memref<5000x128xf32, #tpu.memory_space<vmem>>, %arg2: memref<5000x128xf32, #tpu.memory_space<vmem>>, %arg3: memref<1x128xf32, #tpu.memory_space<vmem>>, %arg4: memref<128x2xf32, #tpu.memory_space<vmem>>, %arg5: memref<1x2xf32, #tpu.memory_space<vmem>>, %arg6: memref<5000x2xf32, #tpu.memory_space<vmem>>) attributes {dimension_semantics = [], scalar_prefetch = 0 : i64, scratch_operands = 0 : i64, tpu.core_type = #tpu.core_type<tc>} {
    %get3A = arith.constant 0 : index
    %get3A_0 = arith.constant 0 : index
    %get3A_1 = vector.load %arg2[%get3A, %get3A_0] : memref<5000x128xf32, #tpu.memory_space<vmem>>, vector<5000x128xf32>
    %get3A_2 = arith.constant 0 : index
    %get3A_3 = arith.constant 0 : index
    %get3A_4 = arith.constant 0 : index
    %get3A_5 = vector.load %arg0[%get3A_2, %get3A_3, %get3A_4] : memref<2x5000x128xf32, #tpu.memory_space<vmem>>, vector<1x5000x128xf32>
    %get3A_6 = vector.shape_cast %get3A_5 : vector<1x5000x128xf32> to vector<5000x128xf32>
    %get3A_7 = arith.constant 1 : index
    %get3A_8 = arith.constant 0 : index
    %get3A_9 = arith.constant 0 : index
    %get3A_10 = vector.load %arg0[%get3A_7, %get3A_8, %get3A_9] : memref<2x5000x128xf32, #tpu.memory_space<vmem>>, vector<1x5000x128xf32>
    %get3A_11 = vector.shape_cast %get3A_10 : vector<1x5000x128xf32> to vector<5000x128xf32>
    %add3A = arith.addf %get3A_6, %get3A_11 : vector<5000x128xf32>
    %get3A_12 = arith.constant 0 : index
    %get3A_13 = arith.constant 0 : index
    %get3A_14 = vector.load %arg1[%get3A_12, %get3A_13] : memref<5000x128xf32, #tpu.memory_space<vmem>>, vector<5000x128xf32>
    %add3A_15 = arith.addf %add3A, %get3A_14 : vector<5000x128xf32>
    %mul3A = arith.mulf %get3A_1, %add3A_15 : vector<5000x128xf32>
    %get3A_16 = arith.constant 0 : index
    %get3A_17 = arith.constant 0 : index
    %get3A_18 = vector.load %arg3[%get3A_16, %get3A_17] : memref<1x128xf32, #tpu.memory_space<vmem>>, vector<1x128xf32>
    %add3A_19 = vector.broadcast %get3A_18 : vector<1x128xf32> to vector<5000x128xf32>
    %add3A_20 = arith.addf %mul3A, %add3A_19 : vector<5000x128xf32>
    %max3A = arith.constant 0.000000e+00 : f32
    %max3A_21 = vector.broadcast %max3A : f32 to vector<5000x128xf32>
    %max3A_22 = arith.maximumf %add3A_20, %max3A_21 : vector<5000x128xf32>
    %get3A_23 = arith.constant 0 : index
    %get3A_24 = arith.constant 0 : index
    %get3A_25 = vector.load %arg4[%get3A_23, %get3A_24] : memref<128x2xf32, #tpu.memory_space<vmem>>, vector<128x2xf32>
    %dot_general3A = arith.constant dense<0.000000e+00> : vector<5000x2xf32>
    %dot_general3A_26 = tpu.matmul %max3A_22, %get3A_25, %dot_general3A {dimension_numbers = #tpu.dot_dimension_numbers<[1], [0], [0], [1], [0, 0, 1, 1], [], []>, transpose_lhs_hint = false} : vector<5000x128xf32>, vector<128x2xf32>, vector<5000x2xf32> -> vector<5000x2xf32>
    %get3A_27 = arith.constant 0 : index
    %get3A_28 = arith.constant 0 : index
    %get3A_29 = vector.load %arg5[%get3A_27, %get3A_28] : memref<1x2xf32, #tpu.memory_space<vmem>>, vector<1x2xf32>
    %add3A_30 = vector.broadcast %get3A_29 : vector<1x2xf32> to vector<5000x2xf32>
    %add3A_31 = arith.addf %dot_general3A_26, %add3A_30 : vector<5000x2xf32>
    %swap3A = arith.constant 0 : index
    %swap3A_32 = arith.constant 0 : index
    %swap3A_33 = vector.load %arg6[%swap3A, %swap3A_32] : memref<5000x2xf32, #tpu.memory_space<vmem>>, vector<5000x2xf32>
    tpu.vector_store %arg6[%swap3A, %swap3A_32], %add3A_31 {strides = array<i32>} : memref<5000x2xf32, #tpu.memory_space<vmem>>, vector<5000x2xf32>,
    return
  }
}

</mosaic_0001>

<sc_bundles>
// kernel: kernel.11.cloned.1.call-start
scs
__scs_entry_jumppad:
0x0: {  	(pc) =	sbr.rel $0x88, $3  }
0x1: {  	(tag) =	ssettag $0x0;
	lr =	simm.s32 $0x1  }
0x2: {  	[smem:$0x3F99] =	sst lr;
	_ =	strace $0xD0000000  }
0x3: {  	_ = 	snop  }
0x4: {  	_ = 	snop  }
0x5: {  	_ = 	snop  }
0x6: {  	_ = 	snop  }
0x7: {  	_ = 	snop  }
__scs_overlays_trampoline_lowered:
0x8: {  	[smem:$0x3FA8] =	sst s0  }
0x9: {  	[smem:$0x3FA9] =	sst s1  }
0xa: {  	[smem:$0x3FAA] =	sst s2  }
0xb: {  	[smem:$0x3FAB] =	sst s3  }
0xc: {  	[smem:$0x3FAC] =	sst s4  }
0xd: {  	[smem:$0x3FAD] =	sst s5  }
0xe: {  	[smem:$0x3FAE] =	sst s6  }
0xf: {  	[smem:$0x3FAF] =	sst s7  }
0x10: {  	[smem:$0x3FB0] =	sst s8  }
0x11: {  	[smem:$0x3FB1] =	sst s9;
	s0 =	simm.s32 @!p0 $0x0  }
0x12: {  	s1 =	sld [smem:$0x3F97];
	s0 =	simm.s32 @p0 $0x1  }
0x13: {  	[smem:$0x3FB2] =	sst s0;
	s0 =	simm.s32 @!p1 $0x0  }
0x14: {  	s2 =	sld [smem:$0x3F96];
	s0 =	simm.s32 @p1 $0x1  }
0x15: {  	[smem:$0x3FB3] =	sst s0;
	s0 =	simm.s32 @!p2 $0x0  }
0x16: {  	s3 =	sld [smem:$0x3FDB];
	s0 =	simm.s32 @p2 $0x1  }
0x17: {  	s4 =	simm.s32 $0x1BF5;
	[smem:$0x3FB5] =	sst s0  }
0x18: {  	s0 =	sld [smem:$0x3F98];
	_ =	swait.ge [sflag:s4], $0x0  }
0x19: {  	s7 =	sld [smem:$0x3F99]  }
0x1a: {  	s8 =	sadd.s32 $0xFFFFE003, lr  }
0x1b: {  	s9 =	sadd.s32 $0xFFFFFEF7, lr;
	s5 =	simm.s32 $0xFFFFFFFF;
	p2 =	slt.u32 s8, $0xFFFFF086  }
0x1c: {  	p1 =	slt.u32 s9, $0xF7A;
	s5 =	simm.s32 @!p2 $0x0  }
0x1d: {  	s5 =	simm.s32 @p1 $0x1;
	p0 =	seq.s32 s7, s2  }
0x1e: {  	s7 =	smul.u32 @!p0 $0xF7A, s2;
	p2 =	seq.s32 @!p0 s5, $0x0  }
0x1f: {  	s9 =	smul.u32 $0xF7A, s1;
	s8 =	simm.s32 @!p0 $0x1BF5;
	p2 =	por !p2, p0  }
0x20: {  	[sflag:s8] =	ssyncset.s32 @!p0 $0xFFFFF086;
	s6 =	sadd.s32 @!p0 s3, s7;
	s7 =	simm.s32 @!p0 $0x108  }
0x21: {  	s3 =	sadd.s32 s3, s9;
	s6 =	sadd.s32 @!p0 $0x88, s6;
	s7 =	simm.s32 @p2 $0x1082  }
0x22: {  	[simem:s7], [sflag:s8] =	dma.local @!p0 [hbm:s6], $0xF7A  }
0x23: {  	s9 =	sor.u32 $0xD0000000, s2;
	s6 =	simm.s32 $0x108;
	_ =	swait.ge @!p0 [sflag:s8], $0x0  }
0x24: {  	s3 =	sadd.s32 $0x88, s3;
	s6 =	simm.s32 @!p1 $0x1082;
	[sflag:s4] =	ssyncset.s32 $0xFFFFF086  }
0x25: {  	[simem:s6], [sflag:s4] =	dma.local [hbm:s3], $0xF7A  }
0x26: {  	[smem:$0x3F99] =	sst s1;
	(tag) =	ssettag s2;
	_ =	strace s9  }
0x27: {  	s1 =	sld [smem:$0x3FA9]  }
0x28: {  	s2 =	sld [smem:$0x3FAA]  }
0x29: {  	s4 =	sld [smem:$0x3FAC]  }
0x2a: {  	p0 =	seq.s32 s5, $0x0;
	s5 =	sld [smem:$0x3FAD]  }
0x2b: {  	s6 =	sld [smem:$0x3FAE]  }
0x2c: {  	s7 =	sld [smem:$0x3FAF]  }
0x2d: {  	s3 =	simm.s32 $0x108;
	s8 =	sld [smem:$0x3FB0]  }
0x2e: {  	s3 =	simm.s32 @!p0 $0x1082;
	s9 =	sld [smem:$0x3FB1]  }
0x2f: {  	lr =	sadd.s32 s0, s3;
	s0 =	sld [smem:$0x3FA8]  }
0x30: {  	s3 =	sld [smem:$0x3FAB]  }
0x31: {  	[smem:$0x3FB4] =	sst s10  }
0x32: {  	s10 =	sld [smem:$0x3FB2];
	_ =	sdelay $0x3  }
0x33: {  	p0 =	seq.s32 s10, $0x1;
	s10 =	sld [smem:$0x3FB4];
	_ =	sdelay $0x3  }
0x34: {  	[smem:$0x3FB4] =	sst s10  }
0x35: {  	s10 =	sld [smem:$0x3FB3];
	_ =	sdelay $0x3  }
0x36: {  	p1 =	seq.s32 s10, $0x1;
	s10 =	sld [smem:$0x3FB4];
	_ =	sdelay $0x3  }
0x37: {  	[smem:$0x3FB4] =	sst s10  }
0x38: {  	s10 =	sld [smem:$0x3FB5]  }
0x39: {  	_ = 	snop;
	(pc) =	sbr.ind lr, $3  }
0x3a: {  	_ = 	snop  }
0x3b: {  	_ = 	snop  }
0x3c: {  	p2 =	seq.s32 s10, $0x1;
	s10 =	sld [smem:$0x3FB4]  }
0x3d: {  	_ =	shalt  }
0x3e: {  	_ =	shalt  }
0x3f: {  	_ =	shalt  }
0x40: {  	_ =	shalt  }
0x41: {  	_ =	shalt  }
0x42: {  	_ =	shalt  }
0x43: {  	_ =	shalt  }
0x44: {  	_ =	shalt  }
0x45: {  	_ =	shalt  }
0x46: {  	_ =	shalt  }
0x47: {  	_ =	shalt  }
0x48: {  	_ =	shalt  }
0x49: {  	_ =	shalt  }
0x4a: {  	_ =	shalt  }
0x4b: {  	_ =	shalt  }
0x4c: {  	_ =	shalt  }
0x4d: {  	_ =	shalt  }
0x4e: {  	_ =	shalt  }
0x4f: {  	_ =	shalt  }
0x50: {  	_ =	shalt  }
0x51: {  	_ =	shalt  }
0x52: {  	_ =	shalt  }
0x53: {  	_ =	shalt  }
0x54: {  	_ =	shalt  }
0x55: {  	_ =	shalt  }
0x56: {  	_ =	shalt  }
0x57: {  	_ =	shalt  }
0x58: {  	_ =	shalt  }
0x59: {  	_ =	shalt  }
0x5a: {  	_ =	shalt  }
0x5b: {  	_ =	shalt  }
0x5c: {  	_ =	shalt  }
0x5d: {  	_ =	shalt  }
0x5e: {  	_ =	shalt  }
0x5f: {  	_ =	shalt  }
0x60: {  	_ =	shalt  }
0x61: {  	_ =	shalt  }
0x62: {  	_ =	shalt  }
0x63: {  	_ =	shalt  }
0x64: {  	_ =	shalt  }
0x65: {  	_ =	shalt  }
0x66: {  	_ =	shalt  }
0x67: {  	_ =	shalt  }
0x68: {  	_ =	shalt  }
0x69: {  	_ =	shalt  }
0x6a: {  	_ =	shalt  }
0x6b: {  	_ =	shalt  }
0x6c: {  	_ =	shalt  }
0x6d: {  	_ =	shalt  }
0x6e: {  	_ =	shalt  }
0x6f: {  	_ =	shalt  }
0x70: {  	_ =	shalt  }
0x71: {  	_ =	shalt  }
0x72: {  	_ =	shalt  }
0x73: {  	_ =	shalt  }
0x74: {  	_ =	shalt  }
0x75: {  	_ =	shalt  }
0x76: {  	_ =	shalt  }
0x77: {  	_ =	shalt  }
0x78: {  	_ =	shalt  }
0x79: {  	_ =	shalt  }
0x7a: {  	_ =	shalt  }
0x7b: {  	_ =	shalt  }
0x7c: {  	_ =	shalt  }
0x7d: {  	_ =	shalt  }
0x7e: {  	_ =	shalt  }
0x7f: {  	_ =	shalt  }
0x80: {  	_ =	shalt  }
0x81: {  	_ =	shalt  }
0x82: {  	_ =	shalt  }
0x83: {  	_ =	shalt  }
0x84: {  	_ =	shalt  }
0x85: {  	_ =	shalt  }
0x86: {  	_ =	shalt  }
0x87: {  	_ =	shalt  }
.Lfunc_end0:
.L_simem_size_0:
called_computation.1_lowered:
.L_overlay_start_0:
0x88: {  	s2 =	sld [smem:$0x3FD9]  }
0x89: {  	s3 =	sld [smem:$0x3FFE];
	_ =	sdelay $0x1  }
0x8a: {  	s1 =	srdreg.scid  }
0x8b: {  	s0 =	sand.u32 $0x1, s1  }
0x8c: {  	s16 =	sshll.u32 s0, $0xA;
	s2 =	sadd.s32 s3, s2  }
0x8d: {  	s2 =	sadd.s32 s2, s16  }
0x8e: {  	[smem:$0x3FC0] =	sst s2  }
0x8f: {  	_ = 	snop  }
0x90: {  	(tm) =	ssettm $0x1  }
0x91: {  	s17 =	sld [smem:$0x3FFB];
	_ =	sdelay $0x3  }
0x92: {  	_ =	strace s17  }
0x93: {  	s2 =	sld [smem:$0x3FFC];
	_ =	sdelay $0x3  }
0x94: {  	_ =	strace s2  }
0x95: {  	s2 =	sld [smem:$0x3FFD];
	_ =	sdelay $0x3  }
0x96: {  	_ =	strace s2  }
0x97: {  	_ =	strace $0x8FFFFFFF  }
0x98: {  	s18 =	sld [smem:$0x3FDB];
	_ =	sdelay $0x1  }
0x99: {  	s19 =	simm.s32 $_scs_section_size  }
0x9a: {  	s4 =	simm.s32 $_size__tile_overlayer_lowered;
	s5 =	simm.s32 $_tile_overlayer_lowered  }
0x9b: {  	s22 =	simm.s32 $0x1BFF;
	s21 =	sshll.u32 s5, $0x1;
	s2 =	sadd.s32 s19, s18  }
0x9c: {  	s6 =	simm.s32 $0x0;
	s20 =	sshll.u32 s4, $0x1;
	s4 =	sadd.s32 s21, s2  }
0x9d: {  	[timem:s6], [sflag:s22] =	dma.local [hbm:s4], s20  }
0x9e: {  	_ =	swait.ge [sflag:s22], s20  }
0x9f: {  	s3 =	ssub.s32 $0x0, s20;
	[sflag:s22] =	ssyncset.done $0x0  }
0xa0: {  	[sflag:s22] =	ssyncadd.s32 s3;
	_ =	sdelay $0x1  }
0xa1: {  	s23 =	simm.s32 $0x1B8B  }
0xa2: {  	_ =	swait.ge [sflag:s23], $0x1  }
0xa3: {  	[sflag:s23] =	ssyncset.done $0x0  }
0xa4: {  	s25 =	simm.s32 $0x1B8E;
	s24 =	sld [smem:$0x3FFE];
	[sflag:s23] =	ssyncadd.s32 $0xFFFFFFFF  }
0xa5: {  	s26 =	simm.s32 $execute0_lowered;
	[smem:$0x3FD2] =	sst s25  }
0xa6: {  	s4 =	sshll.u32 s26, $0x1;
	_ =	strace $0x80000049;
	[dreg:$0x1] =	wrdreg $0xFFFFFFFF  }
0xa7: {  	s28 =	simm.s32 $_size_execute0_lowered;
	s2 =	sadd.s32 s2, s4;
	[dreg:$0x0] =	wrdreg $0x0  }
0xa8: {  	s4 =	sshll.u32 s28, $0x1;
	[dreg:$0x2] =	wrdreg s2  }
0xa9: {  	[dreg:$0x3] =	wrdreg s4  }
0xaa: {  	[dreg:$0x4] =	wrdreg $0xC0  }
0xab: {  	_ =	task [dreg:s6], $0x5FFFF  }
0xac: {  	[dreg:$0x1] =	wrdreg $0xFFFFFFFF  }
0xad: {  	[dreg:$0x0] =	wrdreg $0x60  }
0xae: {  	[dreg:$0x2] =	wrdreg s24  }
0xaf: {  	[dreg:$0x3] =	wrdreg $0x14A000  }
0xb0: {  	[dreg:$0x4] =	wrdreg $0x9  }
0xb1: {  	_ =	task.clear_ibuf [dreg:s6], $0x5FFFF;
	_ =	strace $0x90000049  }
0xb2: {  	s29 =	simm.s32 $0x9;
	_ =	strace $0x8000004B  }
0xb3: {  	_ =	swait.ge [sflag:s29], $0x1  }
0xb4: {  	[sflag:s29] =	ssyncadd.s32 $0xFFFFFFFF  }
0xb5: {  	_ =	strace $0x9000004B  }
0xb6: {  	_ =	sfence  }
0xb7: {  	s30 =	sld [smem:$0x0];
	_ =	sdelay $0x2  }
0xb8: {  	s31 =	sshll.u32 s1, $0xD;
	s1 =	sshrl.u32 s1, $0x2  }
0xb9: {  	s3 =	sand.u32 $0x4000, s31;
	s1 =	sadd.s32 s1, s30  }
0xba: {  	s0 =	sor.u32 s3, s0;
	s1 =	sshll.u32 s1, $0x11  }
0xbb: {  	s0 =	sor.u32 s1, s0  }
0xbc: {  	s0 =	sadd.s32 $0x8F2B, s0  }
0xbd: {  	[sflag:s0] =	ssyncadd.remote.s32 $0x1  }
0xbe: {  	_ =	sfence.sel $0xFFFF  }
0xbf: {  	[dreg:$0x0] =	wrdreg $0xFFFFFFFF;
	(pc) =	sbr.abs _section_cstart, $3  }
0xc0: {  	[dreg:$0x1] =	wrdreg $0xFFFFFFFF  }
0xc1: {  	_ =	task.clear_ibuf [dreg:s6], $0x2FFFF;
	_ =	strace $0x9FFFFFFF  }
0xc2: {  	(tm) =	ssettm $0x7FFFFFFF  }
0xc3: {  	_ =	shalt  }
tec
execute0_lowered:
.L_overlay_start_1:
0x0: {  	(tag) =	ssettag $0x1  }
0x1: {  	s0 =	rddreg [dreg:$0x0]  }
0x2: {  	s1 =	rddreg [dreg:$0x1]  }
0x3: {  	s2 =	srdreg.scid;
	s4 =	simm.s32 $0x0;
	s10 =	stileid.u32  }
0x4: {  	s14 =	simm.s32 $0x11;
	s15 =	simm.s32 $0x7D;
	s16 =	simm.s32 $0x5000  }
0x5: {  	s18 =	simm.s32 $0x6F40;
	s29 =	simm.s32 $0x10B80;
	s31 =	simm.s32 $0x12AC0  }
0x6: {  	s17 =	simm.s32 $0x1;
	s28 =	simm.s32 $0x6;
	s30 =	simm.s32 $0x8  }
0x7: {  	s11 =	simm.s32 $0x10;
	s12 =	simm.s32 $0x0;
	s2 =	sand.u32 $0x1, s2  }
0x8: {  	[smem:$0x7FF] =	sst s4;
	s5 =	smul.u32 $0x9C00, s10;
	s4 =	sadd.s32 $0x16C00, s0  }
0x9: {  	s9 =	sadd.s32 $0x3E000, s0;
	s23 =	sadd.s32 $0x9C000, s1;
	p0 =	sne.s32 s10, $0xF  }
0xa: {  	s3 =	sshll.u32 s2, $0x4;
	_ =	strace $0x8000004A;
	s7 =	ssub.s32 $0x2, s2  }
0xb: {  	s2 =	smul.u32 $0x9C400, s2;
	[dreg:$0x7] =	wrdreg s23;
	s23 =	simm.s32 $0x4  }
0xc: {  	s3 =	sor.u32 s10, s3;
	s6 =	sshrl.u32 s5, $0x3;
	s8 =	sshrl.u32 s7, $0x1  }
0xd: {  	s20 =	sadd.s32 s5, s1;
	s10 =	simm.s32 $0xF;
	s3 =	smul.u32 $0x500, s3  }
0xe: {  	s6 =	sadd.s32 s6, s0;
	s7 =	ssub.s32 s7, s8;
	[dreg:$0x5] =	wrdreg s20  }
0xf: {  	s22 =	sadd.s32 s5, s2;
	s2 =	sshrl.u32 s2, $0x3;
	s20 =	simm.s32 $0x8E80  }
0x10: {  	s5 =	simm.s32 $0xA;
	s8 =	simm.s32 $0xD;
	s21 =	sadd.s32 $0x2A600, s6  }
0x11: {  	s2 =	sadd.s32 s9, s2;
	s26 =	smax.u32 s7, $0x1;
	s6 =	simm.s32 $0xB  }
0x12: {  	s7 =	simm.s32 $0xC;
	s3 =	sadd.s32 s3, s0;
	[dreg:$0x6] =	wrdreg s21  }
0x13: {  	s0 =	sadd.s32 $0x3DE00, s0;
	s25 =	sadd.s32 $0x13800, s2;
	[dreg:$0xb] =	wrdreg s26  }
0x14: {  	s26 =	simm.s32 $0xEC40;
	s21 =	simm.s32 $0x3;
	[dreg:$0x8] =	wrdreg s0  }
0x15: {  	s2 =	simm.s32 $0x7;
	s19 =	sadd.s32 $0xCC00, s3;
	[dreg:$0xa] =	wrdreg s25  }
0x16: {  	s3 =	sadd.s32 $0x1C00, s3;
	s25 =	simm.s32 $0x5;
	[dreg:$0x3] =	wrdreg s19  }
0x17: {  	s0 =	simm.s32 $0x9;
	[dreg:$0x4] =	wrdreg s3;
	s3 =	sshrl.u32 s22, $0x3  }
0x18: {  	s22 =	simm.s32 $0xADC0;
	s19 =	simm.s32 $0x2;
	s24 =	sadd.s32 s9, s3  }
0x19: {  	s9 =	simm.s32 $0xE;
	[dreg:$0x9] =	wrdreg s24;
	s24 =	simm.s32 $0xCD00  }
.LBB2_1:
0x1a: {  	[dreg:$0xc] =	wrdreg s12  }
0x1b: {  	s3 =	simm.s32 $0x0;
	s13 =	rddreg [dreg:$0x3]  }
0x1c: {  	[tilespmem:s3], [sflag:$0x11] =	stream.linear.gather [hbm4b:s13+s3], $0x2800, $0x38;
	[tilespmem:$0x1E640] =	vst v63  }
0x1d: {  	_ =	swait.ge [sflag:s14], $0x2800  }
0x1e: {  	[sflag:s14] =	ssyncset.done $0x0  }
0x1f: {  	[sflag:s14] =	ssyncadd.s32 $0xFFFFD800  }
0x20: {  	[tilespmem:s16], [sflag:$0x1] =	stream.indirect.gather [hbm4b:s4+s15], $0x40, s3, s15, $0xb8;
	[tilespmem:$0x1E640] =	vst v63  }
0x21: {  	s12 =	simm.s32 $0x80  }
0x22: {  	[tilespmem:s18], [sflag:$0x2] =	stream.indirect.gather [hbm4b:s4+s15], $0x40, s12, s15, $0xb8;
	[tilespmem:$0x1E640] =	vst v63  }
0x23: {  	s12 =	simm.s32 $0x100  }
0x24: {  	[tilespmem:s20], [sflag:$0x3] =	stream.indirect.gather [hbm4b:s4+s15], $0x40, s12, s15, $0xb8;
	[tilespmem:$0x1E640] =	vst v63  }
0x25: {  	s12 =	simm.s32 $0x180  }
0x26: {  	[tilespmem:s22], [sflag:$0x4] =	stream.indirect.gather [hbm4b:s4+s15], $0x40, s12, s15, $0xb8;
	[tilespmem:$0x1E640] =	vst v63  }
0x27: {  	s12 =	simm.s32 $0x200  }
0x28: {  	[tilespmem:s24], [sflag:$0x5] =	stream.indirect.gather [hbm4b:s4+s15], $0x40, s12, s15, $0xb8;
	[tilespmem:$0x1E640] =	vst v63  }
0x29: {  	s12 =	simm.s32 $0x280  }
0x2a: {  	[tilespmem:s26], [sflag:$0x6] =	stream.indirect.gather [hbm4b:s4+s15], $0x40, s12, s15, $0xb8;
	[tilespmem:$0x1E640] =	vst v63  }
0x2b: {  	s12 =	simm.s32 $0x300  }
0x2c: {  	[tilespmem:s29], [sflag:$0x7] =	stream.indirect.gather [hbm4b:s4+s15], $0x40, s12, s15, $0xb8;
	[tilespmem:$0x1E640] =	vst v63  }
0x2d: {  	s12 =	simm.s32 $0x380  }
0x2e: {  	[tilespmem:s31], [sflag:$0x8] =	stream.indirect.gather [hbm4b:s4+s15], $0x40, s12, s15, $0xb8;
	[tilespmem:$0x1E640] =	vst v63  }
0x2f: {  	s13 =	rddreg [dreg:$0x4];
	s12 =	simm.s32 $0x2800  }
0x30: {  	[tilespmem:s12], [sflag:$0x11] =	stream.linear.gather [hbm4b:s13+s3], $0x2800, $0x38;
	[tilespmem:$0x1E640] =	vst v63  }
0x31: {  	s12 =	stileid.u32;
	_ =	swait.ge [sflag:s14], $0x2800  }
0x32: {  	s3 =	sshll.u32 s12, $0x6;
	[sflag:s14] =	ssyncset.done $0x0;
	s13 =	rddreg [dreg:$0x5]  }
0x33: {  	s12 =	sor.u32 $0x1C11, s3;
	s3 =	rddreg [dreg:$0x6];
	s13 =	sshrl.u32 s13, $0x3  }
0x34: {  	[sflag:s14] =	ssyncadd.s32 $0xFFFFD800;
	[dreg:$0xd] =	wrdreg s13  }
0x35: {  	[spmem:s13], [sflag:s12] =	dma.local [hbm:s3], $0x1380  }
0x36: {  	_ =	swait.ge [sflag:s14], $0x1380  }
0x37: {  	s3 =	rddreg [dreg:$0x7]  }
0x38: {  	[sflag:s14] =	ssyncset.done $0x0;
	s13 =	sshrl.u32 @!p0 s3, $0x3;
	s3 =	rddreg [dreg:$0x8]  }
0x39: {  	[sflag:s14] =	ssyncadd.s32 $0xFFFFEC80;
	[dreg:$0xe] =	wrdreg s13  }
0x3a: {  	[spmem:s13], [sflag:s12] =	dma.local @!p0 [hbm:s3], $0x80  }
0x3b: {  	s3 =	simm.s32 @!p0 $0x11  }
0x3c: {  	_ =	swait.ge @!p0 [sflag:s3], $0x80  }
0x3d: {  	[sflag:s3] =	ssyncset.done @!p0 $0x0  }
0x3e: {  	[sflag:s3] =	ssyncadd.s32 @!p0 $0xFFFFFF80  }
0x3f: {  	[bflag:$0x0] =	sbarrier.arrive $0xFFFF  }
0x40: {  	_ =	swait.ge [sflag:s17], $0x1F40  }
0x41: {  	[sflag:s17] =	ssyncset.done $0x0  }
0x42: {  	s14 =	simm.s32 $0x2800;
	[sflag:s17] =	ssyncadd.s32 $0xFFFFE0C0  }
0x43: {  	[spmem:s1] =	stream.indirect.scatter.add.f32 [tilespmem:s16], [sflag:$0x9], $0x40, s14, s15, $0xb8;
	[tilespmem:$0x1E640] =	vst v63  }
0x44: {  	_ =	swait.ge [sflag:s19], $0x1F40  }
0x45: {  	[sflag:s19] =	ssyncset.done $0x0  }
0x46: {  	s13 =	simm.s32 $0x2880;
	[sflag:s19] =	ssyncadd.s32 $0xFFFFE0C0  }
0x47: {  	[spmem:s1] =	stream.indirect.scatter.add.f32 [tilespmem:s18], [sflag:$0xA], $0x40, s13, s15, $0xb8;
	[tilespmem:$0x1E640] =	vst v63  }
0x48: {  	_ =	swait.ge [sflag:s21], $0x1F40  }
0x49: {  	[sflag:s21] =	ssyncset.done $0x0  }
0x4a: {  	s14 =	simm.s32 $0x2900;
	[sflag:s21] =	ssyncadd.s32 $0xFFFFE0C0  }
0x4b: {  	[spmem:s1] =	stream.indirect.scatter.add.f32 [tilespmem:s20], [sflag:$0xB], $0x40, s14, s15, $0xb8;
	[tilespmem:$0x1E640] =	vst v63  }
0x4c: {  	_ =	swait.ge [sflag:s23], $0x1F40  }
0x4d: {  	[sflag:s23] =	ssyncset.done $0x0  }
0x4e: {  	s13 =	simm.s32 $0x2980;
	[sflag:s23] =	ssyncadd.s32 $0xFFFFE0C0  }
0x4f: {  	[spmem:s1] =	stream.indirect.scatter.add.f32 [tilespmem:s22], [sflag:$0xC], $0x40, s13, s15, $0xb8;
	[tilespmem:$0x1E640] =	vst v63  }
0x50: {  	_ =	swait.ge [sflag:s25], $0x1F40  }
0x51: {  	[sflag:s25] =	ssyncset.done $0x0  }
0x52: {  	s14 =	simm.s32 $0x2A00;
	[sflag:s25] =	ssyncadd.s32 $0xFFFFE0C0  }
0x53: {  	[spmem:s1] =	stream.indirect.scatter.add.f32 [tilespmem:s24], [sflag:$0xD], $0x40, s14, s15, $0xb8;
	[tilespmem:$0x1E640] =	vst v63  }
0x54: {  	_ =	swait.ge [sflag:s28], $0x1F40  }
0x55: {  	[sflag:s28] =	ssyncset.done $0x0  }
0x56: {  	s13 =	simm.s32 $0x2A80;
	[sflag:s28] =	ssyncadd.s32 $0xFFFFE0C0  }
0x57: {  	[spmem:s1] =	stream.indirect.scatter.add.f32 [tilespmem:s26], [sflag:$0xE], $0x40, s13, s15, $0xb8;
	[tilespmem:$0x1E640] =	vst v63  }
0x58: {  	_ =	swait.ge [sflag:s2], $0x1F40  }
0x59: {  	[sflag:s2] =	ssyncset.done $0x0  }
0x5a: {  	s14 =	simm.s32 $0x2B00;
	[sflag:s2] =	ssyncadd.s32 $0xFFFFE0C0  }
0x5b: {  	[spmem:s1] =	stream.indirect.scatter.add.f32 [tilespmem:s29], [sflag:$0xF], $0x40, s14, s15, $0xb8;
	[tilespmem:$0x1E640] =	vst v63  }
0x5c: {  	_ =	swait.ge [sflag:s30], $0x1F40  }
0x5d: {  	[sflag:s30] =	ssyncset.done $0x0  }
0x5e: {  	s13 =	simm.s32 $0x2B80;
	[sflag:s30] =	ssyncadd.s32 $0xFFFFE0C0  }
0x5f: {  	[spmem:s1] =	stream.indirect.scatter.add.f32 [tilespmem:s31], [sflag:$0x10], $0x40, s13, s15, $0xb8;
	[tilespmem:$0x1E640] =	vst v63  }
0x60: {  	_ =	swait.ge [sflag:s0], $0x1F40  }
0x61: {  	[sflag:s0] =	ssyncset.done $0x0  }
0x62: {  	s14 =	simm.s32 $0x400;
	[sflag:s0] =	ssyncadd.s32 $0xFFFFE0C0  }
0x63: {  	[tilespmem:s16], [sflag:$0x1] =	stream.indirect.gather [hbm4b:s4+s15], $0x40, s14, s15, $0xb8;
	[tilespmem:$0x1E640] =	vst v63  }
0x64: {  	_ =	swait.ge [sflag:s5], $0x1F40  }
0x65: {  	[sflag:s5] =	ssyncset.done $0x0  }
0x66: {  	s13 =	simm.s32 $0x480;
	[sflag:s5] =	ssyncadd.s32 $0xFFFFE0C0  }
0x67: {  	[tilespmem:s18], [sflag:$0x2] =	stream.indirect.gather [hbm4b:s4+s15], $0x40, s13, s15, $0xb8;
	[tilespmem:$0x1E640] =	vst v63  }
0x68: {  	_ =	swait.ge [sflag:s6], $0x1F40  }
0x69: {  	[sflag:s6] =	ssyncset.done $0x0  }
0x6a: {  	s14 =	simm.s32 $0x500;
	[sflag:s6] =	ssyncadd.s32 $0xFFFFE0C0  }
0x6b: {  	[tilespmem:s20], [sflag:$0x3] =	stream.indirect.gather [hbm4b:s4+s15], $0x40, s14, s15, $0xb8;
	[tilespmem:$0x1E640] =	vst v63  }
0x6c: {  	_ =	swait.ge [sflag:s7], $0x1F40  }
0x6d: {  	[sflag:s7] =	ssyncset.done $0x0  }
0x6e: {  	s13 =	simm.s32 $0x580;
	[sflag:s7] =	ssyncadd.s32 $0xFFFFE0C0  }
0x6f: {  	[tilespmem:s22], [sflag:$0x4] =	stream.indirect.gather [hbm4b:s4+s15], $0x40, s13, s15, $0xb8;
	[tilespmem:$0x1E640] =	vst v63  }
0x70: {  	_ =	swait.ge [sflag:s8], $0x1F40  }
0x71: {  	[sflag:s8] =	ssyncset.done $0x0  }
0x72: {  	s14 =	simm.s32 $0x600;
	[sflag:s8] =	ssyncadd.s32 $0xFFFFE0C0  }
0x73: {  	[tilespmem:s24], [sflag:$0x5] =	stream.indirect.gather [hbm4b:s4+s15], $0x40, s14, s15, $0xb8;
	[tilespmem:$0x1E640] =	vst v63  }
0x74: {  	_ =	swait.ge [sflag:s9], $0x1F40  }
0x75: {  	[sflag:s9] =	ssyncset.done $0x0  }
0x76: {  	s13 =	simm.s32 $0x680;
	[sflag:s9] =	ssyncadd.s32 $0xFFFFE0C0  }
0x77: {  	[tilespmem:s26], [sflag:$0x6] =	stream.indirect.gather [hbm4b:s4+s15], $0x40, s13, s15, $0xb8;
	[tilespmem:$0x1E640] =	vst v63  }
0x78: {  	_ =	swait.ge [sflag:s10], $0x1F40  }
0x79: {  	[sflag:s10] =	ssyncset.done $0x0  }
0x7a: {  	s14 =	simm.s32 $0x700;
	[sflag:s10] =	ssyncadd.s32 $0xFFFFE0C0  }
0x7b: {  	[tilespmem:s29], [sflag:$0x7] =	stream.indirect.gather [hbm4b:s4+s15], $0x40, s14, s15, $0xb8;
	[tilespmem:$0x1E640] =	vst v63  }
0x7c: {  	_ =	swait.ge [sflag:s11], $0x1F40  }
0x7d: {  	[sflag:s11] =	ssyncset.done $0x0  }
0x7e: {  	s3 =	simm.s32 $0x1000;
	s14 =	simm.s32 $0x780;
	[sflag:s11] =	ssyncadd.s32 $0xFFFFE0C0  }
.LBB2_2:
0x7f: {  	[tilespmem:s31], [sflag:$0x8] =	stream.indirect.gather [hbm4b:s4+s15], $0x40, s14, s15, $0xb8;
	[tilespmem:$0x1E640] =	vst v63  }
0x80: {  	s14 =	smov.u32 s3  }
0x81: {  	p1 =	sne.s32 s3, $0x8000;
	s3 =	sadd.s32 $0x1000, s3;
	_ =	swait.ge [sflag:s17], $0x1F40  }
0x82: {  	s14 =	sshra.s32 s14, $0x2;
	[sflag:s17] =	ssyncset.done $0x0  }
0x83: {  	s13 =	sadd.s32 $0x2800, s14;
	[sflag:s17] =	ssyncadd.s32 $0xFFFFE0C0  }
0x84: {  	[spmem:s1] =	stream.indirect.scatter.add.f32 [tilespmem:s16], [sflag:$0x9], $0x40, s13, s15, $0xb8;
	[tilespmem:$0x1E640] =	vst v63  }
0x85: {  	_ =	swait.ge [sflag:s19], $0x1F40  }
0x86: {  	[sflag:s19] =	ssyncset.done $0x0  }
0x87: {  	s13 =	sadd.s32 $0x2880, s14;
	[sflag:s19] =	ssyncadd.s32 $0xFFFFE0C0  }
0x88: {  	[spmem:s1] =	stream.indirect.scatter.add.f32 [tilespmem:s18], [sflag:$0xA], $0x40, s13, s15, $0xb8;
	[tilespmem:$0x1E640] =	vst v63  }
0x89: {  	_ =	swait.ge [sflag:s21], $0x1F40  }
0x8a: {  	[sflag:s21] =	ssyncset.done $0x0  }
0x8b: {  	s13 =	sadd.s32 $0x2900, s14;
	[sflag:s21] =	ssyncadd.s32 $0xFFFFE0C0  }
0x8c: {  	[spmem:s1] =	stream.indirect.scatter.add.f32 [tilespmem:s20], [sflag:$0xB], $0x40, s13, s15, $0xb8;
	[tilespmem:$0x1E640] =	vst v63  }
0x8d: {  	_ =	swait.ge [sflag:s23], $0x1F40  }
0x8e: {  	[sflag:s23] =	ssyncset.done $0x0  }
0x8f: {  	s13 =	sadd.s32 $0x2980, s14;
	[sflag:s23] =	ssyncadd.s32 $0xFFFFE0C0  }
0x90: {  	[spmem:s1] =	stream.indirect.scatter.add.f32 [tilespmem:s22], [sflag:$0xC], $0x40, s13, s15, $0xb8;
	[tilespmem:$0x1E640] =	vst v63  }
0x91: {  	_ =	swait.ge [sflag:s25], $0x1F40  }
0x92: {  	[sflag:s25] =	ssyncset.done $0x0  }
0x93: {  	s13 =	sadd.s32 $0x2A00, s14;
	[sflag:s25] =	ssyncadd.s32 $0xFFFFE0C0  }
0x94: {  	[spmem:s1] =	stream.indirect.scatter.add.f32 [tilespmem:s24], [sflag:$0xD], $0x40, s13, s15, $0xb8;
	[tilespmem:$0x1E640] =	vst v63  }
0x95: {  	_ =	swait.ge [sflag:s28], $0x1F40  }
0x96: {  	[sflag:s28] =	ssyncset.done $0x0  }
0x97: {  	s13 =	sadd.s32 $0x2A80, s14;
	[sflag:s28] =	ssyncadd.s32 $0xFFFFE0C0  }
0x98: {  	[spmem:s1] =	stream.indirect.scatter.add.f32 [tilespmem:s26], [sflag:$0xE], $0x40, s13, s15, $0xb8;
	[tilespmem:$0x1E640] =	vst v63  }
0x99: {  	_ =	swait.ge [sflag:s2], $0x1F40  }
0x9a: {  	[sflag:s2] =	ssyncset.done $0x0  }
0x9b: {  	s13 =	sadd.s32 $0x2B00, s14;
	[sflag:s2] =	ssyncadd.s32 $0xFFFFE0C0  }
0x9c: {  	[spmem:s1] =	stream.indirect.scatter.add.f32 [tilespmem:s29], [sflag:$0xF], $0x40, s13, s15, $0xb8;
	[tilespmem:$0x1E640] =	vst v63  }
0x9d: {  	_ =	swait.ge [sflag:s30], $0x1F40  }
0x9e: {  	[sflag:s30] =	ssyncset.done $0x0  }
0x9f: {  	s13 =	sadd.s32 $0x2B80, s14;
	[sflag:s30] =	ssyncadd.s32 $0xFFFFE0C0  }
0xa0: {  	[spmem:s1] =	stream.indirect.scatter.add.f32 [tilespmem:s31], [sflag:$0x10], $0x40, s13, s15, $0xb8;
	[tilespmem:$0x1E640] =	vst v63  }
0xa1: {  	_ =	swait.ge [sflag:s0], $0x1F40  }
0xa2: {  	[sflag:s0] =	ssyncset.done $0x0  }
0xa3: {  	s13 =	sadd.s32 $0x400, s14;
	[sflag:s0] =	ssyncadd.s32 $0xFFFFE0C0  }
0xa4: {  	[tilespmem:s16], [sflag:$0x1] =	stream.indirect.gather [hbm4b:s4+s15], $0x40, s13, s15, $0xb8;
	[tilespmem:$0x1E640] =	vst v63  }
0xa5: {  	_ =	swait.ge [sflag:s5], $0x1F40  }
0xa6: {  	[sflag:s5] =	ssyncset.done $0x0  }
0xa7: {  	s13 =	sadd.s32 $0x480, s14;
	[sflag:s5] =	ssyncadd.s32 $0xFFFFE0C0  }
0xa8: {  	[tilespmem:s18], [sflag:$0x2] =	stream.indirect.gather [hbm4b:s4+s15], $0x40, s13, s15, $0xb8;
	[tilespmem:$0x1E640] =	vst v63  }
0xa9: {  	_ =	swait.ge [sflag:s6], $0x1F40  }
0xaa: {  	[sflag:s6] =	ssyncset.done $0x0  }
0xab: {  	s13 =	sadd.s32 $0x500, s14;
	[sflag:s6] =	ssyncadd.s32 $0xFFFFE0C0  }
0xac: {  	[tilespmem:s20], [sflag:$0x3] =	stream.indirect.gather [hbm4b:s4+s15], $0x40, s13, s15, $0xb8;
	[tilespmem:$0x1E640] =	vst v63  }
0xad: {  	_ =	swait.ge [sflag:s7], $0x1F40  }
0xae: {  	[sflag:s7] =	ssyncset.done $0x0  }
0xaf: {  	s13 =	sadd.s32 $0x580, s14;
	[sflag:s7] =	ssyncadd.s32 $0xFFFFE0C0  }
0xb0: {  	[tilespmem:s22], [sflag:$0x4] =	stream.indirect.gather [hbm4b:s4+s15], $0x40, s13, s15, $0xb8;
	[tilespmem:$0x1E640] =	vst v63  }
0xb1: {  	_ =	swait.ge [sflag:s8], $0x1F40  }
0xb2: {  	[sflag:s8] =	ssyncset.done $0x0  }
0xb3: {  	s13 =	sadd.s32 $0x600, s14;
	[sflag:s8] =	ssyncadd.s32 $0xFFFFE0C0  }
0xb4: {  	[tilespmem:s24], [sflag:$0x5] =	stream.indirect.gather [hbm4b:s4+s15], $0x40, s13, s15, $0xb8;
	[tilespmem:$0x1E640] =	vst v63  }
0xb5: {  	_ =	swait.ge [sflag:s9], $0x1F40  }
0xb6: {  	[sflag:s9] =	ssyncset.done $0x0  }
0xb7: {  	s13 =	sadd.s32 $0x680, s14;
	[sflag:s9] =	ssyncadd.s32 $0xFFFFE0C0  }
0xb8: {  	[tilespmem:s26], [sflag:$0x6] =	stream.indirect.gather [hbm4b:s4+s15], $0x40, s13, s15, $0xb8;
	[tilespmem:$0x1E640] =	vst v63  }
0xb9: {  	_ =	swait.ge [sflag:s10], $0x1F40  }
0xba: {  	[sflag:s10] =	ssyncset.done $0x0  }
.Ltmp0:
0xbb: {  	s13 =	sadd.s32 $0x700, s14;
	[sflag:s10] =	ssyncadd.s32 $0xFFFFE0C0;
	(pc) =	sbr.rel @p1 .LBB2_2-.Ltmp0, $4  }
0xbc: {  	[tilespmem:s29], [sflag:$0x7] =	stream.indirect.gather [hbm4b:s4+s15], $0x40, s13, s15, $0xb8;
	[tilespmem:$0x1E640] =	vst v63  }
0xbd: {  	_ =	swait.ge [sflag:s11], $0x1F40  }
0xbe: {  	[sflag:s11] =	ssyncset.done $0x0  }
0xbf: {  	s14 =	sadd.s32 $0x780, s14;
	[sflag:s11] =	ssyncadd.s32 $0xFFFFE0C0  }
0xc0: {  	[tilespmem:s31], [sflag:$0x8] =	stream.indirect.gather [hbm4b:s4+s15], $0x40, s14, s15, $0xb8;
	[tilespmem:$0x1E640] =	vst v63  }
0xc1: {  	_ =	swait.ge [sflag:s17], $0x1F40  }
0xc2: {  	[sflag:s17] =	ssyncset.done $0x0  }
0xc3: {  	s3 =	simm.s32 $0x4C00;
	[sflag:s17] =	ssyncadd.s32 $0xFFFFE0C0  }
0xc4: {  	[spmem:s1] =	stream.indirect.scatter.add.f32 [tilespmem:s16], [sflag:$0x9], $0x40, s3, s15, $0xb8;
	[tilespmem:$0x1E640] =	vst v63  }
0xc5: {  	_ =	swait.ge [sflag:s19], $0x1F40  }
0xc6: {  	[sflag:s19] =	ssyncset.done $0x0  }
0xc7: {  	s13 =	simm.s32 $0x4C80;
	[sflag:s19] =	ssyncadd.s32 $0xFFFFE0C0  }
0xc8: {  	[spmem:s1] =	stream.indirect.scatter.add.f32 [tilespmem:s18], [sflag:$0xA], $0x40, s13, s15, $0xb8;
	[tilespmem:$0x1E640] =	vst v63  }
0xc9: {  	_ =	swait.ge [sflag:s21], $0x1F40  }
0xca: {  	[sflag:s21] =	ssyncset.done $0x0  }
0xcb: {  	s14 =	simm.s32 $0x4D00;
	[sflag:s21] =	ssyncadd.s32 $0xFFFFE0C0  }
0xcc: {  	[spmem:s1] =	stream.indirect.scatter.add.f32 [tilespmem:s20], [sflag:$0xB], $0x40, s14, s15, $0xb8;
	[tilespmem:$0x1E640] =	vst v63  }
0xcd: {  	_ =	swait.ge [sflag:s23], $0x1F40  }
0xce: {  	[sflag:s23] =	ssyncset.done $0x0  }
0xcf: {  	s13 =	simm.s32 $0x4D80;
	[sflag:s23] =	ssyncadd.s32 $0xFFFFE0C0  }
0xd0: {  	[spmem:s1] =	stream.indirect.scatter.add.f32 [tilespmem:s22], [sflag:$0xC], $0x40, s13, s15, $0xb8;
	[tilespmem:$0x1E640] =	vst v63  }
0xd1: {  	_ =	swait.ge [sflag:s25], $0x1F40  }
0xd2: {  	[sflag:s25] =	ssyncset.done $0x0  }
0xd3: {  	s14 =	simm.s32 $0x4E00;
	[sflag:s25] =	ssyncadd.s32 $0xFFFFE0C0  }
0xd4: {  	[spmem:s1] =	stream.indirect.scatter.add.f32 [tilespmem:s24], [sflag:$0xD], $0x40, s14, s15, $0xb8;
	[tilespmem:$0x1E640] =	vst v63  }
0xd5: {  	_ =	swait.ge [sflag:s28], $0x1F40  }
0xd6: {  	[sflag:s28] =	ssyncset.done $0x0  }
0xd7: {  	s13 =	simm.s32 $0x4E80;
	[sflag:s28] =	ssyncadd.s32 $0xFFFFE0C0  }
0xd8: {  	[spmem:s1] =	stream.indirect.scatter.add.f32 [tilespmem:s26], [sflag:$0xE], $0x40, s13, s15, $0xb8;
	[tilespmem:$0x1E640] =	vst v63  }
0xd9: {  	_ =	swait.ge [sflag:s2], $0x1F40  }
0xda: {  	[sflag:s2] =	ssyncset.done $0x0  }
0xdb: {  	s14 =	simm.s32 $0x4F00;
	[sflag:s2] =	ssyncadd.s32 $0xFFFFE0C0  }
0xdc: {  	[spmem:s1] =	stream.indirect.scatter.add.f32 [tilespmem:s29], [sflag:$0xF], $0x40, s14, s15, $0xb8;
	[tilespmem:$0x1E640] =	vst v63  }
0xdd: {  	_ =	swait.ge [sflag:s30], $0x1F40  }
0xde: {  	[sflag:s30] =	ssyncset.done $0x0  }
0xdf: {  	s13 =	simm.s32 $0x4F80;
	[sflag:s30] =	ssyncadd.s32 $0xFFFFE0C0  }
0xe0: {  	[spmem:s1] =	stream.indirect.scatter.add.f32 [tilespmem:s31], [sflag:$0x10], $0x40, s13, s15, $0xb8;
	[tilespmem:$0x1E640] =	vst v63  }
0xe1: {  	_ =	swait.ge [sflag:s0], $0x1F40  }
0xe2: {  	[sflag:s0] =	ssyncset.done $0x0  }
0xe3: {  	[sflag:s0] =	ssyncadd.s32 $0xFFFFE0C0  }
0xe4: {  	_ =	swait.ge [sflag:s5], $0x1F40  }
0xe5: {  	[sflag:s5] =	ssyncset.done $0x0  }
0xe6: {  	[sflag:s5] =	ssyncadd.s32 $0xFFFFE0C0  }
0xe7: {  	_ =	swait.ge [sflag:s6], $0x1F40  }
0xe8: {  	[sflag:s6] =	ssyncset.done $0x0  }
0xe9: {  	[sflag:s6] =	ssyncadd.s32 $0xFFFFE0C0  }
0xea: {  	_ =	swait.ge [sflag:s7], $0x1F40  }
0xeb: {  	[sflag:s7] =	ssyncset.done $0x0  }
0xec: {  	[sflag:s7] =	ssyncadd.s32 $0xFFFFE0C0  }
0xed: {  	_ =	swait.ge [sflag:s8], $0x1F40  }
0xee: {  	[sflag:s8] =	ssyncset.done $0x0  }
0xef: {  	[sflag:s8] =	ssyncadd.s32 $0xFFFFE0C0  }
0xf0: {  	_ =	swait.ge [sflag:s9], $0x1F40  }
0xf1: {  	[sflag:s9] =	ssyncset.done $0x0  }
0xf2: {  	[sflag:s9] =	ssyncadd.s32 $0xFFFFE0C0  }
0xf3: {  	_ =	swait.ge [sflag:s10], $0x1F40  }
0xf4: {  	[sflag:s10] =	ssyncset.done $0x0  }
0xf5: {  	[sflag:s10] =	ssyncadd.s32 $0xFFFFE0C0  }
0xf6: {  	_ =	swait.ge [sflag:s11], $0x1F40  }
0xf7: {  	[sflag:s11] =	ssyncset.done $0x0  }
0xf8: {  	[sflag:s11] =	ssyncadd.s32 $0xFFFFE0C0  }
0xf9: {  	[bflag:$0x0] =	sbarrier.arrive $0xFFFF  }
0xfa: {  	s14 =	rddreg [dreg:$0x9]  }
0xfb: {  	s13 =	rddreg [dreg:$0xd]  }
0xfc: {  	[hbm:s14], [sflag:s12] =	dma.local [spmem:s13], $0x1380  }
0xfd: {  	s14 =	simm.s32 $0x11  }
0xfe: {  	_ =	swait.ge [sflag:s14], $0x1380  }
0xff: {  	[sflag:s14] =	ssyncset.done $0x0;
	s3 =	rddreg [dreg:$0xa]  }
0x100: {  	s13 =	rddreg [dreg:$0xe];
	[sflag:s14] =	ssyncadd.s32 $0xFFFFEC80  }
0x101: {  	[hbm:s3], [sflag:s12] =	dma.local @!p0 [spmem:s13], $0x80  }
0x102: {  	s3 =	simm.s32 @!p0 $0x11  }
0x103: {  	_ =	swait.ge @!p0 [sflag:s3], $0x80  }
0x104: {  	s13 =	rddreg [dreg:$0xc]  }
0x105: {  	s12 =	sadd.s32 $0x1, s13;
	s13 =	rddreg [dreg:$0xb]  }
0x106: {  	p1 =	sne.s32 s12, s13  }
.Ltmp1:
0x107: {  	_ = 	snop;
	(pc) =	sbr.rel @p1 .LBB2_1-.Ltmp1, $3  }
0x108: {  	_ =	sdelay $0x1  }
0x109: {  	[sflag:s3] =	ssyncset.done @!p0 $0x0  }
0x10a: {  	[sflag:s3] =	ssyncadd.s32 @!p0 $0xFFFFFF80  }
0x10b: {  	_ =	sfence.sel $0x180000  }
0x10c: {  	[bflag:$0x0] =	sbarrier.arrive $0xFFFF  }
0x10d: {  	_ =	strace $0x9000004A  }
0x10e: {  	s0 =	stileid.u32;
	[bflag:$0x2] =	sbarrier.arrive $0xFFFF  }
0x10f: {  	p0 =	sne.s32 s0, $0x0;
	s0 =	rddreg [dreg:$0x2]  }
0x110: {  	s0 =	sadd.s32 @!p0 $0x100000, s0  }
0x111: {  	[sflag:s0] =	ssyncadd.tile.s32 @!p0 $0x1;
	_ =	shalt  }
.Lfunc_end2:
_tile_overlayer_lowered:
.L_overlay_start_2:
0x112: {  	(tag) =	ssettag $0x2  }
0x113: {  	s0 =	rddreg [dreg:$0x0];
	s2 =	stileid.u32  }
0x114: {  	s1 =	rddreg [dreg:$0x1];
	p0 =	sne.s32 s2, $0x0  }
0x115: {  	s3 =	rddreg [dreg:$0x2];
	[bflag:$0x3] =	sbarrier.arrive $0xFFFF;
	s2 =	simm.s32 @!p0 $0x1C11  }
0x116: {  	[timem:s3], [sflag:s2] =	dma.local @!p0 [hbm:s0], s1  }
0x117: {  	s0 =	simm.s32 @!p0 $0x11  }
0x118: {  	_ =	swait.ge @!p0 [sflag:s0], s1  }
0x119: {  	s1 =	ssub.s32 @!p0 $0x0, s1;
	[sflag:s0] =	ssyncset.done @!p0 $0x0  }
0x11a: {  	[sflag:s0] =	ssyncadd.s32 @!p0 s1  }
0x11b: {  	[bflag:$0x3] =	sbarrier.arrive $0xFFFF  }
0x11c: {  	_ =	shalt  }

// kernel: kernel.14.cloned.1.call-start
scs
__scs_entry_jumppad:
0x0: {  	(pc) =	sbr.rel $0x88, $3  }
0x1: {  	(tag) =	ssettag $0x0;
	lr =	simm.s32 $0x1  }
0x2: {  	[smem:$0x3F99] =	sst lr;
	_ =	strace $0xD0000000  }
0x3: {  	_ = 	snop  }
0x4: {  	_ = 	snop  }
0x5: {  	_ = 	snop  }
0x6: {  	_ = 	snop  }
0x7: {  	_ = 	snop  }
__scs_overlays_trampoline_lowered:
0x8: {  	[smem:$0x3FA8] =	sst s0  }
0x9: {  	[smem:$0x3FA9] =	sst s1  }
0xa: {  	[smem:$0x3FAA] =	sst s2  }
0xb: {  	[smem:$0x3FAB] =	sst s3  }
0xc: {  	[smem:$0x3FAC] =	sst s4  }
0xd: {  	[smem:$0x3FAD] =	sst s5  }
0xe: {  	[smem:$0x3FAE] =	sst s6  }
0xf: {  	[smem:$0x3FAF] =	sst s7  }
0x10: {  	[smem:$0x3FB0] =	sst s8  }
0x11: {  	[smem:$0x3FB1] =	sst s9;
	s0 =	simm.s32 @!p0 $0x0  }
0x12: {  	s1 =	sld [smem:$0x3F97];
	s0 =	simm.s32 @p0 $0x1  }
0x13: {  	[smem:$0x3FB2] =	sst s0;
	s0 =	simm.s32 @!p1 $0x0  }
0x14: {  	s2 =	sld [smem:$0x3F96];
	s0 =	simm.s32 @p1 $0x1  }
0x15: {  	[smem:$0x3FB3] =	sst s0;
	s0 =	simm.s32 @!p2 $0x0  }
0x16: {  	s3 =	sld [smem:$0x3FDB];
	s0 =	simm.s32 @p2 $0x1  }
0x17: {  	s4 =	simm.s32 $0x1BF5;
	[smem:$0x3FB5] =	sst s0  }
0x18: {  	s0 =	sld [smem:$0x3F98];
	_ =	swait.ge [sflag:s4], $0x0  }
0x19: {  	s7 =	sld [smem:$0x3F99]  }
0x1a: {  	s8 =	sadd.s32 $0xFFFFE003, lr  }
0x1b: {  	s9 =	sadd.s32 $0xFFFFFEF7, lr;
	s5 =	simm.s32 $0xFFFFFFFF;
	p2 =	slt.u32 s8, $0xFFFFF086  }
0x1c: {  	p1 =	slt.u32 s9, $0xF7A;
	s5 =	simm.s32 @!p2 $0x0  }
0x1d: {  	s5 =	simm.s32 @p1 $0x1;
	p0 =	seq.s32 s7, s2  }
0x1e: {  	s7 =	smul.u32 @!p0 $0xF7A, s2;
	p2 =	seq.s32 @!p0 s5, $0x0  }
0x1f: {  	s9 =	smul.u32 $0xF7A, s1;
	s8 =	simm.s32 @!p0 $0x1BF5;
	p2 =	por !p2, p0  }
0x20: {  	[sflag:s8] =	ssyncset.s32 @!p0 $0xFFFFF086;
	s6 =	sadd.s32 @!p0 s3, s7;
	s7 =	simm.s32 @!p0 $0x108  }
0x21: {  	s3 =	sadd.s32 s3, s9;
	s6 =	sadd.s32 @!p0 $0x88, s6;
	s7 =	simm.s32 @p2 $0x1082  }
0x22: {  	[simem:s7], [sflag:s8] =	dma.local @!p0 [hbm:s6], $0xF7A  }
0x23: {  	s9 =	sor.u32 $0xD0000000, s2;
	s6 =	simm.s32 $0x108;
	_ =	swait.ge @!p0 [sflag:s8], $0x0  }
0x24: {  	s3 =	sadd.s32 $0x88, s3;
	s6 =	simm.s32 @!p1 $0x1082;
	[sflag:s4] =	ssyncset.s32 $0xFFFFF086  }
0x25: {  	[simem:s6], [sflag:s4] =	dma.local [hbm:s3], $0xF7A  }
0x26: {  	[smem:$0x3F99] =	sst s1;
	(tag) =	ssettag s2;
	_ =	strace s9  }
0x27: {  	s1 =	sld [smem:$0x3FA9]  }
0x28: {  	s2 =	sld [smem:$0x3FAA]  }
0x29: {  	s4 =	sld [smem:$0x3FAC]  }
0x2a: {  	p0 =	seq.s32 s5, $0x0;
	s5 =	sld [smem:$0x3FAD]  }
0x2b: {  	s6 =	sld [smem:$0x3FAE]  }
0x2c: {  	s7 =	sld [smem:$0x3FAF]  }
0x2d: {  	s3 =	simm.s32 $0x108;
	s8 =	sld [smem:$0x3FB0]  }
0x2e: {  	s3 =	simm.s32 @!p0 $0x1082;
	s9 =	sld [smem:$0x3FB1]  }
0x2f: {  	lr =	sadd.s32 s0, s3;
	s0 =	sld [smem:$0x3FA8]  }
0x30: {  	s3 =	sld [smem:$0x3FAB]  }
0x31: {  	[smem:$0x3FB4] =	sst s10  }
0x32: {  	s10 =	sld [smem:$0x3FB2];
	_ =	sdelay $0x3  }
0x33: {  	p0 =	seq.s32 s10, $0x1;
	s10 =	sld [smem:$0x3FB4];
	_ =	sdelay $0x3  }
0x34: {  	[smem:$0x3FB4] =	sst s10  }
0x35: {  	s10 =	sld [smem:$0x3FB3];
	_ =	sdelay $0x3  }
0x36: {  	p1 =	seq.s32 s10, $0x1;
	s10 =	sld [smem:$0x3FB4];
	_ =	sdelay $0x3  }
0x37: {  	[smem:$0x3FB4] =	sst s10  }
0x38: {  	s10 =	sld [smem:$0x3FB5]  }
0x39: {  	_ = 	snop;
	(pc) =	sbr.ind lr, $3  }
0x3a: {  	_ = 	snop  }
0x3b: {  	_ = 	snop  }
0x3c: {  	p2 =	seq.s32 s10, $0x1;
	s10 =	sld [smem:$0x3FB4]  }
0x3d: {  	_ =	shalt  }
0x3e: {  	_ =	shalt  }
0x3f: {  	_ =	shalt  }
0x40: {  	_ =	shalt  }
0x41: {  	_ =	shalt  }
0x42: {  	_ =	shalt  }
0x43: {  	_ =	shalt  }
0x44: {  	_ =	shalt  }
0x45: {  	_ =	shalt  }
0x46: {  	_ =	shalt  }
0x47: {  	_ =	shalt  }
0x48: {  	_ =	shalt  }
0x49: {  	_ =	shalt  }
0x4a: {  	_ =	shalt  }
0x4b: {  	_ =	shalt  }
0x4c: {  	_ =	shalt  }
0x4d: {  	_ =	shalt  }
0x4e: {  	_ =	shalt  }
0x4f: {  	_ =	shalt  }
0x50: {  	_ =	shalt  }
0x51: {  	_ =	shalt  }
0x52: {  	_ =	shalt  }
0x53: {  	_ =	shalt  }
0x54: {  	_ =	shalt  }
0x55: {  	_ =	shalt  }
0x56: {  	_ =	shalt  }
0x57: {  	_ =	shalt  }
0x58: {  	_ =	shalt  }
0x59: {  	_ =	shalt  }
0x5a: {  	_ =	shalt  }
0x5b: {  	_ =	shalt  }
0x5c: {  	_ =	shalt  }
0x5d: {  	_ =	shalt  }
0x5e: {  	_ =	shalt  }
0x5f: {  	_ =	shalt  }
0x60: {  	_ =	shalt  }
0x61: {  	_ =	shalt  }
0x62: {  	_ =	shalt  }
0x63: {  	_ =	shalt  }
0x64: {  	_ =	shalt  }
0x65: {  	_ =	shalt  }
0x66: {  	_ =	shalt  }
0x67: {  	_ =	shalt  }
0x68: {  	_ =	shalt  }
0x69: {  	_ =	shalt  }
0x6a: {  	_ =	shalt  }
0x6b: {  	_ =	shalt  }
0x6c: {  	_ =	shalt  }
0x6d: {  	_ =	shalt  }
0x6e: {  	_ =	shalt  }
0x6f: {  	_ =	shalt  }
0x70: {  	_ =	shalt  }
0x71: {  	_ =	shalt  }
0x72: {  	_ =	shalt  }
0x73: {  	_ =	shalt  }
0x74: {  	_ =	shalt  }
0x75: {  	_ =	shalt  }
0x76: {  	_ =	shalt  }
0x77: {  	_ =	shalt  }
0x78: {  	_ =	shalt  }
0x79: {  	_ =	shalt  }
0x7a: {  	_ =	shalt  }
0x7b: {  	_ =	shalt  }
0x7c: {  	_ =	shalt  }
0x7d: {  	_ =	shalt  }
0x7e: {  	_ =	shalt  }
0x7f: {  	_ =	shalt  }
0x80: {  	_ =	shalt  }
0x81: {  	_ =	shalt  }
0x82: {  	_ =	shalt  }
0x83: {  	_ =	shalt  }
0x84: {  	_ =	shalt  }
0x85: {  	_ =	shalt  }
0x86: {  	_ =	shalt  }
0x87: {  	_ =	shalt  }
.Lfunc_end0:
.L_simem_size_0:
called_computation.2_lowered:
.L_overlay_start_0:
0x88: {  	s2 =	sld [smem:$0x3FD9]  }
0x89: {  	s3 =	sld [smem:$0x3FFE];
	_ =	sdelay $0x1  }
0x8a: {  	s1 =	srdreg.scid  }
0x8b: {  	s0 =	sand.u32 $0x1, s1  }
0x8c: {  	s16 =	sshll.u32 s0, $0xA;
	s2 =	sadd.s32 s3, s2  }
0x8d: {  	s2 =	sadd.s32 s2, s16  }
0x8e: {  	[smem:$0x3FC0] =	sst s2  }
0x8f: {  	_ = 	snop  }
0x90: {  	(tm) =	ssettm $0x1  }
0x91: {  	s17 =	sld [smem:$0x3FFB];
	_ =	sdelay $0x3  }
0x92: {  	_ =	strace s17  }
0x93: {  	s2 =	sld [smem:$0x3FFC];
	_ =	sdelay $0x3  }
0x94: {  	_ =	strace s2  }
0x95: {  	s2 =	sld [smem:$0x3FFD];
	_ =	sdelay $0x3  }
0x96: {  	_ =	strace s2  }
0x97: {  	_ =	strace $0x8FFFFFFF  }
0x98: {  	s18 =	sld [smem:$0x3FDB];
	_ =	sdelay $0x1  }
0x99: {  	s19 =	simm.s32 $_scs_section_size  }
0x9a: {  	s4 =	simm.s32 $_size__tile_overlayer_lowered;
	s5 =	simm.s32 $_tile_overlayer_lowered  }
0x9b: {  	s22 =	simm.s32 $0x1BFF;
	s21 =	sshll.u32 s5, $0x1;
	s2 =	sadd.s32 s19, s18  }
0x9c: {  	s6 =	simm.s32 $0x0;
	s20 =	sshll.u32 s4, $0x1;
	s4 =	sadd.s32 s21, s2  }
0x9d: {  	[timem:s6], [sflag:s22] =	dma.local [hbm:s4], s20  }
0x9e: {  	_ =	swait.ge [sflag:s22], s20  }
0x9f: {  	s3 =	ssub.s32 $0x0, s20;
	[sflag:s22] =	ssyncset.done $0x0  }
0xa0: {  	[sflag:s22] =	ssyncadd.s32 s3;
	_ =	sdelay $0x1  }
0xa1: {  	s23 =	simm.s32 $0x1B8B  }
0xa2: {  	_ =	swait.ge [sflag:s23], $0x1  }
0xa3: {  	[sflag:s23] =	ssyncset.done $0x0  }
0xa4: {  	s25 =	simm.s32 $0x1B8E;
	s24 =	sld [smem:$0x3FFE];
	[sflag:s23] =	ssyncadd.s32 $0xFFFFFFFF  }
0xa5: {  	s26 =	simm.s32 $execute0_lowered;
	[smem:$0x3FD2] =	sst s25  }
0xa6: {  	s4 =	sshll.u32 s26, $0x1;
	_ =	strace $0x8000004C;
	[dreg:$0x1] =	wrdreg $0xFFFFFFFF  }
0xa7: {  	s28 =	simm.s32 $_size_execute0_lowered;
	s2 =	sadd.s32 s2, s4;
	[dreg:$0x0] =	wrdreg $0x0  }
0xa8: {  	s4 =	sshll.u32 s28, $0x1;
	[dreg:$0x2] =	wrdreg s2  }
0xa9: {  	[dreg:$0x3] =	wrdreg s4  }
0xaa: {  	[dreg:$0x4] =	wrdreg $0xC0  }
0xab: {  	_ =	task [dreg:s6], $0x5FFFF  }
0xac: {  	[dreg:$0x1] =	wrdreg $0xFFFFFFFF  }
0xad: {  	[dreg:$0x0] =	wrdreg $0x60  }
0xae: {  	[dreg:$0x2] =	wrdreg s24  }
0xaf: {  	[dreg:$0x3] =	wrdreg $0x14A000  }
0xb0: {  	[dreg:$0x4] =	wrdreg $0x9  }
0xb1: {  	_ =	task.clear_ibuf [dreg:s6], $0x5FFFF;
	_ =	strace $0x9000004C  }
0xb2: {  	s29 =	simm.s32 $0x9;
	_ =	strace $0x8000004E  }
0xb3: {  	_ =	swait.ge [sflag:s29], $0x1  }
0xb4: {  	[sflag:s29] =	ssyncadd.s32 $0xFFFFFFFF  }
0xb5: {  	_ =	strace $0x9000004E  }
0xb6: {  	_ =	sfence  }
0xb7: {  	s30 =	sld [smem:$0x0];
	_ =	sdelay $0x2  }
0xb8: {  	s31 =	sshll.u32 s1, $0xD;
	s1 =	sshrl.u32 s1, $0x2  }
0xb9: {  	s3 =	sand.u32 $0x4000, s31;
	s1 =	sadd.s32 s1, s30  }
0xba: {  	s0 =	sor.u32 s3, s0;
	s1 =	sshll.u32 s1, $0x11  }
0xbb: {  	s0 =	sor.u32 s1, s0  }
0xbc: {  	s0 =	sadd.s32 $0x8F2B, s0  }
0xbd: {  	[sflag:s0] =	ssyncadd.remote.s32 $0x1  }
0xbe: {  	_ =	sfence.sel $0xFFFF  }
0xbf: {  	[dreg:$0x0] =	wrdreg $0xFFFFFFFF;
	(pc) =	sbr.abs _section_cstart, $3  }
0xc0: {  	[dreg:$0x1] =	wrdreg $0xFFFFFFFF  }
0xc1: {  	_ =	task.clear_ibuf [dreg:s6], $0x2FFFF;
	_ =	strace $0x9FFFFFFF  }
0xc2: {  	(tm) =	ssettm $0x7FFFFFFF  }
0xc3: {  	_ =	shalt  }
tec
execute0_lowered:
.L_overlay_start_1:
0x0: {  	(tag) =	ssettag $0x1  }
0x1: {  	s0 =	rddreg [dreg:$0x0]  }
0x2: {  	s1 =	rddreg [dreg:$0x1]  }
0x3: {  	s2 =	srdreg.scid;
	s4 =	simm.s32 $0x0;
	s10 =	stileid.u32  }
0x4: {  	s14 =	simm.s32 $0x11;
	s15 =	simm.s32 $0x7D;
	s16 =	simm.s32 $0x5000  }
0x5: {  	s18 =	simm.s32 $0x6F40;
	s29 =	simm.s32 $0x10B80;
	s31 =	simm.s32 $0x12AC0  }
0x6: {  	s17 =	simm.s32 $0x1;
	s28 =	simm.s32 $0x6;
	s30 =	simm.s32 $0x8  }
0x7: {  	s11 =	simm.s32 $0x10;
	s12 =	simm.s32 $0x0;
	s2 =	sand.u32 $0x1, s2  }
0x8: {  	[smem:$0x7FF] =	sst s4;
	s5 =	smul.u32 $0x9C00, s10;
	s4 =	sadd.s32 $0x16C00, s0  }
0x9: {  	s9 =	sadd.s32 $0x3E000, s0;
	s23 =	sadd.s32 $0x9C000, s1;
	p0 =	sne.s32 s10, $0xF  }
0xa: {  	s3 =	sshll.u32 s2, $0x4;
	_ =	strace $0x8000004D;
	s7 =	ssub.s32 $0x2, s2  }
0xb: {  	s2 =	smul.u32 $0x9C400, s2;
	[dreg:$0x7] =	wrdreg s23;
	s23 =	simm.s32 $0x4  }
0xc: {  	s3 =	sor.u32 s10, s3;
	s6 =	sshrl.u32 s5, $0x3;
	s8 =	sshrl.u32 s7, $0x1  }
0xd: {  	s20 =	sadd.s32 s5, s1;
	s10 =	simm.s32 $0xF;
	s3 =	smul.u32 $0x500, s3  }
0xe: {  	s6 =	sadd.s32 s6, s0;
	s7 =	ssub.s32 s7, s8;
	[dreg:$0x5] =	wrdreg s20  }
0xf: {  	s22 =	sadd.s32 s5, s2;
	s2 =	sshrl.u32 s2, $0x3;
	s20 =	simm.s32 $0x8E80  }
0x10: {  	s5 =	simm.s32 $0xA;
	s8 =	simm.s32 $0xD;
	s21 =	sadd.s32 $0x2A600, s6  }
0x11: {  	s2 =	sadd.s32 s9, s2;
	s26 =	smax.u32 s7, $0x1;
	s6 =	simm.s32 $0xB  }
0x12: {  	s7 =	simm.s32 $0xC;
	s3 =	sadd.s32 s3, s0;
	[dreg:$0x6] =	wrdreg s21  }
0x13: {  	s0 =	sadd.s32 $0x3DE00, s0;
	s25 =	sadd.s32 $0x13800, s2;
	[dreg:$0xb] =	wrdreg s26  }
0x14: {  	s26 =	simm.s32 $0xEC40;
	s21 =	simm.s32 $0x3;
	[dreg:$0x8] =	wrdreg s0  }
0x15: {  	s2 =	simm.s32 $0x7;
	s19 =	sadd.s32 $0xCC00, s3;
	[dreg:$0xa] =	wrdreg s25  }
0x16: {  	s3 =	sadd.s32 $0x1C00, s3;
	s25 =	simm.s32 $0x5;
	[dreg:$0x3] =	wrdreg s19  }
0x17: {  	s0 =	simm.s32 $0x9;
	[dreg:$0x4] =	wrdreg s3;
	s3 =	sshrl.u32 s22, $0x3  }
0x18: {  	s22 =	simm.s32 $0xADC0;
	s19 =	simm.s32 $0x2;
	s24 =	sadd.s32 s9, s3  }
0x19: {  	s9 =	simm.s32 $0xE;
	[dreg:$0x9] =	wrdreg s24;
	s24 =	simm.s32 $0xCD00  }
.LBB2_1:
0x1a: {  	[dreg:$0xc] =	wrdreg s12  }
0x1b: {  	s3 =	simm.s32 $0x0;
	s13 =	rddreg [dreg:$0x3]  }
0x1c: {  	[tilespmem:s3], [sflag:$0x11] =	stream.linear.gather [hbm4b:s13+s3], $0x2800, $0x38;
	[tilespmem:$0x1E640] =	vst v63  }
0x1d: {  	_ =	swait.ge [sflag:s14], $0x2800  }
0x1e: {  	[sflag:s14] =	ssyncset.done $0x0  }
0x1f: {  	[sflag:s14] =	ssyncadd.s32 $0xFFFFD800  }
0x20: {  	[tilespmem:s16], [sflag:$0x1] =	stream.indirect.gather [hbm4b:s4+s15], $0x40, s3, s15, $0xb8;
	[tilespmem:$0x1E640] =	vst v63  }
0x21: {  	s12 =	simm.s32 $0x80  }
0x22: {  	[tilespmem:s18], [sflag:$0x2] =	stream.indirect.gather [hbm4b:s4+s15], $0x40, s12, s15, $0xb8;
	[tilespmem:$0x1E640] =	vst v63  }
0x23: {  	s12 =	simm.s32 $0x100  }
0x24: {  	[tilespmem:s20], [sflag:$0x3] =	stream.indirect.gather [hbm4b:s4+s15], $0x40, s12, s15, $0xb8;
	[tilespmem:$0x1E640] =	vst v63  }
0x25: {  	s12 =	simm.s32 $0x180  }
0x26: {  	[tilespmem:s22], [sflag:$0x4] =	stream.indirect.gather [hbm4b:s4+s15], $0x40, s12, s15, $0xb8;
	[tilespmem:$0x1E640] =	vst v63  }
0x27: {  	s12 =	simm.s32 $0x200  }
0x28: {  	[tilespmem:s24], [sflag:$0x5] =	stream.indirect.gather [hbm4b:s4+s15], $0x40, s12, s15, $0xb8;
	[tilespmem:$0x1E640] =	vst v63  }
0x29: {  	s12 =	simm.s32 $0x280  }
0x2a: {  	[tilespmem:s26], [sflag:$0x6] =	stream.indirect.gather [hbm4b:s4+s15], $0x40, s12, s15, $0xb8;
	[tilespmem:$0x1E640] =	vst v63  }
0x2b: {  	s12 =	simm.s32 $0x300  }
0x2c: {  	[tilespmem:s29], [sflag:$0x7] =	stream.indirect.gather [hbm4b:s4+s15], $0x40, s12, s15, $0xb8;
	[tilespmem:$0x1E640] =	vst v63  }
0x2d: {  	s12 =	simm.s32 $0x380  }
0x2e: {  	[tilespmem:s31], [sflag:$0x8] =	stream.indirect.gather [hbm4b:s4+s15], $0x40, s12, s15, $0xb8;
	[tilespmem:$0x1E640] =	vst v63  }
0x2f: {  	s13 =	rddreg [dreg:$0x4];
	s12 =	simm.s32 $0x2800  }
0x30: {  	[tilespmem:s12], [sflag:$0x11] =	stream.linear.gather [hbm4b:s13+s3], $0x2800, $0x38;
	[tilespmem:$0x1E640] =	vst v63  }
0x31: {  	s12 =	stileid.u32;
	_ =	swait.ge [sflag:s14], $0x2800  }
0x32: {  	s3 =	sshll.u32 s12, $0x6;
	[sflag:s14] =	ssyncset.done $0x0;
	s13 =	rddreg [dreg:$0x5]  }
0x33: {  	s12 =	sor.u32 $0x1C11, s3;
	s3 =	rddreg [dreg:$0x6];
	s13 =	sshrl.u32 s13, $0x3  }
0x34: {  	[sflag:s14] =	ssyncadd.s32 $0xFFFFD800;
	[dreg:$0xd] =	wrdreg s13  }
0x35: {  	[spmem:s13], [sflag:s12] =	dma.local [hbm:s3], $0x1380  }
0x36: {  	_ =	swait.ge [sflag:s14], $0x1380  }
0x37: {  	s3 =	rddreg [dreg:$0x7]  }
0x38: {  	[sflag:s14] =	ssyncset.done $0x0;
	s13 =	sshrl.u32 @!p0 s3, $0x3;
	s3 =	rddreg [dreg:$0x8]  }
0x39: {  	[sflag:s14] =	ssyncadd.s32 $0xFFFFEC80;
	[dreg:$0xe] =	wrdreg s13  }
0x3a: {  	[spmem:s13], [sflag:s12] =	dma.local @!p0 [hbm:s3], $0x80  }
0x3b: {  	s3 =	simm.s32 @!p0 $0x11  }
0x3c: {  	_ =	swait.ge @!p0 [sflag:s3], $0x80  }
0x3d: {  	[sflag:s3] =	ssyncset.done @!p0 $0x0  }
0x3e: {  	[sflag:s3] =	ssyncadd.s32 @!p0 $0xFFFFFF80  }
0x3f: {  	[bflag:$0x0] =	sbarrier.arrive $0xFFFF  }
0x40: {  	_ =	swait.ge [sflag:s17], $0x1F40  }
0x41: {  	[sflag:s17] =	ssyncset.done $0x0  }
0x42: {  	s14 =	simm.s32 $0x2800;
	[sflag:s17] =	ssyncadd.s32 $0xFFFFE0C0  }
0x43: {  	[spmem:s1] =	stream.indirect.scatter.add.f32 [tilespmem:s16], [sflag:$0x9], $0x40, s14, s15, $0xb8;
	[tilespmem:$0x1E640] =	vst v63  }
0x44: {  	_ =	swait.ge [sflag:s19], $0x1F40  }
0x45: {  	[sflag:s19] =	ssyncset.done $0x0  }
0x46: {  	s13 =	simm.s32 $0x2880;
	[sflag:s19] =	ssyncadd.s32 $0xFFFFE0C0  }
0x47: {  	[spmem:s1] =	stream.indirect.scatter.add.f32 [tilespmem:s18], [sflag:$0xA], $0x40, s13, s15, $0xb8;
	[tilespmem:$0x1E640] =	vst v63  }
0x48: {  	_ =	swait.ge [sflag:s21], $0x1F40  }
0x49: {  	[sflag:s21] =	ssyncset.done $0x0  }
0x4a: {  	s14 =	simm.s32 $0x2900;
	[sflag:s21] =	ssyncadd.s32 $0xFFFFE0C0  }
0x4b: {  	[spmem:s1] =	stream.indirect.scatter.add.f32 [tilespmem:s20], [sflag:$0xB], $0x40, s14, s15, $0xb8;
	[tilespmem:$0x1E640] =	vst v63  }
0x4c: {  	_ =	swait.ge [sflag:s23], $0x1F40  }
0x4d: {  	[sflag:s23] =	ssyncset.done $0x0  }
0x4e: {  	s13 =	simm.s32 $0x2980;
	[sflag:s23] =	ssyncadd.s32 $0xFFFFE0C0  }
0x4f: {  	[spmem:s1] =	stream.indirect.scatter.add.f32 [tilespmem:s22], [sflag:$0xC], $0x40, s13, s15, $0xb8;
	[tilespmem:$0x1E640] =	vst v63  }
0x50: {  	_ =	swait.ge [sflag:s25], $0x1F40  }
0x51: {  	[sflag:s25] =	ssyncset.done $0x0  }
0x52: {  	s14 =	simm.s32 $0x2A00;
	[sflag:s25] =	ssyncadd.s32 $0xFFFFE0C0  }
0x53: {  	[spmem:s1] =	stream.indirect.scatter.add.f32 [tilespmem:s24], [sflag:$0xD], $0x40, s14, s15, $0xb8;
	[tilespmem:$0x1E640] =	vst v63  }
0x54: {  	_ =	swait.ge [sflag:s28], $0x1F40  }
0x55: {  	[sflag:s28] =	ssyncset.done $0x0  }
0x56: {  	s13 =	simm.s32 $0x2A80;
	[sflag:s28] =	ssyncadd.s32 $0xFFFFE0C0  }
0x57: {  	[spmem:s1] =	stream.indirect.scatter.add.f32 [tilespmem:s26], [sflag:$0xE], $0x40, s13, s15, $0xb8;
	[tilespmem:$0x1E640] =	vst v63  }
0x58: {  	_ =	swait.ge [sflag:s2], $0x1F40  }
0x59: {  	[sflag:s2] =	ssyncset.done $0x0  }
0x5a: {  	s14 =	simm.s32 $0x2B00;
	[sflag:s2] =	ssyncadd.s32 $0xFFFFE0C0  }
0x5b: {  	[spmem:s1] =	stream.indirect.scatter.add.f32 [tilespmem:s29], [sflag:$0xF], $0x40, s14, s15, $0xb8;
	[tilespmem:$0x1E640] =	vst v63  }
0x5c: {  	_ =	swait.ge [sflag:s30], $0x1F40  }
0x5d: {  	[sflag:s30] =	ssyncset.done $0x0  }
0x5e: {  	s13 =	simm.s32 $0x2B80;
	[sflag:s30] =	ssyncadd.s32 $0xFFFFE0C0  }
0x5f: {  	[spmem:s1] =	stream.indirect.scatter.add.f32 [tilespmem:s31], [sflag:$0x10], $0x40, s13, s15, $0xb8;
	[tilespmem:$0x1E640] =	vst v63  }
0x60: {  	_ =	swait.ge [sflag:s0], $0x1F40  }
0x61: {  	[sflag:s0] =	ssyncset.done $0x0  }
0x62: {  	s14 =	simm.s32 $0x400;
	[sflag:s0] =	ssyncadd.s32 $0xFFFFE0C0  }
0x63: {  	[tilespmem:s16], [sflag:$0x1] =	stream.indirect.gather [hbm4b:s4+s15], $0x40, s14, s15, $0xb8;
	[tilespmem:$0x1E640] =	vst v63  }
0x64: {  	_ =	swait.ge [sflag:s5], $0x1F40  }
0x65: {  	[sflag:s5] =	ssyncset.done $0x0  }
0x66: {  	s13 =	simm.s32 $0x480;
	[sflag:s5] =	ssyncadd.s32 $0xFFFFE0C0  }
0x67: {  	[tilespmem:s18], [sflag:$0x2] =	stream.indirect.gather [hbm4b:s4+s15], $0x40, s13, s15, $0xb8;
	[tilespmem:$0x1E640] =	vst v63  }
0x68: {  	_ =	swait.ge [sflag:s6], $0x1F40  }
0x69: {  	[sflag:s6] =	ssyncset.done $0x0  }
0x6a: {  	s14 =	simm.s32 $0x500;
	[sflag:s6] =	ssyncadd.s32 $0xFFFFE0C0  }
0x6b: {  	[tilespmem:s20], [sflag:$0x3] =	stream.indirect.gather [hbm4b:s4+s15], $0x40, s14, s15, $0xb8;
	[tilespmem:$0x1E640] =	vst v63  }
0x6c: {  	_ =	swait.ge [sflag:s7], $0x1F40  }
0x6d: {  	[sflag:s7] =	ssyncset.done $0x0  }
0x6e: {  	s13 =	simm.s32 $0x580;
	[sflag:s7] =	ssyncadd.s32 $0xFFFFE0C0  }
0x6f: {  	[tilespmem:s22], [sflag:$0x4] =	stream.indirect.gather [hbm4b:s4+s15], $0x40, s13, s15, $0xb8;
	[tilespmem:$0x1E640] =	vst v63  }
0x70: {  	_ =	swait.ge [sflag:s8], $0x1F40  }
0x71: {  	[sflag:s8] =	ssyncset.done $0x0  }
0x72: {  	s14 =	simm.s32 $0x600;
	[sflag:s8] =	ssyncadd.s32 $0xFFFFE0C0  }
0x73: {  	[tilespmem:s24], [sflag:$0x5] =	stream.indirect.gather [hbm4b:s4+s15], $0x40, s14, s15, $0xb8;
	[tilespmem:$0x1E640] =	vst v63  }
0x74: {  	_ =	swait.ge [sflag:s9], $0x1F40  }
0x75: {  	[sflag:s9] =	ssyncset.done $0x0  }
0x76: {  	s13 =	simm.s32 $0x680;
	[sflag:s9] =	ssyncadd.s32 $0xFFFFE0C0  }
0x77: {  	[tilespmem:s26], [sflag:$0x6] =	stream.indirect.gather [hbm4b:s4+s15], $0x40, s13, s15, $0xb8;
	[tilespmem:$0x1E640] =	vst v63  }
0x78: {  	_ =	swait.ge [sflag:s10], $0x1F40  }
0x79: {  	[sflag:s10] =	ssyncset.done $0x0  }
0x7a: {  	s14 =	simm.s32 $0x700;
	[sflag:s10] =	ssyncadd.s32 $0xFFFFE0C0  }
0x7b: {  	[tilespmem:s29], [sflag:$0x7] =	stream.indirect.gather [hbm4b:s4+s15], $0x40, s14, s15, $0xb8;
	[tilespmem:$0x1E640] =	vst v63  }
0x7c: {  	_ =	swait.ge [sflag:s11], $0x1F40  }
0x7d: {  	[sflag:s11] =	ssyncset.done $0x0  }
0x7e: {  	s3 =	simm.s32 $0x1000;
	s14 =	simm.s32 $0x780;
	[sflag:s11] =	ssyncadd.s32 $0xFFFFE0C0  }
.LBB2_2:
0x7f: {  	[tilespmem:s31], [sflag:$0x8] =	stream.indirect.gather [hbm4b:s4+s15], $0x40, s14, s15, $0xb8;
	[tilespmem:$0x1E640] =	vst v63  }
0x80: {  	s14 =	smov.u32 s3  }
0x81: {  	p1 =	sne.s32 s3, $0x8000;
	s3 =	sadd.s32 $0x1000, s3;
	_ =	swait.ge [sflag:s17], $0x1F40  }
0x82: {  	s14 =	sshra.s32 s14, $0x2;
	[sflag:s17] =	ssyncset.done $0x0  }
0x83: {  	s13 =	sadd.s32 $0x2800, s14;
	[sflag:s17] =	ssyncadd.s32 $0xFFFFE0C0  }
0x84: {  	[spmem:s1] =	stream.indirect.scatter.add.f32 [tilespmem:s16], [sflag:$0x9], $0x40, s13, s15, $0xb8;
	[tilespmem:$0x1E640] =	vst v63  }
0x85: {  	_ =	swait.ge [sflag:s19], $0x1F40  }
0x86: {  	[sflag:s19] =	ssyncset.done $0x0  }
0x87: {  	s13 =	sadd.s32 $0x2880, s14;
	[sflag:s19] =	ssyncadd.s32 $0xFFFFE0C0  }
0x88: {  	[spmem:s1] =	stream.indirect.scatter.add.f32 [tilespmem:s18], [sflag:$0xA], $0x40, s13, s15, $0xb8;
	[tilespmem:$0x1E640] =	vst v63  }
0x89: {  	_ =	swait.ge [sflag:s21], $0x1F40  }
0x8a: {  	[sflag:s21] =	ssyncset.done $0x0  }
0x8b: {  	s13 =	sadd.s32 $0x2900, s14;
	[sflag:s21] =	ssyncadd.s32 $0xFFFFE0C0  }
0x8c: {  	[spmem:s1] =	stream.indirect.scatter.add.f32 [tilespmem:s20], [sflag:$0xB], $0x40, s13, s15, $0xb8;
	[tilespmem:$0x1E640] =	vst v63  }
0x8d: {  	_ =	swait.ge [sflag:s23], $0x1F40  }
0x8e: {  	[sflag:s23] =	ssyncset.done $0x0  }
0x8f: {  	s13 =	sadd.s32 $0x2980, s14;
	[sflag:s23] =	ssyncadd.s32 $0xFFFFE0C0  }
0x90: {  	[spmem:s1] =	stream.indirect.scatter.add.f32 [tilespmem:s22], [sflag:$0xC], $0x40, s13, s15, $0xb8;
	[tilespmem:$0x1E640] =	vst v63  }
0x91: {  	_ =	swait.ge [sflag:s25], $0x1F40  }
0x92: {  	[sflag:s25] =	ssyncset.done $0x0  }
0x93: {  	s13 =	sadd.s32 $0x2A00, s14;
	[sflag:s25] =	ssyncadd.s32 $0xFFFFE0C0  }
0x94: {  	[spmem:s1] =	stream.indirect.scatter.add.f32 [tilespmem:s24], [sflag:$0xD], $0x40, s13, s15, $0xb8;
	[tilespmem:$0x1E640] =	vst v63  }
0x95: {  	_ =	swait.ge [sflag:s28], $0x1F40  }
0x96: {  	[sflag:s28] =	ssyncset.done $0x0  }
0x97: {  	s13 =	sadd.s32 $0x2A80, s14;
	[sflag:s28] =	ssyncadd.s32 $0xFFFFE0C0  }
0x98: {  	[spmem:s1] =	stream.indirect.scatter.add.f32 [tilespmem:s26], [sflag:$0xE], $0x40, s13, s15, $0xb8;
	[tilespmem:$0x1E640] =	vst v63  }
0x99: {  	_ =	swait.ge [sflag:s2], $0x1F40  }
0x9a: {  	[sflag:s2] =	ssyncset.done $0x0  }
0x9b: {  	s13 =	sadd.s32 $0x2B00, s14;
	[sflag:s2] =	ssyncadd.s32 $0xFFFFE0C0  }
0x9c: {  	[spmem:s1] =	stream.indirect.scatter.add.f32 [tilespmem:s29], [sflag:$0xF], $0x40, s13, s15, $0xb8;
	[tilespmem:$0x1E640] =	vst v63  }
0x9d: {  	_ =	swait.ge [sflag:s30], $0x1F40  }
0x9e: {  	[sflag:s30] =	ssyncset.done $0x0  }
0x9f: {  	s13 =	sadd.s32 $0x2B80, s14;
	[sflag:s30] =	ssyncadd.s32 $0xFFFFE0C0  }
0xa0: {  	[spmem:s1] =	stream.indirect.scatter.add.f32 [tilespmem:s31], [sflag:$0x10], $0x40, s13, s15, $0xb8;
	[tilespmem:$0x1E640] =	vst v63  }
0xa1: {  	_ =	swait.ge [sflag:s0], $0x1F40  }
0xa2: {  	[sflag:s0] =	ssyncset.done $0x0  }
0xa3: {  	s13 =	sadd.s32 $0x400, s14;
	[sflag:s0] =	ssyncadd.s32 $0xFFFFE0C0  }
0xa4: {  	[tilespmem:s16], [sflag:$0x1] =	stream.indirect.gather [hbm4b:s4+s15], $0x40, s13, s15, $0xb8;
	[tilespmem:$0x1E640] =	vst v63  }
0xa5: {  	_ =	swait.ge [sflag:s5], $0x1F40  }
0xa6: {  	[sflag:s5] =	ssyncset.done $0x0  }
0xa7: {  	s13 =	sadd.s32 $0x480, s14;
	[sflag:s5] =	ssyncadd.s32 $0xFFFFE0C0  }
0xa8: {  	[tilespmem:s18], [sflag:$0x2] =	stream.indirect.gather [hbm4b:s4+s15], $0x40, s13, s15, $0xb8;
	[tilespmem:$0x1E640] =	vst v63  }
0xa9: {  	_ =	swait.ge [sflag:s6], $0x1F40  }
0xaa: {  	[sflag:s6] =	ssyncset.done $0x0  }
0xab: {  	s13 =	sadd.s32 $0x500, s14;
	[sflag:s6] =	ssyncadd.s32 $0xFFFFE0C0  }
0xac: {  	[tilespmem:s20], [sflag:$0x3] =	stream.indirect.gather [hbm4b:s4+s15], $0x40, s13, s15, $0xb8;
	[tilespmem:$0x1E640] =	vst v63  }
0xad: {  	_ =	swait.ge [sflag:s7], $0x1F40  }
0xae: {  	[sflag:s7] =	ssyncset.done $0x0  }
0xaf: {  	s13 =	sadd.s32 $0x580, s14;
	[sflag:s7] =	ssyncadd.s32 $0xFFFFE0C0  }
0xb0: {  	[tilespmem:s22], [sflag:$0x4] =	stream.indirect.gather [hbm4b:s4+s15], $0x40, s13, s15, $0xb8;
	[tilespmem:$0x1E640] =	vst v63  }
0xb1: {  	_ =	swait.ge [sflag:s8], $0x1F40  }
0xb2: {  	[sflag:s8] =	ssyncset.done $0x0  }
0xb3: {  	s13 =	sadd.s32 $0x600, s14;
	[sflag:s8] =	ssyncadd.s32 $0xFFFFE0C0  }
0xb4: {  	[tilespmem:s24], [sflag:$0x5] =	stream.indirect.gather [hbm4b:s4+s15], $0x40, s13, s15, $0xb8;
	[tilespmem:$0x1E640] =	vst v63  }
0xb5: {  	_ =	swait.ge [sflag:s9], $0x1F40  }
0xb6: {  	[sflag:s9] =	ssyncset.done $0x0  }
0xb7: {  	s13 =	sadd.s32 $0x680, s14;
	[sflag:s9] =	ssyncadd.s32 $0xFFFFE0C0  }
0xb8: {  	[tilespmem:s26], [sflag:$0x6] =	stream.indirect.gather [hbm4b:s4+s15], $0x40, s13, s15, $0xb8;
	[tilespmem:$0x1E640] =	vst v63  }
0xb9: {  	_ =	swait.ge [sflag:s10], $0x1F40  }
0xba: {  	[sflag:s10] =	ssyncset.done $0x0  }
.Ltmp0:
0xbb: {  	s13 =	sadd.s32 $0x700, s14;
	[sflag:s10] =	ssyncadd.s32 $0xFFFFE0C0;
	(pc) =	sbr.rel @p1 .LBB2_2-.Ltmp0, $4  }
0xbc: {  	[tilespmem:s29], [sflag:$0x7] =	stream.indirect.gather [hbm4b:s4+s15], $0x40, s13, s15, $0xb8;
	[tilespmem:$0x1E640] =	vst v63  }
0xbd: {  	_ =	swait.ge [sflag:s11], $0x1F40  }
0xbe: {  	[sflag:s11] =	ssyncset.done $0x0  }
0xbf: {  	s14 =	sadd.s32 $0x780, s14;
	[sflag:s11] =	ssyncadd.s32 $0xFFFFE0C0  }
0xc0: {  	[tilespmem:s31], [sflag:$0x8] =	stream.indirect.gather [hbm4b:s4+s15], $0x40, s14, s15, $0xb8;
	[tilespmem:$0x1E640] =	vst v63  }
0xc1: {  	_ =	swait.ge [sflag:s17], $0x1F40  }
0xc2: {  	[sflag:s17] =	ssyncset.done $0x0  }
0xc3: {  	s3 =	simm.s32 $0x4C00;
	[sflag:s17] =	ssyncadd.s32 $0xFFFFE0C0  }
0xc4: {  	[spmem:s1] =	stream.indirect.scatter.add.f32 [tilespmem:s16], [sflag:$0x9], $0x40, s3, s15, $0xb8;
	[tilespmem:$0x1E640] =	vst v63  }
0xc5: {  	_ =	swait.ge [sflag:s19], $0x1F40  }
0xc6: {  	[sflag:s19] =	ssyncset.done $0x0  }
0xc7: {  	s13 =	simm.s32 $0x4C80;
	[sflag:s19] =	ssyncadd.s32 $0xFFFFE0C0  }
0xc8: {  	[spmem:s1] =	stream.indirect.scatter.add.f32 [tilespmem:s18], [sflag:$0xA], $0x40, s13, s15, $0xb8;
	[tilespmem:$0x1E640] =	vst v63  }
0xc9: {  	_ =	swait.ge [sflag:s21], $0x1F40  }
0xca: {  	[sflag:s21] =	ssyncset.done $0x0  }
0xcb: {  	s14 =	simm.s32 $0x4D00;
	[sflag:s21] =	ssyncadd.s32 $0xFFFFE0C0  }
0xcc: {  	[spmem:s1] =	stream.indirect.scatter.add.f32 [tilespmem:s20], [sflag:$0xB], $0x40, s14, s15, $0xb8;
	[tilespmem:$0x1E640] =	vst v63  }
0xcd: {  	_ =	swait.ge [sflag:s23], $0x1F40  }
0xce: {  	[sflag:s23] =	ssyncset.done $0x0  }
0xcf: {  	s13 =	simm.s32 $0x4D80;
	[sflag:s23] =	ssyncadd.s32 $0xFFFFE0C0  }
0xd0: {  	[spmem:s1] =	stream.indirect.scatter.add.f32 [tilespmem:s22], [sflag:$0xC], $0x40, s13, s15, $0xb8;
	[tilespmem:$0x1E640] =	vst v63  }
0xd1: {  	_ =	swait.ge [sflag:s25], $0x1F40  }
0xd2: {  	[sflag:s25] =	ssyncset.done $0x0  }
0xd3: {  	s14 =	simm.s32 $0x4E00;
	[sflag:s25] =	ssyncadd.s32 $0xFFFFE0C0  }
0xd4: {  	[spmem:s1] =	stream.indirect.scatter.add.f32 [tilespmem:s24], [sflag:$0xD], $0x40, s14, s15, $0xb8;
	[tilespmem:$0x1E640] =	vst v63  }
0xd5: {  	_ =	swait.ge [sflag:s28], $0x1F40  }
0xd6: {  	[sflag:s28] =	ssyncset.done $0x0  }
0xd7: {  	s13 =	simm.s32 $0x4E80;
	[sflag:s28] =	ssyncadd.s32 $0xFFFFE0C0  }
0xd8: {  	[spmem:s1] =	stream.indirect.scatter.add.f32 [tilespmem:s26], [sflag:$0xE], $0x40, s13, s15, $0xb8;
	[tilespmem:$0x1E640] =	vst v63  }
0xd9: {  	_ =	swait.ge [sflag:s2], $0x1F40  }
0xda: {  	[sflag:s2] =	ssyncset.done $0x0  }
0xdb: {  	s14 =	simm.s32 $0x4F00;
	[sflag:s2] =	ssyncadd.s32 $0xFFFFE0C0  }
0xdc: {  	[spmem:s1] =	stream.indirect.scatter.add.f32 [tilespmem:s29], [sflag:$0xF], $0x40, s14, s15, $0xb8;
	[tilespmem:$0x1E640] =	vst v63  }
0xdd: {  	_ =	swait.ge [sflag:s30], $0x1F40  }
0xde: {  	[sflag:s30] =	ssyncset.done $0x0  }
0xdf: {  	s13 =	simm.s32 $0x4F80;
	[sflag:s30] =	ssyncadd.s32 $0xFFFFE0C0  }
0xe0: {  	[spmem:s1] =	stream.indirect.scatter.add.f32 [tilespmem:s31], [sflag:$0x10], $0x40, s13, s15, $0xb8;
	[tilespmem:$0x1E640] =	vst v63  }
0xe1: {  	_ =	swait.ge [sflag:s0], $0x1F40  }
0xe2: {  	[sflag:s0] =	ssyncset.done $0x0  }
0xe3: {  	[sflag:s0] =	ssyncadd.s32 $0xFFFFE0C0  }
0xe4: {  	_ =	swait.ge [sflag:s5], $0x1F40  }
0xe5: {  	[sflag:s5] =	ssyncset.done $0x0  }
0xe6: {  	[sflag:s5] =	ssyncadd.s32 $0xFFFFE0C0  }
0xe7: {  	_ =	swait.ge [sflag:s6], $0x1F40  }
0xe8: {  	[sflag:s6] =	ssyncset.done $0x0  }
0xe9: {  	[sflag:s6] =	ssyncadd.s32 $0xFFFFE0C0  }
0xea: {  	_ =	swait.ge [sflag:s7], $0x1F40  }
0xeb: {  	[sflag:s7] =	ssyncset.done $0x0  }
0xec: {  	[sflag:s7] =	ssyncadd.s32 $0xFFFFE0C0  }
0xed: {  	_ =	swait.ge [sflag:s8], $0x1F40  }
0xee: {  	[sflag:s8] =	ssyncset.done $0x0  }
0xef: {  	[sflag:s8] =	ssyncadd.s32 $0xFFFFE0C0  }
0xf0: {  	_ =	swait.ge [sflag:s9], $0x1F40  }
0xf1: {  	[sflag:s9] =	ssyncset.done $0x0  }
0xf2: {  	[sflag:s9] =	ssyncadd.s32 $0xFFFFE0C0  }
0xf3: {  	_ =	swait.ge [sflag:s10], $0x1F40  }
0xf4: {  	[sflag:s10] =	ssyncset.done $0x0  }
0xf5: {  	[sflag:s10] =	ssyncadd.s32 $0xFFFFE0C0  }
0xf6: {  	_ =	swait.ge [sflag:s11], $0x1F40  }
0xf7: {  	[sflag:s11] =	ssyncset.done $0x0  }
0xf8: {  	[sflag:s11] =	ssyncadd.s32 $0xFFFFE0C0  }
0xf9: {  	[bflag:$0x0] =	sbarrier.arrive $0xFFFF  }
0xfa: {  	s14 =	rddreg [dreg:$0x9]  }
0xfb: {  	s13 =	rddreg [dreg:$0xd]  }
0xfc: {  	[hbm:s14], [sflag:s12] =	dma.local [spmem:s13], $0x1380  }
0xfd: {  	s14 =	simm.s32 $0x11  }
0xfe: {  	_ =	swait.ge [sflag:s14], $0x1380  }
0xff: {  	[sflag:s14] =	ssyncset.done $0x0;
	s3 =	rddreg [dreg:$0xa]  }
0x100: {  	s13 =	rddreg [dreg:$0xe];
	[sflag:s14] =	ssyncadd.s32 $0xFFFFEC80  }
0x101: {  	[hbm:s3], [sflag:s12] =	dma.local @!p0 [spmem:s13], $0x80  }
0x102: {  	s3 =	simm.s32 @!p0 $0x11  }
0x103: {  	_ =	swait.ge @!p0 [sflag:s3], $0x80  }
0x104: {  	s13 =	rddreg [dreg:$0xc]  }
0x105: {  	s12 =	sadd.s32 $0x1, s13;
	s13 =	rddreg [dreg:$0xb]  }
0x106: {  	p1 =	sne.s32 s12, s13  }
.Ltmp1:
0x107: {  	_ = 	snop;
	(pc) =	sbr.rel @p1 .LBB2_1-.Ltmp1, $3  }
0x108: {  	_ =	sdelay $0x1  }
0x109: {  	[sflag:s3] =	ssyncset.done @!p0 $0x0  }
0x10a: {  	[sflag:s3] =	ssyncadd.s32 @!p0 $0xFFFFFF80  }
0x10b: {  	_ =	sfence.sel $0x180000  }
0x10c: {  	[bflag:$0x0] =	sbarrier.arrive $0xFFFF  }
0x10d: {  	_ =	strace $0x9000004D  }
0x10e: {  	s0 =	stileid.u32;
	[bflag:$0x2] =	sbarrier.arrive $0xFFFF  }
0x10f: {  	p0 =	sne.s32 s0, $0x0;
	s0 =	rddreg [dreg:$0x2]  }
0x110: {  	s0 =	sadd.s32 @!p0 $0x100000, s0  }
0x111: {  	[sflag:s0] =	ssyncadd.tile.s32 @!p0 $0x1;
	_ =	shalt  }
.Lfunc_end2:
_tile_overlayer_lowered:
.L_overlay_start_2:
0x112: {  	(tag) =	ssettag $0x2  }
0x113: {  	s0 =	rddreg [dreg:$0x0];
	s2 =	stileid.u32  }
0x114: {  	s1 =	rddreg [dreg:$0x1];
	p0 =	sne.s32 s2, $0x0  }
0x115: {  	s3 =	rddreg [dreg:$0x2];
	[bflag:$0x3] =	sbarrier.arrive $0xFFFF;
	s2 =	simm.s32 @!p0 $0x1C11  }
0x116: {  	[timem:s3], [sflag:s2] =	dma.local @!p0 [hbm:s0], s1  }
0x117: {  	s0 =	simm.s32 @!p0 $0x11  }
0x118: {  	_ =	swait.ge @!p0 [sflag:s0], s1  }
0x119: {  	s1 =	ssub.s32 @!p0 $0x0, s1;
	[sflag:s0] =	ssyncset.done @!p0 $0x0  }
0x11a: {  	[sflag:s0] =	ssyncadd.s32 @!p0 s1  }
0x11b: {  	[bflag:$0x3] =	sbarrier.arrive $0xFFFF  }
0x11c: {  	_ =	shalt  }

// kernel: kernel.8.cloned.1.call-start
scs
__scs_entry_jumppad:
0x0: {  	(pc) =	sbr.rel $0x88, $3  }
0x1: {  	(tag) =	ssettag $0x0;
	lr =	simm.s32 $0x1  }
0x2: {  	[smem:$0x3F99] =	sst lr;
	_ =	strace $0xD0000000  }
0x3: {  	_ = 	snop  }
0x4: {  	_ = 	snop  }
0x5: {  	_ = 	snop  }
0x6: {  	_ = 	snop  }
0x7: {  	_ = 	snop  }
__scs_overlays_trampoline_lowered:
0x8: {  	[smem:$0x3FA8] =	sst s0  }
0x9: {  	[smem:$0x3FA9] =	sst s1  }
0xa: {  	[smem:$0x3FAA] =	sst s2  }
0xb: {  	[smem:$0x3FAB] =	sst s3  }
0xc: {  	[smem:$0x3FAC] =	sst s4  }
0xd: {  	[smem:$0x3FAD] =	sst s5  }
0xe: {  	[smem:$0x3FAE] =	sst s6  }
0xf: {  	[smem:$0x3FAF] =	sst s7  }
0x10: {  	[smem:$0x3FB0] =	sst s8  }
0x11: {  	[smem:$0x3FB1] =	sst s9;
	s0 =	simm.s32 @!p0 $0x0  }
0x12: {  	s1 =	sld [smem:$0x3F97];
	s0 =	simm.s32 @p0 $0x1  }
0x13: {  	[smem:$0x3FB2] =	sst s0;
	s0 =	simm.s32 @!p1 $0x0  }
0x14: {  	s2 =	sld [smem:$0x3F96];
	s0 =	simm.s32 @p1 $0x1  }
0x15: {  	[smem:$0x3FB3] =	sst s0;
	s0 =	simm.s32 @!p2 $0x0  }
0x16: {  	s3 =	sld [smem:$0x3FDB];
	s0 =	simm.s32 @p2 $0x1  }
0x17: {  	s4 =	simm.s32 $0x1BF5;
	[smem:$0x3FB5] =	sst s0  }
0x18: {  	s0 =	sld [smem:$0x3F98];
	_ =	swait.ge [sflag:s4], $0x0  }
0x19: {  	s7 =	sld [smem:$0x3F99]  }
0x1a: {  	s8 =	sadd.s32 $0xFFFFE003, lr  }
0x1b: {  	s9 =	sadd.s32 $0xFFFFFEF7, lr;
	s5 =	simm.s32 $0xFFFFFFFF;
	p2 =	slt.u32 s8, $0xFFFFF086  }
0x1c: {  	p1 =	slt.u32 s9, $0xF7A;
	s5 =	simm.s32 @!p2 $0x0  }
0x1d: {  	s5 =	simm.s32 @p1 $0x1;
	p0 =	seq.s32 s7, s2  }
0x1e: {  	s7 =	smul.u32 @!p0 $0xF7A, s2;
	p2 =	seq.s32 @!p0 s5, $0x0  }
0x1f: {  	s9 =	smul.u32 $0xF7A, s1;
	s8 =	simm.s32 @!p0 $0x1BF5;
	p2 =	por !p2, p0  }
0x20: {  	[sflag:s8] =	ssyncset.s32 @!p0 $0xFFFFF086;
	s6 =	sadd.s32 @!p0 s3, s7;
	s7 =	simm.s32 @!p0 $0x108  }
0x21: {  	s3 =	sadd.s32 s3, s9;
	s6 =	sadd.s32 @!p0 $0x88, s6;
	s7 =	simm.s32 @p2 $0x1082  }
0x22: {  	[simem:s7], [sflag:s8] =	dma.local @!p0 [hbm:s6], $0xF7A  }
0x23: {  	s9 =	sor.u32 $0xD0000000, s2;
	s6 =	simm.s32 $0x108;
	_ =	swait.ge @!p0 [sflag:s8], $0x0  }
0x24: {  	s3 =	sadd.s32 $0x88, s3;
	s6 =	simm.s32 @!p1 $0x1082;
	[sflag:s4] =	ssyncset.s32 $0xFFFFF086  }
0x25: {  	[simem:s6], [sflag:s4] =	dma.local [hbm:s3], $0xF7A  }
0x26: {  	[smem:$0x3F99] =	sst s1;
	(tag) =	ssettag s2;
	_ =	strace s9  }
0x27: {  	s1 =	sld [smem:$0x3FA9]  }
0x28: {  	s2 =	sld [smem:$0x3FAA]  }
0x29: {  	s4 =	sld [smem:$0x3FAC]  }
0x2a: {  	p0 =	seq.s32 s5, $0x0;
	s5 =	sld [smem:$0x3FAD]  }
0x2b: {  	s6 =	sld [smem:$0x3FAE]  }
0x2c: {  	s7 =	sld [smem:$0x3FAF]  }
0x2d: {  	s3 =	simm.s32 $0x108;
	s8 =	sld [smem:$0x3FB0]  }
0x2e: {  	s3 =	simm.s32 @!p0 $0x1082;
	s9 =	sld [smem:$0x3FB1]  }
0x2f: {  	lr =	sadd.s32 s0, s3;
	s0 =	sld [smem:$0x3FA8]  }
0x30: {  	s3 =	sld [smem:$0x3FAB]  }
0x31: {  	[smem:$0x3FB4] =	sst s10  }
0x32: {  	s10 =	sld [smem:$0x3FB2];
	_ =	sdelay $0x3  }
0x33: {  	p0 =	seq.s32 s10, $0x1;
	s10 =	sld [smem:$0x3FB4];
	_ =	sdelay $0x3  }
0x34: {  	[smem:$0x3FB4] =	sst s10  }
0x35: {  	s10 =	sld [smem:$0x3FB3];
	_ =	sdelay $0x3  }
0x36: {  	p1 =	seq.s32 s10, $0x1;
	s10 =	sld [smem:$0x3FB4];
	_ =	sdelay $0x3  }
0x37: {  	[smem:$0x3FB4] =	sst s10  }
0x38: {  	s10 =	sld [smem:$0x3FB5]  }
0x39: {  	_ = 	snop;
	(pc) =	sbr.ind lr, $3  }
0x3a: {  	_ = 	snop  }
0x3b: {  	_ = 	snop  }
0x3c: {  	p2 =	seq.s32 s10, $0x1;
	s10 =	sld [smem:$0x3FB4]  }
0x3d: {  	_ =	shalt  }
0x3e: {  	_ =	shalt  }
0x3f: {  	_ =	shalt  }
0x40: {  	_ =	shalt  }
0x41: {  	_ =	shalt  }
0x42: {  	_ =	shalt  }
0x43: {  	_ =	shalt  }
0x44: {  	_ =	shalt  }
0x45: {  	_ =	shalt  }
0x46: {  	_ =	shalt  }
0x47: {  	_ =	shalt  }
0x48: {  	_ =	shalt  }
0x49: {  	_ =	shalt  }
0x4a: {  	_ =	shalt  }
0x4b: {  	_ =	shalt  }
0x4c: {  	_ =	shalt  }
0x4d: {  	_ =	shalt  }
0x4e: {  	_ =	shalt  }
0x4f: {  	_ =	shalt  }
0x50: {  	_ =	shalt  }
0x51: {  	_ =	shalt  }
0x52: {  	_ =	shalt  }
0x53: {  	_ =	shalt  }
0x54: {  	_ =	shalt  }
0x55: {  	_ =	shalt  }
0x56: {  	_ =	shalt  }
0x57: {  	_ =	shalt  }
0x58: {  	_ =	shalt  }
0x59: {  	_ =	shalt  }
0x5a: {  	_ =	shalt  }
0x5b: {  	_ =	shalt  }
0x5c: {  	_ =	shalt  }
0x5d: {  	_ =	shalt  }
0x5e: {  	_ =	shalt  }
0x5f: {  	_ =	shalt  }
0x60: {  	_ =	shalt  }
0x61: {  	_ =	shalt  }
0x62: {  	_ =	shalt  }
0x63: {  	_ =	shalt  }
0x64: {  	_ =	shalt  }
0x65: {  	_ =	shalt  }
0x66: {  	_ =	shalt  }
0x67: {  	_ =	shalt  }
0x68: {  	_ =	shalt  }
0x69: {  	_ =	shalt  }
0x6a: {  	_ =	shalt  }
0x6b: {  	_ =	shalt  }
0x6c: {  	_ =	shalt  }
0x6d: {  	_ =	shalt  }
0x6e: {  	_ =	shalt  }
0x6f: {  	_ =	shalt  }
0x70: {  	_ =	shalt  }
0x71: {  	_ =	shalt  }
0x72: {  	_ =	shalt  }
0x73: {  	_ =	shalt  }
0x74: {  	_ =	shalt  }
0x75: {  	_ =	shalt  }
0x76: {  	_ =	shalt  }
0x77: {  	_ =	shalt  }
0x78: {  	_ =	shalt  }
0x79: {  	_ =	shalt  }
0x7a: {  	_ =	shalt  }
0x7b: {  	_ =	shalt  }
0x7c: {  	_ =	shalt  }
0x7d: {  	_ =	shalt  }
0x7e: {  	_ =	shalt  }
0x7f: {  	_ =	shalt  }
0x80: {  	_ =	shalt  }
0x81: {  	_ =	shalt  }
0x82: {  	_ =	shalt  }
0x83: {  	_ =	shalt  }
0x84: {  	_ =	shalt  }
0x85: {  	_ =	shalt  }
0x86: {  	_ =	shalt  }
0x87: {  	_ =	shalt  }
.Lfunc_end0:
.L_simem_size_0:
called_computation_lowered:
.L_overlay_start_0:
0x88: {  	s2 =	sld [smem:$0x3FD9]  }
0x89: {  	s3 =	sld [smem:$0x3FFE];
	_ =	sdelay $0x1  }
0x8a: {  	s1 =	srdreg.scid  }
0x8b: {  	s0 =	sand.u32 $0x1, s1  }
0x8c: {  	s16 =	sshll.u32 s0, $0xA;
	s2 =	sadd.s32 s3, s2  }
0x8d: {  	s2 =	sadd.s32 s2, s16  }
0x8e: {  	[smem:$0x3FC0] =	sst s2  }
0x8f: {  	_ = 	snop  }
0x90: {  	(tm) =	ssettm $0x1  }
0x91: {  	s17 =	sld [smem:$0x3FFB];
	_ =	sdelay $0x3  }
0x92: {  	_ =	strace s17  }
0x93: {  	s2 =	sld [smem:$0x3FFC];
	_ =	sdelay $0x3  }
0x94: {  	_ =	strace s2  }
0x95: {  	s2 =	sld [smem:$0x3FFD];
	_ =	sdelay $0x3  }
0x96: {  	_ =	strace s2  }
0x97: {  	_ =	strace $0x8FFFFFFF  }
0x98: {  	s18 =	sld [smem:$0x3FDB];
	_ =	sdelay $0x1  }
0x99: {  	s19 =	simm.s32 $_scs_section_size  }
0x9a: {  	s4 =	simm.s32 $_size__tile_overlayer_lowered;
	s5 =	simm.s32 $_tile_overlayer_lowered  }
0x9b: {  	s22 =	simm.s32 $0x1BFF;
	s21 =	sshll.u32 s5, $0x1;
	s2 =	sadd.s32 s19, s18  }
0x9c: {  	s6 =	simm.s32 $0x0;
	s20 =	sshll.u32 s4, $0x1;
	s4 =	sadd.s32 s21, s2  }
0x9d: {  	[timem:s6], [sflag:s22] =	dma.local [hbm:s4], s20  }
0x9e: {  	_ =	swait.ge [sflag:s22], s20  }
0x9f: {  	s3 =	ssub.s32 $0x0, s20;
	[sflag:s22] =	ssyncset.done $0x0  }
0xa0: {  	[sflag:s22] =	ssyncadd.s32 s3;
	_ =	sdelay $0x1  }
0xa1: {  	s23 =	simm.s32 $0x1B8B  }
0xa2: {  	_ =	swait.ge [sflag:s23], $0x1  }
0xa3: {  	[sflag:s23] =	ssyncset.done $0x0  }
0xa4: {  	s25 =	simm.s32 $0x1B8E;
	s24 =	sld [smem:$0x3FFE];
	[sflag:s23] =	ssyncadd.s32 $0xFFFFFFFF  }
0xa5: {  	s26 =	simm.s32 $execute0_lowered;
	[smem:$0x3FD2] =	sst s25  }
0xa6: {  	s4 =	sshll.u32 s26, $0x1;
	_ =	strace $0x80000046;
	[dreg:$0x1] =	wrdreg $0xFFFFFFFF  }
0xa7: {  	s28 =	simm.s32 $_size_execute0_lowered;
	s2 =	sadd.s32 s2, s4;
	[dreg:$0x0] =	wrdreg $0x0  }
0xa8: {  	s4 =	sshll.u32 s28, $0x1;
	[dreg:$0x2] =	wrdreg s2  }
0xa9: {  	[dreg:$0x3] =	wrdreg s4  }
0xaa: {  	[dreg:$0x4] =	wrdreg $0xC0  }
0xab: {  	_ =	task [dreg:s6], $0x5FFFF  }
0xac: {  	[dreg:$0x1] =	wrdreg $0xFFFFFFFF  }
0xad: {  	[dreg:$0x0] =	wrdreg $0x60  }
0xae: {  	[dreg:$0x2] =	wrdreg s24  }
0xaf: {  	[dreg:$0x3] =	wrdreg $0x28800  }
0xb0: {  	[dreg:$0x4] =	wrdreg $0x9  }
0xb1: {  	_ =	task.clear_ibuf [dreg:s6], $0x5FFFF;
	_ =	strace $0x90000046  }
0xb2: {  	s29 =	simm.s32 $0x9;
	_ =	strace $0x80000048  }
0xb3: {  	_ =	swait.ge [sflag:s29], $0x1  }
0xb4: {  	[sflag:s29] =	ssyncadd.s32 $0xFFFFFFFF  }
0xb5: {  	_ =	strace $0x90000048  }
0xb6: {  	_ =	sfence  }
0xb7: {  	s30 =	sld [smem:$0x0];
	_ =	sdelay $0x2  }
0xb8: {  	s31 =	sshll.u32 s1, $0xD;
	s1 =	sshrl.u32 s1, $0x2  }
0xb9: {  	s3 =	sand.u32 $0x4000, s31;
	s1 =	sadd.s32 s1, s30  }
0xba: {  	s0 =	sor.u32 s3, s0;
	s1 =	sshll.u32 s1, $0x11  }
0xbb: {  	s0 =	sor.u32 s1, s0  }
0xbc: {  	s0 =	sadd.s32 $0x8F2B, s0  }
0xbd: {  	[sflag:s0] =	ssyncadd.remote.s32 $0x1  }
0xbe: {  	_ =	sfence.sel $0xFFFF  }
0xbf: {  	[dreg:$0x0] =	wrdreg $0xFFFFFFFF;
	(pc) =	sbr.abs _section_cstart, $3  }
0xc0: {  	[dreg:$0x1] =	wrdreg $0xFFFFFFFF  }
0xc1: {  	_ =	task.clear_ibuf [dreg:s6], $0x2FFFF;
	_ =	strace $0x9FFFFFFF  }
0xc2: {  	(tm) =	ssettm $0x7FFFFFFF  }
0xc3: {  	_ =	shalt  }
tec
execute0_lowered:
.L_overlay_start_1:
0x0: {  	(tag) =	ssettag $0x1  }
0x1: {  	s0 =	srdreg.scid;
	s5 =	rddreg [dreg:$0x0]  }
0x2: {  	s2 =	rddreg [dreg:$0x1];
	s3 =	simm.s32 $0x0;
	s12 =	simm.s32 $0x2800  }
0x3: {  	s13 =	simm.s32 $0x0;
	s4 =	sand.u32 $0x1, s0;
	s0 =	stileid.u32  }
0x4: {  	[smem:$0x7FF] =	sst s3;
	s1 =	sshll.u32 s4, $0x4;
	s7 =	smul.u32 $0x280, s0  }
0x5: {  	s8 =	smul.u32 $0x2800, s4;
	s4 =	ssub.s32 $0x2, s4;
	s1 =	sor.u32 s0, s1  }
0x6: {  	s31 =	sshll.u32 s0, $0x6;
	s10 =	sshrl.u32 s4, $0x1;
	s6 =	smul.u32 $0x500, s1  }
0x7: {  	s1 =	rddreg [dreg:$0x2];
	_ =	strace $0x80000047;
	s8 =	sadd.s32 s7, s8  }
0x8: {  	s9 =	sshrl.u32 s7, $0x3;
	s10 =	ssub.s32 s4, s10;
	s11 =	sadd.s32 s7, s2  }
0x9: {  	s8 =	sshrl.u32 s8, $0x3;
	s9 =	sadd.s32 s9, s5;
	s7 =	smax.u32 s10, $0x1  }
0xa: {  	s10 =	sshrl.u32 s11, $0x3;
	s11 =	simm.s32 $0x7D;
	s6 =	sadd.s32 s6, s5  }
0xb: {  	s8 =	sadd.s32 s8, s5;
	s5 =	sadd.s32 $0xBC00, s9;
	s9 =	sor.u32 $0x1C01, s31  }
0xc: {  	v0 =	vimm.f32 $1.000000000e+00;
	s4 =	sadd.s32 $0x1C00, s6;
	s6 =	sadd.s32 $0xC200, s8;
	s8 =	simm.s32 $0x1  }
.LBB2_1:
0xd: {  	[tilespmem:$0x2800] =	vst v0  }
0xe: {  	[tilespmem:$0x2810] =	vst v0  }
0xf: {  	[tilespmem:$0x2820] =	vst v0  }
0x10: {  	[tilespmem:$0x2830] =	vst v0  }
0x11: {  	[tilespmem:$0x2840] =	vst v0  }
0x12: {  	[tilespmem:$0x2850] =	vst v0  }
0x13: {  	[tilespmem:$0x2860] =	vst v0  }
0x14: {  	[tilespmem:$0x2870] =	vst v0  }
0x15: {  	[tilespmem:s3], [sflag:$0x1] =	stream.linear.gather [hbm4b:s4+s3], $0x2800, $0x38;
	[tilespmem:$0x2B00] =	vst v63  }
0x16: {  	_ =	swait.ge [sflag:s8], $0x2800  }
0x17: {  	[sflag:s8] =	ssyncset.done $0x0  }
0x18: {  	[sflag:s8] =	ssyncadd.s32 $0xFFFFD800  }
0x19: {  	[spmem:s10], [sflag:s9] =	dma.local [hbm:s5], $0x50  }
0x1a: {  	_ =	swait.ge [sflag:s8], $0x50  }
0x1b: {  	[sflag:s8] =	ssyncset.done $0x0  }
0x1c: {  	[sflag:s8] =	ssyncadd.s32 $0xFFFFFFB0  }
0x1d: {  	s14 =	simm.s32 $0x0;
	[bflag:$0x0] =	sbarrier.arrive $0xFFFF  }
0x1e: {  	[spmem:s2] =	stream.indirect.scatter.add.f32 [tilespmem:s12], [sflag:$0x1], $0x1, s14, s11, $0xb8;
	[tilespmem:$0x2B00] =	vst v63  }
0x1f: {  	_ =	swait.ge [sflag:s8], $0x7D  }
0x20: {  	s14 =	simm.s32 $0x200;
	[sflag:s8] =	ssyncset.done $0x0  }
.LBB2_2:
0x21: {  	s15 =	sshra.s32 s14, $0x2;
	[sflag:s8] =	ssyncadd.s32 $0xFFFFFF83;
	p0 =	sne.s32 s14, $0x9E00  }
0x22: {  	[spmem:s2] =	stream.indirect.scatter.add.f32 [tilespmem:s12], [sflag:$0x1], $0x1, s15, s11, $0xb8;
	[tilespmem:$0x2B00] =	vst v63  }
.Ltmp0:
0x23: {  	_ = 	snop;
	(pc) =	sbr.rel @p0 .LBB2_2-.Ltmp0, $4  }
0x24: {  	_ = 	snop  }
0x25: {  	s14 =	sadd.s32 $0x200, s14  }
0x26: {  	_ =	swait.ge [sflag:s8], $0x7D  }
0x27: {  	[sflag:s8] =	ssyncset.done $0x0  }
0x28: {  	s13 =	sadd.s32 $0x1, s13  }
0x29: {  	[sflag:s8] =	ssyncadd.s32 $0xFFFFFF83;
	p0 =	sne.s32 s13, s7  }
.Ltmp1:
0x2a: {  	[bflag:$0x0] =	sbarrier.arrive $0xFFFF;
	(pc) =	sbr.rel @p0 .LBB2_1-.Ltmp1, $4  }
0x2b: {  	[hbm:s6], [sflag:s9] =	dma.local [spmem:s10], $0x50  }
0x2c: {  	_ =	swait.ge [sflag:s8], $0x50  }
0x2d: {  	[sflag:s8] =	ssyncset.done $0x0  }
0x2e: {  	[sflag:s8] =	ssyncadd.s32 $0xFFFFFFB0  }
0x2f: {  	_ =	sfence.sel $0x180000  }
0x30: {  	[bflag:$0x0] =	sbarrier.arrive $0xFFFF  }
0x31: {  	p0 =	sne.s32 s0, $0x0;
	_ =	strace $0x90000047  }
0x32: {  	s0 =	sadd.s32 @!p0 $0x100000, s1;
	[bflag:$0x2] =	sbarrier.arrive $0xFFFF  }
0x33: {  	[sflag:s0] =	ssyncadd.tile.s32 @!p0 $0x1;
	_ =	shalt  }
.Lfunc_end2:
_tile_overlayer_lowered:
.L_overlay_start_2:
0x34: {  	(tag) =	ssettag $0x2  }
0x35: {  	s0 =	rddreg [dreg:$0x0];
	s2 =	stileid.u32  }
0x36: {  	s1 =	rddreg [dreg:$0x1];
	p0 =	sne.s32 s2, $0x0  }
0x37: {  	s3 =	rddreg [dreg:$0x2];
	[bflag:$0x3] =	sbarrier.arrive $0xFFFF;
	s2 =	simm.s32 @!p0 $0x1C01  }
0x38: {  	[timem:s3], [sflag:s2] =	dma.local @!p0 [hbm:s0], s1  }
0x39: {  	s0 =	simm.s32 @!p0 $0x1  }
0x3a: {  	_ =	swait.ge @!p0 [sflag:s0], s1  }
0x3b: {  	s1 =	ssub.s32 @!p0 $0x0, s1;
	[sflag:s0] =	ssyncset.done @!p0 $0x0  }
0x3c: {  	[sflag:s0] =	ssyncadd.s32 @!p0 s1  }
0x3d: {  	[bflag:$0x3] =	sbarrier.arrive $0xFFFF  }
0x3e: {  	_ =	shalt  }

</sc_bundles>
